<compile_context>
chip_gen: v7x
topology: tpu7x:2x2x1
jax: 0.10.2.dev20260603
libtpu: 0.0.44.dev20260713+nightly
codegen_flags: <defaults>
</compile_context>

<pallas_src>
import functools

import jax
import jax.numpy as jnp
from jax import lax
from jax.experimental import pallas as pl
from jax.experimental.pallas import tpu as pltpu
from jax.experimental.pallas import tpu_sc as plsc

SIGMA = 0.05

B = 64
OBS = 2048
HID = 1024
ACT = 8192
NS = 100

ACT_BLK = 1024
N_ACT_BLK = ACT // ACT_BLK

NWORKERS = 32
B_PER_W = B // NWORKERS
CHUNKS = ACT // 16


def _policy_body(obs_ref, W1_ref, b1_ref, W2_ref, b2_ref, Wv1a_ref, bv1_ref,
                 logits_ref, c0_ref, h_scr, s_scr):
    k = pl.program_id(0)

    @pl.when(k == 0)
    def _():
        h_scr[:] = jnp.tanh(
            jnp.dot(obs_ref[:], W1_ref[:], preferred_element_type=jnp.float32)
            + b1_ref[:])
        c0_ref[:] = (
            jnp.dot(obs_ref[:], Wv1a_ref[:], preferred_element_type=jnp.float32)
            + bv1_ref[:])

    s_scr[:, pl.ds(k * ACT_BLK, ACT_BLK)] = (
        jnp.dot(h_scr[:], W2_ref[:], preferred_element_type=jnp.float32)
        + b2_ref[:])

    @pl.when(k == N_ACT_BLK - 1)
    def _():
        s = s_scr[:]
        m = jnp.max(s, axis=1, keepdims=True)
        e = jnp.exp(s - m)
        logits_ref[:] = e / jnp.sum(e, axis=1, keepdims=True)


def _policy(obs, W1, b1, W2, b2, Wv1a, bv1):
    return pl.pallas_call(
        _policy_body,
        grid=(N_ACT_BLK,),
        in_specs=[
            pl.BlockSpec((B, OBS), lambda k: (0, 0)),
            pl.BlockSpec((OBS, HID), lambda k: (0, 0)),
            pl.BlockSpec((1, HID), lambda k: (0, 0)),
            pl.BlockSpec((HID, ACT_BLK), lambda k: (0, k)),
            pl.BlockSpec((1, ACT_BLK), lambda k: (0, k)),
            pl.BlockSpec((OBS, HID), lambda k: (0, 0)),
            pl.BlockSpec((1, HID), lambda k: (0, 0)),
        ],
        out_specs=[
            pl.BlockSpec((B, ACT), lambda k: (0, 0)),
            pl.BlockSpec((B, HID), lambda k: (0, 0)),
        ],
        out_shape=[
            jax.ShapeDtypeStruct((B, ACT), jnp.float32),
            jax.ShapeDtypeStruct((B, HID), jnp.float32),
        ],
        scratch_shapes=[
            pltpu.VMEM((B, HID), jnp.float32),
            pltpu.VMEM((B, ACT), jnp.float32),
        ],
    )(obs, W1, b1, W2, b2, Wv1a, bv1)


_GDN = lax.GatherDimensionNumbers(
    offset_dims=(), collapsed_slice_dims=(0,), start_index_map=(0,))


def _xlane(v, perm):
    return lax.gather(v, perm[:, None], _GDN, slice_sizes=(1,),
                      mode=lax.GatherScatterMode.PROMISE_IN_BOUNDS)


ROWS = 4
GROUPS = NS // ROWS
PAIRS = GROUPS // 2


def _sc_body(logits_hbm, noise_hbm, out_hbm, logits_v, noise_v, out_v,
             sem0, sem1):
    c = lax.axis_index("c")
    s = lax.axis_index("s")
    wid = s * 2 + c
    base_iota = lax.iota(jnp.int32, 16)

    def scan_group(slot, tot):
        def chunk(j, carry):
            off = j * 16
            lv = logits_v[pl.ds(off, 16)]
            cur = base_iota + off
            out = []
            for r in range(ROWS):
                bv, bidx = carry[2 * r], carry[2 * r + 1]
                val = lv + SIGMA * noise_v[slot * ROWS + r, pl.ds(off, 16)]
                pred = val > bv
                out.append(jnp.where(pred, val, bv))
                out.append(jnp.where(pred, cur, bidx))
            return tuple(out)

        init = []
        for _ in range(ROWS):
            init.append(jnp.full((16,), -3.0e38, jnp.float32))
            init.append(jnp.zeros((16,), jnp.int32))
        fin = lax.fori_loop(0, CHUNKS, chunk, tuple(init))
        for r in range(ROWS):
            v, i = fin[2 * r], fin[2 * r + 1]
            for shift in (1, 2, 4, 8):
                perm = base_iota ^ shift
                v2 = _xlane(v, perm)
                i2 = _xlane(i, perm)
                better = (v2 > v) | ((v2 == v) & (i2 < i))
                v = jnp.where(better, v2, v)
                i = jnp.where(better, i2, i)
            tot = tot + jnp.where(base_iota == 0, i, 0)
        return tot

    total = jnp.zeros((16,), jnp.int32)
    for bi in range(B_PER_W):
        b = wid * B_PER_W + bi
        pltpu.sync_copy(logits_hbm.at[b], logits_v)

        def start_group(g, slot, sem):
            for r in range(ROWS):
                pltpu.make_async_copy(
                    noise_hbm.at[b, g * ROWS + r], noise_v.at[slot * ROWS + r],
                    sem).start()

        def wait_group(g, slot, sem):
            for r in range(ROWS):
                pltpu.make_async_copy(
                    noise_hbm.at[b, g * ROWS + r], noise_v.at[slot * ROWS + r],
                    sem).wait()

        start_group(0, 0, sem0)
        start_group(1, 1, sem1)

        def pair_iter(gg, tot):
            g0 = 2 * gg
            wait_group(g0, 0, sem0)
            tot = scan_group(0, tot)
            start_group(g0 + 2, 0, sem0)

            wait_group(g0 + 1, 1, sem1)
            tot = scan_group(1, tot)

            @pl.when(gg < PAIRS - 1)
            def _():
                start_group(g0 + 3, 1, sem1)

            return tot

        total = lax.fori_loop(0, PAIRS, pair_iter, total)
        wait_group(GROUPS - 1, 0, sem0)
        total = scan_group(0, total)

    out_v[:] = total
    pltpu.sync_copy(out_v, out_hbm.at[wid])


@functools.partial(
    pl.kernel,
    out_type=jax.ShapeDtypeStruct((NWORKERS, 16), jnp.int32),
    mesh=plsc.VectorSubcoreMesh(core_axis_name="c", subcore_axis_name="s"),
    scratch_types=[
        pltpu.VMEM((ACT,), jnp.float32),
        pltpu.VMEM((2 * ROWS, ACT), jnp.float32),
        pltpu.VMEM((16,), jnp.int32),
        pltpu.SemaphoreType.DMA,
        pltpu.SemaphoreType.DMA,
    ],
)
def _sc_argmax_sum(logits_hbm, noise_hbm, out_hbm, logits_v, noise_v, out_v,
                   sem0, sem1):
    _sc_body(logits_hbm, noise_hbm, out_hbm, logits_v, noise_v, out_v,
             sem0, sem1)


def _value_body(c0_ref, wlast_ref, ws_ref, Wv2_ref, bv2_ref, q_ref):
    total = jnp.sum(ws_ref[:].astype(jnp.float32)) / jnp.float32(NS)
    hv = jnp.tanh(c0_ref[:] + total * wlast_ref[:])
    q_ref[:] = (jnp.dot(hv, Wv2_ref[:], preferred_element_type=jnp.float32)
                + bv2_ref[:])


def _value(c0, wlast, ws, Wv2, bv2):
    return pl.pallas_call(
        _value_body,
        out_shape=jax.ShapeDtypeStruct((B, 1), jnp.float32),
    )(c0, wlast, ws, Wv2, bv2)


def kernel(obs, W1, b1, W2, b2, Wv1, bv1, Wv2, bv2, noise):
    logits, c0 = _policy(obs, W1, b1.reshape(1, HID), W2, b2.reshape(1, ACT),
                         Wv1[:OBS], bv1.reshape(1, HID))
    ws = _sc_argmax_sum(logits, noise)
    return _value(c0, Wv1[OBS:OBS + 1], ws, Wv2, bv2.reshape(1, 1))

# --- scband reference (transcript-rebuilt; emitter-appended) ---
"""Pipeline reference for scband-evpg-52381421142303 (READ-ONLY COPY).

The authoritative reference and input builder live on the scoring server;
editing this copy changes nothing except your own understanding.
"""

import jax, jax.numpy as jnp
import numpy as np

BATCH = 64
OBS_DIM = 2048
ACT_DIM = 8192
HIDDEN = 1024
NUM_SAMPLE = 100
SIGMA = 0.05
K = 1


def setup_inputs(seed: int = 0) -> dict:
    key = jax.random.key(seed)
    ks = jax.random.split(key, 11)
    obs = jax.random.normal(ks[0], (BATCH, OBS_DIM), dtype=jnp.float32)
    # policy_net: Linear(obs_dim->hidden), Tanh, Linear(hidden->act_dim)
    W1 = jax.random.normal(ks[1], (OBS_DIM, HIDDEN), dtype=jnp.float32) * (1.0 / np.sqrt(OBS_DIM))
    b1 = jnp.zeros((HIDDEN,), dtype=jnp.float32)
    W2 = jax.random.normal(ks[2], (HIDDEN, ACT_DIM), dtype=jnp.float32) * (1.0 / np.sqrt(HIDDEN))
    b2 = jnp.zeros((ACT_DIM,), dtype=jnp.float32)
    # value_net: Linear(1+obs_dim->hidden), Tanh, Linear(hidden->1)
    Wv1 = jax.random.normal(ks[3], (1 + OBS_DIM, HIDDEN), dtype=jnp.float32) * (1.0 / np.sqrt(1 + OBS_DIM))
    bv1 = jnp.zeros((HIDDEN,), dtype=jnp.float32)
    Wv2 = jax.random.normal(ks[4], (HIDDEN, 1), dtype=jnp.float32) * (1.0 / np.sqrt(HIDDEN))
    bv2 = jnp.zeros((1,), dtype=jnp.float32)
    # noise used by PerturbedTopKFunction (generated inside torch forward; fixed key here)
    noise = jax.random.normal(ks[5], (BATCH, NUM_SAMPLE, ACT_DIM), dtype=jnp.float32)
    return {"obs": obs, "W1": W1, "b1": b1, "W2": W2, "b2": b2,
            "Wv1": Wv1, "bv1": bv1, "Wv2": Wv2, "bv2": bv2, "noise": noise}


def reference(obs, W1, b1, W2, b2, Wv1, bv1, Wv2, bv2, noise):
    # policy_net
    h = jnp.tanh(obs @ W1 + b1)
    logits = jax.nn.softmax(h @ W2 + b2, axis=-1)
    # PerturbedTopKFunction.forward (k=1)
    perturbed_x = logits[:, None, :] + noise * SIGMA
    _, indices = jax.lax.top_k(perturbed_x, K)          # (B, N, K)
    indices = jnp.sort(indices, axis=-1)
    perturbed_output = jax.nn.one_hot(indices, ACT_DIM, dtype=jnp.float32)  # (B, N, K, D)
    indicators = perturbed_output.mean(axis=1)           # (B, K, D)
    # approx argmax
    index_table = jnp.arange(ACT_DIM, dtype=jnp.float32)
    x = indicators * index_table
    approx_argmax = jnp.sum(x)
    obs_act = jnp.concatenate(
        [obs, jnp.broadcast_to(approx_argmax.reshape(1, 1), (obs.shape[0], 1))], axis=1)
    # value_net
    hv = jnp.tanh(obs_act @ Wv1 + bv1)
    Q = hv @ Wv2 + bv2
    return Q

if __name__ == "__main__":
    import jax
    _d = setup_inputs()
    print(jax.jit(kernel)(*tuple(_d.values())))

</pallas_src>

<mosaic_0001>
#map = affine_map<(d0, d1) -> (0, 0)>
#map1 = affine_map<(d0, d1) -> (0, 0, 0)>
module attributes {stable_mosaic.version = 14 : i64} {
  func.func @_sc_argmax_sum(%arg0: i32, %arg1: i32, %arg2: memref<64x8192xf32, #tpu.memory_space<hbm>>, %arg3: memref<64x100x8192xf32, #tpu.memory_space<hbm>>, %arg4: memref<32x16xi32, #tpu.memory_space<hbm>>, %arg5: memref<8192xf32, #tpu.memory_space<vmem>>, %arg6: memref<8x8192xf32, #tpu.memory_space<vmem>>, %arg7: memref<16xi32, #tpu.memory_space<vmem>>, %arg8: memref<!tpu.dma_semaphore, #tpu.memory_space<semaphore_mem>>, %arg9: memref<!tpu.dma_semaphore, #tpu.memory_space<semaphore_mem>>) attributes {dimension_semantics = [#tpu.dimension_semantics<core_parallel>, #tpu.dimension_semantics<subcore_parallel>], iteration_bounds = array<i64: 2, 16>, scalar_prefetch = 0 : i64, scratch_operands = 5 : i64, tpu.core_type = #tpu.core_type<sc_vector_subcore>, window_params = [{transform_indices = #map}, {transform_indices = #map1}, {transform_indices = #map}]} {
    %mul3A = arith.constant 2 : i32
    %mul3A_0 = arith.muli %arg1, %mul3A : i32
    %add3A = arith.addi %mul3A_0, %arg0 : i32
    %iota3A = tpu.iota {dimensions = array<i32: 0>} : vector<16xi32>
    %broadcast_in_dim3A = arith.constant 0 : i32
    %broadcast_in_dim3A_1 = vector.broadcast %broadcast_in_dim3A : i32 to vector<16xi32>
    %mul3A_2 = arith.constant 2 : i32
    %mul3A_3 = arith.muli %add3A, %mul3A_2 : i32
    %add3A_4 = arith.constant 0 : i32
    %add3A_5 = arith.addi %mul3A_3, %add3A_4 : i32
    "tpu.region"() ({
      %run_scoped3A = tpu.sem_alloc : memref<!tpu.dma_semaphore, #tpu.memory_space<semaphore_mem>>
      %dma_start3A_961 = arith.constant 0 : i32
      %dma_start3A_962 = tpu.memref_slice %arg2[%add3A_5, %dma_start3A_961] : memref<64x8192xf32, #tpu.memory_space<hbm>> -> memref<1x8192xf32, #tpu.memory_space<hbm>>
      %dma_start3A_963 = tpu.memref_squeeze %dma_start3A_962 : memref<1x8192xf32, #tpu.memory_space<hbm>> -> memref<8192xf32, #tpu.memory_space<hbm>>
      %dma_start3A_964 = arith.constant 0 : i32
      %dma_start3A_965 = tpu.memref_slice %arg2[%add3A_5, %dma_start3A_964] : memref<64x8192xf32, #tpu.memory_space<hbm>> -> memref<1x8192xf32, #tpu.memory_space<hbm>>
      %dma_start3A_966 = tpu.memref_squeeze %dma_start3A_965 : memref<1x8192xf32, #tpu.memory_space<hbm>> -> memref<8192xf32, #tpu.memory_space<hbm>>
      tpu.enqueue_dma source(%dma_start3A_966 : memref<8192xf32, #tpu.memory_space<hbm>>) target(%arg5 : memref<8192xf32, #tpu.memory_space<vmem>>) target_semaphore(%run_scoped3A : memref<!tpu.dma_semaphore, #tpu.memory_space<semaphore_mem>>)
      %dma_wait3A_967 = arith.constant 0 : i32
      %dma_wait3A_968 = tpu.memref_slice %arg2[%add3A_5, %dma_wait3A_967] : memref<64x8192xf32, #tpu.memory_space<hbm>> -> memref<1x8192xf32, #tpu.memory_space<hbm>>
      %dma_wait3A_969 = tpu.memref_squeeze %dma_wait3A_968 : memref<1x8192xf32, #tpu.memory_space<hbm>> -> memref<8192xf32, #tpu.memory_space<hbm>>
      %dma_wait3A_970 = arith.constant 0 : i32
      %dma_wait3A_971 = tpu.memref_slice %arg2[%add3A_5, %dma_wait3A_970] : memref<64x8192xf32, #tpu.memory_space<hbm>> -> memref<1x8192xf32, #tpu.memory_space<hbm>>
      %dma_wait3A_972 = tpu.memref_squeeze %dma_wait3A_971 : memref<1x8192xf32, #tpu.memory_space<hbm>> -> memref<8192xf32, #tpu.memory_space<hbm>>
      tpu.wait_dma2 semaphore(%run_scoped3A : memref<!tpu.dma_semaphore, #tpu.memory_space<semaphore_mem>>) src(%dma_wait3A_972 : memref<8192xf32, #tpu.memory_space<hbm>>) dst(%arg5 : memref<8192xf32, #tpu.memory_space<vmem>>)
      tpu.yield
    }) : () -> ()
    %dma_start3A = arith.constant 0 : i32
    %dma_start3A_6 = arith.constant 0 : i32
    %dma_start3A_7 = arith.constant 0 : i32
    %dma_start3A_8 = tpu.memref_slice %arg6[%dma_start3A_6, %dma_start3A_7] : memref<8x8192xf32, #tpu.memory_space<vmem>> -> memref<1x8192xf32, #tpu.memory_space<vmem>>
    %dma_start3A_9 = tpu.memref_squeeze %dma_start3A_8 : memref<1x8192xf32, #tpu.memory_space<vmem>> -> memref<8192xf32, #tpu.memory_space<vmem>>
    %dma_start3A_10 = arith.constant 0 : i32
    %dma_start3A_11 = tpu.memref_slice %arg3[%add3A_5, %dma_start3A, %dma_start3A_10] : memref<64x100x8192xf32, #tpu.memory_space<hbm>> -> memref<1x1x8192xf32, #tpu.memory_space<hbm>>
    %dma_start3A_12 = tpu.memref_squeeze %dma_start3A_11 : memref<1x1x8192xf32, #tpu.memory_space<hbm>> -> memref<8192xf32, #tpu.memory_space<hbm>>
    %dma_start3A_13 = arith.constant 0 : i32
    %dma_start3A_14 = tpu.memref_slice %arg6[%dma_start3A_6, %dma_start3A_13] : memref<8x8192xf32, #tpu.memory_space<vmem>> -> memref<1x8192xf32, #tpu.memory_space<vmem>>
    %dma_start3A_15 = tpu.memref_squeeze %dma_start3A_14 : memref<1x8192xf32, #tpu.memory_space<vmem>> -> memref<8192xf32, #tpu.memory_space<vmem>>
    %dma_start3A_16 = arith.constant 0 : i32
    %dma_start3A_17 = tpu.memref_slice %arg3[%add3A_5, %dma_start3A, %dma_start3A_16] : memref<64x100x8192xf32, #tpu.memory_space<hbm>> -> memref<1x1x8192xf32, #tpu.memory_space<hbm>>
    %dma_start3A_18 = tpu.memref_squeeze %dma_start3A_17 : memref<1x1x8192xf32, #tpu.memory_space<hbm>> -> memref<8192xf32, #tpu.memory_space<hbm>>
    tpu.enqueue_dma source(%dma_start3A_18 : memref<8192xf32, #tpu.memory_space<hbm>>) target(%dma_start3A_15 : memref<8192xf32, #tpu.memory_space<vmem>>) target_semaphore(%arg8 : memref<!tpu.dma_semaphore, #tpu.memory_space<semaphore_mem>>)
    %dma_start3A_19 = arith.constant 1 : i32
    %dma_start3A_20 = arith.constant 1 : i32
    %dma_start3A_21 = arith.constant 0 : i32
    %dma_start3A_22 = tpu.memref_slice %arg6[%dma_start3A_20, %dma_start3A_21] : memref<8x8192xf32, #tpu.memory_space<vmem>> -> memref<1x8192xf32, #tpu.memory_space<vmem>>
    %dma_start3A_23 = tpu.memref_squeeze %dma_start3A_22 : memref<1x8192xf32, #tpu.memory_space<vmem>> -> memref<8192xf32, #tpu.memory_space<vmem>>
    %dma_start3A_24 = arith.constant 0 : i32
    %dma_start3A_25 = tpu.memref_slice %arg3[%add3A_5, %dma_start3A_19, %dma_start3A_24] : memref<64x100x8192xf32, #tpu.memory_space<hbm>> -> memref<1x1x8192xf32, #tpu.memory_space<hbm>>
    %dma_start3A_26 = tpu.memref_squeeze %dma_start3A_25 : memref<1x1x8192xf32, #tpu.memory_space<hbm>> -> memref<8192xf32, #tpu.memory_space<hbm>>
    %dma_start3A_27 = arith.constant 0 : i32
    %dma_start3A_28 = tpu.memref_slice %arg6[%dma_start3A_20, %dma_start3A_27] : memref<8x8192xf32, #tpu.memory_space<vmem>> -> memref<1x8192xf32, #tpu.memory_space<vmem>>
    %dma_start3A_29 = tpu.memref_squeeze %dma_start3A_28 : memref<1x8192xf32, #tpu.memory_space<vmem>> -> memref<8192xf32, #tpu.memory_space<vmem>>
    %dma_start3A_30 = arith.constant 0 : i32
    %dma_start3A_31 = tpu.memref_slice %arg3[%add3A_5, %dma_start3A_19, %dma_start3A_30] : memref<64x100x8192xf32, #tpu.memory_space<hbm>> -> memref<1x1x8192xf32, #tpu.memory_space<hbm>>
    %dma_start3A_32 = tpu.memref_squeeze %dma_start3A_31 : memref<1x1x8192xf32, #tpu.memory_space<hbm>> -> memref<8192xf32, #tpu.memory_space<hbm>>
    tpu.enqueue_dma source(%dma_start3A_32 : memref<8192xf32, #tpu.memory_space<hbm>>) target(%dma_start3A_29 : memref<8192xf32, #tpu.memory_space<vmem>>) target_semaphore(%arg8 : memref<!tpu.dma_semaphore, #tpu.memory_space<semaphore_mem>>)
    %dma_start3A_33 = arith.constant 2 : i32
    %dma_start3A_34 = arith.constant 2 : i32
    %dma_start3A_35 = arith.constant 0 : i32
    %dma_start3A_36 = tpu.memref_slice %arg6[%dma_start3A_34, %dma_start3A_35] : memref<8x8192xf32, #tpu.memory_space<vmem>> -> memref<1x8192xf32, #tpu.memory_space<vmem>>
    %dma_start3A_37 = tpu.memref_squeeze %dma_start3A_36 : memref<1x8192xf32, #tpu.memory_space<vmem>> -> memref<8192xf32, #tpu.memory_space<vmem>>
    %dma_start3A_38 = arith.constant 0 : i32
    %dma_start3A_39 = tpu.memref_slice %arg3[%add3A_5, %dma_start3A_33, %dma_start3A_38] : memref<64x100x8192xf32, #tpu.memory_space<hbm>> -> memref<1x1x8192xf32, #tpu.memory_space<hbm>>
    %dma_start3A_40 = tpu.memref_squeeze %dma_start3A_39 : memref<1x1x8192xf32, #tpu.memory_space<hbm>> -> memref<8192xf32, #tpu.memory_space<hbm>>
    %dma_start3A_41 = arith.constant 0 : i32
    %dma_start3A_42 = tpu.memref_slice %arg6[%dma_start3A_34, %dma_start3A_41] : memref<8x8192xf32, #tpu.memory_space<vmem>> -> memref<1x8192xf32, #tpu.memory_space<vmem>>
    %dma_start3A_43 = tpu.memref_squeeze %dma_start3A_42 : memref<1x8192xf32, #tpu.memory_space<vmem>> -> memref<8192xf32, #tpu.memory_space<vmem>>
    %dma_start3A_44 = arith.constant 0 : i32
    %dma_start3A_45 = tpu.memref_slice %arg3[%add3A_5, %dma_start3A_33, %dma_start3A_44] : memref<64x100x8192xf32, #tpu.memory_space<hbm>> -> memref<1x1x8192xf32, #tpu.memory_space<hbm>>
    %dma_start3A_46 = tpu.memref_squeeze %dma_start3A_45 : memref<1x1x8192xf32, #tpu.memory_space<hbm>> -> memref<8192xf32, #tpu.memory_space<hbm>>
    tpu.enqueue_dma source(%dma_start3A_46 : memref<8192xf32, #tpu.memory_space<hbm>>) target(%dma_start3A_43 : memref<8192xf32, #tpu.memory_space<vmem>>) target_semaphore(%arg8 : memref<!tpu.dma_semaphore, #tpu.memory_space<semaphore_mem>>)
    %dma_start3A_47 = arith.constant 3 : i32
    %dma_start3A_48 = arith.constant 3 : i32
    %dma_start3A_49 = arith.constant 0 : i32
    %dma_start3A_50 = tpu.memref_slice %arg6[%dma_start3A_48, %dma_start3A_49] : memref<8x8192xf32, #tpu.memory_space<vmem>> -> memref<1x8192xf32, #tpu.memory_space<vmem>>
    %dma_start3A_51 = tpu.memref_squeeze %dma_start3A_50 : memref<1x8192xf32, #tpu.memory_space<vmem>> -> memref<8192xf32, #tpu.memory_space<vmem>>
    %dma_start3A_52 = arith.constant 0 : i32
    %dma_start3A_53 = tpu.memref_slice %arg3[%add3A_5, %dma_start3A_47, %dma_start3A_52] : memref<64x100x8192xf32, #tpu.memory_space<hbm>> -> memref<1x1x8192xf32, #tpu.memory_space<hbm>>
    %dma_start3A_54 = tpu.memref_squeeze %dma_start3A_53 : memref<1x1x8192xf32, #tpu.memory_space<hbm>> -> memref<8192xf32, #tpu.memory_space<hbm>>
    %dma_start3A_55 = arith.constant 0 : i32
    %dma_start3A_56 = tpu.memref_slice %arg6[%dma_start3A_48, %dma_start3A_55] : memref<8x8192xf32, #tpu.memory_space<vmem>> -> memref<1x8192xf32, #tpu.memory_space<vmem>>
    %dma_start3A_57 = tpu.memref_squeeze %dma_start3A_56 : memref<1x8192xf32, #tpu.memory_space<vmem>> -> memref<8192xf32, #tpu.memory_space<vmem>>
    %dma_start3A_58 = arith.constant 0 : i32
    %dma_start3A_59 = tpu.memref_slice %arg3[%add3A_5, %dma_start3A_47, %dma_start3A_58] : memref<64x100x8192xf32, #tpu.memory_space<hbm>> -> memref<1x1x8192xf32, #tpu.memory_space<hbm>>
    %dma_start3A_60 = tpu.memref_squeeze %dma_start3A_59 : memref<1x1x8192xf32, #tpu.memory_space<hbm>> -> memref<8192xf32, #tpu.memory_space<hbm>>
    tpu.enqueue_dma source(%dma_start3A_60 : memref<8192xf32, #tpu.memory_space<hbm>>) target(%dma_start3A_57 : memref<8192xf32, #tpu.memory_space<vmem>>) target_semaphore(%arg8 : memref<!tpu.dma_semaphore, #tpu.memory_space<semaphore_mem>>)
    %dma_start3A_61 = arith.constant 4 : i32
    %dma_start3A_62 = arith.constant 4 : i32
    %dma_start3A_63 = arith.constant 0 : i32
    %dma_start3A_64 = tpu.memref_slice %arg6[%dma_start3A_62, %dma_start3A_63] : memref<8x8192xf32, #tpu.memory_space<vmem>> -> memref<1x8192xf32, #tpu.memory_space<vmem>>
    %dma_start3A_65 = tpu.memref_squeeze %dma_start3A_64 : memref<1x8192xf32, #tpu.memory_space<vmem>> -> memref<8192xf32, #tpu.memory_space<vmem>>
    %dma_start3A_66 = arith.constant 0 : i32
    %dma_start3A_67 = tpu.memref_slice %arg3[%add3A_5, %dma_start3A_61, %dma_start3A_66] : memref<64x100x8192xf32, #tpu.memory_space<hbm>> -> memref<1x1x8192xf32, #tpu.memory_space<hbm>>
    %dma_start3A_68 = tpu.memref_squeeze %dma_start3A_67 : memref<1x1x8192xf32, #tpu.memory_space<hbm>> -> memref<8192xf32, #tpu.memory_space<hbm>>
    %dma_start3A_69 = arith.constant 0 : i32
    %dma_start3A_70 = tpu.memref_slice %arg6[%dma_start3A_62, %dma_start3A_69] : memref<8x8192xf32, #tpu.memory_space<vmem>> -> memref<1x8192xf32, #tpu.memory_space<vmem>>
    %dma_start3A_71 = tpu.memref_squeeze %dma_start3A_70 : memref<1x8192xf32, #tpu.memory_space<vmem>> -> memref<8192xf32, #tpu.memory_space<vmem>>
    %dma_start3A_72 = arith.constant 0 : i32
    %dma_start3A_73 = tpu.memref_slice %arg3[%add3A_5, %dma_start3A_61, %dma_start3A_72] : memref<64x100x8192xf32, #tpu.memory_space<hbm>> -> memref<1x1x8192xf32, #tpu.memory_space<hbm>>
    %dma_start3A_74 = tpu.memref_squeeze %dma_start3A_73 : memref<1x1x8192xf32, #tpu.memory_space<hbm>> -> memref<8192xf32, #tpu.memory_space<hbm>>
    tpu.enqueue_dma source(%dma_start3A_74 : memref<8192xf32, #tpu.memory_space<hbm>>) target(%dma_start3A_71 : memref<8192xf32, #tpu.memory_space<vmem>>) target_semaphore(%arg9 : memref<!tpu.dma_semaphore, #tpu.memory_space<semaphore_mem>>)
    %dma_start3A_75 = arith.constant 5 : i32
    %dma_start3A_76 = arith.constant 5 : i32
    %dma_start3A_77 = arith.constant 0 : i32
    %dma_start3A_78 = tpu.memref_slice %arg6[%dma_start3A_76, %dma_start3A_77] : memref<8x8192xf32, #tpu.memory_space<vmem>> -> memref<1x8192xf32, #tpu.memory_space<vmem>>
    %dma_start3A_79 = tpu.memref_squeeze %dma_start3A_78 : memref<1x8192xf32, #tpu.memory_space<vmem>> -> memref<8192xf32, #tpu.memory_space<vmem>>
    %dma_start3A_80 = arith.constant 0 : i32
    %dma_start3A_81 = tpu.memref_slice %arg3[%add3A_5, %dma_start3A_75, %dma_start3A_80] : memref<64x100x8192xf32, #tpu.memory_space<hbm>> -> memref<1x1x8192xf32, #tpu.memory_space<hbm>>
    %dma_start3A_82 = tpu.memref_squeeze %dma_start3A_81 : memref<1x1x8192xf32, #tpu.memory_space<hbm>> -> memref<8192xf32, #tpu.memory_space<hbm>>
    %dma_start3A_83 = arith.constant 0 : i32
    %dma_start3A_84 = tpu.memref_slice %arg6[%dma_start3A_76, %dma_start3A_83] : memref<8x8192xf32, #tpu.memory_space<vmem>> -> memref<1x8192xf32, #tpu.memory_space<vmem>>
    %dma_start3A_85 = tpu.memref_squeeze %dma_start3A_84 : memref<1x8192xf32, #tpu.memory_space<vmem>> -> memref<8192xf32, #tpu.memory_space<vmem>>
    %dma_start3A_86 = arith.constant 0 : i32
    %dma_start3A_87 = tpu.memref_slice %arg3[%add3A_5, %dma_start3A_75, %dma_start3A_86] : memref<64x100x8192xf32, #tpu.memory_space<hbm>> -> memref<1x1x8192xf32, #tpu.memory_space<hbm>>
    %dma_start3A_88 = tpu.memref_squeeze %dma_start3A_87 : memref<1x1x8192xf32, #tpu.memory_space<hbm>> -> memref<8192xf32, #tpu.memory_space<hbm>>
    tpu.enqueue_dma source(%dma_start3A_88 : memref<8192xf32, #tpu.memory_space<hbm>>) target(%dma_start3A_85 : memref<8192xf32, #tpu.memory_space<vmem>>) target_semaphore(%arg9 : memref<!tpu.dma_semaphore, #tpu.memory_space<semaphore_mem>>)
    %dma_start3A_89 = arith.constant 6 : i32
    %dma_start3A_90 = arith.constant 6 : i32
    %dma_start3A_91 = arith.constant 0 : i32
    %dma_start3A_92 = tpu.memref_slice %arg6[%dma_start3A_90, %dma_start3A_91] : memref<8x8192xf32, #tpu.memory_space<vmem>> -> memref<1x8192xf32, #tpu.memory_space<vmem>>
    %dma_start3A_93 = tpu.memref_squeeze %dma_start3A_92 : memref<1x8192xf32, #tpu.memory_space<vmem>> -> memref<8192xf32, #tpu.memory_space<vmem>>
    %dma_start3A_94 = arith.constant 0 : i32
    %dma_start3A_95 = tpu.memref_slice %arg3[%add3A_5, %dma_start3A_89, %dma_start3A_94] : memref<64x100x8192xf32, #tpu.memory_space<hbm>> -> memref<1x1x8192xf32, #tpu.memory_space<hbm>>
    %dma_start3A_96 = tpu.memref_squeeze %dma_start3A_95 : memref<1x1x8192xf32, #tpu.memory_space<hbm>> -> memref<8192xf32, #tpu.memory_space<hbm>>
    %dma_start3A_97 = arith.constant 0 : i32
    %dma_start3A_98 = tpu.memref_slice %arg6[%dma_start3A_90, %dma_start3A_97] : memref<8x8192xf32, #tpu.memory_space<vmem>> -> memref<1x8192xf32, #tpu.memory_space<vmem>>
    %dma_start3A_99 = tpu.memref_squeeze %dma_start3A_98 : memref<1x8192xf32, #tpu.memory_space<vmem>> -> memref<8192xf32, #tpu.memory_space<vmem>>
    %dma_start3A_100 = arith.constant 0 : i32
    %dma_start3A_101 = tpu.memref_slice %arg3[%add3A_5, %dma_start3A_89, %dma_start3A_100] : memref<64x100x8192xf32, #tpu.memory_space<hbm>> -> memref<1x1x8192xf32, #tpu.memory_space<hbm>>
    %dma_start3A_102 = tpu.memref_squeeze %dma_start3A_101 : memref<1x1x8192xf32, #tpu.memory_space<hbm>> -> memref<8192xf32, #tpu.memory_space<hbm>>
    tpu.enqueue_dma source(%dma_start3A_102 : memref<8192xf32, #tpu.memory_space<hbm>>) target(%dma_start3A_99 : memref<8192xf32, #tpu.memory_space<vmem>>) target_semaphore(%arg9 : memref<!tpu.dma_semaphore, #tpu.memory_space<semaphore_mem>>)
    %dma_start3A_103 = arith.constant 7 : i32
    %dma_start3A_104 = arith.constant 7 : i32
    %dma_start3A_105 = arith.constant 0 : i32
    %dma_start3A_106 = tpu.memref_slice %arg6[%dma_start3A_104, %dma_start3A_105] : memref<8x8192xf32, #tpu.memory_space<vmem>> -> memref<1x8192xf32, #tpu.memory_space<vmem>>
    %dma_start3A_107 = tpu.memref_squeeze %dma_start3A_106 : memref<1x8192xf32, #tpu.memory_space<vmem>> -> memref<8192xf32, #tpu.memory_space<vmem>>
    %dma_start3A_108 = arith.constant 0 : i32
    %dma_start3A_109 = tpu.memref_slice %arg3[%add3A_5, %dma_start3A_103, %dma_start3A_108] : memref<64x100x8192xf32, #tpu.memory_space<hbm>> -> memref<1x1x8192xf32, #tpu.memory_space<hbm>>
    %dma_start3A_110 = tpu.memref_squeeze %dma_start3A_109 : memref<1x1x8192xf32, #tpu.memory_space<hbm>> -> memref<8192xf32, #tpu.memory_space<hbm>>
    %dma_start3A_111 = arith.constant 0 : i32
    %dma_start3A_112 = tpu.memref_slice %arg6[%dma_start3A_104, %dma_start3A_111] : memref<8x8192xf32, #tpu.memory_space<vmem>> -> memref<1x8192xf32, #tpu.memory_space<vmem>>
    %dma_start3A_113 = tpu.memref_squeeze %dma_start3A_112 : memref<1x8192xf32, #tpu.memory_space<vmem>> -> memref<8192xf32, #tpu.memory_space<vmem>>
    %dma_start3A_114 = arith.constant 0 : i32
    %dma_start3A_115 = tpu.memref_slice %arg3[%add3A_5, %dma_start3A_103, %dma_start3A_114] : memref<64x100x8192xf32, #tpu.memory_space<hbm>> -> memref<1x1x8192xf32, #tpu.memory_space<hbm>>
    %dma_start3A_116 = tpu.memref_squeeze %dma_start3A_115 : memref<1x1x8192xf32, #tpu.memory_space<hbm>> -> memref<8192xf32, #tpu.memory_space<hbm>>
    tpu.enqueue_dma source(%dma_start3A_116 : memref<8192xf32, #tpu.memory_space<hbm>>) target(%dma_start3A_113 : memref<8192xf32, #tpu.memory_space<vmem>>) target_semaphore(%arg9 : memref<!tpu.dma_semaphore, #tpu.memory_space<semaphore_mem>>)
    %scan3A = arith.constant 0 : i32
    %scan3A_117 = arith.constant 12 : i32
    %scan3A_118 = arith.addi %scan3A, %scan3A_117 : i32
    %scan3A_119 = arith.constant 1 : i32
    %scan3A_120 = scf.for %scan3A_961 = %scan3A to %scan3A_118 step %scan3A_119 iter_args(%scan3A_962 = %broadcast_in_dim3A_1) -> (vector<16xi32>)  : i32 {
      %mul3A_963 = arith.constant 2 : i32
      %mul3A_964 = arith.muli %mul3A_963, %scan3A_961 : i32
      %mul3A_965 = arith.constant 4 : i32
      %mul3A_966 = arith.muli %mul3A_964, %mul3A_965 : i32
      %add3A_967 = arith.constant 0 : i32
      %add3A_968 = arith.addi %mul3A_966, %add3A_967 : i32
      %dma_wait3A_969 = arith.constant 0 : i32
      %dma_wait3A_970 = arith.constant 0 : i32
      %dma_wait3A_971 = tpu.memref_slice %arg6[%dma_wait3A_969, %dma_wait3A_970] : memref<8x8192xf32, #tpu.memory_space<vmem>> -> memref<1x8192xf32, #tpu.memory_space<vmem>>
      %dma_wait3A_972 = tpu.memref_squeeze %dma_wait3A_971 : memref<1x8192xf32, #tpu.memory_space<vmem>> -> memref<8192xf32, #tpu.memory_space<vmem>>
      %dma_wait3A_973 = arith.constant 0 : i32
      %dma_wait3A_974 = tpu.memref_slice %arg3[%add3A_5, %add3A_968, %dma_wait3A_973] : memref<64x100x8192xf32, #tpu.memory_space<hbm>> -> memref<1x1x8192xf32, #tpu.memory_space<hbm>>
      %dma_wait3A_975 = tpu.memref_squeeze %dma_wait3A_974 : memref<1x1x8192xf32, #tpu.memory_space<hbm>> -> memref<8192xf32, #tpu.memory_space<hbm>>
      %dma_wait3A_976 = arith.constant 0 : i32
      %dma_wait3A_977 = tpu.memref_slice %arg6[%dma_wait3A_969, %dma_wait3A_976] : memref<8x8192xf32, #tpu.memory_space<vmem>> -> memref<1x8192xf32, #tpu.memory_space<vmem>>
      %dma_wait3A_978 = tpu.memref_squeeze %dma_wait3A_977 : memref<1x8192xf32, #tpu.memory_space<vmem>> -> memref<8192xf32, #tpu.memory_space<vmem>>
      %dma_wait3A_979 = arith.constant 0 : i32
      %dma_wait3A_980 = tpu.memref_slice %arg3[%add3A_5, %add3A_968, %dma_wait3A_979] : memref<64x100x8192xf32, #tpu.memory_space<hbm>> -> memref<1x1x8192xf32, #tpu.memory_space<hbm>>
      %dma_wait3A_981 = tpu.memref_squeeze %dma_wait3A_980 : memref<1x1x8192xf32, #tpu.memory_space<hbm>> -> memref<8192xf32, #tpu.memory_space<hbm>>
      tpu.wait_dma2 semaphore(%arg8 : memref<!tpu.dma_semaphore, #tpu.memory_space<semaphore_mem>>) src(%dma_wait3A_981 : memref<8192xf32, #tpu.memory_space<hbm>>) dst(%dma_wait3A_978 : memref<8192xf32, #tpu.memory_space<vmem>>)
      %mul3A_982 = arith.constant 4 : i32
      %mul3A_983 = arith.muli %mul3A_964, %mul3A_982 : i32
      %add3A_984 = arith.constant 1 : i32
      %add3A_985 = arith.addi %mul3A_983, %add3A_984 : i32
      %dma_wait3A_986 = arith.constant 1 : i32
      %dma_wait3A_987 = arith.constant 0 : i32
      %dma_wait3A_988 = tpu.memref_slice %arg6[%dma_wait3A_986, %dma_wait3A_987] : memref<8x8192xf32, #tpu.memory_space<vmem>> -> memref<1x8192xf32, #tpu.memory_space<vmem>>
      %dma_wait3A_989 = tpu.memref_squeeze %dma_wait3A_988 : memref<1x8192xf32, #tpu.memory_space<vmem>> -> memref<8192xf32, #tpu.memory_space<vmem>>
      %dma_wait3A_990 = arith.constant 0 : i32
      %dma_wait3A_991 = tpu.memref_slice %arg3[%add3A_5, %add3A_985, %dma_wait3A_990] : memref<64x100x8192xf32, #tpu.memory_space<hbm>> -> memref<1x1x8192xf32, #tpu.memory_space<hbm>>
      %dma_wait3A_992 = tpu.memref_squeeze %dma_wait3A_991 : memref<1x1x8192xf32, #tpu.memory_space<hbm>> -> memref<8192xf32, #tpu.memory_space<hbm>>
      %dma_wait3A_993 = arith.constant 0 : i32
      %dma_wait3A_994 = tpu.memref_slice %arg6[%dma_wait3A_986, %dma_wait3A_993] : memref<8x8192xf32, #tpu.memory_space<vmem>> -> memref<1x8192xf32, #tpu.memory_space<vmem>>
      %dma_wait3A_995 = tpu.memref_squeeze %dma_wait3A_994 : memref<1x8192xf32, #tpu.memory_space<vmem>> -> memref<8192xf32, #tpu.memory_space<vmem>>
      %dma_wait3A_996 = arith.constant 0 : i32
      %dma_wait3A_997 = tpu.memref_slice %arg3[%add3A_5, %add3A_985, %dma_wait3A_996] : memref<64x100x8192xf32, #tpu.memory_space<hbm>> -> memref<1x1x8192xf32, #tpu.memory_space<hbm>>
      %dma_wait3A_998 = tpu.memref_squeeze %dma_wait3A_997 : memref<1x1x8192xf32, #tpu.memory_space<hbm>> -> memref<8192xf32, #tpu.memory_space<hbm>>
      tpu.wait_dma2 semaphore(%arg8 : memref<!tpu.dma_semaphore, #tpu.memory_space<semaphore_mem>>) src(%dma_wait3A_998 : memref<8192xf32, #tpu.memory_space<hbm>>) dst(%dma_wait3A_995 : memref<8192xf32, #tpu.memory_space<vmem>>)
      %mul3A_999 = arith.constant 4 : i32
      %mul3A_1000 = arith.muli %mul3A_964, %mul3A_999 : i32
      %add3A_1001 = arith.constant 2 : i32
      %add3A_1002 = arith.addi %mul3A_1000, %add3A_1001 : i32
      %dma_wait3A_1003 = arith.constant 2 : i32
      %dma_wait3A_1004 = arith.constant 0 : i32
      %dma_wait3A_1005 = tpu.memref_slice %arg6[%dma_wait3A_1003, %dma_wait3A_1004] : memref<8x8192xf32, #tpu.memory_space<vmem>> -> memref<1x8192xf32, #tpu.memory_space<vmem>>
      %dma_wait3A_1006 = tpu.memref_squeeze %dma_wait3A_1005 : memref<1x8192xf32, #tpu.memory_space<vmem>> -> memref<8192xf32, #tpu.memory_space<vmem>>
      %dma_wait3A_1007 = arith.constant 0 : i32
      %dma_wait3A_1008 = tpu.memref_slice %arg3[%add3A_5, %add3A_1002, %dma_wait3A_1007] : memref<64x100x8192xf32, #tpu.memory_space<hbm>> -> memref<1x1x8192xf32, #tpu.memory_space<hbm>>
      %dma_wait3A_1009 = tpu.memref_squeeze %dma_wait3A_1008 : memref<1x1x8192xf32, #tpu.memory_space<hbm>> -> memref<8192xf32, #tpu.memory_space<hbm>>
      %dma_wait3A_1010 = arith.constant 0 : i32
      %dma_wait3A_1011 = tpu.memref_slice %arg6[%dma_wait3A_1003, %dma_wait3A_1010] : memref<8x8192xf32, #tpu.memory_space<vmem>> -> memref<1x8192xf32, #tpu.memory_space<vmem>>
      %dma_wait3A_1012 = tpu.memref_squeeze %dma_wait3A_1011 : memref<1x8192xf32, #tpu.memory_space<vmem>> -> memref<8192xf32, #tpu.memory_space<vmem>>
      %dma_wait3A_1013 = arith.constant 0 : i32
      %dma_wait3A_1014 = tpu.memref_slice %arg3[%add3A_5, %add3A_1002, %dma_wait3A_1013] : memref<64x100x8192xf32, #tpu.memory_space<hbm>> -> memref<1x1x8192xf32, #tpu.memory_space<hbm>>
      %dma_wait3A_1015 = tpu.memref_squeeze %dma_wait3A_1014 : memref<1x1x8192xf32, #tpu.memory_space<hbm>> -> memref<8192xf32, #tpu.memory_space<hbm>>
      tpu.wait_dma2 semaphore(%arg8 : memref<!tpu.dma_semaphore, #tpu.memory_space<semaphore_mem>>) src(%dma_wait3A_1015 : memref<8192xf32, #tpu.memory_space<hbm>>) dst(%dma_wait3A_1012 : memref<8192xf32, #tpu.memory_space<vmem>>)
      %mul3A_1016 = arith.constant 4 : i32
      %mul3A_1017 = arith.muli %mul3A_964, %mul3A_1016 : i32
      %add3A_1018 = arith.constant 3 : i32
      %add3A_1019 = arith.addi %mul3A_1017, %add3A_1018 : i32
      %dma_wait3A_1020 = arith.constant 3 : i32
      %dma_wait3A_1021 = arith.constant 0 : i32
      %dma_wait3A_1022 = tpu.memref_slice %arg6[%dma_wait3A_1020, %dma_wait3A_1021] : memref<8x8192xf32, #tpu.memory_space<vmem>> -> memref<1x8192xf32, #tpu.memory_space<vmem>>
      %dma_wait3A_1023 = tpu.memref_squeeze %dma_wait3A_1022 : memref<1x8192xf32, #tpu.memory_space<vmem>> -> memref<8192xf32, #tpu.memory_space<vmem>>
      %dma_wait3A_1024 = arith.constant 0 : i32
      %dma_wait3A_1025 = tpu.memref_slice %arg3[%add3A_5, %add3A_1019, %dma_wait3A_1024] : memref<64x100x8192xf32, #tpu.memory_space<hbm>> -> memref<1x1x8192xf32, #tpu.memory_space<hbm>>
      %dma_wait3A_1026 = tpu.memref_squeeze %dma_wait3A_1025 : memref<1x1x8192xf32, #tpu.memory_space<hbm>> -> memref<8192xf32, #tpu.memory_space<hbm>>
      %dma_wait3A_1027 = arith.constant 0 : i32
      %dma_wait3A_1028 = tpu.memref_slice %arg6[%dma_wait3A_1020, %dma_wait3A_1027] : memref<8x8192xf32, #tpu.memory_space<vmem>> -> memref<1x8192xf32, #tpu.memory_space<vmem>>
      %dma_wait3A_1029 = tpu.memref_squeeze %dma_wait3A_1028 : memref<1x8192xf32, #tpu.memory_space<vmem>> -> memref<8192xf32, #tpu.memory_space<vmem>>
      %dma_wait3A_1030 = arith.constant 0 : i32
      %dma_wait3A_1031 = tpu.memref_slice %arg3[%add3A_5, %add3A_1019, %dma_wait3A_1030] : memref<64x100x8192xf32, #tpu.memory_space<hbm>> -> memref<1x1x8192xf32, #tpu.memory_space<hbm>>
      %dma_wait3A_1032 = tpu.memref_squeeze %dma_wait3A_1031 : memref<1x1x8192xf32, #tpu.memory_space<hbm>> -> memref<8192xf32, #tpu.memory_space<hbm>>
      tpu.wait_dma2 semaphore(%arg8 : memref<!tpu.dma_semaphore, #tpu.memory_space<semaphore_mem>>) src(%dma_wait3A_1032 : memref<8192xf32, #tpu.memory_space<hbm>>) dst(%dma_wait3A_1029 : memref<8192xf32, #tpu.memory_space<vmem>>)
      %broadcast_in_dim3A_1033 = arith.constant -3.000000e+38 : f32
      %broadcast_in_dim3A_1034 = vector.broadcast %broadcast_in_dim3A_1033 : f32 to vector<16xf32>
      %broadcast_in_dim3A_1035 = arith.constant 0 : i32
      %broadcast_in_dim3A_1036 = vector.broadcast %broadcast_in_dim3A_1035 : i32 to vector<16xi32>
      %broadcast_in_dim3A_1037 = arith.constant -3.000000e+38 : f32
      %broadcast_in_dim3A_1038 = vector.broadcast %broadcast_in_dim3A_1037 : f32 to vector<16xf32>
      %broadcast_in_dim3A_1039 = arith.constant 0 : i32
      %broadcast_in_dim3A_1040 = vector.broadcast %broadcast_in_dim3A_1039 : i32 to vector<16xi32>
      %broadcast_in_dim3A_1041 = arith.constant -3.000000e+38 : f32
      %broadcast_in_dim3A_1042 = vector.broadcast %broadcast_in_dim3A_1041 : f32 to vector<16xf32>
      %broadcast_in_dim3A_1043 = arith.constant 0 : i32
      %broadcast_in_dim3A_1044 = vector.broadcast %broadcast_in_dim3A_1043 : i32 to vector<16xi32>
      %broadcast_in_dim3A_1045 = arith.constant -3.000000e+38 : f32
      %broadcast_in_dim3A_1046 = vector.broadcast %broadcast_in_dim3A_1045 : f32 to vector<16xf32>
      %broadcast_in_dim3A_1047 = arith.constant 0 : i32
      %broadcast_in_dim3A_1048 = vector.broadcast %broadcast_in_dim3A_1047 : i32 to vector<16xi32>
      %scan3A_1049 = arith.constant 0 : i32
      %scan3A_1050 = arith.constant 512 : i32
      %scan3A_1051 = arith.addi %scan3A_1049, %scan3A_1050 : i32
      %scan3A_1052 = arith.constant 1 : i32
      %scan3A_1053:8 = scf.for %scan3A_1788 = %scan3A_1049 to %scan3A_1051 step %scan3A_1052 iter_args(%scan3A_1789 = %broadcast_in_dim3A_1034, %scan3A_1790 = %broadcast_in_dim3A_1036, %scan3A_1791 = %broadcast_in_dim3A_1038, %scan3A_1792 = %broadcast_in_dim3A_1040, %scan3A_1793 = %broadcast_in_dim3A_1042, %scan3A_1794 = %broadcast_in_dim3A_1044, %scan3A_1795 = %broadcast_in_dim3A_1046, %scan3A_1796 = %broadcast_in_dim3A_1048) -> (vector<16xf32>, vector<16xi32>, vector<16xf32>, vector<16xi32>, vector<16xf32>, vector<16xi32>, vector<16xf32>, vector<16xi32>)  : i32 {
        %mul3A_1797 = arith.constant 16 : i32
        %mul3A_1798 = arith.muli %scan3A_1788, %mul3A_1797 : i32
        %get3A = arith.index_cast %mul3A_1798 : i32 to index
        %get3A_1799 = tpu.vector_load %arg5[%get3A] {strides = array<i32>} : memref<8192xf32, #tpu.memory_space<vmem>>, vector<16xf32>,
        %get3A_1800 = vector.shape_cast %get3A_1799 : vector<16xf32> to vector<16xf32>
        %add3A_1801 = vector.broadcast %mul3A_1798 : i32 to vector<16xi32>
        %add3A_1802 = arith.addi %iota3A, %add3A_1801 : vector<16xi32>
        %get3A_1803 = arith.constant 0 : i32
        %get3A_1804 = arith.index_cast %get3A_1803 : i32 to index
        %get3A_1805 = arith.index_cast %mul3A_1798 : i32 to index
        %get3A_1806 = tpu.vector_load %arg6[%get3A_1804, %get3A_1805] {strides = array<i32>} : memref<8x8192xf32, #tpu.memory_space<vmem>>, vector<1x16xf32>,
        %get3A_1807 = vector.shape_cast %get3A_1806 : vector<1x16xf32> to vector<16xf32>
        %mul3A_1808 = arith.constant 5.000000e-02 : f32
        %mul3A_1809 = vector.broadcast %mul3A_1808 : f32 to vector<16xf32>
        %mul3A_1810 = arith.mulf %mul3A_1809, %get3A_1807 : vector<16xf32>
        %add3A_1811 = arith.addf %get3A_1800, %mul3A_1810 : vector<16xf32>
        %gt3A_1812 = arith.cmpf ogt, %add3A_1811, %scan3A_1789 : vector<16xf32>
        %select_n3A_1813 = arith.select %gt3A_1812, %add3A_1811, %scan3A_1789 : vector<16xi1>, vector<16xf32>
        %select_n3A_1814 = arith.select %gt3A_1812, %add3A_1802, %scan3A_1790 : vector<16xi1>, vector<16xi32>
        %get3A_1815 = arith.constant 1 : i32
        %get3A_1816 = arith.index_cast %get3A_1815 : i32 to index
        %get3A_1817 = arith.index_cast %mul3A_1798 : i32 to index
        %get3A_1818 = tpu.vector_load %arg6[%get3A_1816, %get3A_1817] {strides = array<i32>} : memref<8x8192xf32, #tpu.memory_space<vmem>>, vector<1x16xf32>,
        %get3A_1819 = vector.shape_cast %get3A_1818 : vector<1x16xf32> to vector<16xf32>
        %mul3A_1820 = arith.constant 5.000000e-02 : f32
        %mul3A_1821 = vector.broadcast %mul3A_1820 : f32 to vector<16xf32>
        %mul3A_1822 = arith.mulf %mul3A_1821, %get3A_1819 : vector<16xf32>
        %add3A_1823 = arith.addf %get3A_1800, %mul3A_1822 : vector<16xf32>
        %gt3A_1824 = arith.cmpf ogt, %add3A_1823, %scan3A_1791 : vector<16xf32>
        %select_n3A_1825 = arith.select %gt3A_1824, %add3A_1823, %scan3A_1791 : vector<16xi1>, vector<16xf32>
        %select_n3A_1826 = arith.select %gt3A_1824, %add3A_1802, %scan3A_1792 : vector<16xi1>, vector<16xi32>
        %get3A_1827 = arith.constant 2 : i32
        %get3A_1828 = arith.index_cast %get3A_1827 : i32 to index
        %get3A_1829 = arith.index_cast %mul3A_1798 : i32 to index
        %get3A_1830 = tpu.vector_load %arg6[%get3A_1828, %get3A_1829] {strides = array<i32>} : memref<8x8192xf32, #tpu.memory_space<vmem>>, vector<1x16xf32>,
        %get3A_1831 = vector.shape_cast %get3A_1830 : vector<1x16xf32> to vector<16xf32>
        %mul3A_1832 = arith.constant 5.000000e-02 : f32
        %mul3A_1833 = vector.broadcast %mul3A_1832 : f32 to vector<16xf32>
        %mul3A_1834 = arith.mulf %mul3A_1833, %get3A_1831 : vector<16xf32>
        %add3A_1835 = arith.addf %get3A_1800, %mul3A_1834 : vector<16xf32>
        %gt3A_1836 = arith.cmpf ogt, %add3A_1835, %scan3A_1793 : vector<16xf32>
        %select_n3A_1837 = arith.select %gt3A_1836, %add3A_1835, %scan3A_1793 : vector<16xi1>, vector<16xf32>
        %select_n3A_1838 = arith.select %gt3A_1836, %add3A_1802, %scan3A_1794 : vector<16xi1>, vector<16xi32>
        %get3A_1839 = arith.constant 3 : i32
        %get3A_1840 = arith.index_cast %get3A_1839 : i32 to index
        %get3A_1841 = arith.index_cast %mul3A_1798 : i32 to index
        %get3A_1842 = tpu.vector_load %arg6[%get3A_1840, %get3A_1841] {strides = array<i32>} : memref<8x8192xf32, #tpu.memory_space<vmem>>, vector<1x16xf32>,
        %get3A_1843 = vector.shape_cast %get3A_1842 : vector<1x16xf32> to vector<16xf32>
        %mul3A_1844 = arith.constant 5.000000e-02 : f32
        %mul3A_1845 = vector.broadcast %mul3A_1844 : f32 to vector<16xf32>
        %mul3A_1846 = arith.mulf %mul3A_1845, %get3A_1843 : vector<16xf32>
        %add3A_1847 = arith.addf %get3A_1800, %mul3A_1846 : vector<16xf32>
        %gt3A_1848 = arith.cmpf ogt, %add3A_1847, %scan3A_1795 : vector<16xf32>
        %select_n3A_1849 = arith.select %gt3A_1848, %add3A_1847, %scan3A_1795 : vector<16xi1>, vector<16xf32>
        %select_n3A_1850 = arith.select %gt3A_1848, %add3A_1802, %scan3A_1796 : vector<16xi1>, vector<16xi32>
        scf.yield %select_n3A_1813, %select_n3A_1814, %select_n3A_1825, %select_n3A_1826, %select_n3A_1837, %select_n3A_1838, %select_n3A_1849, %select_n3A_1850 : vector<16xf32>, vector<16xi32>, vector<16xf32>, vector<16xi32>, vector<16xf32>, vector<16xi32>, vector<16xf32>, vector<16xi32>
      }
      %scan3A_1054 = arith.constant 512 : i32
      %xor3A_1055 = arith.constant 1 : i32
      %xor3A_1056 = vector.broadcast %xor3A_1055 : i32 to vector<16xi32>
      %xor3A_1057 = arith.xori %iota3A, %xor3A_1056 : vector<16xi32>
      %broadcast_in_dim3A_1058 = vector.shape_cast %xor3A_1057 : vector<16xi32> to vector<16x1xi32>
      %gather3A_1059 = vector.shape_cast %broadcast_in_dim3A_1058 : vector<16x1xi32> to vector<16xi32>
      %gather3A_1060 = tpu.dynamic_gather %scan3A_1053#0[%gather3A_1059] in [0] : vector<16xf32>, vector<16xi32> -> vector<16xf32>
      %broadcast_in_dim3A_1061 = vector.shape_cast %xor3A_1057 : vector<16xi32> to vector<16x1xi32>
      %gather3A_1062 = vector.shape_cast %broadcast_in_dim3A_1061 : vector<16x1xi32> to vector<16xi32>
      %gather3A_1063 = tpu.dynamic_gather %scan3A_1053#1[%gather3A_1062] in [0] : vector<16xi32>, vector<16xi32> -> vector<16xi32>
      %gt3A_1064 = arith.cmpf ogt, %gather3A_1060, %scan3A_1053#0 : vector<16xf32>
      %eq3A_1065 = arith.cmpf oeq, %gather3A_1060, %scan3A_1053#0 : vector<16xf32>
      %lt3A_1066 = arith.cmpi slt, %gather3A_1063, %scan3A_1053#1 : vector<16xi32>
      %and3A_1067 = arith.andi %eq3A_1065, %lt3A_1066 : vector<16xi1>
      %or3A_1068 = arith.ori %gt3A_1064, %and3A_1067 : vector<16xi1>
      %select_n3A_1069 = arith.select %or3A_1068, %gather3A_1060, %scan3A_1053#0 : vector<16xi1>, vector<16xf32>
      %select_n3A_1070 = arith.select %or3A_1068, %gather3A_1063, %scan3A_1053#1 : vector<16xi1>, vector<16xi32>
      %xor3A_1071 = arith.constant 2 : i32
      %xor3A_1072 = vector.broadcast %xor3A_1071 : i32 to vector<16xi32>
      %xor3A_1073 = arith.xori %iota3A, %xor3A_1072 : vector<16xi32>
      %broadcast_in_dim3A_1074 = vector.shape_cast %xor3A_1073 : vector<16xi32> to vector<16x1xi32>
      %gather3A_1075 = vector.shape_cast %broadcast_in_dim3A_1074 : vector<16x1xi32> to vector<16xi32>
      %gather3A_1076 = tpu.dynamic_gather %select_n3A_1069[%gather3A_1075] in [0] : vector<16xf32>, vector<16xi32> -> vector<16xf32>
      %broadcast_in_dim3A_1077 = vector.shape_cast %xor3A_1073 : vector<16xi32> to vector<16x1xi32>
      %gather3A_1078 = vector.shape_cast %broadcast_in_dim3A_1077 : vector<16x1xi32> to vector<16xi32>
      %gather3A_1079 = tpu.dynamic_gather %select_n3A_1070[%gather3A_1078] in [0] : vector<16xi32>, vector<16xi32> -> vector<16xi32>
      %gt3A_1080 = arith.cmpf ogt, %gather3A_1076, %select_n3A_1069 : vector<16xf32>
      %eq3A_1081 = arith.cmpf oeq, %gather3A_1076, %select_n3A_1069 : vector<16xf32>
      %lt3A_1082 = arith.cmpi slt, %gather3A_1079, %select_n3A_1070 : vector<16xi32>
      %and3A_1083 = arith.andi %eq3A_1081, %lt3A_1082 : vector<16xi1>
      %or3A_1084 = arith.ori %gt3A_1080, %and3A_1083 : vector<16xi1>
      %select_n3A_1085 = arith.select %or3A_1084, %gather3A_1076, %select_n3A_1069 : vector<16xi1>, vector<16xf32>
      %select_n3A_1086 = arith.select %or3A_1084, %gather3A_1079, %select_n3A_1070 : vector<16xi1>, vector<16xi32>
      %xor3A_1087 = arith.constant 4 : i32
      %xor3A_1088 = vector.broadcast %xor3A_1087 : i32 to vector<16xi32>
      %xor3A_1089 = arith.xori %iota3A, %xor3A_1088 : vector<16xi32>
      %broadcast_in_dim3A_1090 = vector.shape_cast %xor3A_1089 : vector<16xi32> to vector<16x1xi32>
      %gather3A_1091 = vector.shape_cast %broadcast_in_dim3A_1090 : vector<16x1xi32> to vector<16xi32>
      %gather3A_1092 = tpu.dynamic_gather %select_n3A_1085[%gather3A_1091] in [0] : vector<16xf32>, vector<16xi32> -> vector<16xf32>
      %broadcast_in_dim3A_1093 = vector.shape_cast %xor3A_1089 : vector<16xi32> to vector<16x1xi32>
      %gather3A_1094 = vector.shape_cast %broadcast_in_dim3A_1093 : vector<16x1xi32> to vector<16xi32>
      %gather3A_1095 = tpu.dynamic_gather %select_n3A_1086[%gather3A_1094] in [0] : vector<16xi32>, vector<16xi32> -> vector<16xi32>
      %gt3A_1096 = arith.cmpf ogt, %gather3A_1092, %select_n3A_1085 : vector<16xf32>
      %eq3A_1097 = arith.cmpf oeq, %gather3A_1092, %select_n3A_1085 : vector<16xf32>
      %lt3A_1098 = arith.cmpi slt, %gather3A_1095, %select_n3A_1086 : vector<16xi32>
      %and3A_1099 = arith.andi %eq3A_1097, %lt3A_1098 : vector<16xi1>
      %or3A_1100 = arith.ori %gt3A_1096, %and3A_1099 : vector<16xi1>
      %select_n3A_1101 = arith.select %or3A_1100, %gather3A_1092, %select_n3A_1085 : vector<16xi1>, vector<16xf32>
      %select_n3A_1102 = arith.select %or3A_1100, %gather3A_1095, %select_n3A_1086 : vector<16xi1>, vector<16xi32>
      %xor3A_1103 = arith.constant 8 : i32
      %xor3A_1104 = vector.broadcast %xor3A_1103 : i32 to vector<16xi32>
      %xor3A_1105 = arith.xori %iota3A, %xor3A_1104 : vector<16xi32>
      %broadcast_in_dim3A_1106 = vector.shape_cast %xor3A_1105 : vector<16xi32> to vector<16x1xi32>
      %gather3A_1107 = vector.shape_cast %broadcast_in_dim3A_1106 : vector<16x1xi32> to vector<16xi32>
      %gather3A_1108 = tpu.dynamic_gather %select_n3A_1101[%gather3A_1107] in [0] : vector<16xf32>, vector<16xi32> -> vector<16xf32>
      %broadcast_in_dim3A_1109 = vector.shape_cast %xor3A_1105 : vector<16xi32> to vector<16x1xi32>
      %gather3A_1110 = vector.shape_cast %broadcast_in_dim3A_1109 : vector<16x1xi32> to vector<16xi32>
      %gather3A_1111 = tpu.dynamic_gather %select_n3A_1102[%gather3A_1110] in [0] : vector<16xi32>, vector<16xi32> -> vector<16xi32>
      %gt3A_1112 = arith.cmpf ogt, %gather3A_1108, %select_n3A_1101 : vector<16xf32>
      %eq3A_1113 = arith.cmpf oeq, %gather3A_1108, %select_n3A_1101 : vector<16xf32>
      %lt3A_1114 = arith.cmpi slt, %gather3A_1111, %select_n3A_1102 : vector<16xi32>
      %and3A_1115 = arith.andi %eq3A_1113, %lt3A_1114 : vector<16xi1>
      %or3A_1116 = arith.ori %gt3A_1112, %and3A_1115 : vector<16xi1>
      %select_n3A_1117 = arith.select %or3A_1116, %gather3A_1108, %select_n3A_1101 : vector<16xi1>, vector<16xf32>
      %select_n3A_1118 = arith.select %or3A_1116, %gather3A_1111, %select_n3A_1102 : vector<16xi1>, vector<16xi32>
      %eq3A_1119 = arith.constant 0 : i32
      %eq3A_1120 = vector.broadcast %eq3A_1119 : i32 to vector<16xi32>
      %eq3A_1121 = arith.cmpi eq, %iota3A, %eq3A_1120 : vector<16xi32>
      %jit3A_1122 = arith.constant 0 : i32
      %broadcast_in_dim3A_1123 = vector.broadcast %jit3A_1122 : i32 to vector<16xi32>
      %select_n3A_1124 = arith.select %eq3A_1121, %select_n3A_1118, %broadcast_in_dim3A_1123 : vector<16xi1>, vector<16xi32>
      %add3A_1125 = arith.addi %scan3A_962, %select_n3A_1124 : vector<16xi32>
      %xor3A_1126 = arith.constant 1 : i32
      %xor3A_1127 = vector.broadcast %xor3A_1126 : i32 to vector<16xi32>
      %xor3A_1128 = arith.xori %iota3A, %xor3A_1127 : vector<16xi32>
      %broadcast_in_dim3A_1129 = vector.shape_cast %xor3A_1128 : vector<16xi32> to vector<16x1xi32>
      %gather3A_1130 = vector.shape_cast %broadcast_in_dim3A_1129 : vector<16x1xi32> to vector<16xi32>
      %gather3A_1131 = tpu.dynamic_gather %scan3A_1053#2[%gather3A_1130] in [0] : vector<16xf32>, vector<16xi32> -> vector<16xf32>
      %broadcast_in_dim3A_1132 = vector.shape_cast %xor3A_1128 : vector<16xi32> to vector<16x1xi32>
      %gather3A_1133 = vector.shape_cast %broadcast_in_dim3A_1132 : vector<16x1xi32> to vector<16xi32>
      %gather3A_1134 = tpu.dynamic_gather %scan3A_1053#3[%gather3A_1133] in [0] : vector<16xi32>, vector<16xi32> -> vector<16xi32>
      %gt3A_1135 = arith.cmpf ogt, %gather3A_1131, %scan3A_1053#2 : vector<16xf32>
      %eq3A_1136 = arith.cmpf oeq, %gather3A_1131, %scan3A_1053#2 : vector<16xf32>
      %lt3A_1137 = arith.cmpi slt, %gather3A_1134, %scan3A_1053#3 : vector<16xi32>
      %and3A_1138 = arith.andi %eq3A_1136, %lt3A_1137 : vector<16xi1>
      %or3A_1139 = arith.ori %gt3A_1135, %and3A_1138 : vector<16xi1>
      %select_n3A_1140 = arith.select %or3A_1139, %gather3A_1131, %scan3A_1053#2 : vector<16xi1>, vector<16xf32>
      %select_n3A_1141 = arith.select %or3A_1139, %gather3A_1134, %scan3A_1053#3 : vector<16xi1>, vector<16xi32>
      %xor3A_1142 = arith.constant 2 : i32
      %xor3A_1143 = vector.broadcast %xor3A_1142 : i32 to vector<16xi32>
      %xor3A_1144 = arith.xori %iota3A, %xor3A_1143 : vector<16xi32>
      %broadcast_in_dim3A_1145 = vector.shape_cast %xor3A_1144 : vector<16xi32> to vector<16x1xi32>
      %gather3A_1146 = vector.shape_cast %broadcast_in_dim3A_1145 : vector<16x1xi32> to vector<16xi32>
      %gather3A_1147 = tpu.dynamic_gather %select_n3A_1140[%gather3A_1146] in [0] : vector<16xf32>, vector<16xi32> -> vector<16xf32>
      %broadcast_in_dim3A_1148 = vector.shape_cast %xor3A_1144 : vector<16xi32> to vector<16x1xi32>
      %gather3A_1149 = vector.shape_cast %broadcast_in_dim3A_1148 : vector<16x1xi32> to vector<16xi32>
      %gather3A_1150 = tpu.dynamic_gather %select_n3A_1141[%gather3A_1149] in [0] : vector<16xi32>, vector<16xi32> -> vector<16xi32>
      %gt3A_1151 = arith.cmpf ogt, %gather3A_1147, %select_n3A_1140 : vector<16xf32>
      %eq3A_1152 = arith.cmpf oeq, %gather3A_1147, %select_n3A_1140 : vector<16xf32>
      %lt3A_1153 = arith.cmpi slt, %gather3A_1150, %select_n3A_1141 : vector<16xi32>
      %and3A_1154 = arith.andi %eq3A_1152, %lt3A_1153 : vector<16xi1>
      %or3A_1155 = arith.ori %gt3A_1151, %and3A_1154 : vector<16xi1>
      %select_n3A_1156 = arith.select %or3A_1155, %gather3A_1147, %select_n3A_1140 : vector<16xi1>, vector<16xf32>
      %select_n3A_1157 = arith.select %or3A_1155, %gather3A_1150, %select_n3A_1141 : vector<16xi1>, vector<16xi32>
      %xor3A_1158 = arith.constant 4 : i32
      %xor3A_1159 = vector.broadcast %xor3A_1158 : i32 to vector<16xi32>
      %xor3A_1160 = arith.xori %iota3A, %xor3A_1159 : vector<16xi32>
      %broadcast_in_dim3A_1161 = vector.shape_cast %xor3A_1160 : vector<16xi32> to vector<16x1xi32>
      %gather3A_1162 = vector.shape_cast %broadcast_in_dim3A_1161 : vector<16x1xi32> to vector<16xi32>
      %gather3A_1163 = tpu.dynamic_gather %select_n3A_1156[%gather3A_1162] in [0] : vector<16xf32>, vector<16xi32> -> vector<16xf32>
      %broadcast_in_dim3A_1164 = vector.shape_cast %xor3A_1160 : vector<16xi32> to vector<16x1xi32>
      %gather3A_1165 = vector.shape_cast %broadcast_in_dim3A_1164 : vector<16x1xi32> to vector<16xi32>
      %gather3A_1166 = tpu.dynamic_gather %select_n3A_1157[%gather3A_1165] in [0] : vector<16xi32>, vector<16xi32> -> vector<16xi32>
      %gt3A_1167 = arith.cmpf ogt, %gather3A_1163, %select_n3A_1156 : vector<16xf32>
      %eq3A_1168 = arith.cmpf oeq, %gather3A_1163, %select_n3A_1156 : vector<16xf32>
      %lt3A_1169 = arith.cmpi slt, %gather3A_1166, %select_n3A_1157 : vector<16xi32>
      %and3A_1170 = arith.andi %eq3A_1168, %lt3A_1169 : vector<16xi1>
      %or3A_1171 = arith.ori %gt3A_1167, %and3A_1170 : vector<16xi1>
      %select_n3A_1172 = arith.select %or3A_1171, %gather3A_1163, %select_n3A_1156 : vector<16xi1>, vector<16xf32>
      %select_n3A_1173 = arith.select %or3A_1171, %gather3A_1166, %select_n3A_1157 : vector<16xi1>, vector<16xi32>
      %xor3A_1174 = arith.constant 8 : i32
      %xor3A_1175 = vector.broadcast %xor3A_1174 : i32 to vector<16xi32>
      %xor3A_1176 = arith.xori %iota3A, %xor3A_1175 : vector<16xi32>
      %broadcast_in_dim3A_1177 = vector.shape_cast %xor3A_1176 : vector<16xi32> to vector<16x1xi32>
      %gather3A_1178 = vector.shape_cast %broadcast_in_dim3A_1177 : vector<16x1xi32> to vector<16xi32>
      %gather3A_1179 = tpu.dynamic_gather %select_n3A_1172[%gather3A_1178] in [0] : vector<16xf32>, vector<16xi32> -> vector<16xf32>
      %broadcast_in_dim3A_1180 = vector.shape_cast %xor3A_1176 : vector<16xi32> to vector<16x1xi32>
      %gather3A_1181 = vector.shape_cast %broadcast_in_dim3A_1180 : vector<16x1xi32> to vector<16xi32>
      %gather3A_1182 = tpu.dynamic_gather %select_n3A_1173[%gather3A_1181] in [0] : vector<16xi32>, vector<16xi32> -> vector<16xi32>
      %gt3A_1183 = arith.cmpf ogt, %gather3A_1179, %select_n3A_1172 : vector<16xf32>
      %eq3A_1184 = arith.cmpf oeq, %gather3A_1179, %select_n3A_1172 : vector<16xf32>
      %lt3A_1185 = arith.cmpi slt, %gather3A_1182, %select_n3A_1173 : vector<16xi32>
      %and3A_1186 = arith.andi %eq3A_1184, %lt3A_1185 : vector<16xi1>
      %or3A_1187 = arith.ori %gt3A_1183, %and3A_1186 : vector<16xi1>
      %select_n3A_1188 = arith.select %or3A_1187, %gather3A_1179, %select_n3A_1172 : vector<16xi1>, vector<16xf32>
      %select_n3A_1189 = arith.select %or3A_1187, %gather3A_1182, %select_n3A_1173 : vector<16xi1>, vector<16xi32>
      %eq3A_1190 = arith.constant 0 : i32
      %eq3A_1191 = vector.broadcast %eq3A_1190 : i32 to vector<16xi32>
      %eq3A_1192 = arith.cmpi eq, %iota3A, %eq3A_1191 : vector<16xi32>
      %jit3A_1193 = arith.constant 0 : i32
      %broadcast_in_dim3A_1194 = vector.broadcast %jit3A_1193 : i32 to vector<16xi32>
      %select_n3A_1195 = arith.select %eq3A_1192, %select_n3A_1189, %broadcast_in_dim3A_1194 : vector<16xi1>, vector<16xi32>
      %add3A_1196 = arith.addi %add3A_1125, %select_n3A_1195 : vector<16xi32>
      %xor3A_1197 = arith.constant 1 : i32
      %xor3A_1198 = vector.broadcast %xor3A_1197 : i32 to vector<16xi32>
      %xor3A_1199 = arith.xori %iota3A, %xor3A_1198 : vector<16xi32>
      %broadcast_in_dim3A_1200 = vector.shape_cast %xor3A_1199 : vector<16xi32> to vector<16x1xi32>
      %gather3A_1201 = vector.shape_cast %broadcast_in_dim3A_1200 : vector<16x1xi32> to vector<16xi32>
      %gather3A_1202 = tpu.dynamic_gather %scan3A_1053#4[%gather3A_1201] in [0] : vector<16xf32>, vector<16xi32> -> vector<16xf32>
      %broadcast_in_dim3A_1203 = vector.shape_cast %xor3A_1199 : vector<16xi32> to vector<16x1xi32>
      %gather3A_1204 = vector.shape_cast %broadcast_in_dim3A_1203 : vector<16x1xi32> to vector<16xi32>
      %gather3A_1205 = tpu.dynamic_gather %scan3A_1053#5[%gather3A_1204] in [0] : vector<16xi32>, vector<16xi32> -> vector<16xi32>
      %gt3A_1206 = arith.cmpf ogt, %gather3A_1202, %scan3A_1053#4 : vector<16xf32>
      %eq3A_1207 = arith.cmpf oeq, %gather3A_1202, %scan3A_1053#4 : vector<16xf32>
      %lt3A_1208 = arith.cmpi slt, %gather3A_1205, %scan3A_1053#5 : vector<16xi32>
      %and3A_1209 = arith.andi %eq3A_1207, %lt3A_1208 : vector<16xi1>
      %or3A_1210 = arith.ori %gt3A_1206, %and3A_1209 : vector<16xi1>
      %select_n3A_1211 = arith.select %or3A_1210, %gather3A_1202, %scan3A_1053#4 : vector<16xi1>, vector<16xf32>
      %select_n3A_1212 = arith.select %or3A_1210, %gather3A_1205, %scan3A_1053#5 : vector<16xi1>, vector<16xi32>
      %xor3A_1213 = arith.constant 2 : i32
      %xor3A_1214 = vector.broadcast %xor3A_1213 : i32 to vector<16xi32>
      %xor3A_1215 = arith.xori %iota3A, %xor3A_1214 : vector<16xi32>
      %broadcast_in_dim3A_1216 = vector.shape_cast %xor3A_1215 : vector<16xi32> to vector<16x1xi32>
      %gather3A_1217 = vector.shape_cast %broadcast_in_dim3A_1216 : vector<16x1xi32> to vector<16xi32>
      %gather3A_1218 = tpu.dynamic_gather %select_n3A_1211[%gather3A_1217] in [0] : vector<16xf32>, vector<16xi32> -> vector<16xf32>
      %broadcast_in_dim3A_1219 = vector.shape_cast %xor3A_1215 : vector<16xi32> to vector<16x1xi32>
      %gather3A_1220 = vector.shape_cast %broadcast_in_dim3A_1219 : vector<16x1xi32> to vector<16xi32>
      %gather3A_1221 = tpu.dynamic_gather %select_n3A_1212[%gather3A_1220] in [0] : vector<16xi32>, vector<16xi32> -> vector<16xi32>
      %gt3A_1222 = arith.cmpf ogt, %gather3A_1218, %select_n3A_1211 : vector<16xf32>
      %eq3A_1223 = arith.cmpf oeq, %gather3A_1218, %select_n3A_1211 : vector<16xf32>
      %lt3A_1224 = arith.cmpi slt, %gather3A_1221, %select_n3A_1212 : vector<16xi32>
      %and3A_1225 = arith.andi %eq3A_1223, %lt3A_1224 : vector<16xi1>
      %or3A_1226 = arith.ori %gt3A_1222, %and3A_1225 : vector<16xi1>
      %select_n3A_1227 = arith.select %or3A_1226, %gather3A_1218, %select_n3A_1211 : vector<16xi1>, vector<16xf32>
      %select_n3A_1228 = arith.select %or3A_1226, %gather3A_1221, %select_n3A_1212 : vector<16xi1>, vector<16xi32>
      %xor3A_1229 = arith.constant 4 : i32
      %xor3A_1230 = vector.broadcast %xor3A_1229 : i32 to vector<16xi32>
      %xor3A_1231 = arith.xori %iota3A, %xor3A_1230 : vector<16xi32>
      %broadcast_in_dim3A_1232 = vector.shape_cast %xor3A_1231 : vector<16xi32> to vector<16x1xi32>
      %gather3A_1233 = vector.shape_cast %broadcast_in_dim3A_1232 : vector<16x1xi32> to vector<16xi32>
      %gather3A_1234 = tpu.dynamic_gather %select_n3A_1227[%gather3A_1233] in [0] : vector<16xf32>, vector<16xi32> -> vector<16xf32>
      %broadcast_in_dim3A_1235 = vector.shape_cast %xor3A_1231 : vector<16xi32> to vector<16x1xi32>
      %gather3A_1236 = vector.shape_cast %broadcast_in_dim3A_1235 : vector<16x1xi32> to vector<16xi32>
      %gather3A_1237 = tpu.dynamic_gather %select_n3A_1228[%gather3A_1236] in [0] : vector<16xi32>, vector<16xi32> -> vector<16xi32>
      %gt3A_1238 = arith.cmpf ogt, %gather3A_1234, %select_n3A_1227 : vector<16xf32>
      %eq3A_1239 = arith.cmpf oeq, %gather3A_1234, %select_n3A_1227 : vector<16xf32>
      %lt3A_1240 = arith.cmpi slt, %gather3A_1237, %select_n3A_1228 : vector<16xi32>
      %and3A_1241 = arith.andi %eq3A_1239, %lt3A_1240 : vector<16xi1>
      %or3A_1242 = arith.ori %gt3A_1238, %and3A_1241 : vector<16xi1>
      %select_n3A_1243 = arith.select %or3A_1242, %gather3A_1234, %select_n3A_1227 : vector<16xi1>, vector<16xf32>
      %select_n3A_1244 = arith.select %or3A_1242, %gather3A_1237, %select_n3A_1228 : vector<16xi1>, vector<16xi32>
      %xor3A_1245 = arith.constant 8 : i32
      %xor3A_1246 = vector.broadcast %xor3A_1245 : i32 to vector<16xi32>
      %xor3A_1247 = arith.xori %iota3A, %xor3A_1246 : vector<16xi32>
      %broadcast_in_dim3A_1248 = vector.shape_cast %xor3A_1247 : vector<16xi32> to vector<16x1xi32>
      %gather3A_1249 = vector.shape_cast %broadcast_in_dim3A_1248 : vector<16x1xi32> to vector<16xi32>
      %gather3A_1250 = tpu.dynamic_gather %select_n3A_1243[%gather3A_1249] in [0] : vector<16xf32>, vector<16xi32> -> vector<16xf32>
      %broadcast_in_dim3A_1251 = vector.shape_cast %xor3A_1247 : vector<16xi32> to vector<16x1xi32>
      %gather3A_1252 = vector.shape_cast %broadcast_in_dim3A_1251 : vector<16x1xi32> to vector<16xi32>
      %gather3A_1253 = tpu.dynamic_gather %select_n3A_1244[%gather3A_1252] in [0] : vector<16xi32>, vector<16xi32> -> vector<16xi32>
      %gt3A_1254 = arith.cmpf ogt, %gather3A_1250, %select_n3A_1243 : vector<16xf32>
      %eq3A_1255 = arith.cmpf oeq, %gather3A_1250, %select_n3A_1243 : vector<16xf32>
      %lt3A_1256 = arith.cmpi slt, %gather3A_1253, %select_n3A_1244 : vector<16xi32>
      %and3A_1257 = arith.andi %eq3A_1255, %lt3A_1256 : vector<16xi1>
      %or3A_1258 = arith.ori %gt3A_1254, %and3A_1257 : vector<16xi1>
      %select_n3A_1259 = arith.select %or3A_1258, %gather3A_1250, %select_n3A_1243 : vector<16xi1>, vector<16xf32>
      %select_n3A_1260 = arith.select %or3A_1258, %gather3A_1253, %select_n3A_1244 : vector<16xi1>, vector<16xi32>
      %eq3A_1261 = arith.constant 0 : i32
      %eq3A_1262 = vector.broadcast %eq3A_1261 : i32 to vector<16xi32>
      %eq3A_1263 = arith.cmpi eq, %iota3A, %eq3A_1262 : vector<16xi32>
      %jit3A_1264 = arith.constant 0 : i32
      %broadcast_in_dim3A_1265 = vector.broadcast %jit3A_1264 : i32 to vector<16xi32>
      %select_n3A_1266 = arith.select %eq3A_1263, %select_n3A_1260, %broadcast_in_dim3A_1265 : vector<16xi1>, vector<16xi32>
      %add3A_1267 = arith.addi %add3A_1196, %select_n3A_1266 : vector<16xi32>
      %xor3A_1268 = arith.constant 1 : i32
      %xor3A_1269 = vector.broadcast %xor3A_1268 : i32 to vector<16xi32>
      %xor3A_1270 = arith.xori %iota3A, %xor3A_1269 : vector<16xi32>
      %broadcast_in_dim3A_1271 = vector.shape_cast %xor3A_1270 : vector<16xi32> to vector<16x1xi32>
      %gather3A_1272 = vector.shape_cast %broadcast_in_dim3A_1271 : vector<16x1xi32> to vector<16xi32>
      %gather3A_1273 = tpu.dynamic_gather %scan3A_1053#6[%gather3A_1272] in [0] : vector<16xf32>, vector<16xi32> -> vector<16xf32>
      %broadcast_in_dim3A_1274 = vector.shape_cast %xor3A_1270 : vector<16xi32> to vector<16x1xi32>
      %gather3A_1275 = vector.shape_cast %broadcast_in_dim3A_1274 : vector<16x1xi32> to vector<16xi32>
      %gather3A_1276 = tpu.dynamic_gather %scan3A_1053#7[%gather3A_1275] in [0] : vector<16xi32>, vector<16xi32> -> vector<16xi32>
      %gt3A_1277 = arith.cmpf ogt, %gather3A_1273, %scan3A_1053#6 : vector<16xf32>
      %eq3A_1278 = arith.cmpf oeq, %gather3A_1273, %scan3A_1053#6 : vector<16xf32>
      %lt3A_1279 = arith.cmpi slt, %gather3A_1276, %scan3A_1053#7 : vector<16xi32>
      %and3A_1280 = arith.andi %eq3A_1278, %lt3A_1279 : vector<16xi1>
      %or3A_1281 = arith.ori %gt3A_1277, %and3A_1280 : vector<16xi1>
      %select_n3A_1282 = arith.select %or3A_1281, %gather3A_1273, %scan3A_1053#6 : vector<16xi1>, vector<16xf32>
      %select_n3A_1283 = arith.select %or3A_1281, %gather3A_1276, %scan3A_1053#7 : vector<16xi1>, vector<16xi32>
      %xor3A_1284 = arith.constant 2 : i32
      %xor3A_1285 = vector.broadcast %xor3A_1284 : i32 to vector<16xi32>
      %xor3A_1286 = arith.xori %iota3A, %xor3A_1285 : vector<16xi32>
      %broadcast_in_dim3A_1287 = vector.shape_cast %xor3A_1286 : vector<16xi32> to vector<16x1xi32>
      %gather3A_1288 = vector.shape_cast %broadcast_in_dim3A_1287 : vector<16x1xi32> to vector<16xi32>
      %gather3A_1289 = tpu.dynamic_gather %select_n3A_1282[%gather3A_1288] in [0] : vector<16xf32>, vector<16xi32> -> vector<16xf32>
      %broadcast_in_dim3A_1290 = vector.shape_cast %xor3A_1286 : vector<16xi32> to vector<16x1xi32>
      %gather3A_1291 = vector.shape_cast %broadcast_in_dim3A_1290 : vector<16x1xi32> to vector<16xi32>
      %gather3A_1292 = tpu.dynamic_gather %select_n3A_1283[%gather3A_1291] in [0] : vector<16xi32>, vector<16xi32> -> vector<16xi32>
      %gt3A_1293 = arith.cmpf ogt, %gather3A_1289, %select_n3A_1282 : vector<16xf32>
      %eq3A_1294 = arith.cmpf oeq, %gather3A_1289, %select_n3A_1282 : vector<16xf32>
      %lt3A_1295 = arith.cmpi slt, %gather3A_1292, %select_n3A_1283 : vector<16xi32>
      %and3A_1296 = arith.andi %eq3A_1294, %lt3A_1295 : vector<16xi1>
      %or3A_1297 = arith.ori %gt3A_1293, %and3A_1296 : vector<16xi1>
      %select_n3A_1298 = arith.select %or3A_1297, %gather3A_1289, %select_n3A_1282 : vector<16xi1>, vector<16xf32>
      %select_n3A_1299 = arith.select %or3A_1297, %gather3A_1292, %select_n3A_1283 : vector<16xi1>, vector<16xi32>
      %xor3A_1300 = arith.constant 4 : i32
      %xor3A_1301 = vector.broadcast %xor3A_1300 : i32 to vector<16xi32>
      %xor3A_1302 = arith.xori %iota3A, %xor3A_1301 : vector<16xi32>
      %broadcast_in_dim3A_1303 = vector.shape_cast %xor3A_1302 : vector<16xi32> to vector<16x1xi32>
      %gather3A_1304 = vector.shape_cast %broadcast_in_dim3A_1303 : vector<16x1xi32> to vector<16xi32>
      %gather3A_1305 = tpu.dynamic_gather %select_n3A_1298[%gather3A_1304] in [0] : vector<16xf32>, vector<16xi32> -> vector<16xf32>
      %broadcast_in_dim3A_1306 = vector.shape_cast %xor3A_1302 : vector<16xi32> to vector<16x1xi32>
      %gather3A_1307 = vector.shape_cast %broadcast_in_dim3A_1306 : vector<16x1xi32> to vector<16xi32>
      %gather3A_1308 = tpu.dynamic_gather %select_n3A_1299[%gather3A_1307] in [0] : vector<16xi32>, vector<16xi32> -> vector<16xi32>
      %gt3A_1309 = arith.cmpf ogt, %gather3A_1305, %select_n3A_1298 : vector<16xf32>
      %eq3A_1310 = arith.cmpf oeq, %gather3A_1305, %select_n3A_1298 : vector<16xf32>
      %lt3A_1311 = arith.cmpi slt, %gather3A_1308, %select_n3A_1299 : vector<16xi32>
      %and3A_1312 = arith.andi %eq3A_1310, %lt3A_1311 : vector<16xi1>
      %or3A_1313 = arith.ori %gt3A_1309, %and3A_1312 : vector<16xi1>
      %select_n3A_1314 = arith.select %or3A_1313, %gather3A_1305, %select_n3A_1298 : vector<16xi1>, vector<16xf32>
      %select_n3A_1315 = arith.select %or3A_1313, %gather3A_1308, %select_n3A_1299 : vector<16xi1>, vector<16xi32>
      %xor3A_1316 = arith.constant 8 : i32
      %xor3A_1317 = vector.broadcast %xor3A_1316 : i32 to vector<16xi32>
      %xor3A_1318 = arith.xori %iota3A, %xor3A_1317 : vector<16xi32>
      %broadcast_in_dim3A_1319 = vector.shape_cast %xor3A_1318 : vector<16xi32> to vector<16x1xi32>
      %gather3A_1320 = vector.shape_cast %broadcast_in_dim3A_1319 : vector<16x1xi32> to vector<16xi32>
      %gather3A_1321 = tpu.dynamic_gather %select_n3A_1314[%gather3A_1320] in [0] : vector<16xf32>, vector<16xi32> -> vector<16xf32>
      %broadcast_in_dim3A_1322 = vector.shape_cast %xor3A_1318 : vector<16xi32> to vector<16x1xi32>
      %gather3A_1323 = vector.shape_cast %broadcast_in_dim3A_1322 : vector<16x1xi32> to vector<16xi32>
      %gather3A_1324 = tpu.dynamic_gather %select_n3A_1315[%gather3A_1323] in [0] : vector<16xi32>, vector<16xi32> -> vector<16xi32>
      %gt3A_1325 = arith.cmpf ogt, %gather3A_1321, %select_n3A_1314 : vector<16xf32>
      %eq3A_1326 = arith.cmpf oeq, %gather3A_1321, %select_n3A_1314 : vector<16xf32>
      %lt3A_1327 = arith.cmpi slt, %gather3A_1324, %select_n3A_1315 : vector<16xi32>
      %and3A_1328 = arith.andi %eq3A_1326, %lt3A_1327 : vector<16xi1>
      %or3A_1329 = arith.ori %gt3A_1325, %and3A_1328 : vector<16xi1>
      %select_n3A_1330 = arith.select %or3A_1329, %gather3A_1321, %select_n3A_1314 : vector<16xi1>, vector<16xf32>
      %select_n3A_1331 = arith.select %or3A_1329, %gather3A_1324, %select_n3A_1315 : vector<16xi1>, vector<16xi32>
      %eq3A_1332 = arith.constant 0 : i32
      %eq3A_1333 = vector.broadcast %eq3A_1332 : i32 to vector<16xi32>
      %eq3A_1334 = arith.cmpi eq, %iota3A, %eq3A_1333 : vector<16xi32>
      %jit3A_1335 = arith.constant 0 : i32
      %broadcast_in_dim3A_1336 = vector.broadcast %jit3A_1335 : i32 to vector<16xi32>
      %select_n3A_1337 = arith.select %eq3A_1334, %select_n3A_1331, %broadcast_in_dim3A_1336 : vector<16xi1>, vector<16xi32>
      %add3A_1338 = arith.addi %add3A_1267, %select_n3A_1337 : vector<16xi32>
      %add3A_1339 = arith.constant 2 : i32
      %add3A_1340 = arith.addi %mul3A_964, %add3A_1339 : i32
      %mul3A_1341 = arith.constant 4 : i32
      %mul3A_1342 = arith.muli %add3A_1340, %mul3A_1341 : i32
      %add3A_1343 = arith.constant 0 : i32
      %add3A_1344 = arith.addi %mul3A_1342, %add3A_1343 : i32
      %dma_start3A_1345 = arith.constant 0 : i32
      %dma_start3A_1346 = arith.constant 0 : i32
      %dma_start3A_1347 = tpu.memref_slice %arg6[%dma_start3A_1345, %dma_start3A_1346] : memref<8x8192xf32, #tpu.memory_space<vmem>> -> memref<1x8192xf32, #tpu.memory_space<vmem>>
      %dma_start3A_1348 = tpu.memref_squeeze %dma_start3A_1347 : memref<1x8192xf32, #tpu.memory_space<vmem>> -> memref<8192xf32, #tpu.memory_space<vmem>>
      %dma_start3A_1349 = arith.constant 0 : i32
      %dma_start3A_1350 = tpu.memref_slice %arg3[%add3A_5, %add3A_1344, %dma_start3A_1349] : memref<64x100x8192xf32, #tpu.memory_space<hbm>> -> memref<1x1x8192xf32, #tpu.memory_space<hbm>>
      %dma_start3A_1351 = tpu.memref_squeeze %dma_start3A_1350 : memref<1x1x8192xf32, #tpu.memory_space<hbm>> -> memref<8192xf32, #tpu.memory_space<hbm>>
      %dma_start3A_1352 = arith.constant 0 : i32
      %dma_start3A_1353 = tpu.memref_slice %arg6[%dma_start3A_1345, %dma_start3A_1352] : memref<8x8192xf32, #tpu.memory_space<vmem>> -> memref<1x8192xf32, #tpu.memory_space<vmem>>
      %dma_start3A_1354 = tpu.memref_squeeze %dma_start3A_1353 : memref<1x8192xf32, #tpu.memory_space<vmem>> -> memref<8192xf32, #tpu.memory_space<vmem>>
      %dma_start3A_1355 = arith.constant 0 : i32
      %dma_start3A_1356 = tpu.memref_slice %arg3[%add3A_5, %add3A_1344, %dma_start3A_1355] : memref<64x100x8192xf32, #tpu.memory_space<hbm>> -> memref<1x1x8192xf32, #tpu.memory_space<hbm>>
      %dma_start3A_1357 = tpu.memref_squeeze %dma_start3A_1356 : memref<1x1x8192xf32, #tpu.memory_space<hbm>> -> memref<8192xf32, #tpu.memory_space<hbm>>
      tpu.enqueue_dma source(%dma_start3A_1357 : memref<8192xf32, #tpu.memory_space<hbm>>) target(%dma_start3A_1354 : memref<8192xf32, #tpu.memory_space<vmem>>) target_semaphore(%arg8 : memref<!tpu.dma_semaphore, #tpu.memory_space<semaphore_mem>>)
      %mul3A_1358 = arith.constant 4 : i32
      %mul3A_1359 = arith.muli %add3A_1340, %mul3A_1358 : i32
      %add3A_1360 = arith.constant 1 : i32
      %add3A_1361 = arith.addi %mul3A_1359, %add3A_1360 : i32
      %dma_start3A_1362 = arith.constant 1 : i32
      %dma_start3A_1363 = arith.constant 0 : i32
      %dma_start3A_1364 = tpu.memref_slice %arg6[%dma_start3A_1362, %dma_start3A_1363] : memref<8x8192xf32, #tpu.memory_space<vmem>> -> memref<1x8192xf32, #tpu.memory_space<vmem>>
      %dma_start3A_1365 = tpu.memref_squeeze %dma_start3A_1364 : memref<1x8192xf32, #tpu.memory_space<vmem>> -> memref<8192xf32, #tpu.memory_space<vmem>>
      %dma_start3A_1366 = arith.constant 0 : i32
      %dma_start3A_1367 = tpu.memref_slice %arg3[%add3A_5, %add3A_1361, %dma_start3A_1366] : memref<64x100x8192xf32, #tpu.memory_space<hbm>> -> memref<1x1x8192xf32, #tpu.memory_space<hbm>>
      %dma_start3A_1368 = tpu.memref_squeeze %dma_start3A_1367 : memref<1x1x8192xf32, #tpu.memory_space<hbm>> -> memref<8192xf32, #tpu.memory_space<hbm>>
      %dma_start3A_1369 = arith.constant 0 : i32
      %dma_start3A_1370 = tpu.memref_slice %arg6[%dma_start3A_1362, %dma_start3A_1369] : memref<8x8192xf32, #tpu.memory_space<vmem>> -> memref<1x8192xf32, #tpu.memory_space<vmem>>
      %dma_start3A_1371 = tpu.memref_squeeze %dma_start3A_1370 : memref<1x8192xf32, #tpu.memory_space<vmem>> -> memref<8192xf32, #tpu.memory_space<vmem>>
      %dma_start3A_1372 = arith.constant 0 : i32
      %dma_start3A_1373 = tpu.memref_slice %arg3[%add3A_5, %add3A_1361, %dma_start3A_1372] : memref<64x100x8192xf32, #tpu.memory_space<hbm>> -> memref<1x1x8192xf32, #tpu.memory_space<hbm>>
      %dma_start3A_1374 = tpu.memref_squeeze %dma_start3A_1373 : memref<1x1x8192xf32, #tpu.memory_space<hbm>> -> memref<8192xf32, #tpu.memory_space<hbm>>
      tpu.enqueue_dma source(%dma_start3A_1374 : memref<8192xf32, #tpu.memory_space<hbm>>) target(%dma_start3A_1371 : memref<8192xf32, #tpu.memory_space<vmem>>) target_semaphore(%arg8 : memref<!tpu.dma_semaphore, #tpu.memory_space<semaphore_mem>>)
      %mul3A_1375 = arith.constant 4 : i32
      %mul3A_1376 = arith.muli %add3A_1340, %mul3A_1375 : i32
      %add3A_1377 = arith.constant 2 : i32
      %add3A_1378 = arith.addi %mul3A_1376, %add3A_1377 : i32
      %dma_start3A_1379 = arith.constant 2 : i32
      %dma_start3A_1380 = arith.constant 0 : i32
      %dma_start3A_1381 = tpu.memref_slice %arg6[%dma_start3A_1379, %dma_start3A_1380] : memref<8x8192xf32, #tpu.memory_space<vmem>> -> memref<1x8192xf32, #tpu.memory_space<vmem>>
      %dma_start3A_1382 = tpu.memref_squeeze %dma_start3A_1381 : memref<1x8192xf32, #tpu.memory_space<vmem>> -> memref<8192xf32, #tpu.memory_space<vmem>>
      %dma_start3A_1383 = arith.constant 0 : i32
      %dma_start3A_1384 = tpu.memref_slice %arg3[%add3A_5, %add3A_1378, %dma_start3A_1383] : memref<64x100x8192xf32, #tpu.memory_space<hbm>> -> memref<1x1x8192xf32, #tpu.memory_space<hbm>>
      %dma_start3A_1385 = tpu.memref_squeeze %dma_start3A_1384 : memref<1x1x8192xf32, #tpu.memory_space<hbm>> -> memref<8192xf32, #tpu.memory_space<hbm>>
      %dma_start3A_1386 = arith.constant 0 : i32
      %dma_start3A_1387 = tpu.memref_slice %arg6[%dma_start3A_1379, %dma_start3A_1386] : memref<8x8192xf32, #tpu.memory_space<vmem>> -> memref<1x8192xf32, #tpu.memory_space<vmem>>
      %dma_start3A_1388 = tpu.memref_squeeze %dma_start3A_1387 : memref<1x8192xf32, #tpu.memory_space<vmem>> -> memref<8192xf32, #tpu.memory_space<vmem>>
      %dma_start3A_1389 = arith.constant 0 : i32
      %dma_start3A_1390 = tpu.memref_slice %arg3[%add3A_5, %add3A_1378, %dma_start3A_1389] : memref<64x100x8192xf32, #tpu.memory_space<hbm>> -> memref<1x1x8192xf32, #tpu.memory_space<hbm>>
      %dma_start3A_1391 = tpu.memref_squeeze %dma_start3A_1390 : memref<1x1x8192xf32, #tpu.memory_space<hbm>> -> memref<8192xf32, #tpu.memory_space<hbm>>
      tpu.enqueue_dma source(%dma_start3A_1391 : memref<8192xf32, #tpu.memory_space<hbm>>) target(%dma_start3A_1388 : memref<8192xf32, #tpu.memory_space<vmem>>) target_semaphore(%arg8 : memref<!tpu.dma_semaphore, #tpu.memory_space<semaphore_mem>>)
      %mul3A_1392 = arith.constant 4 : i32
      %mul3A_1393 = arith.muli %add3A_1340, %mul3A_1392 : i32
      %add3A_1394 = arith.constant 3 : i32
      %add3A_1395 = arith.addi %mul3A_1393, %add3A_1394 : i32
      %dma_start3A_1396 = arith.constant 3 : i32
      %dma_start3A_1397 = arith.constant 0 : i32
      %dma_start3A_1398 = tpu.memref_slice %arg6[%dma_start3A_1396, %dma_start3A_1397] : memref<8x8192xf32, #tpu.memory_space<vmem>> -> memref<1x8192xf32, #tpu.memory_space<vmem>>
      %dma_start3A_1399 = tpu.memref_squeeze %dma_start3A_1398 : memref<1x8192xf32, #tpu.memory_space<vmem>> -> memref<8192xf32, #tpu.memory_space<vmem>>
      %dma_start3A_1400 = arith.constant 0 : i32
      %dma_start3A_1401 = tpu.memref_slice %arg3[%add3A_5, %add3A_1395, %dma_start3A_1400] : memref<64x100x8192xf32, #tpu.memory_space<hbm>> -> memref<1x1x8192xf32, #tpu.memory_space<hbm>>
      %dma_start3A_1402 = tpu.memref_squeeze %dma_start3A_1401 : memref<1x1x8192xf32, #tpu.memory_space<hbm>> -> memref<8192xf32, #tpu.memory_space<hbm>>
      %dma_start3A_1403 = arith.constant 0 : i32
      %dma_start3A_1404 = tpu.memref_slice %arg6[%dma_start3A_1396, %dma_start3A_1403] : memref<8x8192xf32, #tpu.memory_space<vmem>> -> memref<1x8192xf32, #tpu.memory_space<vmem>>
      %dma_start3A_1405 = tpu.memref_squeeze %dma_start3A_1404 : memref<1x8192xf32, #tpu.memory_space<vmem>> -> memref<8192xf32, #tpu.memory_space<vmem>>
      %dma_start3A_1406 = arith.constant 0 : i32
      %dma_start3A_1407 = tpu.memref_slice %arg3[%add3A_5, %add3A_1395, %dma_start3A_1406] : memref<64x100x8192xf32, #tpu.memory_space<hbm>> -> memref<1x1x8192xf32, #tpu.memory_space<hbm>>
      %dma_start3A_1408 = tpu.memref_squeeze %dma_start3A_1407 : memref<1x1x8192xf32, #tpu.memory_space<hbm>> -> memref<8192xf32, #tpu.memory_space<hbm>>
      tpu.enqueue_dma source(%dma_start3A_1408 : memref<8192xf32, #tpu.memory_space<hbm>>) target(%dma_start3A_1405 : memref<8192xf32, #tpu.memory_space<vmem>>) target_semaphore(%arg8 : memref<!tpu.dma_semaphore, #tpu.memory_space<semaphore_mem>>)
      %add3A_1409 = arith.constant 1 : i32
      %add3A_1410 = arith.addi %mul3A_964, %add3A_1409 : i32
      %mul3A_1411 = arith.constant 4 : i32
      %mul3A_1412 = arith.muli %add3A_1410, %mul3A_1411 : i32
      %add3A_1413 = arith.constant 0 : i32
      %add3A_1414 = arith.addi %mul3A_1412, %add3A_1413 : i32
      %dma_wait3A_1415 = arith.constant 4 : i32
      %dma_wait3A_1416 = arith.constant 0 : i32
      %dma_wait3A_1417 = tpu.memref_slice %arg6[%dma_wait3A_1415, %dma_wait3A_1416] : memref<8x8192xf32, #tpu.memory_space<vmem>> -> memref<1x8192xf32, #tpu.memory_space<vmem>>
      %dma_wait3A_1418 = tpu.memref_squeeze %dma_wait3A_1417 : memref<1x8192xf32, #tpu.memory_space<vmem>> -> memref<8192xf32, #tpu.memory_space<vmem>>
      %dma_wait3A_1419 = arith.constant 0 : i32
      %dma_wait3A_1420 = tpu.memref_slice %arg3[%add3A_5, %add3A_1414, %dma_wait3A_1419] : memref<64x100x8192xf32, #tpu.memory_space<hbm>> -> memref<1x1x8192xf32, #tpu.memory_space<hbm>>
      %dma_wait3A_1421 = tpu.memref_squeeze %dma_wait3A_1420 : memref<1x1x8192xf32, #tpu.memory_space<hbm>> -> memref<8192xf32, #tpu.memory_space<hbm>>
      %dma_wait3A_1422 = arith.constant 0 : i32
      %dma_wait3A_1423 = tpu.memref_slice %arg6[%dma_wait3A_1415, %dma_wait3A_1422] : memref<8x8192xf32, #tpu.memory_space<vmem>> -> memref<1x8192xf32, #tpu.memory_space<vmem>>
      %dma_wait3A_1424 = tpu.memref_squeeze %dma_wait3A_1423 : memref<1x8192xf32, #tpu.memory_space<vmem>> -> memref<8192xf32, #tpu.memory_space<vmem>>
      %dma_wait3A_1425 = arith.constant 0 : i32
      %dma_wait3A_1426 = tpu.memref_slice %arg3[%add3A_5, %add3A_1414, %dma_wait3A_1425] : memref<64x100x8192xf32, #tpu.memory_space<hbm>> -> memref<1x1x8192xf32, #tpu.memory_space<hbm>>
      %dma_wait3A_1427 = tpu.memref_squeeze %dma_wait3A_1426 : memref<1x1x8192xf32, #tpu.memory_space<hbm>> -> memref<8192xf32, #tpu.memory_space<hbm>>
      tpu.wait_dma2 semaphore(%arg9 : memref<!tpu.dma_semaphore, #tpu.memory_space<semaphore_mem>>) src(%dma_wait3A_1427 : memref<8192xf32, #tpu.memory_space<hbm>>) dst(%dma_wait3A_1424 : memref<8192xf32, #tpu.memory_space<vmem>>)
      %mul3A_1428 = arith.constant 4 : i32
      %mul3A_1429 = arith.muli %add3A_1410, %mul3A_1428 : i32
      %add3A_1430 = arith.constant 1 : i32
      %add3A_1431 = arith.addi %mul3A_1429, %add3A_1430 : i32
      %dma_wait3A_1432 = arith.constant 5 : i32
      %dma_wait3A_1433 = arith.constant 0 : i32
      %dma_wait3A_1434 = tpu.memref_slice %arg6[%dma_wait3A_1432, %dma_wait3A_1433] : memref<8x8192xf32, #tpu.memory_space<vmem>> -> memref<1x8192xf32, #tpu.memory_space<vmem>>
      %dma_wait3A_1435 = tpu.memref_squeeze %dma_wait3A_1434 : memref<1x8192xf32, #tpu.memory_space<vmem>> -> memref<8192xf32, #tpu.memory_space<vmem>>
      %dma_wait3A_1436 = arith.constant 0 : i32
      %dma_wait3A_1437 = tpu.memref_slice %arg3[%add3A_5, %add3A_1431, %dma_wait3A_1436] : memref<64x100x8192xf32, #tpu.memory_space<hbm>> -> memref<1x1x8192xf32, #tpu.memory_space<hbm>>
      %dma_wait3A_1438 = tpu.memref_squeeze %dma_wait3A_1437 : memref<1x1x8192xf32, #tpu.memory_space<hbm>> -> memref<8192xf32, #tpu.memory_space<hbm>>
      %dma_wait3A_1439 = arith.constant 0 : i32
      %dma_wait3A_1440 = tpu.memref_slice %arg6[%dma_wait3A_1432, %dma_wait3A_1439] : memref<8x8192xf32, #tpu.memory_space<vmem>> -> memref<1x8192xf32, #tpu.memory_space<vmem>>
      %dma_wait3A_1441 = tpu.memref_squeeze %dma_wait3A_1440 : memref<1x8192xf32, #tpu.memory_space<vmem>> -> memref<8192xf32, #tpu.memory_space<vmem>>
      %dma_wait3A_1442 = arith.constant 0 : i32
      %dma_wait3A_1443 = tpu.memref_slice %arg3[%add3A_5, %add3A_1431, %dma_wait3A_1442] : memref<64x100x8192xf32, #tpu.memory_space<hbm>> -> memref<1x1x8192xf32, #tpu.memory_space<hbm>>
      %dma_wait3A_1444 = tpu.memref_squeeze %dma_wait3A_1443 : memref<1x1x8192xf32, #tpu.memory_space<hbm>> -> memref<8192xf32, #tpu.memory_space<hbm>>
      tpu.wait_dma2 semaphore(%arg9 : memref<!tpu.dma_semaphore, #tpu.memory_space<semaphore_mem>>) src(%dma_wait3A_1444 : memref<8192xf32, #tpu.memory_space<hbm>>) dst(%dma_wait3A_1441 : memref<8192xf32, #tpu.memory_space<vmem>>)
      %mul3A_1445 = arith.constant 4 : i32
      %mul3A_1446 = arith.muli %add3A_1410, %mul3A_1445 : i32
      %add3A_1447 = arith.constant 2 : i32
      %add3A_1448 = arith.addi %mul3A_1446, %add3A_1447 : i32
      %dma_wait3A_1449 = arith.constant 6 : i32
      %dma_wait3A_1450 = arith.constant 0 : i32
      %dma_wait3A_1451 = tpu.memref_slice %arg6[%dma_wait3A_1449, %dma_wait3A_1450] : memref<8x8192xf32, #tpu.memory_space<vmem>> -> memref<1x8192xf32, #tpu.memory_space<vmem>>
      %dma_wait3A_1452 = tpu.memref_squeeze %dma_wait3A_1451 : memref<1x8192xf32, #tpu.memory_space<vmem>> -> memref<8192xf32, #tpu.memory_space<vmem>>
      %dma_wait3A_1453 = arith.constant 0 : i32
      %dma_wait3A_1454 = tpu.memref_slice %arg3[%add3A_5, %add3A_1448, %dma_wait3A_1453] : memref<64x100x8192xf32, #tpu.memory_space<hbm>> -> memref<1x1x8192xf32, #tpu.memory_space<hbm>>
      %dma_wait3A_1455 = tpu.memref_squeeze %dma_wait3A_1454 : memref<1x1x8192xf32, #tpu.memory_space<hbm>> -> memref<8192xf32, #tpu.memory_space<hbm>>
      %dma_wait3A_1456 = arith.constant 0 : i32
      %dma_wait3A_1457 = tpu.memref_slice %arg6[%dma_wait3A_1449, %dma_wait3A_1456] : memref<8x8192xf32, #tpu.memory_space<vmem>> -> memref<1x8192xf32, #tpu.memory_space<vmem>>
      %dma_wait3A_1458 = tpu.memref_squeeze %dma_wait3A_1457 : memref<1x8192xf32, #tpu.memory_space<vmem>> -> memref<8192xf32, #tpu.memory_space<vmem>>
      %dma_wait3A_1459 = arith.constant 0 : i32
      %dma_wait3A_1460 = tpu.memref_slice %arg3[%add3A_5, %add3A_1448, %dma_wait3A_1459] : memref<64x100x8192xf32, #tpu.memory_space<hbm>> -> memref<1x1x8192xf32, #tpu.memory_space<hbm>>
      %dma_wait3A_1461 = tpu.memref_squeeze %dma_wait3A_1460 : memref<1x1x8192xf32, #tpu.memory_space<hbm>> -> memref<8192xf32, #tpu.memory_space<hbm>>
      tpu.wait_dma2 semaphore(%arg9 : memref<!tpu.dma_semaphore, #tpu.memory_space<semaphore_mem>>) src(%dma_wait3A_1461 : memref<8192xf32, #tpu.memory_space<hbm>>) dst(%dma_wait3A_1458 : memref<8192xf32, #tpu.memory_space<vmem>>)
      %mul3A_1462 = arith.constant 4 : i32
      %mul3A_1463 = arith.muli %add3A_1410, %mul3A_1462 : i32
      %add3A_1464 = arith.constant 3 : i32
      %add3A_1465 = arith.addi %mul3A_1463, %add3A_1464 : i32
      %dma_wait3A_1466 = arith.constant 7 : i32
      %dma_wait3A_1467 = arith.constant 0 : i32
      %dma_wait3A_1468 = tpu.memref_slice %arg6[%dma_wait3A_1466, %dma_wait3A_1467] : memref<8x8192xf32, #tpu.memory_space<vmem>> -> memref<1x8192xf32, #tpu.memory_space<vmem>>
      %dma_wait3A_1469 = tpu.memref_squeeze %dma_wait3A_1468 : memref<1x8192xf32, #tpu.memory_space<vmem>> -> memref<8192xf32, #tpu.memory_space<vmem>>
      %dma_wait3A_1470 = arith.constant 0 : i32
      %dma_wait3A_1471 = tpu.memref_slice %arg3[%add3A_5, %add3A_1465, %dma_wait3A_1470] : memref<64x100x8192xf32, #tpu.memory_space<hbm>> -> memref<1x1x8192xf32, #tpu.memory_space<hbm>>
      %dma_wait3A_1472 = tpu.memref_squeeze %dma_wait3A_1471 : memref<1x1x8192xf32, #tpu.memory_space<hbm>> -> memref<8192xf32, #tpu.memory_space<hbm>>
      %dma_wait3A_1473 = arith.constant 0 : i32
      %dma_wait3A_1474 = tpu.memref_slice %arg6[%dma_wait3A_1466, %dma_wait3A_1473] : memref<8x8192xf32, #tpu.memory_space<vmem>> -> memref<1x8192xf32, #tpu.memory_space<vmem>>
      %dma_wait3A_1475 = tpu.memref_squeeze %dma_wait3A_1474 : memref<1x8192xf32, #tpu.memory_space<vmem>> -> memref<8192xf32, #tpu.memory_space<vmem>>
      %dma_wait3A_1476 = arith.constant 0 : i32
      %dma_wait3A_1477 = tpu.memref_slice %arg3[%add3A_5, %add3A_1465, %dma_wait3A_1476] : memref<64x100x8192xf32, #tpu.memory_space<hbm>> -> memref<1x1x8192xf32, #tpu.memory_space<hbm>>
      %dma_wait3A_1478 = tpu.memref_squeeze %dma_wait3A_1477 : memref<1x1x8192xf32, #tpu.memory_space<hbm>> -> memref<8192xf32, #tpu.memory_space<hbm>>
      tpu.wait_dma2 semaphore(%arg9 : memref<!tpu.dma_semaphore, #tpu.memory_space<semaphore_mem>>) src(%dma_wait3A_1478 : memref<8192xf32, #tpu.memory_space<hbm>>) dst(%dma_wait3A_1475 : memref<8192xf32, #tpu.memory_space<vmem>>)
      %broadcast_in_dim3A_1479 = arith.constant -3.000000e+38 : f32
      %broadcast_in_dim3A_1480 = vector.broadcast %broadcast_in_dim3A_1479 : f32 to vector<16xf32>
      %broadcast_in_dim3A_1481 = arith.constant 0 : i32
      %broadcast_in_dim3A_1482 = vector.broadcast %broadcast_in_dim3A_1481 : i32 to vector<16xi32>
      %broadcast_in_dim3A_1483 = arith.constant -3.000000e+38 : f32
      %broadcast_in_dim3A_1484 = vector.broadcast %broadcast_in_dim3A_1483 : f32 to vector<16xf32>
      %broadcast_in_dim3A_1485 = arith.constant 0 : i32
      %broadcast_in_dim3A_1486 = vector.broadcast %broadcast_in_dim3A_1485 : i32 to vector<16xi32>
      %broadcast_in_dim3A_1487 = arith.constant -3.000000e+38 : f32
      %broadcast_in_dim3A_1488 = vector.broadcast %broadcast_in_dim3A_1487 : f32 to vector<16xf32>
      %broadcast_in_dim3A_1489 = arith.constant 0 : i32
      %broadcast_in_dim3A_1490 = vector.broadcast %broadcast_in_dim3A_1489 : i32 to vector<16xi32>
      %broadcast_in_dim3A_1491 = arith.constant -3.000000e+38 : f32
      %broadcast_in_dim3A_1492 = vector.broadcast %broadcast_in_dim3A_1491 : f32 to vector<16xf32>
      %broadcast_in_dim3A_1493 = arith.constant 0 : i32
      %broadcast_in_dim3A_1494 = vector.broadcast %broadcast_in_dim3A_1493 : i32 to vector<16xi32>
      %scan3A_1495 = arith.constant 0 : i32
      %scan3A_1496 = arith.constant 512 : i32
      %scan3A_1497 = arith.addi %scan3A_1495, %scan3A_1496 : i32
      %scan3A_1498 = arith.constant 1 : i32
      %scan3A_1499:8 = scf.for %scan3A_1788 = %scan3A_1495 to %scan3A_1497 step %scan3A_1498 iter_args(%scan3A_1789 = %broadcast_in_dim3A_1480, %scan3A_1790 = %broadcast_in_dim3A_1482, %scan3A_1791 = %broadcast_in_dim3A_1484, %scan3A_1792 = %broadcast_in_dim3A_1486, %scan3A_1793 = %broadcast_in_dim3A_1488, %scan3A_1794 = %broadcast_in_dim3A_1490, %scan3A_1795 = %broadcast_in_dim3A_1492, %scan3A_1796 = %broadcast_in_dim3A_1494) -> (vector<16xf32>, vector<16xi32>, vector<16xf32>, vector<16xi32>, vector<16xf32>, vector<16xi32>, vector<16xf32>, vector<16xi32>)  : i32 {
        %mul3A_1797 = arith.constant 16 : i32
        %mul3A_1798 = arith.muli %scan3A_1788, %mul3A_1797 : i32
        %get3A = arith.index_cast %mul3A_1798 : i32 to index
        %get3A_1799 = tpu.vector_load %arg5[%get3A] {strides = array<i32>} : memref<8192xf32, #tpu.memory_space<vmem>>, vector<16xf32>,
        %get3A_1800 = vector.shape_cast %get3A_1799 : vector<16xf32> to vector<16xf32>
        %add3A_1801 = vector.broadcast %mul3A_1798 : i32 to vector<16xi32>
        %add3A_1802 = arith.addi %iota3A, %add3A_1801 : vector<16xi32>
        %get3A_1803 = arith.constant 4 : i32
        %get3A_1804 = arith.index_cast %get3A_1803 : i32 to index
        %get3A_1805 = arith.index_cast %mul3A_1798 : i32 to index
        %get3A_1806 = tpu.vector_load %arg6[%get3A_1804, %get3A_1805] {strides = array<i32>} : memref<8x8192xf32, #tpu.memory_space<vmem>>, vector<1x16xf32>,
        %get3A_1807 = vector.shape_cast %get3A_1806 : vector<1x16xf32> to vector<16xf32>
        %mul3A_1808 = arith.constant 5.000000e-02 : f32
        %mul3A_1809 = vector.broadcast %mul3A_1808 : f32 to vector<16xf32>
        %mul3A_1810 = arith.mulf %mul3A_1809, %get3A_1807 : vector<16xf32>
        %add3A_1811 = arith.addf %get3A_1800, %mul3A_1810 : vector<16xf32>
        %gt3A_1812 = arith.cmpf ogt, %add3A_1811, %scan3A_1789 : vector<16xf32>
        %select_n3A_1813 = arith.select %gt3A_1812, %add3A_1811, %scan3A_1789 : vector<16xi1>, vector<16xf32>
        %select_n3A_1814 = arith.select %gt3A_1812, %add3A_1802, %scan3A_1790 : vector<16xi1>, vector<16xi32>
        %get3A_1815 = arith.constant 5 : i32
        %get3A_1816 = arith.index_cast %get3A_1815 : i32 to index
        %get3A_1817 = arith.index_cast %mul3A_1798 : i32 to index
        %get3A_1818 = tpu.vector_load %arg6[%get3A_1816, %get3A_1817] {strides = array<i32>} : memref<8x8192xf32, #tpu.memory_space<vmem>>, vector<1x16xf32>,
        %get3A_1819 = vector.shape_cast %get3A_1818 : vector<1x16xf32> to vector<16xf32>
        %mul3A_1820 = arith.constant 5.000000e-02 : f32
        %mul3A_1821 = vector.broadcast %mul3A_1820 : f32 to vector<16xf32>
        %mul3A_1822 = arith.mulf %mul3A_1821, %get3A_1819 : vector<16xf32>
        %add3A_1823 = arith.addf %get3A_1800, %mul3A_1822 : vector<16xf32>
        %gt3A_1824 = arith.cmpf ogt, %add3A_1823, %scan3A_1791 : vector<16xf32>
        %select_n3A_1825 = arith.select %gt3A_1824, %add3A_1823, %scan3A_1791 : vector<16xi1>, vector<16xf32>
        %select_n3A_1826 = arith.select %gt3A_1824, %add3A_1802, %scan3A_1792 : vector<16xi1>, vector<16xi32>
        %get3A_1827 = arith.constant 6 : i32
        %get3A_1828 = arith.index_cast %get3A_1827 : i32 to index
        %get3A_1829 = arith.index_cast %mul3A_1798 : i32 to index
        %get3A_1830 = tpu.vector_load %arg6[%get3A_1828, %get3A_1829] {strides = array<i32>} : memref<8x8192xf32, #tpu.memory_space<vmem>>, vector<1x16xf32>,
        %get3A_1831 = vector.shape_cast %get3A_1830 : vector<1x16xf32> to vector<16xf32>
        %mul3A_1832 = arith.constant 5.000000e-02 : f32
        %mul3A_1833 = vector.broadcast %mul3A_1832 : f32 to vector<16xf32>
        %mul3A_1834 = arith.mulf %mul3A_1833, %get3A_1831 : vector<16xf32>
        %add3A_1835 = arith.addf %get3A_1800, %mul3A_1834 : vector<16xf32>
        %gt3A_1836 = arith.cmpf ogt, %add3A_1835, %scan3A_1793 : vector<16xf32>
        %select_n3A_1837 = arith.select %gt3A_1836, %add3A_1835, %scan3A_1793 : vector<16xi1>, vector<16xf32>
        %select_n3A_1838 = arith.select %gt3A_1836, %add3A_1802, %scan3A_1794 : vector<16xi1>, vector<16xi32>
        %get3A_1839 = arith.constant 7 : i32
        %get3A_1840 = arith.index_cast %get3A_1839 : i32 to index
        %get3A_1841 = arith.index_cast %mul3A_1798 : i32 to index
        %get3A_1842 = tpu.vector_load %arg6[%get3A_1840, %get3A_1841] {strides = array<i32>} : memref<8x8192xf32, #tpu.memory_space<vmem>>, vector<1x16xf32>,
        %get3A_1843 = vector.shape_cast %get3A_1842 : vector<1x16xf32> to vector<16xf32>
        %mul3A_1844 = arith.constant 5.000000e-02 : f32
        %mul3A_1845 = vector.broadcast %mul3A_1844 : f32 to vector<16xf32>
        %mul3A_1846 = arith.mulf %mul3A_1845, %get3A_1843 : vector<16xf32>
        %add3A_1847 = arith.addf %get3A_1800, %mul3A_1846 : vector<16xf32>
        %gt3A_1848 = arith.cmpf ogt, %add3A_1847, %scan3A_1795 : vector<16xf32>
        %select_n3A_1849 = arith.select %gt3A_1848, %add3A_1847, %scan3A_1795 : vector<16xi1>, vector<16xf32>
        %select_n3A_1850 = arith.select %gt3A_1848, %add3A_1802, %scan3A_1796 : vector<16xi1>, vector<16xi32>
        scf.yield %select_n3A_1813, %select_n3A_1814, %select_n3A_1825, %select_n3A_1826, %select_n3A_1837, %select_n3A_1838, %select_n3A_1849, %select_n3A_1850 : vector<16xf32>, vector<16xi32>, vector<16xf32>, vector<16xi32>, vector<16xf32>, vector<16xi32>, vector<16xf32>, vector<16xi32>
      }
      %scan3A_1500 = arith.constant 512 : i32
      %xor3A_1501 = arith.constant 1 : i32
      %xor3A_1502 = vector.broadcast %xor3A_1501 : i32 to vector<16xi32>
      %xor3A_1503 = arith.xori %iota3A, %xor3A_1502 : vector<16xi32>
      %broadcast_in_dim3A_1504 = vector.shape_cast %xor3A_1503 : vector<16xi32> to vector<16x1xi32>
      %gather3A_1505 = vector.shape_cast %broadcast_in_dim3A_1504 : vector<16x1xi32> to vector<16xi32>
      %gather3A_1506 = tpu.dynamic_gather %scan3A_1499#0[%gather3A_1505] in [0] : vector<16xf32>, vector<16xi32> -> vector<16xf32>
      %broadcast_in_dim3A_1507 = vector.shape_cast %xor3A_1503 : vector<16xi32> to vector<16x1xi32>
      %gather3A_1508 = vector.shape_cast %broadcast_in_dim3A_1507 : vector<16x1xi32> to vector<16xi32>
      %gather3A_1509 = tpu.dynamic_gather %scan3A_1499#1[%gather3A_1508] in [0] : vector<16xi32>, vector<16xi32> -> vector<16xi32>
      %gt3A_1510 = arith.cmpf ogt, %gather3A_1506, %scan3A_1499#0 : vector<16xf32>
      %eq3A_1511 = arith.cmpf oeq, %gather3A_1506, %scan3A_1499#0 : vector<16xf32>
      %lt3A_1512 = arith.cmpi slt, %gather3A_1509, %scan3A_1499#1 : vector<16xi32>
      %and3A_1513 = arith.andi %eq3A_1511, %lt3A_1512 : vector<16xi1>
      %or3A_1514 = arith.ori %gt3A_1510, %and3A_1513 : vector<16xi1>
      %select_n3A_1515 = arith.select %or3A_1514, %gather3A_1506, %scan3A_1499#0 : vector<16xi1>, vector<16xf32>
      %select_n3A_1516 = arith.select %or3A_1514, %gather3A_1509, %scan3A_1499#1 : vector<16xi1>, vector<16xi32>
      %xor3A_1517 = arith.constant 2 : i32
      %xor3A_1518 = vector.broadcast %xor3A_1517 : i32 to vector<16xi32>
      %xor3A_1519 = arith.xori %iota3A, %xor3A_1518 : vector<16xi32>
      %broadcast_in_dim3A_1520 = vector.shape_cast %xor3A_1519 : vector<16xi32> to vector<16x1xi32>
      %gather3A_1521 = vector.shape_cast %broadcast_in_dim3A_1520 : vector<16x1xi32> to vector<16xi32>
      %gather3A_1522 = tpu.dynamic_gather %select_n3A_1515[%gather3A_1521] in [0] : vector<16xf32>, vector<16xi32> -> vector<16xf32>
      %broadcast_in_dim3A_1523 = vector.shape_cast %xor3A_1519 : vector<16xi32> to vector<16x1xi32>
      %gather3A_1524 = vector.shape_cast %broadcast_in_dim3A_1523 : vector<16x1xi32> to vector<16xi32>
      %gather3A_1525 = tpu.dynamic_gather %select_n3A_1516[%gather3A_1524] in [0] : vector<16xi32>, vector<16xi32> -> vector<16xi32>
      %gt3A_1526 = arith.cmpf ogt, %gather3A_1522, %select_n3A_1515 : vector<16xf32>
      %eq3A_1527 = arith.cmpf oeq, %gather3A_1522, %select_n3A_1515 : vector<16xf32>
      %lt3A_1528 = arith.cmpi slt, %gather3A_1525, %select_n3A_1516 : vector<16xi32>
      %and3A_1529 = arith.andi %eq3A_1527, %lt3A_1528 : vector<16xi1>
      %or3A_1530 = arith.ori %gt3A_1526, %and3A_1529 : vector<16xi1>
      %select_n3A_1531 = arith.select %or3A_1530, %gather3A_1522, %select_n3A_1515 : vector<16xi1>, vector<16xf32>
      %select_n3A_1532 = arith.select %or3A_1530, %gather3A_1525, %select_n3A_1516 : vector<16xi1>, vector<16xi32>
      %xor3A_1533 = arith.constant 4 : i32
      %xor3A_1534 = vector.broadcast %xor3A_1533 : i32 to vector<16xi32>
      %xor3A_1535 = arith.xori %iota3A, %xor3A_1534 : vector<16xi32>
      %broadcast_in_dim3A_1536 = vector.shape_cast %xor3A_1535 : vector<16xi32> to vector<16x1xi32>
      %gather3A_1537 = vector.shape_cast %broadcast_in_dim3A_1536 : vector<16x1xi32> to vector<16xi32>
      %gather3A_1538 = tpu.dynamic_gather %select_n3A_1531[%gather3A_1537] in [0] : vector<16xf32>, vector<16xi32> -> vector<16xf32>
      %broadcast_in_dim3A_1539 = vector.shape_cast %xor3A_1535 : vector<16xi32> to vector<16x1xi32>
      %gather3A_1540 = vector.shape_cast %broadcast_in_dim3A_1539 : vector<16x1xi32> to vector<16xi32>
      %gather3A_1541 = tpu.dynamic_gather %select_n3A_1532[%gather3A_1540] in [0] : vector<16xi32>, vector<16xi32> -> vector<16xi32>
      %gt3A_1542 = arith.cmpf ogt, %gather3A_1538, %select_n3A_1531 : vector<16xf32>
      %eq3A_1543 = arith.cmpf oeq, %gather3A_1538, %select_n3A_1531 : vector<16xf32>
      %lt3A_1544 = arith.cmpi slt, %gather3A_1541, %select_n3A_1532 : vector<16xi32>
      %and3A_1545 = arith.andi %eq3A_1543, %lt3A_1544 : vector<16xi1>
      %or3A_1546 = arith.ori %gt3A_1542, %and3A_1545 : vector<16xi1>
      %select_n3A_1547 = arith.select %or3A_1546, %gather3A_1538, %select_n3A_1531 : vector<16xi1>, vector<16xf32>
      %select_n3A_1548 = arith.select %or3A_1546, %gather3A_1541, %select_n3A_1532 : vector<16xi1>, vector<16xi32>
      %xor3A_1549 = arith.constant 8 : i32
      %xor3A_1550 = vector.broadcast %xor3A_1549 : i32 to vector<16xi32>
      %xor3A_1551 = arith.xori %iota3A, %xor3A_1550 : vector<16xi32>
      %broadcast_in_dim3A_1552 = vector.shape_cast %xor3A_1551 : vector<16xi32> to vector<16x1xi32>
      %gather3A_1553 = vector.shape_cast %broadcast_in_dim3A_1552 : vector<16x1xi32> to vector<16xi32>
      %gather3A_1554 = tpu.dynamic_gather %select_n3A_1547[%gather3A_1553] in [0] : vector<16xf32>, vector<16xi32> -> vector<16xf32>
      %broadcast_in_dim3A_1555 = vector.shape_cast %xor3A_1551 : vector<16xi32> to vector<16x1xi32>
      %gather3A_1556 = vector.shape_cast %broadcast_in_dim3A_1555 : vector<16x1xi32> to vector<16xi32>
      %gather3A_1557 = tpu.dynamic_gather %select_n3A_1548[%gather3A_1556] in [0] : vector<16xi32>, vector<16xi32> -> vector<16xi32>
      %gt3A_1558 = arith.cmpf ogt, %gather3A_1554, %select_n3A_1547 : vector<16xf32>
      %eq3A_1559 = arith.cmpf oeq, %gather3A_1554, %select_n3A_1547 : vector<16xf32>
      %lt3A_1560 = arith.cmpi slt, %gather3A_1557, %select_n3A_1548 : vector<16xi32>
      %and3A_1561 = arith.andi %eq3A_1559, %lt3A_1560 : vector<16xi1>
      %or3A_1562 = arith.ori %gt3A_1558, %and3A_1561 : vector<16xi1>
      %select_n3A_1563 = arith.select %or3A_1562, %gather3A_1554, %select_n3A_1547 : vector<16xi1>, vector<16xf32>
      %select_n3A_1564 = arith.select %or3A_1562, %gather3A_1557, %select_n3A_1548 : vector<16xi1>, vector<16xi32>
      %eq3A_1565 = arith.constant 0 : i32
      %eq3A_1566 = vector.broadcast %eq3A_1565 : i32 to vector<16xi32>
      %eq3A_1567 = arith.cmpi eq, %iota3A, %eq3A_1566 : vector<16xi32>
      %jit3A_1568 = arith.constant 0 : i32
      %broadcast_in_dim3A_1569 = vector.broadcast %jit3A_1568 : i32 to vector<16xi32>
      %select_n3A_1570 = arith.select %eq3A_1567, %select_n3A_1564, %broadcast_in_dim3A_1569 : vector<16xi1>, vector<16xi32>
      %add3A_1571 = arith.addi %add3A_1338, %select_n3A_1570 : vector<16xi32>
      %xor3A_1572 = arith.constant 1 : i32
      %xor3A_1573 = vector.broadcast %xor3A_1572 : i32 to vector<16xi32>
      %xor3A_1574 = arith.xori %iota3A, %xor3A_1573 : vector<16xi32>
      %broadcast_in_dim3A_1575 = vector.shape_cast %xor3A_1574 : vector<16xi32> to vector<16x1xi32>
      %gather3A_1576 = vector.shape_cast %broadcast_in_dim3A_1575 : vector<16x1xi32> to vector<16xi32>
      %gather3A_1577 = tpu.dynamic_gather %scan3A_1499#2[%gather3A_1576] in [0] : vector<16xf32>, vector<16xi32> -> vector<16xf32>
      %broadcast_in_dim3A_1578 = vector.shape_cast %xor3A_1574 : vector<16xi32> to vector<16x1xi32>
      %gather3A_1579 = vector.shape_cast %broadcast_in_dim3A_1578 : vector<16x1xi32> to vector<16xi32>
      %gather3A_1580 = tpu.dynamic_gather %scan3A_1499#3[%gather3A_1579] in [0] : vector<16xi32>, vector<16xi32> -> vector<16xi32>
      %gt3A_1581 = arith.cmpf ogt, %gather3A_1577, %scan3A_1499#2 : vector<16xf32>
      %eq3A_1582 = arith.cmpf oeq, %gather3A_1577, %scan3A_1499#2 : vector<16xf32>
      %lt3A_1583 = arith.cmpi slt, %gather3A_1580, %scan3A_1499#3 : vector<16xi32>
      %and3A_1584 = arith.andi %eq3A_1582, %lt3A_1583 : vector<16xi1>
      %or3A_1585 = arith.ori %gt3A_1581, %and3A_1584 : vector<16xi1>
      %select_n3A_1586 = arith.select %or3A_1585, %gather3A_1577, %scan3A_1499#2 : vector<16xi1>, vector<16xf32>
      %select_n3A_1587 = arith.select %or3A_1585, %gather3A_1580, %scan3A_1499#3 : vector<16xi1>, vector<16xi32>
      %xor3A_1588 = arith.constant 2 : i32
      %xor3A_1589 = vector.broadcast %xor3A_1588 : i32 to vector<16xi32>
      %xor3A_1590 = arith.xori %iota3A, %xor3A_1589 : vector<16xi32>
      %broadcast_in_dim3A_1591 = vector.shape_cast %xor3A_1590 : vector<16xi32> to vector<16x1xi32>
      %gather3A_1592 = vector.shape_cast %broadcast_in_dim3A_1591 : vector<16x1xi32> to vector<16xi32>
      %gather3A_1593 = tpu.dynamic_gather %select_n3A_1586[%gather3A_1592] in [0] : vector<16xf32>, vector<16xi32> -> vector<16xf32>
      %broadcast_in_dim3A_1594 = vector.shape_cast %xor3A_1590 : vector<16xi32> to vector<16x1xi32>
      %gather3A_1595 = vector.shape_cast %broadcast_in_dim3A_1594 : vector<16x1xi32> to vector<16xi32>
      %gather3A_1596 = tpu.dynamic_gather %select_n3A_1587[%gather3A_1595] in [0] : vector<16xi32>, vector<16xi32> -> vector<16xi32>
      %gt3A_1597 = arith.cmpf ogt, %gather3A_1593, %select_n3A_1586 : vector<16xf32>
      %eq3A_1598 = arith.cmpf oeq, %gather3A_1593, %select_n3A_1586 : vector<16xf32>
      %lt3A_1599 = arith.cmpi slt, %gather3A_1596, %select_n3A_1587 : vector<16xi32>
      %and3A_1600 = arith.andi %eq3A_1598, %lt3A_1599 : vector<16xi1>
      %or3A_1601 = arith.ori %gt3A_1597, %and3A_1600 : vector<16xi1>
      %select_n3A_1602 = arith.select %or3A_1601, %gather3A_1593, %select_n3A_1586 : vector<16xi1>, vector<16xf32>
      %select_n3A_1603 = arith.select %or3A_1601, %gather3A_1596, %select_n3A_1587 : vector<16xi1>, vector<16xi32>
      %xor3A_1604 = arith.constant 4 : i32
      %xor3A_1605 = vector.broadcast %xor3A_1604 : i32 to vector<16xi32>
      %xor3A_1606 = arith.xori %iota3A, %xor3A_1605 : vector<16xi32>
      %broadcast_in_dim3A_1607 = vector.shape_cast %xor3A_1606 : vector<16xi32> to vector<16x1xi32>
      %gather3A_1608 = vector.shape_cast %broadcast_in_dim3A_1607 : vector<16x1xi32> to vector<16xi32>
      %gather3A_1609 = tpu.dynamic_gather %select_n3A_1602[%gather3A_1608] in [0] : vector<16xf32>, vector<16xi32> -> vector<16xf32>
      %broadcast_in_dim3A_1610 = vector.shape_cast %xor3A_1606 : vector<16xi32> to vector<16x1xi32>
      %gather3A_1611 = vector.shape_cast %broadcast_in_dim3A_1610 : vector<16x1xi32> to vector<16xi32>
      %gather3A_1612 = tpu.dynamic_gather %select_n3A_1603[%gather3A_1611] in [0] : vector<16xi32>, vector<16xi32> -> vector<16xi32>
      %gt3A_1613 = arith.cmpf ogt, %gather3A_1609, %select_n3A_1602 : vector<16xf32>
      %eq3A_1614 = arith.cmpf oeq, %gather3A_1609, %select_n3A_1602 : vector<16xf32>
      %lt3A_1615 = arith.cmpi slt, %gather3A_1612, %select_n3A_1603 : vector<16xi32>
      %and3A_1616 = arith.andi %eq3A_1614, %lt3A_1615 : vector<16xi1>
      %or3A_1617 = arith.ori %gt3A_1613, %and3A_1616 : vector<16xi1>
      %select_n3A_1618 = arith.select %or3A_1617, %gather3A_1609, %select_n3A_1602 : vector<16xi1>, vector<16xf32>
      %select_n3A_1619 = arith.select %or3A_1617, %gather3A_1612, %select_n3A_1603 : vector<16xi1>, vector<16xi32>
      %xor3A_1620 = arith.constant 8 : i32
      %xor3A_1621 = vector.broadcast %xor3A_1620 : i32 to vector<16xi32>
      %xor3A_1622 = arith.xori %iota3A, %xor3A_1621 : vector<16xi32>
      %broadcast_in_dim3A_1623 = vector.shape_cast %xor3A_1622 : vector<16xi32> to vector<16x1xi32>
      %gather3A_1624 = vector.shape_cast %broadcast_in_dim3A_1623 : vector<16x1xi32> to vector<16xi32>
      %gather3A_1625 = tpu.dynamic_gather %select_n3A_1618[%gather3A_1624] in [0] : vector<16xf32>, vector<16xi32> -> vector<16xf32>
      %broadcast_in_dim3A_1626 = vector.shape_cast %xor3A_1622 : vector<16xi32> to vector<16x1xi32>
      %gather3A_1627 = vector.shape_cast %broadcast_in_dim3A_1626 : vector<16x1xi32> to vector<16xi32>
      %gather3A_1628 = tpu.dynamic_gather %select_n3A_1619[%gather3A_1627] in [0] : vector<16xi32>, vector<16xi32> -> vector<16xi32>
      %gt3A_1629 = arith.cmpf ogt, %gather3A_1625, %select_n3A_1618 : vector<16xf32>
      %eq3A_1630 = arith.cmpf oeq, %gather3A_1625, %select_n3A_1618 : vector<16xf32>
      %lt3A_1631 = arith.cmpi slt, %gather3A_1628, %select_n3A_1619 : vector<16xi32>
      %and3A_1632 = arith.andi %eq3A_1630, %lt3A_1631 : vector<16xi1>
      %or3A_1633 = arith.ori %gt3A_1629, %and3A_1632 : vector<16xi1>
      %select_n3A_1634 = arith.select %or3A_1633, %gather3A_1625, %select_n3A_1618 : vector<16xi1>, vector<16xf32>
      %select_n3A_1635 = arith.select %or3A_1633, %gather3A_1628, %select_n3A_1619 : vector<16xi1>, vector<16xi32>
      %eq3A_1636 = arith.constant 0 : i32
      %eq3A_1637 = vector.broadcast %eq3A_1636 : i32 to vector<16xi32>
      %eq3A_1638 = arith.cmpi eq, %iota3A, %eq3A_1637 : vector<16xi32>
      %jit3A_1639 = arith.constant 0 : i32
      %broadcast_in_dim3A_1640 = vector.broadcast %jit3A_1639 : i32 to vector<16xi32>
      %select_n3A_1641 = arith.select %eq3A_1638, %select_n3A_1635, %broadcast_in_dim3A_1640 : vector<16xi1>, vector<16xi32>
      %add3A_1642 = arith.addi %add3A_1571, %select_n3A_1641 : vector<16xi32>
      %xor3A_1643 = arith.constant 1 : i32
      %xor3A_1644 = vector.broadcast %xor3A_1643 : i32 to vector<16xi32>
      %xor3A_1645 = arith.xori %iota3A, %xor3A_1644 : vector<16xi32>
      %broadcast_in_dim3A_1646 = vector.shape_cast %xor3A_1645 : vector<16xi32> to vector<16x1xi32>
      %gather3A_1647 = vector.shape_cast %broadcast_in_dim3A_1646 : vector<16x1xi32> to vector<16xi32>
      %gather3A_1648 = tpu.dynamic_gather %scan3A_1499#4[%gather3A_1647] in [0] : vector<16xf32>, vector<16xi32> -> vector<16xf32>
      %broadcast_in_dim3A_1649 = vector.shape_cast %xor3A_1645 : vector<16xi32> to vector<16x1xi32>
      %gather3A_1650 = vector.shape_cast %broadcast_in_dim3A_1649 : vector<16x1xi32> to vector<16xi32>
      %gather3A_1651 = tpu.dynamic_gather %scan3A_1499#5[%gather3A_1650] in [0] : vector<16xi32>, vector<16xi32> -> vector<16xi32>
      %gt3A_1652 = arith.cmpf ogt, %gather3A_1648, %scan3A_1499#4 : vector<16xf32>
      %eq3A_1653 = arith.cmpf oeq, %gather3A_1648, %scan3A_1499#4 : vector<16xf32>
      %lt3A_1654 = arith.cmpi slt, %gather3A_1651, %scan3A_1499#5 : vector<16xi32>
      %and3A_1655 = arith.andi %eq3A_1653, %lt3A_1654 : vector<16xi1>
      %or3A_1656 = arith.ori %gt3A_1652, %and3A_1655 : vector<16xi1>
      %select_n3A_1657 = arith.select %or3A_1656, %gather3A_1648, %scan3A_1499#4 : vector<16xi1>, vector<16xf32>
      %select_n3A_1658 = arith.select %or3A_1656, %gather3A_1651, %scan3A_1499#5 : vector<16xi1>, vector<16xi32>
      %xor3A_1659 = arith.constant 2 : i32
      %xor3A_1660 = vector.broadcast %xor3A_1659 : i32 to vector<16xi32>
      %xor3A_1661 = arith.xori %iota3A, %xor3A_1660 : vector<16xi32>
      %broadcast_in_dim3A_1662 = vector.shape_cast %xor3A_1661 : vector<16xi32> to vector<16x1xi32>
      %gather3A_1663 = vector.shape_cast %broadcast_in_dim3A_1662 : vector<16x1xi32> to vector<16xi32>
      %gather3A_1664 = tpu.dynamic_gather %select_n3A_1657[%gather3A_1663] in [0] : vector<16xf32>, vector<16xi32> -> vector<16xf32>
      %broadcast_in_dim3A_1665 = vector.shape_cast %xor3A_1661 : vector<16xi32> to vector<16x1xi32>
      %gather3A_1666 = vector.shape_cast %broadcast_in_dim3A_1665 : vector<16x1xi32> to vector<16xi32>
      %gather3A_1667 = tpu.dynamic_gather %select_n3A_1658[%gather3A_1666] in [0] : vector<16xi32>, vector<16xi32> -> vector<16xi32>
      %gt3A_1668 = arith.cmpf ogt, %gather3A_1664, %select_n3A_1657 : vector<16xf32>
      %eq3A_1669 = arith.cmpf oeq, %gather3A_1664, %select_n3A_1657 : vector<16xf32>
      %lt3A_1670 = arith.cmpi slt, %gather3A_1667, %select_n3A_1658 : vector<16xi32>
      %and3A_1671 = arith.andi %eq3A_1669, %lt3A_1670 : vector<16xi1>
      %or3A_1672 = arith.ori %gt3A_1668, %and3A_1671 : vector<16xi1>
      %select_n3A_1673 = arith.select %or3A_1672, %gather3A_1664, %select_n3A_1657 : vector<16xi1>, vector<16xf32>
      %select_n3A_1674 = arith.select %or3A_1672, %gather3A_1667, %select_n3A_1658 : vector<16xi1>, vector<16xi32>
      %xor3A_1675 = arith.constant 4 : i32
      %xor3A_1676 = vector.broadcast %xor3A_1675 : i32 to vector<16xi32>
      %xor3A_1677 = arith.xori %iota3A, %xor3A_1676 : vector<16xi32>
      %broadcast_in_dim3A_1678 = vector.shape_cast %xor3A_1677 : vector<16xi32> to vector<16x1xi32>
      %gather3A_1679 = vector.shape_cast %broadcast_in_dim3A_1678 : vector<16x1xi32> to vector<16xi32>
      %gather3A_1680 = tpu.dynamic_gather %select_n3A_1673[%gather3A_1679] in [0] : vector<16xf32>, vector<16xi32> -> vector<16xf32>
      %broadcast_in_dim3A_1681 = vector.shape_cast %xor3A_1677 : vector<16xi32> to vector<16x1xi32>
      %gather3A_1682 = vector.shape_cast %broadcast_in_dim3A_1681 : vector<16x1xi32> to vector<16xi32>
      %gather3A_1683 = tpu.dynamic_gather %select_n3A_1674[%gather3A_1682] in [0] : vector<16xi32>, vector<16xi32> -> vector<16xi32>
      %gt3A_1684 = arith.cmpf ogt, %gather3A_1680, %select_n3A_1673 : vector<16xf32>
      %eq3A_1685 = arith.cmpf oeq, %gather3A_1680, %select_n3A_1673 : vector<16xf32>
      %lt3A_1686 = arith.cmpi slt, %gather3A_1683, %select_n3A_1674 : vector<16xi32>
      %and3A_1687 = arith.andi %eq3A_1685, %lt3A_1686 : vector<16xi1>
      %or3A_1688 = arith.ori %gt3A_1684, %and3A_1687 : vector<16xi1>
      %select_n3A_1689 = arith.select %or3A_1688, %gather3A_1680, %select_n3A_1673 : vector<16xi1>, vector<16xf32>
      %select_n3A_1690 = arith.select %or3A_1688, %gather3A_1683, %select_n3A_1674 : vector<16xi1>, vector<16xi32>
      %xor3A_1691 = arith.constant 8 : i32
      %xor3A_1692 = vector.broadcast %xor3A_1691 : i32 to vector<16xi32>
      %xor3A_1693 = arith.xori %iota3A, %xor3A_1692 : vector<16xi32>
      %broadcast_in_dim3A_1694 = vector.shape_cast %xor3A_1693 : vector<16xi32> to vector<16x1xi32>
      %gather3A_1695 = vector.shape_cast %broadcast_in_dim3A_1694 : vector<16x1xi32> to vector<16xi32>
      %gather3A_1696 = tpu.dynamic_gather %select_n3A_1689[%gather3A_1695] in [0] : vector<16xf32>, vector<16xi32> -> vector<16xf32>
      %broadcast_in_dim3A_1697 = vector.shape_cast %xor3A_1693 : vector<16xi32> to vector<16x1xi32>
      %gather3A_1698 = vector.shape_cast %broadcast_in_dim3A_1697 : vector<16x1xi32> to vector<16xi32>
      %gather3A_1699 = tpu.dynamic_gather %select_n3A_1690[%gather3A_1698] in [0] : vector<16xi32>, vector<16xi32> -> vector<16xi32>
      %gt3A_1700 = arith.cmpf ogt, %gather3A_1696, %select_n3A_1689 : vector<16xf32>
      %eq3A_1701 = arith.cmpf oeq, %gather3A_1696, %select_n3A_1689 : vector<16xf32>
      %lt3A_1702 = arith.cmpi slt, %gather3A_1699, %select_n3A_1690 : vector<16xi32>
      %and3A_1703 = arith.andi %eq3A_1701, %lt3A_1702 : vector<16xi1>
      %or3A_1704 = arith.ori %gt3A_1700, %and3A_1703 : vector<16xi1>
      %select_n3A_1705 = arith.select %or3A_1704, %gather3A_1696, %select_n3A_1689 : vector<16xi1>, vector<16xf32>
      %select_n3A_1706 = arith.select %or3A_1704, %gather3A_1699, %select_n3A_1690 : vector<16xi1>, vector<16xi32>
      %eq3A_1707 = arith.constant 0 : i32
      %eq3A_1708 = vector.broadcast %eq3A_1707 : i32 to vector<16xi32>
      %eq3A_1709 = arith.cmpi eq, %iota3A, %eq3A_1708 : vector<16xi32>
      %jit3A_1710 = arith.constant 0 : i32
      %broadcast_in_dim3A_1711 = vector.broadcast %jit3A_1710 : i32 to vector<16xi32>
      %select_n3A_1712 = arith.select %eq3A_1709, %select_n3A_1706, %broadcast_in_dim3A_1711 : vector<16xi1>, vector<16xi32>
      %add3A_1713 = arith.addi %add3A_1642, %select_n3A_1712 : vector<16xi32>
      %xor3A_1714 = arith.constant 1 : i32
      %xor3A_1715 = vector.broadcast %xor3A_1714 : i32 to vector<16xi32>
      %xor3A_1716 = arith.xori %iota3A, %xor3A_1715 : vector<16xi32>
      %broadcast_in_dim3A_1717 = vector.shape_cast %xor3A_1716 : vector<16xi32> to vector<16x1xi32>
      %gather3A_1718 = vector.shape_cast %broadcast_in_dim3A_1717 : vector<16x1xi32> to vector<16xi32>
      %gather3A_1719 = tpu.dynamic_gather %scan3A_1499#6[%gather3A_1718] in [0] : vector<16xf32>, vector<16xi32> -> vector<16xf32>
      %broadcast_in_dim3A_1720 = vector.shape_cast %xor3A_1716 : vector<16xi32> to vector<16x1xi32>
      %gather3A_1721 = vector.shape_cast %broadcast_in_dim3A_1720 : vector<16x1xi32> to vector<16xi32>
      %gather3A_1722 = tpu.dynamic_gather %scan3A_1499#7[%gather3A_1721] in [0] : vector<16xi32>, vector<16xi32> -> vector<16xi32>
      %gt3A_1723 = arith.cmpf ogt, %gather3A_1719, %scan3A_1499#6 : vector<16xf32>
      %eq3A_1724 = arith.cmpf oeq, %gather3A_1719, %scan3A_1499#6 : vector<16xf32>
      %lt3A_1725 = arith.cmpi slt, %gather3A_1722, %scan3A_1499#7 : vector<16xi32>
      %and3A_1726 = arith.andi %eq3A_1724, %lt3A_1725 : vector<16xi1>
      %or3A_1727 = arith.ori %gt3A_1723, %and3A_1726 : vector<16xi1>
      %select_n3A_1728 = arith.select %or3A_1727, %gather3A_1719, %scan3A_1499#6 : vector<16xi1>, vector<16xf32>
      %select_n3A_1729 = arith.select %or3A_1727, %gather3A_1722, %scan3A_1499#7 : vector<16xi1>, vector<16xi32>
      %xor3A_1730 = arith.constant 2 : i32
      %xor3A_1731 = vector.broadcast %xor3A_1730 : i32 to vector<16xi32>
      %xor3A_1732 = arith.xori %iota3A, %xor3A_1731 : vector<16xi32>
      %broadcast_in_dim3A_1733 = vector.shape_cast %xor3A_1732 : vector<16xi32> to vector<16x1xi32>
      %gather3A_1734 = vector.shape_cast %broadcast_in_dim3A_1733 : vector<16x1xi32> to vector<16xi32>
      %gather3A_1735 = tpu.dynamic_gather %select_n3A_1728[%gather3A_1734] in [0] : vector<16xf32>, vector<16xi32> -> vector<16xf32>
      %broadcast_in_dim3A_1736 = vector.shape_cast %xor3A_1732 : vector<16xi32> to vector<16x1xi32>
      %gather3A_1737 = vector.shape_cast %broadcast_in_dim3A_1736 : vector<16x1xi32> to vector<16xi32>
      %gather3A_1738 = tpu.dynamic_gather %select_n3A_1729[%gather3A_1737] in [0] : vector<16xi32>, vector<16xi32> -> vector<16xi32>
      %gt3A_1739 = arith.cmpf ogt, %gather3A_1735, %select_n3A_1728 : vector<16xf32>
      %eq3A_1740 = arith.cmpf oeq, %gather3A_1735, %select_n3A_1728 : vector<16xf32>
      %lt3A_1741 = arith.cmpi slt, %gather3A_1738, %select_n3A_1729 : vector<16xi32>
      %and3A_1742 = arith.andi %eq3A_1740, %lt3A_1741 : vector<16xi1>
      %or3A_1743 = arith.ori %gt3A_1739, %and3A_1742 : vector<16xi1>
      %select_n3A_1744 = arith.select %or3A_1743, %gather3A_1735, %select_n3A_1728 : vector<16xi1>, vector<16xf32>
      %select_n3A_1745 = arith.select %or3A_1743, %gather3A_1738, %select_n3A_1729 : vector<16xi1>, vector<16xi32>
      %xor3A_1746 = arith.constant 4 : i32
      %xor3A_1747 = vector.broadcast %xor3A_1746 : i32 to vector<16xi32>
      %xor3A_1748 = arith.xori %iota3A, %xor3A_1747 : vector<16xi32>
      %broadcast_in_dim3A_1749 = vector.shape_cast %xor3A_1748 : vector<16xi32> to vector<16x1xi32>
      %gather3A_1750 = vector.shape_cast %broadcast_in_dim3A_1749 : vector<16x1xi32> to vector<16xi32>
      %gather3A_1751 = tpu.dynamic_gather %select_n3A_1744[%gather3A_1750] in [0] : vector<16xf32>, vector<16xi32> -> vector<16xf32>
      %broadcast_in_dim3A_1752 = vector.shape_cast %xor3A_1748 : vector<16xi32> to vector<16x1xi32>
      %gather3A_1753 = vector.shape_cast %broadcast_in_dim3A_1752 : vector<16x1xi32> to vector<16xi32>
      %gather3A_1754 = tpu.dynamic_gather %select_n3A_1745[%gather3A_1753] in [0] : vector<16xi32>, vector<16xi32> -> vector<16xi32>
      %gt3A_1755 = arith.cmpf ogt, %gather3A_1751, %select_n3A_1744 : vector<16xf32>
      %eq3A_1756 = arith.cmpf oeq, %gather3A_1751, %select_n3A_1744 : vector<16xf32>
      %lt3A_1757 = arith.cmpi slt, %gather3A_1754, %select_n3A_1745 : vector<16xi32>
      %and3A_1758 = arith.andi %eq3A_1756, %lt3A_1757 : vector<16xi1>
      %or3A_1759 = arith.ori %gt3A_1755, %and3A_1758 : vector<16xi1>
      %select_n3A_1760 = arith.select %or3A_1759, %gather3A_1751, %select_n3A_1744 : vector<16xi1>, vector<16xf32>
      %select_n3A_1761 = arith.select %or3A_1759, %gather3A_1754, %select_n3A_1745 : vector<16xi1>, vector<16xi32>
      %xor3A_1762 = arith.constant 8 : i32
      %xor3A_1763 = vector.broadcast %xor3A_1762 : i32 to vector<16xi32>
      %xor3A_1764 = arith.xori %iota3A, %xor3A_1763 : vector<16xi32>
      %broadcast_in_dim3A_1765 = vector.shape_cast %xor3A_1764 : vector<16xi32> to vector<16x1xi32>
      %gather3A_1766 = vector.shape_cast %broadcast_in_dim3A_1765 : vector<16x1xi32> to vector<16xi32>
      %gather3A_1767 = tpu.dynamic_gather %select_n3A_1760[%gather3A_1766] in [0] : vector<16xf32>, vector<16xi32> -> vector<16xf32>
      %broadcast_in_dim3A_1768 = vector.shape_cast %xor3A_1764 : vector<16xi32> to vector<16x1xi32>
      %gather3A_1769 = vector.shape_cast %broadcast_in_dim3A_1768 : vector<16x1xi32> to vector<16xi32>
      %gather3A_1770 = tpu.dynamic_gather %select_n3A_1761[%gather3A_1769] in [0] : vector<16xi32>, vector<16xi32> -> vector<16xi32>
      %gt3A_1771 = arith.cmpf ogt, %gather3A_1767, %select_n3A_1760 : vector<16xf32>
      %eq3A_1772 = arith.cmpf oeq, %gather3A_1767, %select_n3A_1760 : vector<16xf32>
      %lt3A_1773 = arith.cmpi slt, %gather3A_1770, %select_n3A_1761 : vector<16xi32>
      %and3A_1774 = arith.andi %eq3A_1772, %lt3A_1773 : vector<16xi1>
      %or3A_1775 = arith.ori %gt3A_1771, %and3A_1774 : vector<16xi1>
      %select_n3A_1776 = arith.select %or3A_1775, %gather3A_1767, %select_n3A_1760 : vector<16xi1>, vector<16xf32>
      %select_n3A_1777 = arith.select %or3A_1775, %gather3A_1770, %select_n3A_1761 : vector<16xi1>, vector<16xi32>
      %eq3A_1778 = arith.constant 0 : i32
      %eq3A_1779 = vector.broadcast %eq3A_1778 : i32 to vector<16xi32>
      %eq3A_1780 = arith.cmpi eq, %iota3A, %eq3A_1779 : vector<16xi32>
      %jit3A_1781 = arith.constant 0 : i32
      %broadcast_in_dim3A_1782 = vector.broadcast %jit3A_1781 : i32 to vector<16xi32>
      %select_n3A_1783 = arith.select %eq3A_1780, %select_n3A_1777, %broadcast_in_dim3A_1782 : vector<16xi1>, vector<16xi32>
      %add3A_1784 = arith.addi %add3A_1713, %select_n3A_1783 : vector<16xi32>
      %lt3A_1785 = arith.constant 11 : i32
      %lt3A_1786 = arith.cmpi slt, %scan3A_961, %lt3A_1785 : i32
      %convert_element_type3A = arith.extui %lt3A_1786 : i1 to i32
      %cond3A = arith.constant 0 : i32
      %cond3A_1787 = arith.cmpi ne, %convert_element_type3A, %cond3A : i32
      scf.if %cond3A_1787 {
        %add3A_1788 = arith.constant 3 : i32
        %add3A_1789 = arith.addi %mul3A_964, %add3A_1788 : i32
        %mul3A_1790 = arith.constant 4 : i32
        %mul3A_1791 = arith.muli %add3A_1789, %mul3A_1790 : i32
        %add3A_1792 = arith.constant 0 : i32
        %add3A_1793 = arith.addi %mul3A_1791, %add3A_1792 : i32
        %dma_start3A_1794 = arith.constant 4 : i32
        %dma_start3A_1795 = arith.constant 0 : i32
        %dma_start3A_1796 = tpu.memref_slice %arg6[%dma_start3A_1794, %dma_start3A_1795] : memref<8x8192xf32, #tpu.memory_space<vmem>> -> memref<1x8192xf32, #tpu.memory_space<vmem>>
        %dma_start3A_1797 = tpu.memref_squeeze %dma_start3A_1796 : memref<1x8192xf32, #tpu.memory_space<vmem>> -> memref<8192xf32, #tpu.memory_space<vmem>>
        %dma_start3A_1798 = arith.constant 0 : i32
        %dma_start3A_1799 = tpu.memref_slice %arg3[%add3A_5, %add3A_1793, %dma_start3A_1798] : memref<64x100x8192xf32, #tpu.memory_space<hbm>> -> memref<1x1x8192xf32, #tpu.memory_space<hbm>>
        %dma_start3A_1800 = tpu.memref_squeeze %dma_start3A_1799 : memref<1x1x8192xf32, #tpu.memory_space<hbm>> -> memref<8192xf32, #tpu.memory_space<hbm>>
        %dma_start3A_1801 = arith.constant 0 : i32
        %dma_start3A_1802 = tpu.memref_slice %arg6[%dma_start3A_1794, %dma_start3A_1801] : memref<8x8192xf32, #tpu.memory_space<vmem>> -> memref<1x8192xf32, #tpu.memory_space<vmem>>
        %dma_start3A_1803 = tpu.memref_squeeze %dma_start3A_1802 : memref<1x8192xf32, #tpu.memory_space<vmem>> -> memref<8192xf32, #tpu.memory_space<vmem>>
        %dma_start3A_1804 = arith.constant 0 : i32
        %dma_start3A_1805 = tpu.memref_slice %arg3[%add3A_5, %add3A_1793, %dma_start3A_1804] : memref<64x100x8192xf32, #tpu.memory_space<hbm>> -> memref<1x1x8192xf32, #tpu.memory_space<hbm>>
        %dma_start3A_1806 = tpu.memref_squeeze %dma_start3A_1805 : memref<1x1x8192xf32, #tpu.memory_space<hbm>> -> memref<8192xf32, #tpu.memory_space<hbm>>
        tpu.enqueue_dma source(%dma_start3A_1806 : memref<8192xf32, #tpu.memory_space<hbm>>) target(%dma_start3A_1803 : memref<8192xf32, #tpu.memory_space<vmem>>) target_semaphore(%arg9 : memref<!tpu.dma_semaphore, #tpu.memory_space<semaphore_mem>>)
        %mul3A_1807 = arith.constant 4 : i32
        %mul3A_1808 = arith.muli %add3A_1789, %mul3A_1807 : i32
        %add3A_1809 = arith.constant 1 : i32
        %add3A_1810 = arith.addi %mul3A_1808, %add3A_1809 : i32
        %dma_start3A_1811 = arith.constant 5 : i32
        %dma_start3A_1812 = arith.constant 0 : i32
        %dma_start3A_1813 = tpu.memref_slice %arg6[%dma_start3A_1811, %dma_start3A_1812] : memref<8x8192xf32, #tpu.memory_space<vmem>> -> memref<1x8192xf32, #tpu.memory_space<vmem>>
        %dma_start3A_1814 = tpu.memref_squeeze %dma_start3A_1813 : memref<1x8192xf32, #tpu.memory_space<vmem>> -> memref<8192xf32, #tpu.memory_space<vmem>>
        %dma_start3A_1815 = arith.constant 0 : i32
        %dma_start3A_1816 = tpu.memref_slice %arg3[%add3A_5, %add3A_1810, %dma_start3A_1815] : memref<64x100x8192xf32, #tpu.memory_space<hbm>> -> memref<1x1x8192xf32, #tpu.memory_space<hbm>>
        %dma_start3A_1817 = tpu.memref_squeeze %dma_start3A_1816 : memref<1x1x8192xf32, #tpu.memory_space<hbm>> -> memref<8192xf32, #tpu.memory_space<hbm>>
        %dma_start3A_1818 = arith.constant 0 : i32
        %dma_start3A_1819 = tpu.memref_slice %arg6[%dma_start3A_1811, %dma_start3A_1818] : memref<8x8192xf32, #tpu.memory_space<vmem>> -> memref<1x8192xf32, #tpu.memory_space<vmem>>
        %dma_start3A_1820 = tpu.memref_squeeze %dma_start3A_1819 : memref<1x8192xf32, #tpu.memory_space<vmem>> -> memref<8192xf32, #tpu.memory_space<vmem>>
        %dma_start3A_1821 = arith.constant 0 : i32
        %dma_start3A_1822 = tpu.memref_slice %arg3[%add3A_5, %add3A_1810, %dma_start3A_1821] : memref<64x100x8192xf32, #tpu.memory_space<hbm>> -> memref<1x1x8192xf32, #tpu.memory_space<hbm>>
        %dma_start3A_1823 = tpu.memref_squeeze %dma_start3A_1822 : memref<1x1x8192xf32, #tpu.memory_space<hbm>> -> memref<8192xf32, #tpu.memory_space<hbm>>
        tpu.enqueue_dma source(%dma_start3A_1823 : memref<8192xf32, #tpu.memory_space<hbm>>) target(%dma_start3A_1820 : memref<8192xf32, #tpu.memory_space<vmem>>) target_semaphore(%arg9 : memref<!tpu.dma_semaphore, #tpu.memory_space<semaphore_mem>>)
        %mul3A_1824 = arith.constant 4 : i32
        %mul3A_1825 = arith.muli %add3A_1789, %mul3A_1824 : i32
        %add3A_1826 = arith.constant 2 : i32
        %add3A_1827 = arith.addi %mul3A_1825, %add3A_1826 : i32
        %dma_start3A_1828 = arith.constant 6 : i32
        %dma_start3A_1829 = arith.constant 0 : i32
        %dma_start3A_1830 = tpu.memref_slice %arg6[%dma_start3A_1828, %dma_start3A_1829] : memref<8x8192xf32, #tpu.memory_space<vmem>> -> memref<1x8192xf32, #tpu.memory_space<vmem>>
        %dma_start3A_1831 = tpu.memref_squeeze %dma_start3A_1830 : memref<1x8192xf32, #tpu.memory_space<vmem>> -> memref<8192xf32, #tpu.memory_space<vmem>>
        %dma_start3A_1832 = arith.constant 0 : i32
        %dma_start3A_1833 = tpu.memref_slice %arg3[%add3A_5, %add3A_1827, %dma_start3A_1832] : memref<64x100x8192xf32, #tpu.memory_space<hbm>> -> memref<1x1x8192xf32, #tpu.memory_space<hbm>>
        %dma_start3A_1834 = tpu.memref_squeeze %dma_start3A_1833 : memref<1x1x8192xf32, #tpu.memory_space<hbm>> -> memref<8192xf32, #tpu.memory_space<hbm>>
        %dma_start3A_1835 = arith.constant 0 : i32
        %dma_start3A_1836 = tpu.memref_slice %arg6[%dma_start3A_1828, %dma_start3A_1835] : memref<8x8192xf32, #tpu.memory_space<vmem>> -> memref<1x8192xf32, #tpu.memory_space<vmem>>
        %dma_start3A_1837 = tpu.memref_squeeze %dma_start3A_1836 : memref<1x8192xf32, #tpu.memory_space<vmem>> -> memref<8192xf32, #tpu.memory_space<vmem>>
        %dma_start3A_1838 = arith.constant 0 : i32
        %dma_start3A_1839 = tpu.memref_slice %arg3[%add3A_5, %add3A_1827, %dma_start3A_1838] : memref<64x100x8192xf32, #tpu.memory_space<hbm>> -> memref<1x1x8192xf32, #tpu.memory_space<hbm>>
        %dma_start3A_1840 = tpu.memref_squeeze %dma_start3A_1839 : memref<1x1x8192xf32, #tpu.memory_space<hbm>> -> memref<8192xf32, #tpu.memory_space<hbm>>
        tpu.enqueue_dma source(%dma_start3A_1840 : memref<8192xf32, #tpu.memory_space<hbm>>) target(%dma_start3A_1837 : memref<8192xf32, #tpu.memory_space<vmem>>) target_semaphore(%arg9 : memref<!tpu.dma_semaphore, #tpu.memory_space<semaphore_mem>>)
        %mul3A_1841 = arith.constant 4 : i32
        %mul3A_1842 = arith.muli %add3A_1789, %mul3A_1841 : i32
        %add3A_1843 = arith.constant 3 : i32
        %add3A_1844 = arith.addi %mul3A_1842, %add3A_1843 : i32
        %dma_start3A_1845 = arith.constant 7 : i32
        %dma_start3A_1846 = arith.constant 0 : i32
        %dma_start3A_1847 = tpu.memref_slice %arg6[%dma_start3A_1845, %dma_start3A_1846] : memref<8x8192xf32, #tpu.memory_space<vmem>> -> memref<1x8192xf32, #tpu.memory_space<vmem>>
        %dma_start3A_1848 = tpu.memref_squeeze %dma_start3A_1847 : memref<1x8192xf32, #tpu.memory_space<vmem>> -> memref<8192xf32, #tpu.memory_space<vmem>>
        %dma_start3A_1849 = arith.constant 0 : i32
        %dma_start3A_1850 = tpu.memref_slice %arg3[%add3A_5, %add3A_1844, %dma_start3A_1849] : memref<64x100x8192xf32, #tpu.memory_space<hbm>> -> memref<1x1x8192xf32, #tpu.memory_space<hbm>>
        %dma_start3A_1851 = tpu.memref_squeeze %dma_start3A_1850 : memref<1x1x8192xf32, #tpu.memory_space<hbm>> -> memref<8192xf32, #tpu.memory_space<hbm>>
        %dma_start3A_1852 = arith.constant 0 : i32
        %dma_start3A_1853 = tpu.memref_slice %arg6[%dma_start3A_1845, %dma_start3A_1852] : memref<8x8192xf32, #tpu.memory_space<vmem>> -> memref<1x8192xf32, #tpu.memory_space<vmem>>
        %dma_start3A_1854 = tpu.memref_squeeze %dma_start3A_1853 : memref<1x8192xf32, #tpu.memory_space<vmem>> -> memref<8192xf32, #tpu.memory_space<vmem>>
        %dma_start3A_1855 = arith.constant 0 : i32
        %dma_start3A_1856 = tpu.memref_slice %arg3[%add3A_5, %add3A_1844, %dma_start3A_1855] : memref<64x100x8192xf32, #tpu.memory_space<hbm>> -> memref<1x1x8192xf32, #tpu.memory_space<hbm>>
        %dma_start3A_1857 = tpu.memref_squeeze %dma_start3A_1856 : memref<1x1x8192xf32, #tpu.memory_space<hbm>> -> memref<8192xf32, #tpu.memory_space<hbm>>
        tpu.enqueue_dma source(%dma_start3A_1857 : memref<8192xf32, #tpu.memory_space<hbm>>) target(%dma_start3A_1854 : memref<8192xf32, #tpu.memory_space<vmem>>) target_semaphore(%arg9 : memref<!tpu.dma_semaphore, #tpu.memory_space<semaphore_mem>>)
      } else {
      }
      scf.yield %add3A_1784 : vector<16xi32>
    }
    %scan3A_121 = arith.constant 12 : i32
    %dma_wait3A = arith.constant 96 : i32
    %dma_wait3A_122 = arith.constant 0 : i32
    %dma_wait3A_123 = arith.constant 0 : i32
    %dma_wait3A_124 = tpu.memref_slice %arg6[%dma_wait3A_122, %dma_wait3A_123] : memref<8x8192xf32, #tpu.memory_space<vmem>> -> memref<1x8192xf32, #tpu.memory_space<vmem>>
    %dma_wait3A_125 = tpu.memref_squeeze %dma_wait3A_124 : memref<1x8192xf32, #tpu.memory_space<vmem>> -> memref<8192xf32, #tpu.memory_space<vmem>>
    %dma_wait3A_126 = arith.constant 0 : i32
    %dma_wait3A_127 = tpu.memref_slice %arg3[%add3A_5, %dma_wait3A, %dma_wait3A_126] : memref<64x100x8192xf32, #tpu.memory_space<hbm>> -> memref<1x1x8192xf32, #tpu.memory_space<hbm>>
    %dma_wait3A_128 = tpu.memref_squeeze %dma_wait3A_127 : memref<1x1x8192xf32, #tpu.memory_space<hbm>> -> memref<8192xf32, #tpu.memory_space<hbm>>
    %dma_wait3A_129 = arith.constant 0 : i32
    %dma_wait3A_130 = tpu.memref_slice %arg6[%dma_wait3A_122, %dma_wait3A_129] : memref<8x8192xf32, #tpu.memory_space<vmem>> -> memref<1x8192xf32, #tpu.memory_space<vmem>>
    %dma_wait3A_131 = tpu.memref_squeeze %dma_wait3A_130 : memref<1x8192xf32, #tpu.memory_space<vmem>> -> memref<8192xf32, #tpu.memory_space<vmem>>
    %dma_wait3A_132 = arith.constant 0 : i32
    %dma_wait3A_133 = tpu.memref_slice %arg3[%add3A_5, %dma_wait3A, %dma_wait3A_132] : memref<64x100x8192xf32, #tpu.memory_space<hbm>> -> memref<1x1x8192xf32, #tpu.memory_space<hbm>>
    %dma_wait3A_134 = tpu.memref_squeeze %dma_wait3A_133 : memref<1x1x8192xf32, #tpu.memory_space<hbm>> -> memref<8192xf32, #tpu.memory_space<hbm>>
    tpu.wait_dma2 semaphore(%arg8 : memref<!tpu.dma_semaphore, #tpu.memory_space<semaphore_mem>>) src(%dma_wait3A_134 : memref<8192xf32, #tpu.memory_space<hbm>>) dst(%dma_wait3A_131 : memref<8192xf32, #tpu.memory_space<vmem>>)
    %dma_wait3A_135 = arith.constant 97 : i32
    %dma_wait3A_136 = arith.constant 1 : i32
    %dma_wait3A_137 = arith.constant 0 : i32
    %dma_wait3A_138 = tpu.memref_slice %arg6[%dma_wait3A_136, %dma_wait3A_137] : memref<8x8192xf32, #tpu.memory_space<vmem>> -> memref<1x8192xf32, #tpu.memory_space<vmem>>
    %dma_wait3A_139 = tpu.memref_squeeze %dma_wait3A_138 : memref<1x8192xf32, #tpu.memory_space<vmem>> -> memref<8192xf32, #tpu.memory_space<vmem>>
    %dma_wait3A_140 = arith.constant 0 : i32
    %dma_wait3A_141 = tpu.memref_slice %arg3[%add3A_5, %dma_wait3A_135, %dma_wait3A_140] : memref<64x100x8192xf32, #tpu.memory_space<hbm>> -> memref<1x1x8192xf32, #tpu.memory_space<hbm>>
    %dma_wait3A_142 = tpu.memref_squeeze %dma_wait3A_141 : memref<1x1x8192xf32, #tpu.memory_space<hbm>> -> memref<8192xf32, #tpu.memory_space<hbm>>
    %dma_wait3A_143 = arith.constant 0 : i32
    %dma_wait3A_144 = tpu.memref_slice %arg6[%dma_wait3A_136, %dma_wait3A_143] : memref<8x8192xf32, #tpu.memory_space<vmem>> -> memref<1x8192xf32, #tpu.memory_space<vmem>>
    %dma_wait3A_145 = tpu.memref_squeeze %dma_wait3A_144 : memref<1x8192xf32, #tpu.memory_space<vmem>> -> memref<8192xf32, #tpu.memory_space<vmem>>
    %dma_wait3A_146 = arith.constant 0 : i32
    %dma_wait3A_147 = tpu.memref_slice %arg3[%add3A_5, %dma_wait3A_135, %dma_wait3A_146] : memref<64x100x8192xf32, #tpu.memory_space<hbm>> -> memref<1x1x8192xf32, #tpu.memory_space<hbm>>
    %dma_wait3A_148 = tpu.memref_squeeze %dma_wait3A_147 : memref<1x1x8192xf32, #tpu.memory_space<hbm>> -> memref<8192xf32, #tpu.memory_space<hbm>>
    tpu.wait_dma2 semaphore(%arg8 : memref<!tpu.dma_semaphore, #tpu.memory_space<semaphore_mem>>) src(%dma_wait3A_148 : memref<8192xf32, #tpu.memory_space<hbm>>) dst(%dma_wait3A_145 : memref<8192xf32, #tpu.memory_space<vmem>>)
    %dma_wait3A_149 = arith.constant 98 : i32
    %dma_wait3A_150 = arith.constant 2 : i32
    %dma_wait3A_151 = arith.constant 0 : i32
    %dma_wait3A_152 = tpu.memref_slice %arg6[%dma_wait3A_150, %dma_wait3A_151] : memref<8x8192xf32, #tpu.memory_space<vmem>> -> memref<1x8192xf32, #tpu.memory_space<vmem>>
    %dma_wait3A_153 = tpu.memref_squeeze %dma_wait3A_152 : memref<1x8192xf32, #tpu.memory_space<vmem>> -> memref<8192xf32, #tpu.memory_space<vmem>>
    %dma_wait3A_154 = arith.constant 0 : i32
    %dma_wait3A_155 = tpu.memref_slice %arg3[%add3A_5, %dma_wait3A_149, %dma_wait3A_154] : memref<64x100x8192xf32, #tpu.memory_space<hbm>> -> memref<1x1x8192xf32, #tpu.memory_space<hbm>>
    %dma_wait3A_156 = tpu.memref_squeeze %dma_wait3A_155 : memref<1x1x8192xf32, #tpu.memory_space<hbm>> -> memref<8192xf32, #tpu.memory_space<hbm>>
    %dma_wait3A_157 = arith.constant 0 : i32
    %dma_wait3A_158 = tpu.memref_slice %arg6[%dma_wait3A_150, %dma_wait3A_157] : memref<8x8192xf32, #tpu.memory_space<vmem>> -> memref<1x8192xf32, #tpu.memory_space<vmem>>
    %dma_wait3A_159 = tpu.memref_squeeze %dma_wait3A_158 : memref<1x8192xf32, #tpu.memory_space<vmem>> -> memref<8192xf32, #tpu.memory_space<vmem>>
    %dma_wait3A_160 = arith.constant 0 : i32
    %dma_wait3A_161 = tpu.memref_slice %arg3[%add3A_5, %dma_wait3A_149, %dma_wait3A_160] : memref<64x100x8192xf32, #tpu.memory_space<hbm>> -> memref<1x1x8192xf32, #tpu.memory_space<hbm>>
    %dma_wait3A_162 = tpu.memref_squeeze %dma_wait3A_161 : memref<1x1x8192xf32, #tpu.memory_space<hbm>> -> memref<8192xf32, #tpu.memory_space<hbm>>
    tpu.wait_dma2 semaphore(%arg8 : memref<!tpu.dma_semaphore, #tpu.memory_space<semaphore_mem>>) src(%dma_wait3A_162 : memref<8192xf32, #tpu.memory_space<hbm>>) dst(%dma_wait3A_159 : memref<8192xf32, #tpu.memory_space<vmem>>)
    %dma_wait3A_163 = arith.constant 99 : i32
    %dma_wait3A_164 = arith.constant 3 : i32
    %dma_wait3A_165 = arith.constant 0 : i32
    %dma_wait3A_166 = tpu.memref_slice %arg6[%dma_wait3A_164, %dma_wait3A_165] : memref<8x8192xf32, #tpu.memory_space<vmem>> -> memref<1x8192xf32, #tpu.memory_space<vmem>>
    %dma_wait3A_167 = tpu.memref_squeeze %dma_wait3A_166 : memref<1x8192xf32, #tpu.memory_space<vmem>> -> memref<8192xf32, #tpu.memory_space<vmem>>
    %dma_wait3A_168 = arith.constant 0 : i32
    %dma_wait3A_169 = tpu.memref_slice %arg3[%add3A_5, %dma_wait3A_163, %dma_wait3A_168] : memref<64x100x8192xf32, #tpu.memory_space<hbm>> -> memref<1x1x8192xf32, #tpu.memory_space<hbm>>
    %dma_wait3A_170 = tpu.memref_squeeze %dma_wait3A_169 : memref<1x1x8192xf32, #tpu.memory_space<hbm>> -> memref<8192xf32, #tpu.memory_space<hbm>>
    %dma_wait3A_171 = arith.constant 0 : i32
    %dma_wait3A_172 = tpu.memref_slice %arg6[%dma_wait3A_164, %dma_wait3A_171] : memref<8x8192xf32, #tpu.memory_space<vmem>> -> memref<1x8192xf32, #tpu.memory_space<vmem>>
    %dma_wait3A_173 = tpu.memref_squeeze %dma_wait3A_172 : memref<1x8192xf32, #tpu.memory_space<vmem>> -> memref<8192xf32, #tpu.memory_space<vmem>>
    %dma_wait3A_174 = arith.constant 0 : i32
    %dma_wait3A_175 = tpu.memref_slice %arg3[%add3A_5, %dma_wait3A_163, %dma_wait3A_174] : memref<64x100x8192xf32, #tpu.memory_space<hbm>> -> memref<1x1x8192xf32, #tpu.memory_space<hbm>>
    %dma_wait3A_176 = tpu.memref_squeeze %dma_wait3A_175 : memref<1x1x8192xf32, #tpu.memory_space<hbm>> -> memref<8192xf32, #tpu.memory_space<hbm>>
    tpu.wait_dma2 semaphore(%arg8 : memref<!tpu.dma_semaphore, #tpu.memory_space<semaphore_mem>>) src(%dma_wait3A_176 : memref<8192xf32, #tpu.memory_space<hbm>>) dst(%dma_wait3A_173 : memref<8192xf32, #tpu.memory_space<vmem>>)
    %broadcast_in_dim3A_177 = arith.constant -3.000000e+38 : f32
    %broadcast_in_dim3A_178 = vector.broadcast %broadcast_in_dim3A_177 : f32 to vector<16xf32>
    %broadcast_in_dim3A_179 = arith.constant 0 : i32
    %broadcast_in_dim3A_180 = vector.broadcast %broadcast_in_dim3A_179 : i32 to vector<16xi32>
    %broadcast_in_dim3A_181 = arith.constant -3.000000e+38 : f32
    %broadcast_in_dim3A_182 = vector.broadcast %broadcast_in_dim3A_181 : f32 to vector<16xf32>
    %broadcast_in_dim3A_183 = arith.constant 0 : i32
    %broadcast_in_dim3A_184 = vector.broadcast %broadcast_in_dim3A_183 : i32 to vector<16xi32>
    %broadcast_in_dim3A_185 = arith.constant -3.000000e+38 : f32
    %broadcast_in_dim3A_186 = vector.broadcast %broadcast_in_dim3A_185 : f32 to vector<16xf32>
    %broadcast_in_dim3A_187 = arith.constant 0 : i32
    %broadcast_in_dim3A_188 = vector.broadcast %broadcast_in_dim3A_187 : i32 to vector<16xi32>
    %broadcast_in_dim3A_189 = arith.constant -3.000000e+38 : f32
    %broadcast_in_dim3A_190 = vector.broadcast %broadcast_in_dim3A_189 : f32 to vector<16xf32>
    %broadcast_in_dim3A_191 = arith.constant 0 : i32
    %broadcast_in_dim3A_192 = vector.broadcast %broadcast_in_dim3A_191 : i32 to vector<16xi32>
    %scan3A_193 = arith.constant 0 : i32
    %scan3A_194 = arith.constant 512 : i32
    %scan3A_195 = arith.addi %scan3A_193, %scan3A_194 : i32
    %scan3A_196 = arith.constant 1 : i32
    %scan3A_197:8 = scf.for %scan3A_961 = %scan3A_193 to %scan3A_195 step %scan3A_196 iter_args(%scan3A_962 = %broadcast_in_dim3A_178, %scan3A_963 = %broadcast_in_dim3A_180, %scan3A_964 = %broadcast_in_dim3A_182, %scan3A_965 = %broadcast_in_dim3A_184, %scan3A_966 = %broadcast_in_dim3A_186, %scan3A_967 = %broadcast_in_dim3A_188, %scan3A_968 = %broadcast_in_dim3A_190, %scan3A_969 = %broadcast_in_dim3A_192) -> (vector<16xf32>, vector<16xi32>, vector<16xf32>, vector<16xi32>, vector<16xf32>, vector<16xi32>, vector<16xf32>, vector<16xi32>)  : i32 {
      %mul3A_970 = arith.constant 16 : i32
      %mul3A_971 = arith.muli %scan3A_961, %mul3A_970 : i32
      %get3A = arith.index_cast %mul3A_971 : i32 to index
      %get3A_972 = tpu.vector_load %arg5[%get3A] {strides = array<i32>} : memref<8192xf32, #tpu.memory_space<vmem>>, vector<16xf32>,
      %get3A_973 = vector.shape_cast %get3A_972 : vector<16xf32> to vector<16xf32>
      %add3A_974 = vector.broadcast %mul3A_971 : i32 to vector<16xi32>
      %add3A_975 = arith.addi %iota3A, %add3A_974 : vector<16xi32>
      %get3A_976 = arith.constant 0 : i32
      %get3A_977 = arith.index_cast %get3A_976 : i32 to index
      %get3A_978 = arith.index_cast %mul3A_971 : i32 to index
      %get3A_979 = tpu.vector_load %arg6[%get3A_977, %get3A_978] {strides = array<i32>} : memref<8x8192xf32, #tpu.memory_space<vmem>>, vector<1x16xf32>,
      %get3A_980 = vector.shape_cast %get3A_979 : vector<1x16xf32> to vector<16xf32>
      %mul3A_981 = arith.constant 5.000000e-02 : f32
      %mul3A_982 = vector.broadcast %mul3A_981 : f32 to vector<16xf32>
      %mul3A_983 = arith.mulf %mul3A_982, %get3A_980 : vector<16xf32>
      %add3A_984 = arith.addf %get3A_973, %mul3A_983 : vector<16xf32>
      %gt3A_985 = arith.cmpf ogt, %add3A_984, %scan3A_962 : vector<16xf32>
      %select_n3A_986 = arith.select %gt3A_985, %add3A_984, %scan3A_962 : vector<16xi1>, vector<16xf32>
      %select_n3A_987 = arith.select %gt3A_985, %add3A_975, %scan3A_963 : vector<16xi1>, vector<16xi32>
      %get3A_988 = arith.constant 1 : i32
      %get3A_989 = arith.index_cast %get3A_988 : i32 to index
      %get3A_990 = arith.index_cast %mul3A_971 : i32 to index
      %get3A_991 = tpu.vector_load %arg6[%get3A_989, %get3A_990] {strides = array<i32>} : memref<8x8192xf32, #tpu.memory_space<vmem>>, vector<1x16xf32>,
      %get3A_992 = vector.shape_cast %get3A_991 : vector<1x16xf32> to vector<16xf32>
      %mul3A_993 = arith.constant 5.000000e-02 : f32
      %mul3A_994 = vector.broadcast %mul3A_993 : f32 to vector<16xf32>
      %mul3A_995 = arith.mulf %mul3A_994, %get3A_992 : vector<16xf32>
      %add3A_996 = arith.addf %get3A_973, %mul3A_995 : vector<16xf32>
      %gt3A_997 = arith.cmpf ogt, %add3A_996, %scan3A_964 : vector<16xf32>
      %select_n3A_998 = arith.select %gt3A_997, %add3A_996, %scan3A_964 : vector<16xi1>, vector<16xf32>
      %select_n3A_999 = arith.select %gt3A_997, %add3A_975, %scan3A_965 : vector<16xi1>, vector<16xi32>
      %get3A_1000 = arith.constant 2 : i32
      %get3A_1001 = arith.index_cast %get3A_1000 : i32 to index
      %get3A_1002 = arith.index_cast %mul3A_971 : i32 to index
      %get3A_1003 = tpu.vector_load %arg6[%get3A_1001, %get3A_1002] {strides = array<i32>} : memref<8x8192xf32, #tpu.memory_space<vmem>>, vector<1x16xf32>,
      %get3A_1004 = vector.shape_cast %get3A_1003 : vector<1x16xf32> to vector<16xf32>
      %mul3A_1005 = arith.constant 5.000000e-02 : f32
      %mul3A_1006 = vector.broadcast %mul3A_1005 : f32 to vector<16xf32>
      %mul3A_1007 = arith.mulf %mul3A_1006, %get3A_1004 : vector<16xf32>
      %add3A_1008 = arith.addf %get3A_973, %mul3A_1007 : vector<16xf32>
      %gt3A_1009 = arith.cmpf ogt, %add3A_1008, %scan3A_966 : vector<16xf32>
      %select_n3A_1010 = arith.select %gt3A_1009, %add3A_1008, %scan3A_966 : vector<16xi1>, vector<16xf32>
      %select_n3A_1011 = arith.select %gt3A_1009, %add3A_975, %scan3A_967 : vector<16xi1>, vector<16xi32>
      %get3A_1012 = arith.constant 3 : i32
      %get3A_1013 = arith.index_cast %get3A_1012 : i32 to index
      %get3A_1014 = arith.index_cast %mul3A_971 : i32 to index
      %get3A_1015 = tpu.vector_load %arg6[%get3A_1013, %get3A_1014] {strides = array<i32>} : memref<8x8192xf32, #tpu.memory_space<vmem>>, vector<1x16xf32>,
      %get3A_1016 = vector.shape_cast %get3A_1015 : vector<1x16xf32> to vector<16xf32>
      %mul3A_1017 = arith.constant 5.000000e-02 : f32
      %mul3A_1018 = vector.broadcast %mul3A_1017 : f32 to vector<16xf32>
      %mul3A_1019 = arith.mulf %mul3A_1018, %get3A_1016 : vector<16xf32>
      %add3A_1020 = arith.addf %get3A_973, %mul3A_1019 : vector<16xf32>
      %gt3A_1021 = arith.cmpf ogt, %add3A_1020, %scan3A_968 : vector<16xf32>
      %select_n3A_1022 = arith.select %gt3A_1021, %add3A_1020, %scan3A_968 : vector<16xi1>, vector<16xf32>
      %select_n3A_1023 = arith.select %gt3A_1021, %add3A_975, %scan3A_969 : vector<16xi1>, vector<16xi32>
      scf.yield %select_n3A_986, %select_n3A_987, %select_n3A_998, %select_n3A_999, %select_n3A_1010, %select_n3A_1011, %select_n3A_1022, %select_n3A_1023 : vector<16xf32>, vector<16xi32>, vector<16xf32>, vector<16xi32>, vector<16xf32>, vector<16xi32>, vector<16xf32>, vector<16xi32>
    }
    %scan3A_198 = arith.constant 512 : i32
    %xor3A = arith.constant 1 : i32
    %xor3A_199 = vector.broadcast %xor3A : i32 to vector<16xi32>
    %xor3A_200 = arith.xori %iota3A, %xor3A_199 : vector<16xi32>
    %broadcast_in_dim3A_201 = vector.shape_cast %xor3A_200 : vector<16xi32> to vector<16x1xi32>
    %gather3A = vector.shape_cast %broadcast_in_dim3A_201 : vector<16x1xi32> to vector<16xi32>
    %gather3A_202 = tpu.dynamic_gather %scan3A_197#0[%gather3A] in [0] : vector<16xf32>, vector<16xi32> -> vector<16xf32>
    %broadcast_in_dim3A_203 = vector.shape_cast %xor3A_200 : vector<16xi32> to vector<16x1xi32>
    %gather3A_204 = vector.shape_cast %broadcast_in_dim3A_203 : vector<16x1xi32> to vector<16xi32>
    %gather3A_205 = tpu.dynamic_gather %scan3A_197#1[%gather3A_204] in [0] : vector<16xi32>, vector<16xi32> -> vector<16xi32>
    %gt3A = arith.cmpf ogt, %gather3A_202, %scan3A_197#0 : vector<16xf32>
    %eq3A = arith.cmpf oeq, %gather3A_202, %scan3A_197#0 : vector<16xf32>
    %lt3A = arith.cmpi slt, %gather3A_205, %scan3A_197#1 : vector<16xi32>
    %and3A = arith.andi %eq3A, %lt3A : vector<16xi1>
    %or3A = arith.ori %gt3A, %and3A : vector<16xi1>
    %select_n3A = arith.select %or3A, %gather3A_202, %scan3A_197#0 : vector<16xi1>, vector<16xf32>
    %select_n3A_206 = arith.select %or3A, %gather3A_205, %scan3A_197#1 : vector<16xi1>, vector<16xi32>
    %xor3A_207 = arith.constant 2 : i32
    %xor3A_208 = vector.broadcast %xor3A_207 : i32 to vector<16xi32>
    %xor3A_209 = arith.xori %iota3A, %xor3A_208 : vector<16xi32>
    %broadcast_in_dim3A_210 = vector.shape_cast %xor3A_209 : vector<16xi32> to vector<16x1xi32>
    %gather3A_211 = vector.shape_cast %broadcast_in_dim3A_210 : vector<16x1xi32> to vector<16xi32>
    %gather3A_212 = tpu.dynamic_gather %select_n3A[%gather3A_211] in [0] : vector<16xf32>, vector<16xi32> -> vector<16xf32>
    %broadcast_in_dim3A_213 = vector.shape_cast %xor3A_209 : vector<16xi32> to vector<16x1xi32>
    %gather3A_214 = vector.shape_cast %broadcast_in_dim3A_213 : vector<16x1xi32> to vector<16xi32>
    %gather3A_215 = tpu.dynamic_gather %select_n3A_206[%gather3A_214] in [0] : vector<16xi32>, vector<16xi32> -> vector<16xi32>
    %gt3A_216 = arith.cmpf ogt, %gather3A_212, %select_n3A : vector<16xf32>
    %eq3A_217 = arith.cmpf oeq, %gather3A_212, %select_n3A : vector<16xf32>
    %lt3A_218 = arith.cmpi slt, %gather3A_215, %select_n3A_206 : vector<16xi32>
    %and3A_219 = arith.andi %eq3A_217, %lt3A_218 : vector<16xi1>
    %or3A_220 = arith.ori %gt3A_216, %and3A_219 : vector<16xi1>
    %select_n3A_221 = arith.select %or3A_220, %gather3A_212, %select_n3A : vector<16xi1>, vector<16xf32>
    %select_n3A_222 = arith.select %or3A_220, %gather3A_215, %select_n3A_206 : vector<16xi1>, vector<16xi32>
    %xor3A_223 = arith.constant 4 : i32
    %xor3A_224 = vector.broadcast %xor3A_223 : i32 to vector<16xi32>
    %xor3A_225 = arith.xori %iota3A, %xor3A_224 : vector<16xi32>
    %broadcast_in_dim3A_226 = vector.shape_cast %xor3A_225 : vector<16xi32> to vector<16x1xi32>
    %gather3A_227 = vector.shape_cast %broadcast_in_dim3A_226 : vector<16x1xi32> to vector<16xi32>
    %gather3A_228 = tpu.dynamic_gather %select_n3A_221[%gather3A_227] in [0] : vector<16xf32>, vector<16xi32> -> vector<16xf32>
    %broadcast_in_dim3A_229 = vector.shape_cast %xor3A_225 : vector<16xi32> to vector<16x1xi32>
    %gather3A_230 = vector.shape_cast %broadcast_in_dim3A_229 : vector<16x1xi32> to vector<16xi32>
    %gather3A_231 = tpu.dynamic_gather %select_n3A_222[%gather3A_230] in [0] : vector<16xi32>, vector<16xi32> -> vector<16xi32>
    %gt3A_232 = arith.cmpf ogt, %gather3A_228, %select_n3A_221 : vector<16xf32>
    %eq3A_233 = arith.cmpf oeq, %gather3A_228, %select_n3A_221 : vector<16xf32>
    %lt3A_234 = arith.cmpi slt, %gather3A_231, %select_n3A_222 : vector<16xi32>
    %and3A_235 = arith.andi %eq3A_233, %lt3A_234 : vector<16xi1>
    %or3A_236 = arith.ori %gt3A_232, %and3A_235 : vector<16xi1>
    %select_n3A_237 = arith.select %or3A_236, %gather3A_228, %select_n3A_221 : vector<16xi1>, vector<16xf32>
    %select_n3A_238 = arith.select %or3A_236, %gather3A_231, %select_n3A_222 : vector<16xi1>, vector<16xi32>
    %xor3A_239 = arith.constant 8 : i32
    %xor3A_240 = vector.broadcast %xor3A_239 : i32 to vector<16xi32>
    %xor3A_241 = arith.xori %iota3A, %xor3A_240 : vector<16xi32>
    %broadcast_in_dim3A_242 = vector.shape_cast %xor3A_241 : vector<16xi32> to vector<16x1xi32>
    %gather3A_243 = vector.shape_cast %broadcast_in_dim3A_242 : vector<16x1xi32> to vector<16xi32>
    %gather3A_244 = tpu.dynamic_gather %select_n3A_237[%gather3A_243] in [0] : vector<16xf32>, vector<16xi32> -> vector<16xf32>
    %broadcast_in_dim3A_245 = vector.shape_cast %xor3A_241 : vector<16xi32> to vector<16x1xi32>
    %gather3A_246 = vector.shape_cast %broadcast_in_dim3A_245 : vector<16x1xi32> to vector<16xi32>
    %gather3A_247 = tpu.dynamic_gather %select_n3A_238[%gather3A_246] in [0] : vector<16xi32>, vector<16xi32> -> vector<16xi32>
    %gt3A_248 = arith.cmpf ogt, %gather3A_244, %select_n3A_237 : vector<16xf32>
    %eq3A_249 = arith.cmpf oeq, %gather3A_244, %select_n3A_237 : vector<16xf32>
    %lt3A_250 = arith.cmpi slt, %gather3A_247, %select_n3A_238 : vector<16xi32>
    %and3A_251 = arith.andi %eq3A_249, %lt3A_250 : vector<16xi1>
    %or3A_252 = arith.ori %gt3A_248, %and3A_251 : vector<16xi1>
    %select_n3A_253 = arith.select %or3A_252, %gather3A_244, %select_n3A_237 : vector<16xi1>, vector<16xf32>
    %select_n3A_254 = arith.select %or3A_252, %gather3A_247, %select_n3A_238 : vector<16xi1>, vector<16xi32>
    %eq3A_255 = arith.constant 0 : i32
    %eq3A_256 = vector.broadcast %eq3A_255 : i32 to vector<16xi32>
    %eq3A_257 = arith.cmpi eq, %iota3A, %eq3A_256 : vector<16xi32>
    %jit3A = arith.constant 0 : i32
    %broadcast_in_dim3A_258 = vector.broadcast %jit3A : i32 to vector<16xi32>
    %select_n3A_259 = arith.select %eq3A_257, %select_n3A_254, %broadcast_in_dim3A_258 : vector<16xi1>, vector<16xi32>
    %add3A_260 = arith.addi %scan3A_120, %select_n3A_259 : vector<16xi32>
    %xor3A_261 = arith.constant 1 : i32
    %xor3A_262 = vector.broadcast %xor3A_261 : i32 to vector<16xi32>
    %xor3A_263 = arith.xori %iota3A, %xor3A_262 : vector<16xi32>
    %broadcast_in_dim3A_264 = vector.shape_cast %xor3A_263 : vector<16xi32> to vector<16x1xi32>
    %gather3A_265 = vector.shape_cast %broadcast_in_dim3A_264 : vector<16x1xi32> to vector<16xi32>
    %gather3A_266 = tpu.dynamic_gather %scan3A_197#2[%gather3A_265] in [0] : vector<16xf32>, vector<16xi32> -> vector<16xf32>
    %broadcast_in_dim3A_267 = vector.shape_cast %xor3A_263 : vector<16xi32> to vector<16x1xi32>
    %gather3A_268 = vector.shape_cast %broadcast_in_dim3A_267 : vector<16x1xi32> to vector<16xi32>
    %gather3A_269 = tpu.dynamic_gather %scan3A_197#3[%gather3A_268] in [0] : vector<16xi32>, vector<16xi32> -> vector<16xi32>
    %gt3A_270 = arith.cmpf ogt, %gather3A_266, %scan3A_197#2 : vector<16xf32>
    %eq3A_271 = arith.cmpf oeq, %gather3A_266, %scan3A_197#2 : vector<16xf32>
    %lt3A_272 = arith.cmpi slt, %gather3A_269, %scan3A_197#3 : vector<16xi32>
    %and3A_273 = arith.andi %eq3A_271, %lt3A_272 : vector<16xi1>
    %or3A_274 = arith.ori %gt3A_270, %and3A_273 : vector<16xi1>
    %select_n3A_275 = arith.select %or3A_274, %gather3A_266, %scan3A_197#2 : vector<16xi1>, vector<16xf32>
    %select_n3A_276 = arith.select %or3A_274, %gather3A_269, %scan3A_197#3 : vector<16xi1>, vector<16xi32>
    %xor3A_277 = arith.constant 2 : i32
    %xor3A_278 = vector.broadcast %xor3A_277 : i32 to vector<16xi32>
    %xor3A_279 = arith.xori %iota3A, %xor3A_278 : vector<16xi32>
    %broadcast_in_dim3A_280 = vector.shape_cast %xor3A_279 : vector<16xi32> to vector<16x1xi32>
    %gather3A_281 = vector.shape_cast %broadcast_in_dim3A_280 : vector<16x1xi32> to vector<16xi32>
    %gather3A_282 = tpu.dynamic_gather %select_n3A_275[%gather3A_281] in [0] : vector<16xf32>, vector<16xi32> -> vector<16xf32>
    %broadcast_in_dim3A_283 = vector.shape_cast %xor3A_279 : vector<16xi32> to vector<16x1xi32>
    %gather3A_284 = vector.shape_cast %broadcast_in_dim3A_283 : vector<16x1xi32> to vector<16xi32>
    %gather3A_285 = tpu.dynamic_gather %select_n3A_276[%gather3A_284] in [0] : vector<16xi32>, vector<16xi32> -> vector<16xi32>
    %gt3A_286 = arith.cmpf ogt, %gather3A_282, %select_n3A_275 : vector<16xf32>
    %eq3A_287 = arith.cmpf oeq, %gather3A_282, %select_n3A_275 : vector<16xf32>
    %lt3A_288 = arith.cmpi slt, %gather3A_285, %select_n3A_276 : vector<16xi32>
    %and3A_289 = arith.andi %eq3A_287, %lt3A_288 : vector<16xi1>
    %or3A_290 = arith.ori %gt3A_286, %and3A_289 : vector<16xi1>
    %select_n3A_291 = arith.select %or3A_290, %gather3A_282, %select_n3A_275 : vector<16xi1>, vector<16xf32>
    %select_n3A_292 = arith.select %or3A_290, %gather3A_285, %select_n3A_276 : vector<16xi1>, vector<16xi32>
    %xor3A_293 = arith.constant 4 : i32
    %xor3A_294 = vector.broadcast %xor3A_293 : i32 to vector<16xi32>
    %xor3A_295 = arith.xori %iota3A, %xor3A_294 : vector<16xi32>
    %broadcast_in_dim3A_296 = vector.shape_cast %xor3A_295 : vector<16xi32> to vector<16x1xi32>
    %gather3A_297 = vector.shape_cast %broadcast_in_dim3A_296 : vector<16x1xi32> to vector<16xi32>
    %gather3A_298 = tpu.dynamic_gather %select_n3A_291[%gather3A_297] in [0] : vector<16xf32>, vector<16xi32> -> vector<16xf32>
    %broadcast_in_dim3A_299 = vector.shape_cast %xor3A_295 : vector<16xi32> to vector<16x1xi32>
    %gather3A_300 = vector.shape_cast %broadcast_in_dim3A_299 : vector<16x1xi32> to vector<16xi32>
    %gather3A_301 = tpu.dynamic_gather %select_n3A_292[%gather3A_300] in [0] : vector<16xi32>, vector<16xi32> -> vector<16xi32>
    %gt3A_302 = arith.cmpf ogt, %gather3A_298, %select_n3A_291 : vector<16xf32>
    %eq3A_303 = arith.cmpf oeq, %gather3A_298, %select_n3A_291 : vector<16xf32>
    %lt3A_304 = arith.cmpi slt, %gather3A_301, %select_n3A_292 : vector<16xi32>
    %and3A_305 = arith.andi %eq3A_303, %lt3A_304 : vector<16xi1>
    %or3A_306 = arith.ori %gt3A_302, %and3A_305 : vector<16xi1>
    %select_n3A_307 = arith.select %or3A_306, %gather3A_298, %select_n3A_291 : vector<16xi1>, vector<16xf32>
    %select_n3A_308 = arith.select %or3A_306, %gather3A_301, %select_n3A_292 : vector<16xi1>, vector<16xi32>
    %xor3A_309 = arith.constant 8 : i32
    %xor3A_310 = vector.broadcast %xor3A_309 : i32 to vector<16xi32>
    %xor3A_311 = arith.xori %iota3A, %xor3A_310 : vector<16xi32>
    %broadcast_in_dim3A_312 = vector.shape_cast %xor3A_311 : vector<16xi32> to vector<16x1xi32>
    %gather3A_313 = vector.shape_cast %broadcast_in_dim3A_312 : vector<16x1xi32> to vector<16xi32>
    %gather3A_314 = tpu.dynamic_gather %select_n3A_307[%gather3A_313] in [0] : vector<16xf32>, vector<16xi32> -> vector<16xf32>
    %broadcast_in_dim3A_315 = vector.shape_cast %xor3A_311 : vector<16xi32> to vector<16x1xi32>
    %gather3A_316 = vector.shape_cast %broadcast_in_dim3A_315 : vector<16x1xi32> to vector<16xi32>
    %gather3A_317 = tpu.dynamic_gather %select_n3A_308[%gather3A_316] in [0] : vector<16xi32>, vector<16xi32> -> vector<16xi32>
    %gt3A_318 = arith.cmpf ogt, %gather3A_314, %select_n3A_307 : vector<16xf32>
    %eq3A_319 = arith.cmpf oeq, %gather3A_314, %select_n3A_307 : vector<16xf32>
    %lt3A_320 = arith.cmpi slt, %gather3A_317, %select_n3A_308 : vector<16xi32>
    %and3A_321 = arith.andi %eq3A_319, %lt3A_320 : vector<16xi1>
    %or3A_322 = arith.ori %gt3A_318, %and3A_321 : vector<16xi1>
    %select_n3A_323 = arith.select %or3A_322, %gather3A_314, %select_n3A_307 : vector<16xi1>, vector<16xf32>
    %select_n3A_324 = arith.select %or3A_322, %gather3A_317, %select_n3A_308 : vector<16xi1>, vector<16xi32>
    %eq3A_325 = arith.constant 0 : i32
    %eq3A_326 = vector.broadcast %eq3A_325 : i32 to vector<16xi32>
    %eq3A_327 = arith.cmpi eq, %iota3A, %eq3A_326 : vector<16xi32>
    %jit3A_328 = arith.constant 0 : i32
    %broadcast_in_dim3A_329 = vector.broadcast %jit3A_328 : i32 to vector<16xi32>
    %select_n3A_330 = arith.select %eq3A_327, %select_n3A_324, %broadcast_in_dim3A_329 : vector<16xi1>, vector<16xi32>
    %add3A_331 = arith.addi %add3A_260, %select_n3A_330 : vector<16xi32>
    %xor3A_332 = arith.constant 1 : i32
    %xor3A_333 = vector.broadcast %xor3A_332 : i32 to vector<16xi32>
    %xor3A_334 = arith.xori %iota3A, %xor3A_333 : vector<16xi32>
    %broadcast_in_dim3A_335 = vector.shape_cast %xor3A_334 : vector<16xi32> to vector<16x1xi32>
    %gather3A_336 = vector.shape_cast %broadcast_in_dim3A_335 : vector<16x1xi32> to vector<16xi32>
    %gather3A_337 = tpu.dynamic_gather %scan3A_197#4[%gather3A_336] in [0] : vector<16xf32>, vector<16xi32> -> vector<16xf32>
    %broadcast_in_dim3A_338 = vector.shape_cast %xor3A_334 : vector<16xi32> to vector<16x1xi32>
    %gather3A_339 = vector.shape_cast %broadcast_in_dim3A_338 : vector<16x1xi32> to vector<16xi32>
    %gather3A_340 = tpu.dynamic_gather %scan3A_197#5[%gather3A_339] in [0] : vector<16xi32>, vector<16xi32> -> vector<16xi32>
    %gt3A_341 = arith.cmpf ogt, %gather3A_337, %scan3A_197#4 : vector<16xf32>
    %eq3A_342 = arith.cmpf oeq, %gather3A_337, %scan3A_197#4 : vector<16xf32>
    %lt3A_343 = arith.cmpi slt, %gather3A_340, %scan3A_197#5 : vector<16xi32>
    %and3A_344 = arith.andi %eq3A_342, %lt3A_343 : vector<16xi1>
    %or3A_345 = arith.ori %gt3A_341, %and3A_344 : vector<16xi1>
    %select_n3A_346 = arith.select %or3A_345, %gather3A_337, %scan3A_197#4 : vector<16xi1>, vector<16xf32>
    %select_n3A_347 = arith.select %or3A_345, %gather3A_340, %scan3A_197#5 : vector<16xi1>, vector<16xi32>
    %xor3A_348 = arith.constant 2 : i32
    %xor3A_349 = vector.broadcast %xor3A_348 : i32 to vector<16xi32>
    %xor3A_350 = arith.xori %iota3A, %xor3A_349 : vector<16xi32>
    %broadcast_in_dim3A_351 = vector.shape_cast %xor3A_350 : vector<16xi32> to vector<16x1xi32>
    %gather3A_352 = vector.shape_cast %broadcast_in_dim3A_351 : vector<16x1xi32> to vector<16xi32>
    %gather3A_353 = tpu.dynamic_gather %select_n3A_346[%gather3A_352] in [0] : vector<16xf32>, vector<16xi32> -> vector<16xf32>
    %broadcast_in_dim3A_354 = vector.shape_cast %xor3A_350 : vector<16xi32> to vector<16x1xi32>
    %gather3A_355 = vector.shape_cast %broadcast_in_dim3A_354 : vector<16x1xi32> to vector<16xi32>
    %gather3A_356 = tpu.dynamic_gather %select_n3A_347[%gather3A_355] in [0] : vector<16xi32>, vector<16xi32> -> vector<16xi32>
    %gt3A_357 = arith.cmpf ogt, %gather3A_353, %select_n3A_346 : vector<16xf32>
    %eq3A_358 = arith.cmpf oeq, %gather3A_353, %select_n3A_346 : vector<16xf32>
    %lt3A_359 = arith.cmpi slt, %gather3A_356, %select_n3A_347 : vector<16xi32>
    %and3A_360 = arith.andi %eq3A_358, %lt3A_359 : vector<16xi1>
    %or3A_361 = arith.ori %gt3A_357, %and3A_360 : vector<16xi1>
    %select_n3A_362 = arith.select %or3A_361, %gather3A_353, %select_n3A_346 : vector<16xi1>, vector<16xf32>
    %select_n3A_363 = arith.select %or3A_361, %gather3A_356, %select_n3A_347 : vector<16xi1>, vector<16xi32>
    %xor3A_364 = arith.constant 4 : i32
    %xor3A_365 = vector.broadcast %xor3A_364 : i32 to vector<16xi32>
    %xor3A_366 = arith.xori %iota3A, %xor3A_365 : vector<16xi32>
    %broadcast_in_dim3A_367 = vector.shape_cast %xor3A_366 : vector<16xi32> to vector<16x1xi32>
    %gather3A_368 = vector.shape_cast %broadcast_in_dim3A_367 : vector<16x1xi32> to vector<16xi32>
    %gather3A_369 = tpu.dynamic_gather %select_n3A_362[%gather3A_368] in [0] : vector<16xf32>, vector<16xi32> -> vector<16xf32>
    %broadcast_in_dim3A_370 = vector.shape_cast %xor3A_366 : vector<16xi32> to vector<16x1xi32>
    %gather3A_371 = vector.shape_cast %broadcast_in_dim3A_370 : vector<16x1xi32> to vector<16xi32>
    %gather3A_372 = tpu.dynamic_gather %select_n3A_363[%gather3A_371] in [0] : vector<16xi32>, vector<16xi32> -> vector<16xi32>
    %gt3A_373 = arith.cmpf ogt, %gather3A_369, %select_n3A_362 : vector<16xf32>
    %eq3A_374 = arith.cmpf oeq, %gather3A_369, %select_n3A_362 : vector<16xf32>
    %lt3A_375 = arith.cmpi slt, %gather3A_372, %select_n3A_363 : vector<16xi32>
    %and3A_376 = arith.andi %eq3A_374, %lt3A_375 : vector<16xi1>
    %or3A_377 = arith.ori %gt3A_373, %and3A_376 : vector<16xi1>
    %select_n3A_378 = arith.select %or3A_377, %gather3A_369, %select_n3A_362 : vector<16xi1>, vector<16xf32>
    %select_n3A_379 = arith.select %or3A_377, %gather3A_372, %select_n3A_363 : vector<16xi1>, vector<16xi32>
    %xor3A_380 = arith.constant 8 : i32
    %xor3A_381 = vector.broadcast %xor3A_380 : i32 to vector<16xi32>
    %xor3A_382 = arith.xori %iota3A, %xor3A_381 : vector<16xi32>
    %broadcast_in_dim3A_383 = vector.shape_cast %xor3A_382 : vector<16xi32> to vector<16x1xi32>
    %gather3A_384 = vector.shape_cast %broadcast_in_dim3A_383 : vector<16x1xi32> to vector<16xi32>
    %gather3A_385 = tpu.dynamic_gather %select_n3A_378[%gather3A_384] in [0] : vector<16xf32>, vector<16xi32> -> vector<16xf32>
    %broadcast_in_dim3A_386 = vector.shape_cast %xor3A_382 : vector<16xi32> to vector<16x1xi32>
    %gather3A_387 = vector.shape_cast %broadcast_in_dim3A_386 : vector<16x1xi32> to vector<16xi32>
    %gather3A_388 = tpu.dynamic_gather %select_n3A_379[%gather3A_387] in [0] : vector<16xi32>, vector<16xi32> -> vector<16xi32>
    %gt3A_389 = arith.cmpf ogt, %gather3A_385, %select_n3A_378 : vector<16xf32>
    %eq3A_390 = arith.cmpf oeq, %gather3A_385, %select_n3A_378 : vector<16xf32>
    %lt3A_391 = arith.cmpi slt, %gather3A_388, %select_n3A_379 : vector<16xi32>
    %and3A_392 = arith.andi %eq3A_390, %lt3A_391 : vector<16xi1>
    %or3A_393 = arith.ori %gt3A_389, %and3A_392 : vector<16xi1>
    %select_n3A_394 = arith.select %or3A_393, %gather3A_385, %select_n3A_378 : vector<16xi1>, vector<16xf32>
    %select_n3A_395 = arith.select %or3A_393, %gather3A_388, %select_n3A_379 : vector<16xi1>, vector<16xi32>
    %eq3A_396 = arith.constant 0 : i32
    %eq3A_397 = vector.broadcast %eq3A_396 : i32 to vector<16xi32>
    %eq3A_398 = arith.cmpi eq, %iota3A, %eq3A_397 : vector<16xi32>
    %jit3A_399 = arith.constant 0 : i32
    %broadcast_in_dim3A_400 = vector.broadcast %jit3A_399 : i32 to vector<16xi32>
    %select_n3A_401 = arith.select %eq3A_398, %select_n3A_395, %broadcast_in_dim3A_400 : vector<16xi1>, vector<16xi32>
    %add3A_402 = arith.addi %add3A_331, %select_n3A_401 : vector<16xi32>
    %xor3A_403 = arith.constant 1 : i32
    %xor3A_404 = vector.broadcast %xor3A_403 : i32 to vector<16xi32>
    %xor3A_405 = arith.xori %iota3A, %xor3A_404 : vector<16xi32>
    %broadcast_in_dim3A_406 = vector.shape_cast %xor3A_405 : vector<16xi32> to vector<16x1xi32>
    %gather3A_407 = vector.shape_cast %broadcast_in_dim3A_406 : vector<16x1xi32> to vector<16xi32>
    %gather3A_408 = tpu.dynamic_gather %scan3A_197#6[%gather3A_407] in [0] : vector<16xf32>, vector<16xi32> -> vector<16xf32>
    %broadcast_in_dim3A_409 = vector.shape_cast %xor3A_405 : vector<16xi32> to vector<16x1xi32>
    %gather3A_410 = vector.shape_cast %broadcast_in_dim3A_409 : vector<16x1xi32> to vector<16xi32>
    %gather3A_411 = tpu.dynamic_gather %scan3A_197#7[%gather3A_410] in [0] : vector<16xi32>, vector<16xi32> -> vector<16xi32>
    %gt3A_412 = arith.cmpf ogt, %gather3A_408, %scan3A_197#6 : vector<16xf32>
    %eq3A_413 = arith.cmpf oeq, %gather3A_408, %scan3A_197#6 : vector<16xf32>
    %lt3A_414 = arith.cmpi slt, %gather3A_411, %scan3A_197#7 : vector<16xi32>
    %and3A_415 = arith.andi %eq3A_413, %lt3A_414 : vector<16xi1>
    %or3A_416 = arith.ori %gt3A_412, %and3A_415 : vector<16xi1>
    %select_n3A_417 = arith.select %or3A_416, %gather3A_408, %scan3A_197#6 : vector<16xi1>, vector<16xf32>
    %select_n3A_418 = arith.select %or3A_416, %gather3A_411, %scan3A_197#7 : vector<16xi1>, vector<16xi32>
    %xor3A_419 = arith.constant 2 : i32
    %xor3A_420 = vector.broadcast %xor3A_419 : i32 to vector<16xi32>
    %xor3A_421 = arith.xori %iota3A, %xor3A_420 : vector<16xi32>
    %broadcast_in_dim3A_422 = vector.shape_cast %xor3A_421 : vector<16xi32> to vector<16x1xi32>
    %gather3A_423 = vector.shape_cast %broadcast_in_dim3A_422 : vector<16x1xi32> to vector<16xi32>
    %gather3A_424 = tpu.dynamic_gather %select_n3A_417[%gather3A_423] in [0] : vector<16xf32>, vector<16xi32> -> vector<16xf32>
    %broadcast_in_dim3A_425 = vector.shape_cast %xor3A_421 : vector<16xi32> to vector<16x1xi32>
    %gather3A_426 = vector.shape_cast %broadcast_in_dim3A_425 : vector<16x1xi32> to vector<16xi32>
    %gather3A_427 = tpu.dynamic_gather %select_n3A_418[%gather3A_426] in [0] : vector<16xi32>, vector<16xi32> -> vector<16xi32>
    %gt3A_428 = arith.cmpf ogt, %gather3A_424, %select_n3A_417 : vector<16xf32>
    %eq3A_429 = arith.cmpf oeq, %gather3A_424, %select_n3A_417 : vector<16xf32>
    %lt3A_430 = arith.cmpi slt, %gather3A_427, %select_n3A_418 : vector<16xi32>
    %and3A_431 = arith.andi %eq3A_429, %lt3A_430 : vector<16xi1>
    %or3A_432 = arith.ori %gt3A_428, %and3A_431 : vector<16xi1>
    %select_n3A_433 = arith.select %or3A_432, %gather3A_424, %select_n3A_417 : vector<16xi1>, vector<16xf32>
    %select_n3A_434 = arith.select %or3A_432, %gather3A_427, %select_n3A_418 : vector<16xi1>, vector<16xi32>
    %xor3A_435 = arith.constant 4 : i32
    %xor3A_436 = vector.broadcast %xor3A_435 : i32 to vector<16xi32>
    %xor3A_437 = arith.xori %iota3A, %xor3A_436 : vector<16xi32>
    %broadcast_in_dim3A_438 = vector.shape_cast %xor3A_437 : vector<16xi32> to vector<16x1xi32>
    %gather3A_439 = vector.shape_cast %broadcast_in_dim3A_438 : vector<16x1xi32> to vector<16xi32>
    %gather3A_440 = tpu.dynamic_gather %select_n3A_433[%gather3A_439] in [0] : vector<16xf32>, vector<16xi32> -> vector<16xf32>
    %broadcast_in_dim3A_441 = vector.shape_cast %xor3A_437 : vector<16xi32> to vector<16x1xi32>
    %gather3A_442 = vector.shape_cast %broadcast_in_dim3A_441 : vector<16x1xi32> to vector<16xi32>
    %gather3A_443 = tpu.dynamic_gather %select_n3A_434[%gather3A_442] in [0] : vector<16xi32>, vector<16xi32> -> vector<16xi32>
    %gt3A_444 = arith.cmpf ogt, %gather3A_440, %select_n3A_433 : vector<16xf32>
    %eq3A_445 = arith.cmpf oeq, %gather3A_440, %select_n3A_433 : vector<16xf32>
    %lt3A_446 = arith.cmpi slt, %gather3A_443, %select_n3A_434 : vector<16xi32>
    %and3A_447 = arith.andi %eq3A_445, %lt3A_446 : vector<16xi1>
    %or3A_448 = arith.ori %gt3A_444, %and3A_447 : vector<16xi1>
    %select_n3A_449 = arith.select %or3A_448, %gather3A_440, %select_n3A_433 : vector<16xi1>, vector<16xf32>
    %select_n3A_450 = arith.select %or3A_448, %gather3A_443, %select_n3A_434 : vector<16xi1>, vector<16xi32>
    %xor3A_451 = arith.constant 8 : i32
    %xor3A_452 = vector.broadcast %xor3A_451 : i32 to vector<16xi32>
    %xor3A_453 = arith.xori %iota3A, %xor3A_452 : vector<16xi32>
    %broadcast_in_dim3A_454 = vector.shape_cast %xor3A_453 : vector<16xi32> to vector<16x1xi32>
    %gather3A_455 = vector.shape_cast %broadcast_in_dim3A_454 : vector<16x1xi32> to vector<16xi32>
    %gather3A_456 = tpu.dynamic_gather %select_n3A_449[%gather3A_455] in [0] : vector<16xf32>, vector<16xi32> -> vector<16xf32>
    %broadcast_in_dim3A_457 = vector.shape_cast %xor3A_453 : vector<16xi32> to vector<16x1xi32>
    %gather3A_458 = vector.shape_cast %broadcast_in_dim3A_457 : vector<16x1xi32> to vector<16xi32>
    %gather3A_459 = tpu.dynamic_gather %select_n3A_450[%gather3A_458] in [0] : vector<16xi32>, vector<16xi32> -> vector<16xi32>
    %gt3A_460 = arith.cmpf ogt, %gather3A_456, %select_n3A_449 : vector<16xf32>
    %eq3A_461 = arith.cmpf oeq, %gather3A_456, %select_n3A_449 : vector<16xf32>
    %lt3A_462 = arith.cmpi slt, %gather3A_459, %select_n3A_450 : vector<16xi32>
    %and3A_463 = arith.andi %eq3A_461, %lt3A_462 : vector<16xi1>
    %or3A_464 = arith.ori %gt3A_460, %and3A_463 : vector<16xi1>
    %select_n3A_465 = arith.select %or3A_464, %gather3A_456, %select_n3A_449 : vector<16xi1>, vector<16xf32>
    %select_n3A_466 = arith.select %or3A_464, %gather3A_459, %select_n3A_450 : vector<16xi1>, vector<16xi32>
    %eq3A_467 = arith.constant 0 : i32
    %eq3A_468 = vector.broadcast %eq3A_467 : i32 to vector<16xi32>
    %eq3A_469 = arith.cmpi eq, %iota3A, %eq3A_468 : vector<16xi32>
    %jit3A_470 = arith.constant 0 : i32
    %broadcast_in_dim3A_471 = vector.broadcast %jit3A_470 : i32 to vector<16xi32>
    %select_n3A_472 = arith.select %eq3A_469, %select_n3A_466, %broadcast_in_dim3A_471 : vector<16xi1>, vector<16xi32>
    %add3A_473 = arith.addi %add3A_402, %select_n3A_472 : vector<16xi32>
    %mul3A_474 = arith.constant 2 : i32
    %mul3A_475 = arith.muli %add3A, %mul3A_474 : i32
    %add3A_476 = arith.constant 1 : i32
    %add3A_477 = arith.addi %mul3A_475, %add3A_476 : i32
    "tpu.region"() ({
      %run_scoped3A = tpu.sem_alloc : memref<!tpu.dma_semaphore, #tpu.memory_space<semaphore_mem>>
      %dma_start3A_961 = arith.constant 0 : i32
      %dma_start3A_962 = tpu.memref_slice %arg2[%add3A_477, %dma_start3A_961] : memref<64x8192xf32, #tpu.memory_space<hbm>> -> memref<1x8192xf32, #tpu.memory_space<hbm>>
      %dma_start3A_963 = tpu.memref_squeeze %dma_start3A_962 : memref<1x8192xf32, #tpu.memory_space<hbm>> -> memref<8192xf32, #tpu.memory_space<hbm>>
      %dma_start3A_964 = arith.constant 0 : i32
      %dma_start3A_965 = tpu.memref_slice %arg2[%add3A_477, %dma_start3A_964] : memref<64x8192xf32, #tpu.memory_space<hbm>> -> memref<1x8192xf32, #tpu.memory_space<hbm>>
      %dma_start3A_966 = tpu.memref_squeeze %dma_start3A_965 : memref<1x8192xf32, #tpu.memory_space<hbm>> -> memref<8192xf32, #tpu.memory_space<hbm>>
      tpu.enqueue_dma source(%dma_start3A_966 : memref<8192xf32, #tpu.memory_space<hbm>>) target(%arg5 : memref<8192xf32, #tpu.memory_space<vmem>>) target_semaphore(%run_scoped3A : memref<!tpu.dma_semaphore, #tpu.memory_space<semaphore_mem>>)
      %dma_wait3A_967 = arith.constant 0 : i32
      %dma_wait3A_968 = tpu.memref_slice %arg2[%add3A_477, %dma_wait3A_967] : memref<64x8192xf32, #tpu.memory_space<hbm>> -> memref<1x8192xf32, #tpu.memory_space<hbm>>
      %dma_wait3A_969 = tpu.memref_squeeze %dma_wait3A_968 : memref<1x8192xf32, #tpu.memory_space<hbm>> -> memref<8192xf32, #tpu.memory_space<hbm>>
      %dma_wait3A_970 = arith.constant 0 : i32
      %dma_wait3A_971 = tpu.memref_slice %arg2[%add3A_477, %dma_wait3A_970] : memref<64x8192xf32, #tpu.memory_space<hbm>> -> memref<1x8192xf32, #tpu.memory_space<hbm>>
      %dma_wait3A_972 = tpu.memref_squeeze %dma_wait3A_971 : memref<1x8192xf32, #tpu.memory_space<hbm>> -> memref<8192xf32, #tpu.memory_space<hbm>>
      tpu.wait_dma2 semaphore(%run_scoped3A : memref<!tpu.dma_semaphore, #tpu.memory_space<semaphore_mem>>) src(%dma_wait3A_972 : memref<8192xf32, #tpu.memory_space<hbm>>) dst(%arg5 : memref<8192xf32, #tpu.memory_space<vmem>>)
      tpu.yield
    }) : () -> ()
    %dma_start3A_478 = arith.constant 0 : i32
    %dma_start3A_479 = arith.constant 0 : i32
    %dma_start3A_480 = arith.constant 0 : i32
    %dma_start3A_481 = tpu.memref_slice %arg6[%dma_start3A_479, %dma_start3A_480] : memref<8x8192xf32, #tpu.memory_space<vmem>> -> memref<1x8192xf32, #tpu.memory_space<vmem>>
    %dma_start3A_482 = tpu.memref_squeeze %dma_start3A_481 : memref<1x8192xf32, #tpu.memory_space<vmem>> -> memref<8192xf32, #tpu.memory_space<vmem>>
    %dma_start3A_483 = arith.constant 0 : i32
    %dma_start3A_484 = tpu.memref_slice %arg3[%add3A_477, %dma_start3A_478, %dma_start3A_483] : memref<64x100x8192xf32, #tpu.memory_space<hbm>> -> memref<1x1x8192xf32, #tpu.memory_space<hbm>>
    %dma_start3A_485 = tpu.memref_squeeze %dma_start3A_484 : memref<1x1x8192xf32, #tpu.memory_space<hbm>> -> memref<8192xf32, #tpu.memory_space<hbm>>
    %dma_start3A_486 = arith.constant 0 : i32
    %dma_start3A_487 = tpu.memref_slice %arg6[%dma_start3A_479, %dma_start3A_486] : memref<8x8192xf32, #tpu.memory_space<vmem>> -> memref<1x8192xf32, #tpu.memory_space<vmem>>
    %dma_start3A_488 = tpu.memref_squeeze %dma_start3A_487 : memref<1x8192xf32, #tpu.memory_space<vmem>> -> memref<8192xf32, #tpu.memory_space<vmem>>
    %dma_start3A_489 = arith.constant 0 : i32
    %dma_start3A_490 = tpu.memref_slice %arg3[%add3A_477, %dma_start3A_478, %dma_start3A_489] : memref<64x100x8192xf32, #tpu.memory_space<hbm>> -> memref<1x1x8192xf32, #tpu.memory_space<hbm>>
    %dma_start3A_491 = tpu.memref_squeeze %dma_start3A_490 : memref<1x1x8192xf32, #tpu.memory_space<hbm>> -> memref<8192xf32, #tpu.memory_space<hbm>>
    tpu.enqueue_dma source(%dma_start3A_491 : memref<8192xf32, #tpu.memory_space<hbm>>) target(%dma_start3A_488 : memref<8192xf32, #tpu.memory_space<vmem>>) target_semaphore(%arg8 : memref<!tpu.dma_semaphore, #tpu.memory_space<semaphore_mem>>)
    %dma_start3A_492 = arith.constant 1 : i32
    %dma_start3A_493 = arith.constant 1 : i32
    %dma_start3A_494 = arith.constant 0 : i32
    %dma_start3A_495 = tpu.memref_slice %arg6[%dma_start3A_493, %dma_start3A_494] : memref<8x8192xf32, #tpu.memory_space<vmem>> -> memref<1x8192xf32, #tpu.memory_space<vmem>>
    %dma_start3A_496 = tpu.memref_squeeze %dma_start3A_495 : memref<1x8192xf32, #tpu.memory_space<vmem>> -> memref<8192xf32, #tpu.memory_space<vmem>>
    %dma_start3A_497 = arith.constant 0 : i32
    %dma_start3A_498 = tpu.memref_slice %arg3[%add3A_477, %dma_start3A_492, %dma_start3A_497] : memref<64x100x8192xf32, #tpu.memory_space<hbm>> -> memref<1x1x8192xf32, #tpu.memory_space<hbm>>
    %dma_start3A_499 = tpu.memref_squeeze %dma_start3A_498 : memref<1x1x8192xf32, #tpu.memory_space<hbm>> -> memref<8192xf32, #tpu.memory_space<hbm>>
    %dma_start3A_500 = arith.constant 0 : i32
    %dma_start3A_501 = tpu.memref_slice %arg6[%dma_start3A_493, %dma_start3A_500] : memref<8x8192xf32, #tpu.memory_space<vmem>> -> memref<1x8192xf32, #tpu.memory_space<vmem>>
    %dma_start3A_502 = tpu.memref_squeeze %dma_start3A_501 : memref<1x8192xf32, #tpu.memory_space<vmem>> -> memref<8192xf32, #tpu.memory_space<vmem>>
    %dma_start3A_503 = arith.constant 0 : i32
    %dma_start3A_504 = tpu.memref_slice %arg3[%add3A_477, %dma_start3A_492, %dma_start3A_503] : memref<64x100x8192xf32, #tpu.memory_space<hbm>> -> memref<1x1x8192xf32, #tpu.memory_space<hbm>>
    %dma_start3A_505 = tpu.memref_squeeze %dma_start3A_504 : memref<1x1x8192xf32, #tpu.memory_space<hbm>> -> memref<8192xf32, #tpu.memory_space<hbm>>
    tpu.enqueue_dma source(%dma_start3A_505 : memref<8192xf32, #tpu.memory_space<hbm>>) target(%dma_start3A_502 : memref<8192xf32, #tpu.memory_space<vmem>>) target_semaphore(%arg8 : memref<!tpu.dma_semaphore, #tpu.memory_space<semaphore_mem>>)
    %dma_start3A_506 = arith.constant 2 : i32
    %dma_start3A_507 = arith.constant 2 : i32
    %dma_start3A_508 = arith.constant 0 : i32
    %dma_start3A_509 = tpu.memref_slice %arg6[%dma_start3A_507, %dma_start3A_508] : memref<8x8192xf32, #tpu.memory_space<vmem>> -> memref<1x8192xf32, #tpu.memory_space<vmem>>
    %dma_start3A_510 = tpu.memref_squeeze %dma_start3A_509 : memref<1x8192xf32, #tpu.memory_space<vmem>> -> memref<8192xf32, #tpu.memory_space<vmem>>
    %dma_start3A_511 = arith.constant 0 : i32
    %dma_start3A_512 = tpu.memref_slice %arg3[%add3A_477, %dma_start3A_506, %dma_start3A_511] : memref<64x100x8192xf32, #tpu.memory_space<hbm>> -> memref<1x1x8192xf32, #tpu.memory_space<hbm>>
    %dma_start3A_513 = tpu.memref_squeeze %dma_start3A_512 : memref<1x1x8192xf32, #tpu.memory_space<hbm>> -> memref<8192xf32, #tpu.memory_space<hbm>>
    %dma_start3A_514 = arith.constant 0 : i32
    %dma_start3A_515 = tpu.memref_slice %arg6[%dma_start3A_507, %dma_start3A_514] : memref<8x8192xf32, #tpu.memory_space<vmem>> -> memref<1x8192xf32, #tpu.memory_space<vmem>>
    %dma_start3A_516 = tpu.memref_squeeze %dma_start3A_515 : memref<1x8192xf32, #tpu.memory_space<vmem>> -> memref<8192xf32, #tpu.memory_space<vmem>>
    %dma_start3A_517 = arith.constant 0 : i32
    %dma_start3A_518 = tpu.memref_slice %arg3[%add3A_477, %dma_start3A_506, %dma_start3A_517] : memref<64x100x8192xf32, #tpu.memory_space<hbm>> -> memref<1x1x8192xf32, #tpu.memory_space<hbm>>
    %dma_start3A_519 = tpu.memref_squeeze %dma_start3A_518 : memref<1x1x8192xf32, #tpu.memory_space<hbm>> -> memref<8192xf32, #tpu.memory_space<hbm>>
    tpu.enqueue_dma source(%dma_start3A_519 : memref<8192xf32, #tpu.memory_space<hbm>>) target(%dma_start3A_516 : memref<8192xf32, #tpu.memory_space<vmem>>) target_semaphore(%arg8 : memref<!tpu.dma_semaphore, #tpu.memory_space<semaphore_mem>>)
    %dma_start3A_520 = arith.constant 3 : i32
    %dma_start3A_521 = arith.constant 3 : i32
    %dma_start3A_522 = arith.constant 0 : i32
    %dma_start3A_523 = tpu.memref_slice %arg6[%dma_start3A_521, %dma_start3A_522] : memref<8x8192xf32, #tpu.memory_space<vmem>> -> memref<1x8192xf32, #tpu.memory_space<vmem>>
    %dma_start3A_524 = tpu.memref_squeeze %dma_start3A_523 : memref<1x8192xf32, #tpu.memory_space<vmem>> -> memref<8192xf32, #tpu.memory_space<vmem>>
    %dma_start3A_525 = arith.constant 0 : i32
    %dma_start3A_526 = tpu.memref_slice %arg3[%add3A_477, %dma_start3A_520, %dma_start3A_525] : memref<64x100x8192xf32, #tpu.memory_space<hbm>> -> memref<1x1x8192xf32, #tpu.memory_space<hbm>>
    %dma_start3A_527 = tpu.memref_squeeze %dma_start3A_526 : memref<1x1x8192xf32, #tpu.memory_space<hbm>> -> memref<8192xf32, #tpu.memory_space<hbm>>
    %dma_start3A_528 = arith.constant 0 : i32
    %dma_start3A_529 = tpu.memref_slice %arg6[%dma_start3A_521, %dma_start3A_528] : memref<8x8192xf32, #tpu.memory_space<vmem>> -> memref<1x8192xf32, #tpu.memory_space<vmem>>
    %dma_start3A_530 = tpu.memref_squeeze %dma_start3A_529 : memref<1x8192xf32, #tpu.memory_space<vmem>> -> memref<8192xf32, #tpu.memory_space<vmem>>
    %dma_start3A_531 = arith.constant 0 : i32
    %dma_start3A_532 = tpu.memref_slice %arg3[%add3A_477, %dma_start3A_520, %dma_start3A_531] : memref<64x100x8192xf32, #tpu.memory_space<hbm>> -> memref<1x1x8192xf32, #tpu.memory_space<hbm>>
    %dma_start3A_533 = tpu.memref_squeeze %dma_start3A_532 : memref<1x1x8192xf32, #tpu.memory_space<hbm>> -> memref<8192xf32, #tpu.memory_space<hbm>>
    tpu.enqueue_dma source(%dma_start3A_533 : memref<8192xf32, #tpu.memory_space<hbm>>) target(%dma_start3A_530 : memref<8192xf32, #tpu.memory_space<vmem>>) target_semaphore(%arg8 : memref<!tpu.dma_semaphore, #tpu.memory_space<semaphore_mem>>)
    %dma_start3A_534 = arith.constant 4 : i32
    %dma_start3A_535 = arith.constant 4 : i32
    %dma_start3A_536 = arith.constant 0 : i32
    %dma_start3A_537 = tpu.memref_slice %arg6[%dma_start3A_535, %dma_start3A_536] : memref<8x8192xf32, #tpu.memory_space<vmem>> -> memref<1x8192xf32, #tpu.memory_space<vmem>>
    %dma_start3A_538 = tpu.memref_squeeze %dma_start3A_537 : memref<1x8192xf32, #tpu.memory_space<vmem>> -> memref<8192xf32, #tpu.memory_space<vmem>>
    %dma_start3A_539 = arith.constant 0 : i32
    %dma_start3A_540 = tpu.memref_slice %arg3[%add3A_477, %dma_start3A_534, %dma_start3A_539] : memref<64x100x8192xf32, #tpu.memory_space<hbm>> -> memref<1x1x8192xf32, #tpu.memory_space<hbm>>
    %dma_start3A_541 = tpu.memref_squeeze %dma_start3A_540 : memref<1x1x8192xf32, #tpu.memory_space<hbm>> -> memref<8192xf32, #tpu.memory_space<hbm>>
    %dma_start3A_542 = arith.constant 0 : i32
    %dma_start3A_543 = tpu.memref_slice %arg6[%dma_start3A_535, %dma_start3A_542] : memref<8x8192xf32, #tpu.memory_space<vmem>> -> memref<1x8192xf32, #tpu.memory_space<vmem>>
    %dma_start3A_544 = tpu.memref_squeeze %dma_start3A_543 : memref<1x8192xf32, #tpu.memory_space<vmem>> -> memref<8192xf32, #tpu.memory_space<vmem>>
    %dma_start3A_545 = arith.constant 0 : i32
    %dma_start3A_546 = tpu.memref_slice %arg3[%add3A_477, %dma_start3A_534, %dma_start3A_545] : memref<64x100x8192xf32, #tpu.memory_space<hbm>> -> memref<1x1x8192xf32, #tpu.memory_space<hbm>>
    %dma_start3A_547 = tpu.memref_squeeze %dma_start3A_546 : memref<1x1x8192xf32, #tpu.memory_space<hbm>> -> memref<8192xf32, #tpu.memory_space<hbm>>
    tpu.enqueue_dma source(%dma_start3A_547 : memref<8192xf32, #tpu.memory_space<hbm>>) target(%dma_start3A_544 : memref<8192xf32, #tpu.memory_space<vmem>>) target_semaphore(%arg9 : memref<!tpu.dma_semaphore, #tpu.memory_space<semaphore_mem>>)
    %dma_start3A_548 = arith.constant 5 : i32
    %dma_start3A_549 = arith.constant 5 : i32
    %dma_start3A_550 = arith.constant 0 : i32
    %dma_start3A_551 = tpu.memref_slice %arg6[%dma_start3A_549, %dma_start3A_550] : memref<8x8192xf32, #tpu.memory_space<vmem>> -> memref<1x8192xf32, #tpu.memory_space<vmem>>
    %dma_start3A_552 = tpu.memref_squeeze %dma_start3A_551 : memref<1x8192xf32, #tpu.memory_space<vmem>> -> memref<8192xf32, #tpu.memory_space<vmem>>
    %dma_start3A_553 = arith.constant 0 : i32
    %dma_start3A_554 = tpu.memref_slice %arg3[%add3A_477, %dma_start3A_548, %dma_start3A_553] : memref<64x100x8192xf32, #tpu.memory_space<hbm>> -> memref<1x1x8192xf32, #tpu.memory_space<hbm>>
    %dma_start3A_555 = tpu.memref_squeeze %dma_start3A_554 : memref<1x1x8192xf32, #tpu.memory_space<hbm>> -> memref<8192xf32, #tpu.memory_space<hbm>>
    %dma_start3A_556 = arith.constant 0 : i32
    %dma_start3A_557 = tpu.memref_slice %arg6[%dma_start3A_549, %dma_start3A_556] : memref<8x8192xf32, #tpu.memory_space<vmem>> -> memref<1x8192xf32, #tpu.memory_space<vmem>>
    %dma_start3A_558 = tpu.memref_squeeze %dma_start3A_557 : memref<1x8192xf32, #tpu.memory_space<vmem>> -> memref<8192xf32, #tpu.memory_space<vmem>>
    %dma_start3A_559 = arith.constant 0 : i32
    %dma_start3A_560 = tpu.memref_slice %arg3[%add3A_477, %dma_start3A_548, %dma_start3A_559] : memref<64x100x8192xf32, #tpu.memory_space<hbm>> -> memref<1x1x8192xf32, #tpu.memory_space<hbm>>
    %dma_start3A_561 = tpu.memref_squeeze %dma_start3A_560 : memref<1x1x8192xf32, #tpu.memory_space<hbm>> -> memref<8192xf32, #tpu.memory_space<hbm>>
    tpu.enqueue_dma source(%dma_start3A_561 : memref<8192xf32, #tpu.memory_space<hbm>>) target(%dma_start3A_558 : memref<8192xf32, #tpu.memory_space<vmem>>) target_semaphore(%arg9 : memref<!tpu.dma_semaphore, #tpu.memory_space<semaphore_mem>>)
    %dma_start3A_562 = arith.constant 6 : i32
    %dma_start3A_563 = arith.constant 6 : i32
    %dma_start3A_564 = arith.constant 0 : i32
    %dma_start3A_565 = tpu.memref_slice %arg6[%dma_start3A_563, %dma_start3A_564] : memref<8x8192xf32, #tpu.memory_space<vmem>> -> memref<1x8192xf32, #tpu.memory_space<vmem>>
    %dma_start3A_566 = tpu.memref_squeeze %dma_start3A_565 : memref<1x8192xf32, #tpu.memory_space<vmem>> -> memref<8192xf32, #tpu.memory_space<vmem>>
    %dma_start3A_567 = arith.constant 0 : i32
    %dma_start3A_568 = tpu.memref_slice %arg3[%add3A_477, %dma_start3A_562, %dma_start3A_567] : memref<64x100x8192xf32, #tpu.memory_space<hbm>> -> memref<1x1x8192xf32, #tpu.memory_space<hbm>>
    %dma_start3A_569 = tpu.memref_squeeze %dma_start3A_568 : memref<1x1x8192xf32, #tpu.memory_space<hbm>> -> memref<8192xf32, #tpu.memory_space<hbm>>
    %dma_start3A_570 = arith.constant 0 : i32
    %dma_start3A_571 = tpu.memref_slice %arg6[%dma_start3A_563, %dma_start3A_570] : memref<8x8192xf32, #tpu.memory_space<vmem>> -> memref<1x8192xf32, #tpu.memory_space<vmem>>
    %dma_start3A_572 = tpu.memref_squeeze %dma_start3A_571 : memref<1x8192xf32, #tpu.memory_space<vmem>> -> memref<8192xf32, #tpu.memory_space<vmem>>
    %dma_start3A_573 = arith.constant 0 : i32
    %dma_start3A_574 = tpu.memref_slice %arg3[%add3A_477, %dma_start3A_562, %dma_start3A_573] : memref<64x100x8192xf32, #tpu.memory_space<hbm>> -> memref<1x1x8192xf32, #tpu.memory_space<hbm>>
    %dma_start3A_575 = tpu.memref_squeeze %dma_start3A_574 : memref<1x1x8192xf32, #tpu.memory_space<hbm>> -> memref<8192xf32, #tpu.memory_space<hbm>>
    tpu.enqueue_dma source(%dma_start3A_575 : memref<8192xf32, #tpu.memory_space<hbm>>) target(%dma_start3A_572 : memref<8192xf32, #tpu.memory_space<vmem>>) target_semaphore(%arg9 : memref<!tpu.dma_semaphore, #tpu.memory_space<semaphore_mem>>)
    %dma_start3A_576 = arith.constant 7 : i32
    %dma_start3A_577 = arith.constant 7 : i32
    %dma_start3A_578 = arith.constant 0 : i32
    %dma_start3A_579 = tpu.memref_slice %arg6[%dma_start3A_577, %dma_start3A_578] : memref<8x8192xf32, #tpu.memory_space<vmem>> -> memref<1x8192xf32, #tpu.memory_space<vmem>>
    %dma_start3A_580 = tpu.memref_squeeze %dma_start3A_579 : memref<1x8192xf32, #tpu.memory_space<vmem>> -> memref<8192xf32, #tpu.memory_space<vmem>>
    %dma_start3A_581 = arith.constant 0 : i32
    %dma_start3A_582 = tpu.memref_slice %arg3[%add3A_477, %dma_start3A_576, %dma_start3A_581] : memref<64x100x8192xf32, #tpu.memory_space<hbm>> -> memref<1x1x8192xf32, #tpu.memory_space<hbm>>
    %dma_start3A_583 = tpu.memref_squeeze %dma_start3A_582 : memref<1x1x8192xf32, #tpu.memory_space<hbm>> -> memref<8192xf32, #tpu.memory_space<hbm>>
    %dma_start3A_584 = arith.constant 0 : i32
    %dma_start3A_585 = tpu.memref_slice %arg6[%dma_start3A_577, %dma_start3A_584] : memref<8x8192xf32, #tpu.memory_space<vmem>> -> memref<1x8192xf32, #tpu.memory_space<vmem>>
    %dma_start3A_586 = tpu.memref_squeeze %dma_start3A_585 : memref<1x8192xf32, #tpu.memory_space<vmem>> -> memref<8192xf32, #tpu.memory_space<vmem>>
    %dma_start3A_587 = arith.constant 0 : i32
    %dma_start3A_588 = tpu.memref_slice %arg3[%add3A_477, %dma_start3A_576, %dma_start3A_587] : memref<64x100x8192xf32, #tpu.memory_space<hbm>> -> memref<1x1x8192xf32, #tpu.memory_space<hbm>>
    %dma_start3A_589 = tpu.memref_squeeze %dma_start3A_588 : memref<1x1x8192xf32, #tpu.memory_space<hbm>> -> memref<8192xf32, #tpu.memory_space<hbm>>
    tpu.enqueue_dma source(%dma_start3A_589 : memref<8192xf32, #tpu.memory_space<hbm>>) target(%dma_start3A_586 : memref<8192xf32, #tpu.memory_space<vmem>>) target_semaphore(%arg9 : memref<!tpu.dma_semaphore, #tpu.memory_space<semaphore_mem>>)
    %scan3A_590 = arith.constant 0 : i32
    %scan3A_591 = arith.constant 12 : i32
    %scan3A_592 = arith.addi %scan3A_590, %scan3A_591 : i32
    %scan3A_593 = arith.constant 1 : i32
    %scan3A_594 = scf.for %scan3A_961 = %scan3A_590 to %scan3A_592 step %scan3A_593 iter_args(%scan3A_962 = %add3A_473) -> (vector<16xi32>)  : i32 {
      %mul3A_963 = arith.constant 2 : i32
      %mul3A_964 = arith.muli %mul3A_963, %scan3A_961 : i32
      %mul3A_965 = arith.constant 4 : i32
      %mul3A_966 = arith.muli %mul3A_964, %mul3A_965 : i32
      %add3A_967 = arith.constant 0 : i32
      %add3A_968 = arith.addi %mul3A_966, %add3A_967 : i32
      %dma_wait3A_969 = arith.constant 0 : i32
      %dma_wait3A_970 = arith.constant 0 : i32
      %dma_wait3A_971 = tpu.memref_slice %arg6[%dma_wait3A_969, %dma_wait3A_970] : memref<8x8192xf32, #tpu.memory_space<vmem>> -> memref<1x8192xf32, #tpu.memory_space<vmem>>
      %dma_wait3A_972 = tpu.memref_squeeze %dma_wait3A_971 : memref<1x8192xf32, #tpu.memory_space<vmem>> -> memref<8192xf32, #tpu.memory_space<vmem>>
      %dma_wait3A_973 = arith.constant 0 : i32
      %dma_wait3A_974 = tpu.memref_slice %arg3[%add3A_477, %add3A_968, %dma_wait3A_973] : memref<64x100x8192xf32, #tpu.memory_space<hbm>> -> memref<1x1x8192xf32, #tpu.memory_space<hbm>>
      %dma_wait3A_975 = tpu.memref_squeeze %dma_wait3A_974 : memref<1x1x8192xf32, #tpu.memory_space<hbm>> -> memref<8192xf32, #tpu.memory_space<hbm>>
      %dma_wait3A_976 = arith.constant 0 : i32
      %dma_wait3A_977 = tpu.memref_slice %arg6[%dma_wait3A_969, %dma_wait3A_976] : memref<8x8192xf32, #tpu.memory_space<vmem>> -> memref<1x8192xf32, #tpu.memory_space<vmem>>
      %dma_wait3A_978 = tpu.memref_squeeze %dma_wait3A_977 : memref<1x8192xf32, #tpu.memory_space<vmem>> -> memref<8192xf32, #tpu.memory_space<vmem>>
      %dma_wait3A_979 = arith.constant 0 : i32
      %dma_wait3A_980 = tpu.memref_slice %arg3[%add3A_477, %add3A_968, %dma_wait3A_979] : memref<64x100x8192xf32, #tpu.memory_space<hbm>> -> memref<1x1x8192xf32, #tpu.memory_space<hbm>>
      %dma_wait3A_981 = tpu.memref_squeeze %dma_wait3A_980 : memref<1x1x8192xf32, #tpu.memory_space<hbm>> -> memref<8192xf32, #tpu.memory_space<hbm>>
      tpu.wait_dma2 semaphore(%arg8 : memref<!tpu.dma_semaphore, #tpu.memory_space<semaphore_mem>>) src(%dma_wait3A_981 : memref<8192xf32, #tpu.memory_space<hbm>>) dst(%dma_wait3A_978 : memref<8192xf32, #tpu.memory_space<vmem>>)
      %mul3A_982 = arith.constant 4 : i32
      %mul3A_983 = arith.muli %mul3A_964, %mul3A_982 : i32
      %add3A_984 = arith.constant 1 : i32
      %add3A_985 = arith.addi %mul3A_983, %add3A_984 : i32
      %dma_wait3A_986 = arith.constant 1 : i32
      %dma_wait3A_987 = arith.constant 0 : i32
      %dma_wait3A_988 = tpu.memref_slice %arg6[%dma_wait3A_986, %dma_wait3A_987] : memref<8x8192xf32, #tpu.memory_space<vmem>> -> memref<1x8192xf32, #tpu.memory_space<vmem>>
      %dma_wait3A_989 = tpu.memref_squeeze %dma_wait3A_988 : memref<1x8192xf32, #tpu.memory_space<vmem>> -> memref<8192xf32, #tpu.memory_space<vmem>>
      %dma_wait3A_990 = arith.constant 0 : i32
      %dma_wait3A_991 = tpu.memref_slice %arg3[%add3A_477, %add3A_985, %dma_wait3A_990] : memref<64x100x8192xf32, #tpu.memory_space<hbm>> -> memref<1x1x8192xf32, #tpu.memory_space<hbm>>
      %dma_wait3A_992 = tpu.memref_squeeze %dma_wait3A_991 : memref<1x1x8192xf32, #tpu.memory_space<hbm>> -> memref<8192xf32, #tpu.memory_space<hbm>>
      %dma_wait3A_993 = arith.constant 0 : i32
      %dma_wait3A_994 = tpu.memref_slice %arg6[%dma_wait3A_986, %dma_wait3A_993] : memref<8x8192xf32, #tpu.memory_space<vmem>> -> memref<1x8192xf32, #tpu.memory_space<vmem>>
      %dma_wait3A_995 = tpu.memref_squeeze %dma_wait3A_994 : memref<1x8192xf32, #tpu.memory_space<vmem>> -> memref<8192xf32, #tpu.memory_space<vmem>>
      %dma_wait3A_996 = arith.constant 0 : i32
      %dma_wait3A_997 = tpu.memref_slice %arg3[%add3A_477, %add3A_985, %dma_wait3A_996] : memref<64x100x8192xf32, #tpu.memory_space<hbm>> -> memref<1x1x8192xf32, #tpu.memory_space<hbm>>
      %dma_wait3A_998 = tpu.memref_squeeze %dma_wait3A_997 : memref<1x1x8192xf32, #tpu.memory_space<hbm>> -> memref<8192xf32, #tpu.memory_space<hbm>>
      tpu.wait_dma2 semaphore(%arg8 : memref<!tpu.dma_semaphore, #tpu.memory_space<semaphore_mem>>) src(%dma_wait3A_998 : memref<8192xf32, #tpu.memory_space<hbm>>) dst(%dma_wait3A_995 : memref<8192xf32, #tpu.memory_space<vmem>>)
      %mul3A_999 = arith.constant 4 : i32
      %mul3A_1000 = arith.muli %mul3A_964, %mul3A_999 : i32
      %add3A_1001 = arith.constant 2 : i32
      %add3A_1002 = arith.addi %mul3A_1000, %add3A_1001 : i32
      %dma_wait3A_1003 = arith.constant 2 : i32
      %dma_wait3A_1004 = arith.constant 0 : i32
      %dma_wait3A_1005 = tpu.memref_slice %arg6[%dma_wait3A_1003, %dma_wait3A_1004] : memref<8x8192xf32, #tpu.memory_space<vmem>> -> memref<1x8192xf32, #tpu.memory_space<vmem>>
      %dma_wait3A_1006 = tpu.memref_squeeze %dma_wait3A_1005 : memref<1x8192xf32, #tpu.memory_space<vmem>> -> memref<8192xf32, #tpu.memory_space<vmem>>
      %dma_wait3A_1007 = arith.constant 0 : i32
      %dma_wait3A_1008 = tpu.memref_slice %arg3[%add3A_477, %add3A_1002, %dma_wait3A_1007] : memref<64x100x8192xf32, #tpu.memory_space<hbm>> -> memref<1x1x8192xf32, #tpu.memory_space<hbm>>
      %dma_wait3A_1009 = tpu.memref_squeeze %dma_wait3A_1008 : memref<1x1x8192xf32, #tpu.memory_space<hbm>> -> memref<8192xf32, #tpu.memory_space<hbm>>
      %dma_wait3A_1010 = arith.constant 0 : i32
      %dma_wait3A_1011 = tpu.memref_slice %arg6[%dma_wait3A_1003, %dma_wait3A_1010] : memref<8x8192xf32, #tpu.memory_space<vmem>> -> memref<1x8192xf32, #tpu.memory_space<vmem>>
      %dma_wait3A_1012 = tpu.memref_squeeze %dma_wait3A_1011 : memref<1x8192xf32, #tpu.memory_space<vmem>> -> memref<8192xf32, #tpu.memory_space<vmem>>
      %dma_wait3A_1013 = arith.constant 0 : i32
      %dma_wait3A_1014 = tpu.memref_slice %arg3[%add3A_477, %add3A_1002, %dma_wait3A_1013] : memref<64x100x8192xf32, #tpu.memory_space<hbm>> -> memref<1x1x8192xf32, #tpu.memory_space<hbm>>
      %dma_wait3A_1015 = tpu.memref_squeeze %dma_wait3A_1014 : memref<1x1x8192xf32, #tpu.memory_space<hbm>> -> memref<8192xf32, #tpu.memory_space<hbm>>
      tpu.wait_dma2 semaphore(%arg8 : memref<!tpu.dma_semaphore, #tpu.memory_space<semaphore_mem>>) src(%dma_wait3A_1015 : memref<8192xf32, #tpu.memory_space<hbm>>) dst(%dma_wait3A_1012 : memref<8192xf32, #tpu.memory_space<vmem>>)
      %mul3A_1016 = arith.constant 4 : i32
      %mul3A_1017 = arith.muli %mul3A_964, %mul3A_1016 : i32
      %add3A_1018 = arith.constant 3 : i32
      %add3A_1019 = arith.addi %mul3A_1017, %add3A_1018 : i32
      %dma_wait3A_1020 = arith.constant 3 : i32
      %dma_wait3A_1021 = arith.constant 0 : i32
      %dma_wait3A_1022 = tpu.memref_slice %arg6[%dma_wait3A_1020, %dma_wait3A_1021] : memref<8x8192xf32, #tpu.memory_space<vmem>> -> memref<1x8192xf32, #tpu.memory_space<vmem>>
      %dma_wait3A_1023 = tpu.memref_squeeze %dma_wait3A_1022 : memref<1x8192xf32, #tpu.memory_space<vmem>> -> memref<8192xf32, #tpu.memory_space<vmem>>
      %dma_wait3A_1024 = arith.constant 0 : i32
      %dma_wait3A_1025 = tpu.memref_slice %arg3[%add3A_477, %add3A_1019, %dma_wait3A_1024] : memref<64x100x8192xf32, #tpu.memory_space<hbm>> -> memref<1x1x8192xf32, #tpu.memory_space<hbm>>
      %dma_wait3A_1026 = tpu.memref_squeeze %dma_wait3A_1025 : memref<1x1x8192xf32, #tpu.memory_space<hbm>> -> memref<8192xf32, #tpu.memory_space<hbm>>
      %dma_wait3A_1027 = arith.constant 0 : i32
      %dma_wait3A_1028 = tpu.memref_slice %arg6[%dma_wait3A_1020, %dma_wait3A_1027] : memref<8x8192xf32, #tpu.memory_space<vmem>> -> memref<1x8192xf32, #tpu.memory_space<vmem>>
      %dma_wait3A_1029 = tpu.memref_squeeze %dma_wait3A_1028 : memref<1x8192xf32, #tpu.memory_space<vmem>> -> memref<8192xf32, #tpu.memory_space<vmem>>
      %dma_wait3A_1030 = arith.constant 0 : i32
      %dma_wait3A_1031 = tpu.memref_slice %arg3[%add3A_477, %add3A_1019, %dma_wait3A_1030] : memref<64x100x8192xf32, #tpu.memory_space<hbm>> -> memref<1x1x8192xf32, #tpu.memory_space<hbm>>
      %dma_wait3A_1032 = tpu.memref_squeeze %dma_wait3A_1031 : memref<1x1x8192xf32, #tpu.memory_space<hbm>> -> memref<8192xf32, #tpu.memory_space<hbm>>
      tpu.wait_dma2 semaphore(%arg8 : memref<!tpu.dma_semaphore, #tpu.memory_space<semaphore_mem>>) src(%dma_wait3A_1032 : memref<8192xf32, #tpu.memory_space<hbm>>) dst(%dma_wait3A_1029 : memref<8192xf32, #tpu.memory_space<vmem>>)
      %broadcast_in_dim3A_1033 = arith.constant -3.000000e+38 : f32
      %broadcast_in_dim3A_1034 = vector.broadcast %broadcast_in_dim3A_1033 : f32 to vector<16xf32>
      %broadcast_in_dim3A_1035 = arith.constant 0 : i32
      %broadcast_in_dim3A_1036 = vector.broadcast %broadcast_in_dim3A_1035 : i32 to vector<16xi32>
      %broadcast_in_dim3A_1037 = arith.constant -3.000000e+38 : f32
      %broadcast_in_dim3A_1038 = vector.broadcast %broadcast_in_dim3A_1037 : f32 to vector<16xf32>
      %broadcast_in_dim3A_1039 = arith.constant 0 : i32
      %broadcast_in_dim3A_1040 = vector.broadcast %broadcast_in_dim3A_1039 : i32 to vector<16xi32>
      %broadcast_in_dim3A_1041 = arith.constant -3.000000e+38 : f32
      %broadcast_in_dim3A_1042 = vector.broadcast %broadcast_in_dim3A_1041 : f32 to vector<16xf32>
      %broadcast_in_dim3A_1043 = arith.constant 0 : i32
      %broadcast_in_dim3A_1044 = vector.broadcast %broadcast_in_dim3A_1043 : i32 to vector<16xi32>
      %broadcast_in_dim3A_1045 = arith.constant -3.000000e+38 : f32
      %broadcast_in_dim3A_1046 = vector.broadcast %broadcast_in_dim3A_1045 : f32 to vector<16xf32>
      %broadcast_in_dim3A_1047 = arith.constant 0 : i32
      %broadcast_in_dim3A_1048 = vector.broadcast %broadcast_in_dim3A_1047 : i32 to vector<16xi32>
      %scan3A_1049 = arith.constant 0 : i32
      %scan3A_1050 = arith.constant 512 : i32
      %scan3A_1051 = arith.addi %scan3A_1049, %scan3A_1050 : i32
      %scan3A_1052 = arith.constant 1 : i32
      %scan3A_1053:8 = scf.for %scan3A_1788 = %scan3A_1049 to %scan3A_1051 step %scan3A_1052 iter_args(%scan3A_1789 = %broadcast_in_dim3A_1034, %scan3A_1790 = %broadcast_in_dim3A_1036, %scan3A_1791 = %broadcast_in_dim3A_1038, %scan3A_1792 = %broadcast_in_dim3A_1040, %scan3A_1793 = %broadcast_in_dim3A_1042, %scan3A_1794 = %broadcast_in_dim3A_1044, %scan3A_1795 = %broadcast_in_dim3A_1046, %scan3A_1796 = %broadcast_in_dim3A_1048) -> (vector<16xf32>, vector<16xi32>, vector<16xf32>, vector<16xi32>, vector<16xf32>, vector<16xi32>, vector<16xf32>, vector<16xi32>)  : i32 {
        %mul3A_1797 = arith.constant 16 : i32
        %mul3A_1798 = arith.muli %scan3A_1788, %mul3A_1797 : i32
        %get3A = arith.index_cast %mul3A_1798 : i32 to index
        %get3A_1799 = tpu.vector_load %arg5[%get3A] {strides = array<i32>} : memref<8192xf32, #tpu.memory_space<vmem>>, vector<16xf32>,
        %get3A_1800 = vector.shape_cast %get3A_1799 : vector<16xf32> to vector<16xf32>
        %add3A_1801 = vector.broadcast %mul3A_1798 : i32 to vector<16xi32>
        %add3A_1802 = arith.addi %iota3A, %add3A_1801 : vector<16xi32>
        %get3A_1803 = arith.constant 0 : i32
        %get3A_1804 = arith.index_cast %get3A_1803 : i32 to index
        %get3A_1805 = arith.index_cast %mul3A_1798 : i32 to index
        %get3A_1806 = tpu.vector_load %arg6[%get3A_1804, %get3A_1805] {strides = array<i32>} : memref<8x8192xf32, #tpu.memory_space<vmem>>, vector<1x16xf32>,
        %get3A_1807 = vector.shape_cast %get3A_1806 : vector<1x16xf32> to vector<16xf32>
        %mul3A_1808 = arith.constant 5.000000e-02 : f32
        %mul3A_1809 = vector.broadcast %mul3A_1808 : f32 to vector<16xf32>
        %mul3A_1810 = arith.mulf %mul3A_1809, %get3A_1807 : vector<16xf32>
        %add3A_1811 = arith.addf %get3A_1800, %mul3A_1810 : vector<16xf32>
        %gt3A_1812 = arith.cmpf ogt, %add3A_1811, %scan3A_1789 : vector<16xf32>
        %select_n3A_1813 = arith.select %gt3A_1812, %add3A_1811, %scan3A_1789 : vector<16xi1>, vector<16xf32>
        %select_n3A_1814 = arith.select %gt3A_1812, %add3A_1802, %scan3A_1790 : vector<16xi1>, vector<16xi32>
        %get3A_1815 = arith.constant 1 : i32
        %get3A_1816 = arith.index_cast %get3A_1815 : i32 to index
        %get3A_1817 = arith.index_cast %mul3A_1798 : i32 to index
        %get3A_1818 = tpu.vector_load %arg6[%get3A_1816, %get3A_1817] {strides = array<i32>} : memref<8x8192xf32, #tpu.memory_space<vmem>>, vector<1x16xf32>,
        %get3A_1819 = vector.shape_cast %get3A_1818 : vector<1x16xf32> to vector<16xf32>
        %mul3A_1820 = arith.constant 5.000000e-02 : f32
        %mul3A_1821 = vector.broadcast %mul3A_1820 : f32 to vector<16xf32>
        %mul3A_1822 = arith.mulf %mul3A_1821, %get3A_1819 : vector<16xf32>
        %add3A_1823 = arith.addf %get3A_1800, %mul3A_1822 : vector<16xf32>
        %gt3A_1824 = arith.cmpf ogt, %add3A_1823, %scan3A_1791 : vector<16xf32>
        %select_n3A_1825 = arith.select %gt3A_1824, %add3A_1823, %scan3A_1791 : vector<16xi1>, vector<16xf32>
        %select_n3A_1826 = arith.select %gt3A_1824, %add3A_1802, %scan3A_1792 : vector<16xi1>, vector<16xi32>
        %get3A_1827 = arith.constant 2 : i32
        %get3A_1828 = arith.index_cast %get3A_1827 : i32 to index
        %get3A_1829 = arith.index_cast %mul3A_1798 : i32 to index
        %get3A_1830 = tpu.vector_load %arg6[%get3A_1828, %get3A_1829] {strides = array<i32>} : memref<8x8192xf32, #tpu.memory_space<vmem>>, vector<1x16xf32>,
        %get3A_1831 = vector.shape_cast %get3A_1830 : vector<1x16xf32> to vector<16xf32>
        %mul3A_1832 = arith.constant 5.000000e-02 : f32
        %mul3A_1833 = vector.broadcast %mul3A_1832 : f32 to vector<16xf32>
        %mul3A_1834 = arith.mulf %mul3A_1833, %get3A_1831 : vector<16xf32>
        %add3A_1835 = arith.addf %get3A_1800, %mul3A_1834 : vector<16xf32>
        %gt3A_1836 = arith.cmpf ogt, %add3A_1835, %scan3A_1793 : vector<16xf32>
        %select_n3A_1837 = arith.select %gt3A_1836, %add3A_1835, %scan3A_1793 : vector<16xi1>, vector<16xf32>
        %select_n3A_1838 = arith.select %gt3A_1836, %add3A_1802, %scan3A_1794 : vector<16xi1>, vector<16xi32>
        %get3A_1839 = arith.constant 3 : i32
        %get3A_1840 = arith.index_cast %get3A_1839 : i32 to index
        %get3A_1841 = arith.index_cast %mul3A_1798 : i32 to index
        %get3A_1842 = tpu.vector_load %arg6[%get3A_1840, %get3A_1841] {strides = array<i32>} : memref<8x8192xf32, #tpu.memory_space<vmem>>, vector<1x16xf32>,
        %get3A_1843 = vector.shape_cast %get3A_1842 : vector<1x16xf32> to vector<16xf32>
        %mul3A_1844 = arith.constant 5.000000e-02 : f32
        %mul3A_1845 = vector.broadcast %mul3A_1844 : f32 to vector<16xf32>
        %mul3A_1846 = arith.mulf %mul3A_1845, %get3A_1843 : vector<16xf32>
        %add3A_1847 = arith.addf %get3A_1800, %mul3A_1846 : vector<16xf32>
        %gt3A_1848 = arith.cmpf ogt, %add3A_1847, %scan3A_1795 : vector<16xf32>
        %select_n3A_1849 = arith.select %gt3A_1848, %add3A_1847, %scan3A_1795 : vector<16xi1>, vector<16xf32>
        %select_n3A_1850 = arith.select %gt3A_1848, %add3A_1802, %scan3A_1796 : vector<16xi1>, vector<16xi32>
        scf.yield %select_n3A_1813, %select_n3A_1814, %select_n3A_1825, %select_n3A_1826, %select_n3A_1837, %select_n3A_1838, %select_n3A_1849, %select_n3A_1850 : vector<16xf32>, vector<16xi32>, vector<16xf32>, vector<16xi32>, vector<16xf32>, vector<16xi32>, vector<16xf32>, vector<16xi32>
      }
      %scan3A_1054 = arith.constant 512 : i32
      %xor3A_1055 = arith.constant 1 : i32
      %xor3A_1056 = vector.broadcast %xor3A_1055 : i32 to vector<16xi32>
      %xor3A_1057 = arith.xori %iota3A, %xor3A_1056 : vector<16xi32>
      %broadcast_in_dim3A_1058 = vector.shape_cast %xor3A_1057 : vector<16xi32> to vector<16x1xi32>
      %gather3A_1059 = vector.shape_cast %broadcast_in_dim3A_1058 : vector<16x1xi32> to vector<16xi32>
      %gather3A_1060 = tpu.dynamic_gather %scan3A_1053#0[%gather3A_1059] in [0] : vector<16xf32>, vector<16xi32> -> vector<16xf32>
      %broadcast_in_dim3A_1061 = vector.shape_cast %xor3A_1057 : vector<16xi32> to vector<16x1xi32>
      %gather3A_1062 = vector.shape_cast %broadcast_in_dim3A_1061 : vector<16x1xi32> to vector<16xi32>
      %gather3A_1063 = tpu.dynamic_gather %scan3A_1053#1[%gather3A_1062] in [0] : vector<16xi32>, vector<16xi32> -> vector<16xi32>
      %gt3A_1064 = arith.cmpf ogt, %gather3A_1060, %scan3A_1053#0 : vector<16xf32>
      %eq3A_1065 = arith.cmpf oeq, %gather3A_1060, %scan3A_1053#0 : vector<16xf32>
      %lt3A_1066 = arith.cmpi slt, %gather3A_1063, %scan3A_1053#1 : vector<16xi32>
      %and3A_1067 = arith.andi %eq3A_1065, %lt3A_1066 : vector<16xi1>
      %or3A_1068 = arith.ori %gt3A_1064, %and3A_1067 : vector<16xi1>
      %select_n3A_1069 = arith.select %or3A_1068, %gather3A_1060, %scan3A_1053#0 : vector<16xi1>, vector<16xf32>
      %select_n3A_1070 = arith.select %or3A_1068, %gather3A_1063, %scan3A_1053#1 : vector<16xi1>, vector<16xi32>
      %xor3A_1071 = arith.constant 2 : i32
      %xor3A_1072 = vector.broadcast %xor3A_1071 : i32 to vector<16xi32>
      %xor3A_1073 = arith.xori %iota3A, %xor3A_1072 : vector<16xi32>
      %broadcast_in_dim3A_1074 = vector.shape_cast %xor3A_1073 : vector<16xi32> to vector<16x1xi32>
      %gather3A_1075 = vector.shape_cast %broadcast_in_dim3A_1074 : vector<16x1xi32> to vector<16xi32>
      %gather3A_1076 = tpu.dynamic_gather %select_n3A_1069[%gather3A_1075] in [0] : vector<16xf32>, vector<16xi32> -> vector<16xf32>
      %broadcast_in_dim3A_1077 = vector.shape_cast %xor3A_1073 : vector<16xi32> to vector<16x1xi32>
      %gather3A_1078 = vector.shape_cast %broadcast_in_dim3A_1077 : vector<16x1xi32> to vector<16xi32>
      %gather3A_1079 = tpu.dynamic_gather %select_n3A_1070[%gather3A_1078] in [0] : vector<16xi32>, vector<16xi32> -> vector<16xi32>
      %gt3A_1080 = arith.cmpf ogt, %gather3A_1076, %select_n3A_1069 : vector<16xf32>
      %eq3A_1081 = arith.cmpf oeq, %gather3A_1076, %select_n3A_1069 : vector<16xf32>
      %lt3A_1082 = arith.cmpi slt, %gather3A_1079, %select_n3A_1070 : vector<16xi32>
      %and3A_1083 = arith.andi %eq3A_1081, %lt3A_1082 : vector<16xi1>
      %or3A_1084 = arith.ori %gt3A_1080, %and3A_1083 : vector<16xi1>
      %select_n3A_1085 = arith.select %or3A_1084, %gather3A_1076, %select_n3A_1069 : vector<16xi1>, vector<16xf32>
      %select_n3A_1086 = arith.select %or3A_1084, %gather3A_1079, %select_n3A_1070 : vector<16xi1>, vector<16xi32>
      %xor3A_1087 = arith.constant 4 : i32
      %xor3A_1088 = vector.broadcast %xor3A_1087 : i32 to vector<16xi32>
      %xor3A_1089 = arith.xori %iota3A, %xor3A_1088 : vector<16xi32>
      %broadcast_in_dim3A_1090 = vector.shape_cast %xor3A_1089 : vector<16xi32> to vector<16x1xi32>
      %gather3A_1091 = vector.shape_cast %broadcast_in_dim3A_1090 : vector<16x1xi32> to vector<16xi32>
      %gather3A_1092 = tpu.dynamic_gather %select_n3A_1085[%gather3A_1091] in [0] : vector<16xf32>, vector<16xi32> -> vector<16xf32>
      %broadcast_in_dim3A_1093 = vector.shape_cast %xor3A_1089 : vector<16xi32> to vector<16x1xi32>
      %gather3A_1094 = vector.shape_cast %broadcast_in_dim3A_1093 : vector<16x1xi32> to vector<16xi32>
      %gather3A_1095 = tpu.dynamic_gather %select_n3A_1086[%gather3A_1094] in [0] : vector<16xi32>, vector<16xi32> -> vector<16xi32>
      %gt3A_1096 = arith.cmpf ogt, %gather3A_1092, %select_n3A_1085 : vector<16xf32>
      %eq3A_1097 = arith.cmpf oeq, %gather3A_1092, %select_n3A_1085 : vector<16xf32>
      %lt3A_1098 = arith.cmpi slt, %gather3A_1095, %select_n3A_1086 : vector<16xi32>
      %and3A_1099 = arith.andi %eq3A_1097, %lt3A_1098 : vector<16xi1>
      %or3A_1100 = arith.ori %gt3A_1096, %and3A_1099 : vector<16xi1>
      %select_n3A_1101 = arith.select %or3A_1100, %gather3A_1092, %select_n3A_1085 : vector<16xi1>, vector<16xf32>
      %select_n3A_1102 = arith.select %or3A_1100, %gather3A_1095, %select_n3A_1086 : vector<16xi1>, vector<16xi32>
      %xor3A_1103 = arith.constant 8 : i32
      %xor3A_1104 = vector.broadcast %xor3A_1103 : i32 to vector<16xi32>
      %xor3A_1105 = arith.xori %iota3A, %xor3A_1104 : vector<16xi32>
      %broadcast_in_dim3A_1106 = vector.shape_cast %xor3A_1105 : vector<16xi32> to vector<16x1xi32>
      %gather3A_1107 = vector.shape_cast %broadcast_in_dim3A_1106 : vector<16x1xi32> to vector<16xi32>
      %gather3A_1108 = tpu.dynamic_gather %select_n3A_1101[%gather3A_1107] in [0] : vector<16xf32>, vector<16xi32> -> vector<16xf32>
      %broadcast_in_dim3A_1109 = vector.shape_cast %xor3A_1105 : vector<16xi32> to vector<16x1xi32>
      %gather3A_1110 = vector.shape_cast %broadcast_in_dim3A_1109 : vector<16x1xi32> to vector<16xi32>
      %gather3A_1111 = tpu.dynamic_gather %select_n3A_1102[%gather3A_1110] in [0] : vector<16xi32>, vector<16xi32> -> vector<16xi32>
      %gt3A_1112 = arith.cmpf ogt, %gather3A_1108, %select_n3A_1101 : vector<16xf32>
      %eq3A_1113 = arith.cmpf oeq, %gather3A_1108, %select_n3A_1101 : vector<16xf32>
      %lt3A_1114 = arith.cmpi slt, %gather3A_1111, %select_n3A_1102 : vector<16xi32>
      %and3A_1115 = arith.andi %eq3A_1113, %lt3A_1114 : vector<16xi1>
      %or3A_1116 = arith.ori %gt3A_1112, %and3A_1115 : vector<16xi1>
      %select_n3A_1117 = arith.select %or3A_1116, %gather3A_1108, %select_n3A_1101 : vector<16xi1>, vector<16xf32>
      %select_n3A_1118 = arith.select %or3A_1116, %gather3A_1111, %select_n3A_1102 : vector<16xi1>, vector<16xi32>
      %eq3A_1119 = arith.constant 0 : i32
      %eq3A_1120 = vector.broadcast %eq3A_1119 : i32 to vector<16xi32>
      %eq3A_1121 = arith.cmpi eq, %iota3A, %eq3A_1120 : vector<16xi32>
      %jit3A_1122 = arith.constant 0 : i32
      %broadcast_in_dim3A_1123 = vector.broadcast %jit3A_1122 : i32 to vector<16xi32>
      %select_n3A_1124 = arith.select %eq3A_1121, %select_n3A_1118, %broadcast_in_dim3A_1123 : vector<16xi1>, vector<16xi32>
      %add3A_1125 = arith.addi %scan3A_962, %select_n3A_1124 : vector<16xi32>
      %xor3A_1126 = arith.constant 1 : i32
      %xor3A_1127 = vector.broadcast %xor3A_1126 : i32 to vector<16xi32>
      %xor3A_1128 = arith.xori %iota3A, %xor3A_1127 : vector<16xi32>
      %broadcast_in_dim3A_1129 = vector.shape_cast %xor3A_1128 : vector<16xi32> to vector<16x1xi32>
      %gather3A_1130 = vector.shape_cast %broadcast_in_dim3A_1129 : vector<16x1xi32> to vector<16xi32>
      %gather3A_1131 = tpu.dynamic_gather %scan3A_1053#2[%gather3A_1130] in [0] : vector<16xf32>, vector<16xi32> -> vector<16xf32>
      %broadcast_in_dim3A_1132 = vector.shape_cast %xor3A_1128 : vector<16xi32> to vector<16x1xi32>
      %gather3A_1133 = vector.shape_cast %broadcast_in_dim3A_1132 : vector<16x1xi32> to vector<16xi32>
      %gather3A_1134 = tpu.dynamic_gather %scan3A_1053#3[%gather3A_1133] in [0] : vector<16xi32>, vector<16xi32> -> vector<16xi32>
      %gt3A_1135 = arith.cmpf ogt, %gather3A_1131, %scan3A_1053#2 : vector<16xf32>
      %eq3A_1136 = arith.cmpf oeq, %gather3A_1131, %scan3A_1053#2 : vector<16xf32>
      %lt3A_1137 = arith.cmpi slt, %gather3A_1134, %scan3A_1053#3 : vector<16xi32>
      %and3A_1138 = arith.andi %eq3A_1136, %lt3A_1137 : vector<16xi1>
      %or3A_1139 = arith.ori %gt3A_1135, %and3A_1138 : vector<16xi1>
      %select_n3A_1140 = arith.select %or3A_1139, %gather3A_1131, %scan3A_1053#2 : vector<16xi1>, vector<16xf32>
      %select_n3A_1141 = arith.select %or3A_1139, %gather3A_1134, %scan3A_1053#3 : vector<16xi1>, vector<16xi32>
      %xor3A_1142 = arith.constant 2 : i32
      %xor3A_1143 = vector.broadcast %xor3A_1142 : i32 to vector<16xi32>
      %xor3A_1144 = arith.xori %iota3A, %xor3A_1143 : vector<16xi32>
      %broadcast_in_dim3A_1145 = vector.shape_cast %xor3A_1144 : vector<16xi32> to vector<16x1xi32>
      %gather3A_1146 = vector.shape_cast %broadcast_in_dim3A_1145 : vector<16x1xi32> to vector<16xi32>
      %gather3A_1147 = tpu.dynamic_gather %select_n3A_1140[%gather3A_1146] in [0] : vector<16xf32>, vector<16xi32> -> vector<16xf32>
      %broadcast_in_dim3A_1148 = vector.shape_cast %xor3A_1144 : vector<16xi32> to vector<16x1xi32>
      %gather3A_1149 = vector.shape_cast %broadcast_in_dim3A_1148 : vector<16x1xi32> to vector<16xi32>
      %gather3A_1150 = tpu.dynamic_gather %select_n3A_1141[%gather3A_1149] in [0] : vector<16xi32>, vector<16xi32> -> vector<16xi32>
      %gt3A_1151 = arith.cmpf ogt, %gather3A_1147, %select_n3A_1140 : vector<16xf32>
      %eq3A_1152 = arith.cmpf oeq, %gather3A_1147, %select_n3A_1140 : vector<16xf32>
      %lt3A_1153 = arith.cmpi slt, %gather3A_1150, %select_n3A_1141 : vector<16xi32>
      %and3A_1154 = arith.andi %eq3A_1152, %lt3A_1153 : vector<16xi1>
      %or3A_1155 = arith.ori %gt3A_1151, %and3A_1154 : vector<16xi1>
      %select_n3A_1156 = arith.select %or3A_1155, %gather3A_1147, %select_n3A_1140 : vector<16xi1>, vector<16xf32>
      %select_n3A_1157 = arith.select %or3A_1155, %gather3A_1150, %select_n3A_1141 : vector<16xi1>, vector<16xi32>
      %xor3A_1158 = arith.constant 4 : i32
      %xor3A_1159 = vector.broadcast %xor3A_1158 : i32 to vector<16xi32>
      %xor3A_1160 = arith.xori %iota3A, %xor3A_1159 : vector<16xi32>
      %broadcast_in_dim3A_1161 = vector.shape_cast %xor3A_1160 : vector<16xi32> to vector<16x1xi32>
      %gather3A_1162 = vector.shape_cast %broadcast_in_dim3A_1161 : vector<16x1xi32> to vector<16xi32>
      %gather3A_1163 = tpu.dynamic_gather %select_n3A_1156[%gather3A_1162] in [0] : vector<16xf32>, vector<16xi32> -> vector<16xf32>
      %broadcast_in_dim3A_1164 = vector.shape_cast %xor3A_1160 : vector<16xi32> to vector<16x1xi32>
      %gather3A_1165 = vector.shape_cast %broadcast_in_dim3A_1164 : vector<16x1xi32> to vector<16xi32>
      %gather3A_1166 = tpu.dynamic_gather %select_n3A_1157[%gather3A_1165] in [0] : vector<16xi32>, vector<16xi32> -> vector<16xi32>
      %gt3A_1167 = arith.cmpf ogt, %gather3A_1163, %select_n3A_1156 : vector<16xf32>
      %eq3A_1168 = arith.cmpf oeq, %gather3A_1163, %select_n3A_1156 : vector<16xf32>
      %lt3A_1169 = arith.cmpi slt, %gather3A_1166, %select_n3A_1157 : vector<16xi32>
      %and3A_1170 = arith.andi %eq3A_1168, %lt3A_1169 : vector<16xi1>
      %or3A_1171 = arith.ori %gt3A_1167, %and3A_1170 : vector<16xi1>
      %select_n3A_1172 = arith.select %or3A_1171, %gather3A_1163, %select_n3A_1156 : vector<16xi1>, vector<16xf32>
      %select_n3A_1173 = arith.select %or3A_1171, %gather3A_1166, %select_n3A_1157 : vector<16xi1>, vector<16xi32>
      %xor3A_1174 = arith.constant 8 : i32
      %xor3A_1175 = vector.broadcast %xor3A_1174 : i32 to vector<16xi32>
      %xor3A_1176 = arith.xori %iota3A, %xor3A_1175 : vector<16xi32>
      %broadcast_in_dim3A_1177 = vector.shape_cast %xor3A_1176 : vector<16xi32> to vector<16x1xi32>
      %gather3A_1178 = vector.shape_cast %broadcast_in_dim3A_1177 : vector<16x1xi32> to vector<16xi32>
      %gather3A_1179 = tpu.dynamic_gather %select_n3A_1172[%gather3A_1178] in [0] : vector<16xf32>, vector<16xi32> -> vector<16xf32>
      %broadcast_in_dim3A_1180 = vector.shape_cast %xor3A_1176 : vector<16xi32> to vector<16x1xi32>
      %gather3A_1181 = vector.shape_cast %broadcast_in_dim3A_1180 : vector<16x1xi32> to vector<16xi32>
      %gather3A_1182 = tpu.dynamic_gather %select_n3A_1173[%gather3A_1181] in [0] : vector<16xi32>, vector<16xi32> -> vector<16xi32>
      %gt3A_1183 = arith.cmpf ogt, %gather3A_1179, %select_n3A_1172 : vector<16xf32>
      %eq3A_1184 = arith.cmpf oeq, %gather3A_1179, %select_n3A_1172 : vector<16xf32>
      %lt3A_1185 = arith.cmpi slt, %gather3A_1182, %select_n3A_1173 : vector<16xi32>
      %and3A_1186 = arith.andi %eq3A_1184, %lt3A_1185 : vector<16xi1>
      %or3A_1187 = arith.ori %gt3A_1183, %and3A_1186 : vector<16xi1>
      %select_n3A_1188 = arith.select %or3A_1187, %gather3A_1179, %select_n3A_1172 : vector<16xi1>, vector<16xf32>
      %select_n3A_1189 = arith.select %or3A_1187, %gather3A_1182, %select_n3A_1173 : vector<16xi1>, vector<16xi32>
      %eq3A_1190 = arith.constant 0 : i32
      %eq3A_1191 = vector.broadcast %eq3A_1190 : i32 to vector<16xi32>
      %eq3A_1192 = arith.cmpi eq, %iota3A, %eq3A_1191 : vector<16xi32>
      %jit3A_1193 = arith.constant 0 : i32
      %broadcast_in_dim3A_1194 = vector.broadcast %jit3A_1193 : i32 to vector<16xi32>
      %select_n3A_1195 = arith.select %eq3A_1192, %select_n3A_1189, %broadcast_in_dim3A_1194 : vector<16xi1>, vector<16xi32>
      %add3A_1196 = arith.addi %add3A_1125, %select_n3A_1195 : vector<16xi32>
      %xor3A_1197 = arith.constant 1 : i32
      %xor3A_1198 = vector.broadcast %xor3A_1197 : i32 to vector<16xi32>
      %xor3A_1199 = arith.xori %iota3A, %xor3A_1198 : vector<16xi32>
      %broadcast_in_dim3A_1200 = vector.shape_cast %xor3A_1199 : vector<16xi32> to vector<16x1xi32>
      %gather3A_1201 = vector.shape_cast %broadcast_in_dim3A_1200 : vector<16x1xi32> to vector<16xi32>
      %gather3A_1202 = tpu.dynamic_gather %scan3A_1053#4[%gather3A_1201] in [0] : vector<16xf32>, vector<16xi32> -> vector<16xf32>
      %broadcast_in_dim3A_1203 = vector.shape_cast %xor3A_1199 : vector<16xi32> to vector<16x1xi32>
      %gather3A_1204 = vector.shape_cast %broadcast_in_dim3A_1203 : vector<16x1xi32> to vector<16xi32>
      %gather3A_1205 = tpu.dynamic_gather %scan3A_1053#5[%gather3A_1204] in [0] : vector<16xi32>, vector<16xi32> -> vector<16xi32>
      %gt3A_1206 = arith.cmpf ogt, %gather3A_1202, %scan3A_1053#4 : vector<16xf32>
      %eq3A_1207 = arith.cmpf oeq, %gather3A_1202, %scan3A_1053#4 : vector<16xf32>
      %lt3A_1208 = arith.cmpi slt, %gather3A_1205, %scan3A_1053#5 : vector<16xi32>
      %and3A_1209 = arith.andi %eq3A_1207, %lt3A_1208 : vector<16xi1>
      %or3A_1210 = arith.ori %gt3A_1206, %and3A_1209 : vector<16xi1>
      %select_n3A_1211 = arith.select %or3A_1210, %gather3A_1202, %scan3A_1053#4 : vector<16xi1>, vector<16xf32>
      %select_n3A_1212 = arith.select %or3A_1210, %gather3A_1205, %scan3A_1053#5 : vector<16xi1>, vector<16xi32>
      %xor3A_1213 = arith.constant 2 : i32
      %xor3A_1214 = vector.broadcast %xor3A_1213 : i32 to vector<16xi32>
      %xor3A_1215 = arith.xori %iota3A, %xor3A_1214 : vector<16xi32>
      %broadcast_in_dim3A_1216 = vector.shape_cast %xor3A_1215 : vector<16xi32> to vector<16x1xi32>
      %gather3A_1217 = vector.shape_cast %broadcast_in_dim3A_1216 : vector<16x1xi32> to vector<16xi32>
      %gather3A_1218 = tpu.dynamic_gather %select_n3A_1211[%gather3A_1217] in [0] : vector<16xf32>, vector<16xi32> -> vector<16xf32>
      %broadcast_in_dim3A_1219 = vector.shape_cast %xor3A_1215 : vector<16xi32> to vector<16x1xi32>
      %gather3A_1220 = vector.shape_cast %broadcast_in_dim3A_1219 : vector<16x1xi32> to vector<16xi32>
      %gather3A_1221 = tpu.dynamic_gather %select_n3A_1212[%gather3A_1220] in [0] : vector<16xi32>, vector<16xi32> -> vector<16xi32>
      %gt3A_1222 = arith.cmpf ogt, %gather3A_1218, %select_n3A_1211 : vector<16xf32>
      %eq3A_1223 = arith.cmpf oeq, %gather3A_1218, %select_n3A_1211 : vector<16xf32>
      %lt3A_1224 = arith.cmpi slt, %gather3A_1221, %select_n3A_1212 : vector<16xi32>
      %and3A_1225 = arith.andi %eq3A_1223, %lt3A_1224 : vector<16xi1>
      %or3A_1226 = arith.ori %gt3A_1222, %and3A_1225 : vector<16xi1>
      %select_n3A_1227 = arith.select %or3A_1226, %gather3A_1218, %select_n3A_1211 : vector<16xi1>, vector<16xf32>
      %select_n3A_1228 = arith.select %or3A_1226, %gather3A_1221, %select_n3A_1212 : vector<16xi1>, vector<16xi32>
      %xor3A_1229 = arith.constant 4 : i32
      %xor3A_1230 = vector.broadcast %xor3A_1229 : i32 to vector<16xi32>
      %xor3A_1231 = arith.xori %iota3A, %xor3A_1230 : vector<16xi32>
      %broadcast_in_dim3A_1232 = vector.shape_cast %xor3A_1231 : vector<16xi32> to vector<16x1xi32>
      %gather3A_1233 = vector.shape_cast %broadcast_in_dim3A_1232 : vector<16x1xi32> to vector<16xi32>
      %gather3A_1234 = tpu.dynamic_gather %select_n3A_1227[%gather3A_1233] in [0] : vector<16xf32>, vector<16xi32> -> vector<16xf32>
      %broadcast_in_dim3A_1235 = vector.shape_cast %xor3A_1231 : vector<16xi32> to vector<16x1xi32>
      %gather3A_1236 = vector.shape_cast %broadcast_in_dim3A_1235 : vector<16x1xi32> to vector<16xi32>
      %gather3A_1237 = tpu.dynamic_gather %select_n3A_1228[%gather3A_1236] in [0] : vector<16xi32>, vector<16xi32> -> vector<16xi32>
      %gt3A_1238 = arith.cmpf ogt, %gather3A_1234, %select_n3A_1227 : vector<16xf32>
      %eq3A_1239 = arith.cmpf oeq, %gather3A_1234, %select_n3A_1227 : vector<16xf32>
      %lt3A_1240 = arith.cmpi slt, %gather3A_1237, %select_n3A_1228 : vector<16xi32>
      %and3A_1241 = arith.andi %eq3A_1239, %lt3A_1240 : vector<16xi1>
      %or3A_1242 = arith.ori %gt3A_1238, %and3A_1241 : vector<16xi1>
      %select_n3A_1243 = arith.select %or3A_1242, %gather3A_1234, %select_n3A_1227 : vector<16xi1>, vector<16xf32>
      %select_n3A_1244 = arith.select %or3A_1242, %gather3A_1237, %select_n3A_1228 : vector<16xi1>, vector<16xi32>
      %xor3A_1245 = arith.constant 8 : i32
      %xor3A_1246 = vector.broadcast %xor3A_1245 : i32 to vector<16xi32>
      %xor3A_1247 = arith.xori %iota3A, %xor3A_1246 : vector<16xi32>
      %broadcast_in_dim3A_1248 = vector.shape_cast %xor3A_1247 : vector<16xi32> to vector<16x1xi32>
      %gather3A_1249 = vector.shape_cast %broadcast_in_dim3A_1248 : vector<16x1xi32> to vector<16xi32>
      %gather3A_1250 = tpu.dynamic_gather %select_n3A_1243[%gather3A_1249] in [0] : vector<16xf32>, vector<16xi32> -> vector<16xf32>
      %broadcast_in_dim3A_1251 = vector.shape_cast %xor3A_1247 : vector<16xi32> to vector<16x1xi32>
      %gather3A_1252 = vector.shape_cast %broadcast_in_dim3A_1251 : vector<16x1xi32> to vector<16xi32>
      %gather3A_1253 = tpu.dynamic_gather %select_n3A_1244[%gather3A_1252] in [0] : vector<16xi32>, vector<16xi32> -> vector<16xi32>
      %gt3A_1254 = arith.cmpf ogt, %gather3A_1250, %select_n3A_1243 : vector<16xf32>
      %eq3A_1255 = arith.cmpf oeq, %gather3A_1250, %select_n3A_1243 : vector<16xf32>
      %lt3A_1256 = arith.cmpi slt, %gather3A_1253, %select_n3A_1244 : vector<16xi32>
      %and3A_1257 = arith.andi %eq3A_1255, %lt3A_1256 : vector<16xi1>
      %or3A_1258 = arith.ori %gt3A_1254, %and3A_1257 : vector<16xi1>
      %select_n3A_1259 = arith.select %or3A_1258, %gather3A_1250, %select_n3A_1243 : vector<16xi1>, vector<16xf32>
      %select_n3A_1260 = arith.select %or3A_1258, %gather3A_1253, %select_n3A_1244 : vector<16xi1>, vector<16xi32>
      %eq3A_1261 = arith.constant 0 : i32
      %eq3A_1262 = vector.broadcast %eq3A_1261 : i32 to vector<16xi32>
      %eq3A_1263 = arith.cmpi eq, %iota3A, %eq3A_1262 : vector<16xi32>
      %jit3A_1264 = arith.constant 0 : i32
      %broadcast_in_dim3A_1265 = vector.broadcast %jit3A_1264 : i32 to vector<16xi32>
      %select_n3A_1266 = arith.select %eq3A_1263, %select_n3A_1260, %broadcast_in_dim3A_1265 : vector<16xi1>, vector<16xi32>
      %add3A_1267 = arith.addi %add3A_1196, %select_n3A_1266 : vector<16xi32>
      %xor3A_1268 = arith.constant 1 : i32
      %xor3A_1269 = vector.broadcast %xor3A_1268 : i32 to vector<16xi32>
      %xor3A_1270 = arith.xori %iota3A, %xor3A_1269 : vector<16xi32>
      %broadcast_in_dim3A_1271 = vector.shape_cast %xor3A_1270 : vector<16xi32> to vector<16x1xi32>
      %gather3A_1272 = vector.shape_cast %broadcast_in_dim3A_1271 : vector<16x1xi32> to vector<16xi32>
      %gather3A_1273 = tpu.dynamic_gather %scan3A_1053#6[%gather3A_1272] in [0] : vector<16xf32>, vector<16xi32> -> vector<16xf32>
      %broadcast_in_dim3A_1274 = vector.shape_cast %xor3A_1270 : vector<16xi32> to vector<16x1xi32>
      %gather3A_1275 = vector.shape_cast %broadcast_in_dim3A_1274 : vector<16x1xi32> to vector<16xi32>
      %gather3A_1276 = tpu.dynamic_gather %scan3A_1053#7[%gather3A_1275] in [0] : vector<16xi32>, vector<16xi32> -> vector<16xi32>
      %gt3A_1277 = arith.cmpf ogt, %gather3A_1273, %scan3A_1053#6 : vector<16xf32>
      %eq3A_1278 = arith.cmpf oeq, %gather3A_1273, %scan3A_1053#6 : vector<16xf32>
      %lt3A_1279 = arith.cmpi slt, %gather3A_1276, %scan3A_1053#7 : vector<16xi32>
      %and3A_1280 = arith.andi %eq3A_1278, %lt3A_1279 : vector<16xi1>
      %or3A_1281 = arith.ori %gt3A_1277, %and3A_1280 : vector<16xi1>
      %select_n3A_1282 = arith.select %or3A_1281, %gather3A_1273, %scan3A_1053#6 : vector<16xi1>, vector<16xf32>
      %select_n3A_1283 = arith.select %or3A_1281, %gather3A_1276, %scan3A_1053#7 : vector<16xi1>, vector<16xi32>
      %xor3A_1284 = arith.constant 2 : i32
      %xor3A_1285 = vector.broadcast %xor3A_1284 : i32 to vector<16xi32>
      %xor3A_1286 = arith.xori %iota3A, %xor3A_1285 : vector<16xi32>
      %broadcast_in_dim3A_1287 = vector.shape_cast %xor3A_1286 : vector<16xi32> to vector<16x1xi32>
      %gather3A_1288 = vector.shape_cast %broadcast_in_dim3A_1287 : vector<16x1xi32> to vector<16xi32>
      %gather3A_1289 = tpu.dynamic_gather %select_n3A_1282[%gather3A_1288] in [0] : vector<16xf32>, vector<16xi32> -> vector<16xf32>
      %broadcast_in_dim3A_1290 = vector.shape_cast %xor3A_1286 : vector<16xi32> to vector<16x1xi32>
      %gather3A_1291 = vector.shape_cast %broadcast_in_dim3A_1290 : vector<16x1xi32> to vector<16xi32>
      %gather3A_1292 = tpu.dynamic_gather %select_n3A_1283[%gather3A_1291] in [0] : vector<16xi32>, vector<16xi32> -> vector<16xi32>
      %gt3A_1293 = arith.cmpf ogt, %gather3A_1289, %select_n3A_1282 : vector<16xf32>
      %eq3A_1294 = arith.cmpf oeq, %gather3A_1289, %select_n3A_1282 : vector<16xf32>
      %lt3A_1295 = arith.cmpi slt, %gather3A_1292, %select_n3A_1283 : vector<16xi32>
      %and3A_1296 = arith.andi %eq3A_1294, %lt3A_1295 : vector<16xi1>
      %or3A_1297 = arith.ori %gt3A_1293, %and3A_1296 : vector<16xi1>
      %select_n3A_1298 = arith.select %or3A_1297, %gather3A_1289, %select_n3A_1282 : vector<16xi1>, vector<16xf32>
      %select_n3A_1299 = arith.select %or3A_1297, %gather3A_1292, %select_n3A_1283 : vector<16xi1>, vector<16xi32>
      %xor3A_1300 = arith.constant 4 : i32
      %xor3A_1301 = vector.broadcast %xor3A_1300 : i32 to vector<16xi32>
      %xor3A_1302 = arith.xori %iota3A, %xor3A_1301 : vector<16xi32>
      %broadcast_in_dim3A_1303 = vector.shape_cast %xor3A_1302 : vector<16xi32> to vector<16x1xi32>
      %gather3A_1304 = vector.shape_cast %broadcast_in_dim3A_1303 : vector<16x1xi32> to vector<16xi32>
      %gather3A_1305 = tpu.dynamic_gather %select_n3A_1298[%gather3A_1304] in [0] : vector<16xf32>, vector<16xi32> -> vector<16xf32>
      %broadcast_in_dim3A_1306 = vector.shape_cast %xor3A_1302 : vector<16xi32> to vector<16x1xi32>
      %gather3A_1307 = vector.shape_cast %broadcast_in_dim3A_1306 : vector<16x1xi32> to vector<16xi32>
      %gather3A_1308 = tpu.dynamic_gather %select_n3A_1299[%gather3A_1307] in [0] : vector<16xi32>, vector<16xi32> -> vector<16xi32>
      %gt3A_1309 = arith.cmpf ogt, %gather3A_1305, %select_n3A_1298 : vector<16xf32>
      %eq3A_1310 = arith.cmpf oeq, %gather3A_1305, %select_n3A_1298 : vector<16xf32>
      %lt3A_1311 = arith.cmpi slt, %gather3A_1308, %select_n3A_1299 : vector<16xi32>
      %and3A_1312 = arith.andi %eq3A_1310, %lt3A_1311 : vector<16xi1>
      %or3A_1313 = arith.ori %gt3A_1309, %and3A_1312 : vector<16xi1>
      %select_n3A_1314 = arith.select %or3A_1313, %gather3A_1305, %select_n3A_1298 : vector<16xi1>, vector<16xf32>
      %select_n3A_1315 = arith.select %or3A_1313, %gather3A_1308, %select_n3A_1299 : vector<16xi1>, vector<16xi32>
      %xor3A_1316 = arith.constant 8 : i32
      %xor3A_1317 = vector.broadcast %xor3A_1316 : i32 to vector<16xi32>
      %xor3A_1318 = arith.xori %iota3A, %xor3A_1317 : vector<16xi32>
      %broadcast_in_dim3A_1319 = vector.shape_cast %xor3A_1318 : vector<16xi32> to vector<16x1xi32>
      %gather3A_1320 = vector.shape_cast %broadcast_in_dim3A_1319 : vector<16x1xi32> to vector<16xi32>
      %gather3A_1321 = tpu.dynamic_gather %select_n3A_1314[%gather3A_1320] in [0] : vector<16xf32>, vector<16xi32> -> vector<16xf32>
      %broadcast_in_dim3A_1322 = vector.shape_cast %xor3A_1318 : vector<16xi32> to vector<16x1xi32>
      %gather3A_1323 = vector.shape_cast %broadcast_in_dim3A_1322 : vector<16x1xi32> to vector<16xi32>
      %gather3A_1324 = tpu.dynamic_gather %select_n3A_1315[%gather3A_1323] in [0] : vector<16xi32>, vector<16xi32> -> vector<16xi32>
      %gt3A_1325 = arith.cmpf ogt, %gather3A_1321, %select_n3A_1314 : vector<16xf32>
      %eq3A_1326 = arith.cmpf oeq, %gather3A_1321, %select_n3A_1314 : vector<16xf32>
      %lt3A_1327 = arith.cmpi slt, %gather3A_1324, %select_n3A_1315 : vector<16xi32>
      %and3A_1328 = arith.andi %eq3A_1326, %lt3A_1327 : vector<16xi1>
      %or3A_1329 = arith.ori %gt3A_1325, %and3A_1328 : vector<16xi1>
      %select_n3A_1330 = arith.select %or3A_1329, %gather3A_1321, %select_n3A_1314 : vector<16xi1>, vector<16xf32>
      %select_n3A_1331 = arith.select %or3A_1329, %gather3A_1324, %select_n3A_1315 : vector<16xi1>, vector<16xi32>
      %eq3A_1332 = arith.constant 0 : i32
      %eq3A_1333 = vector.broadcast %eq3A_1332 : i32 to vector<16xi32>
      %eq3A_1334 = arith.cmpi eq, %iota3A, %eq3A_1333 : vector<16xi32>
      %jit3A_1335 = arith.constant 0 : i32
      %broadcast_in_dim3A_1336 = vector.broadcast %jit3A_1335 : i32 to vector<16xi32>
      %select_n3A_1337 = arith.select %eq3A_1334, %select_n3A_1331, %broadcast_in_dim3A_1336 : vector<16xi1>, vector<16xi32>
      %add3A_1338 = arith.addi %add3A_1267, %select_n3A_1337 : vector<16xi32>
      %add3A_1339 = arith.constant 2 : i32
      %add3A_1340 = arith.addi %mul3A_964, %add3A_1339 : i32
      %mul3A_1341 = arith.constant 4 : i32
      %mul3A_1342 = arith.muli %add3A_1340, %mul3A_1341 : i32
      %add3A_1343 = arith.constant 0 : i32
      %add3A_1344 = arith.addi %mul3A_1342, %add3A_1343 : i32
      %dma_start3A_1345 = arith.constant 0 : i32
      %dma_start3A_1346 = arith.constant 0 : i32
      %dma_start3A_1347 = tpu.memref_slice %arg6[%dma_start3A_1345, %dma_start3A_1346] : memref<8x8192xf32, #tpu.memory_space<vmem>> -> memref<1x8192xf32, #tpu.memory_space<vmem>>
      %dma_start3A_1348 = tpu.memref_squeeze %dma_start3A_1347 : memref<1x8192xf32, #tpu.memory_space<vmem>> -> memref<8192xf32, #tpu.memory_space<vmem>>
      %dma_start3A_1349 = arith.constant 0 : i32
      %dma_start3A_1350 = tpu.memref_slice %arg3[%add3A_477, %add3A_1344, %dma_start3A_1349] : memref<64x100x8192xf32, #tpu.memory_space<hbm>> -> memref<1x1x8192xf32, #tpu.memory_space<hbm>>
      %dma_start3A_1351 = tpu.memref_squeeze %dma_start3A_1350 : memref<1x1x8192xf32, #tpu.memory_space<hbm>> -> memref<8192xf32, #tpu.memory_space<hbm>>
      %dma_start3A_1352 = arith.constant 0 : i32
      %dma_start3A_1353 = tpu.memref_slice %arg6[%dma_start3A_1345, %dma_start3A_1352] : memref<8x8192xf32, #tpu.memory_space<vmem>> -> memref<1x8192xf32, #tpu.memory_space<vmem>>
      %dma_start3A_1354 = tpu.memref_squeeze %dma_start3A_1353 : memref<1x8192xf32, #tpu.memory_space<vmem>> -> memref<8192xf32, #tpu.memory_space<vmem>>
      %dma_start3A_1355 = arith.constant 0 : i32
      %dma_start3A_1356 = tpu.memref_slice %arg3[%add3A_477, %add3A_1344, %dma_start3A_1355] : memref<64x100x8192xf32, #tpu.memory_space<hbm>> -> memref<1x1x8192xf32, #tpu.memory_space<hbm>>
      %dma_start3A_1357 = tpu.memref_squeeze %dma_start3A_1356 : memref<1x1x8192xf32, #tpu.memory_space<hbm>> -> memref<8192xf32, #tpu.memory_space<hbm>>
      tpu.enqueue_dma source(%dma_start3A_1357 : memref<8192xf32, #tpu.memory_space<hbm>>) target(%dma_start3A_1354 : memref<8192xf32, #tpu.memory_space<vmem>>) target_semaphore(%arg8 : memref<!tpu.dma_semaphore, #tpu.memory_space<semaphore_mem>>)
      %mul3A_1358 = arith.constant 4 : i32
      %mul3A_1359 = arith.muli %add3A_1340, %mul3A_1358 : i32
      %add3A_1360 = arith.constant 1 : i32
      %add3A_1361 = arith.addi %mul3A_1359, %add3A_1360 : i32
      %dma_start3A_1362 = arith.constant 1 : i32
      %dma_start3A_1363 = arith.constant 0 : i32
      %dma_start3A_1364 = tpu.memref_slice %arg6[%dma_start3A_1362, %dma_start3A_1363] : memref<8x8192xf32, #tpu.memory_space<vmem>> -> memref<1x8192xf32, #tpu.memory_space<vmem>>
      %dma_start3A_1365 = tpu.memref_squeeze %dma_start3A_1364 : memref<1x8192xf32, #tpu.memory_space<vmem>> -> memref<8192xf32, #tpu.memory_space<vmem>>
      %dma_start3A_1366 = arith.constant 0 : i32
      %dma_start3A_1367 = tpu.memref_slice %arg3[%add3A_477, %add3A_1361, %dma_start3A_1366] : memref<64x100x8192xf32, #tpu.memory_space<hbm>> -> memref<1x1x8192xf32, #tpu.memory_space<hbm>>
      %dma_start3A_1368 = tpu.memref_squeeze %dma_start3A_1367 : memref<1x1x8192xf32, #tpu.memory_space<hbm>> -> memref<8192xf32, #tpu.memory_space<hbm>>
      %dma_start3A_1369 = arith.constant 0 : i32
      %dma_start3A_1370 = tpu.memref_slice %arg6[%dma_start3A_1362, %dma_start3A_1369] : memref<8x8192xf32, #tpu.memory_space<vmem>> -> memref<1x8192xf32, #tpu.memory_space<vmem>>
      %dma_start3A_1371 = tpu.memref_squeeze %dma_start3A_1370 : memref<1x8192xf32, #tpu.memory_space<vmem>> -> memref<8192xf32, #tpu.memory_space<vmem>>
      %dma_start3A_1372 = arith.constant 0 : i32
      %dma_start3A_1373 = tpu.memref_slice %arg3[%add3A_477, %add3A_1361, %dma_start3A_1372] : memref<64x100x8192xf32, #tpu.memory_space<hbm>> -> memref<1x1x8192xf32, #tpu.memory_space<hbm>>
      %dma_start3A_1374 = tpu.memref_squeeze %dma_start3A_1373 : memref<1x1x8192xf32, #tpu.memory_space<hbm>> -> memref<8192xf32, #tpu.memory_space<hbm>>
      tpu.enqueue_dma source(%dma_start3A_1374 : memref<8192xf32, #tpu.memory_space<hbm>>) target(%dma_start3A_1371 : memref<8192xf32, #tpu.memory_space<vmem>>) target_semaphore(%arg8 : memref<!tpu.dma_semaphore, #tpu.memory_space<semaphore_mem>>)
      %mul3A_1375 = arith.constant 4 : i32
      %mul3A_1376 = arith.muli %add3A_1340, %mul3A_1375 : i32
      %add3A_1377 = arith.constant 2 : i32
      %add3A_1378 = arith.addi %mul3A_1376, %add3A_1377 : i32
      %dma_start3A_1379 = arith.constant 2 : i32
      %dma_start3A_1380 = arith.constant 0 : i32
      %dma_start3A_1381 = tpu.memref_slice %arg6[%dma_start3A_1379, %dma_start3A_1380] : memref<8x8192xf32, #tpu.memory_space<vmem>> -> memref<1x8192xf32, #tpu.memory_space<vmem>>
      %dma_start3A_1382 = tpu.memref_squeeze %dma_start3A_1381 : memref<1x8192xf32, #tpu.memory_space<vmem>> -> memref<8192xf32, #tpu.memory_space<vmem>>
      %dma_start3A_1383 = arith.constant 0 : i32
      %dma_start3A_1384 = tpu.memref_slice %arg3[%add3A_477, %add3A_1378, %dma_start3A_1383] : memref<64x100x8192xf32, #tpu.memory_space<hbm>> -> memref<1x1x8192xf32, #tpu.memory_space<hbm>>
      %dma_start3A_1385 = tpu.memref_squeeze %dma_start3A_1384 : memref<1x1x8192xf32, #tpu.memory_space<hbm>> -> memref<8192xf32, #tpu.memory_space<hbm>>
      %dma_start3A_1386 = arith.constant 0 : i32
      %dma_start3A_1387 = tpu.memref_slice %arg6[%dma_start3A_1379, %dma_start3A_1386] : memref<8x8192xf32, #tpu.memory_space<vmem>> -> memref<1x8192xf32, #tpu.memory_space<vmem>>
      %dma_start3A_1388 = tpu.memref_squeeze %dma_start3A_1387 : memref<1x8192xf32, #tpu.memory_space<vmem>> -> memref<8192xf32, #tpu.memory_space<vmem>>
      %dma_start3A_1389 = arith.constant 0 : i32
      %dma_start3A_1390 = tpu.memref_slice %arg3[%add3A_477, %add3A_1378, %dma_start3A_1389] : memref<64x100x8192xf32, #tpu.memory_space<hbm>> -> memref<1x1x8192xf32, #tpu.memory_space<hbm>>
      %dma_start3A_1391 = tpu.memref_squeeze %dma_start3A_1390 : memref<1x1x8192xf32, #tpu.memory_space<hbm>> -> memref<8192xf32, #tpu.memory_space<hbm>>
      tpu.enqueue_dma source(%dma_start3A_1391 : memref<8192xf32, #tpu.memory_space<hbm>>) target(%dma_start3A_1388 : memref<8192xf32, #tpu.memory_space<vmem>>) target_semaphore(%arg8 : memref<!tpu.dma_semaphore, #tpu.memory_space<semaphore_mem>>)
      %mul3A_1392 = arith.constant 4 : i32
      %mul3A_1393 = arith.muli %add3A_1340, %mul3A_1392 : i32
      %add3A_1394 = arith.constant 3 : i32
      %add3A_1395 = arith.addi %mul3A_1393, %add3A_1394 : i32
      %dma_start3A_1396 = arith.constant 3 : i32
      %dma_start3A_1397 = arith.constant 0 : i32
      %dma_start3A_1398 = tpu.memref_slice %arg6[%dma_start3A_1396, %dma_start3A_1397] : memref<8x8192xf32, #tpu.memory_space<vmem>> -> memref<1x8192xf32, #tpu.memory_space<vmem>>
      %dma_start3A_1399 = tpu.memref_squeeze %dma_start3A_1398 : memref<1x8192xf32, #tpu.memory_space<vmem>> -> memref<8192xf32, #tpu.memory_space<vmem>>
      %dma_start3A_1400 = arith.constant 0 : i32
      %dma_start3A_1401 = tpu.memref_slice %arg3[%add3A_477, %add3A_1395, %dma_start3A_1400] : memref<64x100x8192xf32, #tpu.memory_space<hbm>> -> memref<1x1x8192xf32, #tpu.memory_space<hbm>>
      %dma_start3A_1402 = tpu.memref_squeeze %dma_start3A_1401 : memref<1x1x8192xf32, #tpu.memory_space<hbm>> -> memref<8192xf32, #tpu.memory_space<hbm>>
      %dma_start3A_1403 = arith.constant 0 : i32
      %dma_start3A_1404 = tpu.memref_slice %arg6[%dma_start3A_1396, %dma_start3A_1403] : memref<8x8192xf32, #tpu.memory_space<vmem>> -> memref<1x8192xf32, #tpu.memory_space<vmem>>
      %dma_start3A_1405 = tpu.memref_squeeze %dma_start3A_1404 : memref<1x8192xf32, #tpu.memory_space<vmem>> -> memref<8192xf32, #tpu.memory_space<vmem>>
      %dma_start3A_1406 = arith.constant 0 : i32
      %dma_start3A_1407 = tpu.memref_slice %arg3[%add3A_477, %add3A_1395, %dma_start3A_1406] : memref<64x100x8192xf32, #tpu.memory_space<hbm>> -> memref<1x1x8192xf32, #tpu.memory_space<hbm>>
      %dma_start3A_1408 = tpu.memref_squeeze %dma_start3A_1407 : memref<1x1x8192xf32, #tpu.memory_space<hbm>> -> memref<8192xf32, #tpu.memory_space<hbm>>
      tpu.enqueue_dma source(%dma_start3A_1408 : memref<8192xf32, #tpu.memory_space<hbm>>) target(%dma_start3A_1405 : memref<8192xf32, #tpu.memory_space<vmem>>) target_semaphore(%arg8 : memref<!tpu.dma_semaphore, #tpu.memory_space<semaphore_mem>>)
      %add3A_1409 = arith.constant 1 : i32
      %add3A_1410 = arith.addi %mul3A_964, %add3A_1409 : i32
      %mul3A_1411 = arith.constant 4 : i32
      %mul3A_1412 = arith.muli %add3A_1410, %mul3A_1411 : i32
      %add3A_1413 = arith.constant 0 : i32
      %add3A_1414 = arith.addi %mul3A_1412, %add3A_1413 : i32
      %dma_wait3A_1415 = arith.constant 4 : i32
      %dma_wait3A_1416 = arith.constant 0 : i32
      %dma_wait3A_1417 = tpu.memref_slice %arg6[%dma_wait3A_1415, %dma_wait3A_1416] : memref<8x8192xf32, #tpu.memory_space<vmem>> -> memref<1x8192xf32, #tpu.memory_space<vmem>>
      %dma_wait3A_1418 = tpu.memref_squeeze %dma_wait3A_1417 : memref<1x8192xf32, #tpu.memory_space<vmem>> -> memref<8192xf32, #tpu.memory_space<vmem>>
      %dma_wait3A_1419 = arith.constant 0 : i32
      %dma_wait3A_1420 = tpu.memref_slice %arg3[%add3A_477, %add3A_1414, %dma_wait3A_1419] : memref<64x100x8192xf32, #tpu.memory_space<hbm>> -> memref<1x1x8192xf32, #tpu.memory_space<hbm>>
      %dma_wait3A_1421 = tpu.memref_squeeze %dma_wait3A_1420 : memref<1x1x8192xf32, #tpu.memory_space<hbm>> -> memref<8192xf32, #tpu.memory_space<hbm>>
      %dma_wait3A_1422 = arith.constant 0 : i32
      %dma_wait3A_1423 = tpu.memref_slice %arg6[%dma_wait3A_1415, %dma_wait3A_1422] : memref<8x8192xf32, #tpu.memory_space<vmem>> -> memref<1x8192xf32, #tpu.memory_space<vmem>>
      %dma_wait3A_1424 = tpu.memref_squeeze %dma_wait3A_1423 : memref<1x8192xf32, #tpu.memory_space<vmem>> -> memref<8192xf32, #tpu.memory_space<vmem>>
      %dma_wait3A_1425 = arith.constant 0 : i32
      %dma_wait3A_1426 = tpu.memref_slice %arg3[%add3A_477, %add3A_1414, %dma_wait3A_1425] : memref<64x100x8192xf32, #tpu.memory_space<hbm>> -> memref<1x1x8192xf32, #tpu.memory_space<hbm>>
      %dma_wait3A_1427 = tpu.memref_squeeze %dma_wait3A_1426 : memref<1x1x8192xf32, #tpu.memory_space<hbm>> -> memref<8192xf32, #tpu.memory_space<hbm>>
      tpu.wait_dma2 semaphore(%arg9 : memref<!tpu.dma_semaphore, #tpu.memory_space<semaphore_mem>>) src(%dma_wait3A_1427 : memref<8192xf32, #tpu.memory_space<hbm>>) dst(%dma_wait3A_1424 : memref<8192xf32, #tpu.memory_space<vmem>>)
      %mul3A_1428 = arith.constant 4 : i32
      %mul3A_1429 = arith.muli %add3A_1410, %mul3A_1428 : i32
      %add3A_1430 = arith.constant 1 : i32
      %add3A_1431 = arith.addi %mul3A_1429, %add3A_1430 : i32
      %dma_wait3A_1432 = arith.constant 5 : i32
      %dma_wait3A_1433 = arith.constant 0 : i32
      %dma_wait3A_1434 = tpu.memref_slice %arg6[%dma_wait3A_1432, %dma_wait3A_1433] : memref<8x8192xf32, #tpu.memory_space<vmem>> -> memref<1x8192xf32, #tpu.memory_space<vmem>>
      %dma_wait3A_1435 = tpu.memref_squeeze %dma_wait3A_1434 : memref<1x8192xf32, #tpu.memory_space<vmem>> -> memref<8192xf32, #tpu.memory_space<vmem>>
      %dma_wait3A_1436 = arith.constant 0 : i32
      %dma_wait3A_1437 = tpu.memref_slice %arg3[%add3A_477, %add3A_1431, %dma_wait3A_1436] : memref<64x100x8192xf32, #tpu.memory_space<hbm>> -> memref<1x1x8192xf32, #tpu.memory_space<hbm>>
      %dma_wait3A_1438 = tpu.memref_squeeze %dma_wait3A_1437 : memref<1x1x8192xf32, #tpu.memory_space<hbm>> -> memref<8192xf32, #tpu.memory_space<hbm>>
      %dma_wait3A_1439 = arith.constant 0 : i32
      %dma_wait3A_1440 = tpu.memref_slice %arg6[%dma_wait3A_1432, %dma_wait3A_1439] : memref<8x8192xf32, #tpu.memory_space<vmem>> -> memref<1x8192xf32, #tpu.memory_space<vmem>>
      %dma_wait3A_1441 = tpu.memref_squeeze %dma_wait3A_1440 : memref<1x8192xf32, #tpu.memory_space<vmem>> -> memref<8192xf32, #tpu.memory_space<vmem>>
      %dma_wait3A_1442 = arith.constant 0 : i32
      %dma_wait3A_1443 = tpu.memref_slice %arg3[%add3A_477, %add3A_1431, %dma_wait3A_1442] : memref<64x100x8192xf32, #tpu.memory_space<hbm>> -> memref<1x1x8192xf32, #tpu.memory_space<hbm>>
      %dma_wait3A_1444 = tpu.memref_squeeze %dma_wait3A_1443 : memref<1x1x8192xf32, #tpu.memory_space<hbm>> -> memref<8192xf32, #tpu.memory_space<hbm>>
      tpu.wait_dma2 semaphore(%arg9 : memref<!tpu.dma_semaphore, #tpu.memory_space<semaphore_mem>>) src(%dma_wait3A_1444 : memref<8192xf32, #tpu.memory_space<hbm>>) dst(%dma_wait3A_1441 : memref<8192xf32, #tpu.memory_space<vmem>>)
      %mul3A_1445 = arith.constant 4 : i32
      %mul3A_1446 = arith.muli %add3A_1410, %mul3A_1445 : i32
      %add3A_1447 = arith.constant 2 : i32
      %add3A_1448 = arith.addi %mul3A_1446, %add3A_1447 : i32
      %dma_wait3A_1449 = arith.constant 6 : i32
      %dma_wait3A_1450 = arith.constant 0 : i32
      %dma_wait3A_1451 = tpu.memref_slice %arg6[%dma_wait3A_1449, %dma_wait3A_1450] : memref<8x8192xf32, #tpu.memory_space<vmem>> -> memref<1x8192xf32, #tpu.memory_space<vmem>>
      %dma_wait3A_1452 = tpu.memref_squeeze %dma_wait3A_1451 : memref<1x8192xf32, #tpu.memory_space<vmem>> -> memref<8192xf32, #tpu.memory_space<vmem>>
      %dma_wait3A_1453 = arith.constant 0 : i32
      %dma_wait3A_1454 = tpu.memref_slice %arg3[%add3A_477, %add3A_1448, %dma_wait3A_1453] : memref<64x100x8192xf32, #tpu.memory_space<hbm>> -> memref<1x1x8192xf32, #tpu.memory_space<hbm>>
      %dma_wait3A_1455 = tpu.memref_squeeze %dma_wait3A_1454 : memref<1x1x8192xf32, #tpu.memory_space<hbm>> -> memref<8192xf32, #tpu.memory_space<hbm>>
      %dma_wait3A_1456 = arith.constant 0 : i32
      %dma_wait3A_1457 = tpu.memref_slice %arg6[%dma_wait3A_1449, %dma_wait3A_1456] : memref<8x8192xf32, #tpu.memory_space<vmem>> -> memref<1x8192xf32, #tpu.memory_space<vmem>>
      %dma_wait3A_1458 = tpu.memref_squeeze %dma_wait3A_1457 : memref<1x8192xf32, #tpu.memory_space<vmem>> -> memref<8192xf32, #tpu.memory_space<vmem>>
      %dma_wait3A_1459 = arith.constant 0 : i32
      %dma_wait3A_1460 = tpu.memref_slice %arg3[%add3A_477, %add3A_1448, %dma_wait3A_1459] : memref<64x100x8192xf32, #tpu.memory_space<hbm>> -> memref<1x1x8192xf32, #tpu.memory_space<hbm>>
      %dma_wait3A_1461 = tpu.memref_squeeze %dma_wait3A_1460 : memref<1x1x8192xf32, #tpu.memory_space<hbm>> -> memref<8192xf32, #tpu.memory_space<hbm>>
      tpu.wait_dma2 semaphore(%arg9 : memref<!tpu.dma_semaphore, #tpu.memory_space<semaphore_mem>>) src(%dma_wait3A_1461 : memref<8192xf32, #tpu.memory_space<hbm>>) dst(%dma_wait3A_1458 : memref<8192xf32, #tpu.memory_space<vmem>>)
      %mul3A_1462 = arith.constant 4 : i32
      %mul3A_1463 = arith.muli %add3A_1410, %mul3A_1462 : i32
      %add3A_1464 = arith.constant 3 : i32
      %add3A_1465 = arith.addi %mul3A_1463, %add3A_1464 : i32
      %dma_wait3A_1466 = arith.constant 7 : i32
      %dma_wait3A_1467 = arith.constant 0 : i32
      %dma_wait3A_1468 = tpu.memref_slice %arg6[%dma_wait3A_1466, %dma_wait3A_1467] : memref<8x8192xf32, #tpu.memory_space<vmem>> -> memref<1x8192xf32, #tpu.memory_space<vmem>>
      %dma_wait3A_1469 = tpu.memref_squeeze %dma_wait3A_1468 : memref<1x8192xf32, #tpu.memory_space<vmem>> -> memref<8192xf32, #tpu.memory_space<vmem>>
      %dma_wait3A_1470 = arith.constant 0 : i32
      %dma_wait3A_1471 = tpu.memref_slice %arg3[%add3A_477, %add3A_1465, %dma_wait3A_1470] : memref<64x100x8192xf32, #tpu.memory_space<hbm>> -> memref<1x1x8192xf32, #tpu.memory_space<hbm>>
      %dma_wait3A_1472 = tpu.memref_squeeze %dma_wait3A_1471 : memref<1x1x8192xf32, #tpu.memory_space<hbm>> -> memref<8192xf32, #tpu.memory_space<hbm>>
      %dma_wait3A_1473 = arith.constant 0 : i32
      %dma_wait3A_1474 = tpu.memref_slice %arg6[%dma_wait3A_1466, %dma_wait3A_1473] : memref<8x8192xf32, #tpu.memory_space<vmem>> -> memref<1x8192xf32, #tpu.memory_space<vmem>>
      %dma_wait3A_1475 = tpu.memref_squeeze %dma_wait3A_1474 : memref<1x8192xf32, #tpu.memory_space<vmem>> -> memref<8192xf32, #tpu.memory_space<vmem>>
      %dma_wait3A_1476 = arith.constant 0 : i32
      %dma_wait3A_1477 = tpu.memref_slice %arg3[%add3A_477, %add3A_1465, %dma_wait3A_1476] : memref<64x100x8192xf32, #tpu.memory_space<hbm>> -> memref<1x1x8192xf32, #tpu.memory_space<hbm>>
      %dma_wait3A_1478 = tpu.memref_squeeze %dma_wait3A_1477 : memref<1x1x8192xf32, #tpu.memory_space<hbm>> -> memref<8192xf32, #tpu.memory_space<hbm>>
      tpu.wait_dma2 semaphore(%arg9 : memref<!tpu.dma_semaphore, #tpu.memory_space<semaphore_mem>>) src(%dma_wait3A_1478 : memref<8192xf32, #tpu.memory_space<hbm>>) dst(%dma_wait3A_1475 : memref<8192xf32, #tpu.memory_space<vmem>>)
      %broadcast_in_dim3A_1479 = arith.constant -3.000000e+38 : f32
      %broadcast_in_dim3A_1480 = vector.broadcast %broadcast_in_dim3A_1479 : f32 to vector<16xf32>
      %broadcast_in_dim3A_1481 = arith.constant 0 : i32
      %broadcast_in_dim3A_1482 = vector.broadcast %broadcast_in_dim3A_1481 : i32 to vector<16xi32>
      %broadcast_in_dim3A_1483 = arith.constant -3.000000e+38 : f32
      %broadcast_in_dim3A_1484 = vector.broadcast %broadcast_in_dim3A_1483 : f32 to vector<16xf32>
      %broadcast_in_dim3A_1485 = arith.constant 0 : i32
      %broadcast_in_dim3A_1486 = vector.broadcast %broadcast_in_dim3A_1485 : i32 to vector<16xi32>
      %broadcast_in_dim3A_1487 = arith.constant -3.000000e+38 : f32
      %broadcast_in_dim3A_1488 = vector.broadcast %broadcast_in_dim3A_1487 : f32 to vector<16xf32>
      %broadcast_in_dim3A_1489 = arith.constant 0 : i32
      %broadcast_in_dim3A_1490 = vector.broadcast %broadcast_in_dim3A_1489 : i32 to vector<16xi32>
      %broadcast_in_dim3A_1491 = arith.constant -3.000000e+38 : f32
      %broadcast_in_dim3A_1492 = vector.broadcast %broadcast_in_dim3A_1491 : f32 to vector<16xf32>
      %broadcast_in_dim3A_1493 = arith.constant 0 : i32
      %broadcast_in_dim3A_1494 = vector.broadcast %broadcast_in_dim3A_1493 : i32 to vector<16xi32>
      %scan3A_1495 = arith.constant 0 : i32
      %scan3A_1496 = arith.constant 512 : i32
      %scan3A_1497 = arith.addi %scan3A_1495, %scan3A_1496 : i32
      %scan3A_1498 = arith.constant 1 : i32
      %scan3A_1499:8 = scf.for %scan3A_1788 = %scan3A_1495 to %scan3A_1497 step %scan3A_1498 iter_args(%scan3A_1789 = %broadcast_in_dim3A_1480, %scan3A_1790 = %broadcast_in_dim3A_1482, %scan3A_1791 = %broadcast_in_dim3A_1484, %scan3A_1792 = %broadcast_in_dim3A_1486, %scan3A_1793 = %broadcast_in_dim3A_1488, %scan3A_1794 = %broadcast_in_dim3A_1490, %scan3A_1795 = %broadcast_in_dim3A_1492, %scan3A_1796 = %broadcast_in_dim3A_1494) -> (vector<16xf32>, vector<16xi32>, vector<16xf32>, vector<16xi32>, vector<16xf32>, vector<16xi32>, vector<16xf32>, vector<16xi32>)  : i32 {
        %mul3A_1797 = arith.constant 16 : i32
        %mul3A_1798 = arith.muli %scan3A_1788, %mul3A_1797 : i32
        %get3A = arith.index_cast %mul3A_1798 : i32 to index
        %get3A_1799 = tpu.vector_load %arg5[%get3A] {strides = array<i32>} : memref<8192xf32, #tpu.memory_space<vmem>>, vector<16xf32>,
        %get3A_1800 = vector.shape_cast %get3A_1799 : vector<16xf32> to vector<16xf32>
        %add3A_1801 = vector.broadcast %mul3A_1798 : i32 to vector<16xi32>
        %add3A_1802 = arith.addi %iota3A, %add3A_1801 : vector<16xi32>
        %get3A_1803 = arith.constant 4 : i32
        %get3A_1804 = arith.index_cast %get3A_1803 : i32 to index
        %get3A_1805 = arith.index_cast %mul3A_1798 : i32 to index
        %get3A_1806 = tpu.vector_load %arg6[%get3A_1804, %get3A_1805] {strides = array<i32>} : memref<8x8192xf32, #tpu.memory_space<vmem>>, vector<1x16xf32>,
        %get3A_1807 = vector.shape_cast %get3A_1806 : vector<1x16xf32> to vector<16xf32>
        %mul3A_1808 = arith.constant 5.000000e-02 : f32
        %mul3A_1809 = vector.broadcast %mul3A_1808 : f32 to vector<16xf32>
        %mul3A_1810 = arith.mulf %mul3A_1809, %get3A_1807 : vector<16xf32>
        %add3A_1811 = arith.addf %get3A_1800, %mul3A_1810 : vector<16xf32>
        %gt3A_1812 = arith.cmpf ogt, %add3A_1811, %scan3A_1789 : vector<16xf32>
        %select_n3A_1813 = arith.select %gt3A_1812, %add3A_1811, %scan3A_1789 : vector<16xi1>, vector<16xf32>
        %select_n3A_1814 = arith.select %gt3A_1812, %add3A_1802, %scan3A_1790 : vector<16xi1>, vector<16xi32>
        %get3A_1815 = arith.constant 5 : i32
        %get3A_1816 = arith.index_cast %get3A_1815 : i32 to index
        %get3A_1817 = arith.index_cast %mul3A_1798 : i32 to index
        %get3A_1818 = tpu.vector_load %arg6[%get3A_1816, %get3A_1817] {strides = array<i32>} : memref<8x8192xf32, #tpu.memory_space<vmem>>, vector<1x16xf32>,
        %get3A_1819 = vector.shape_cast %get3A_1818 : vector<1x16xf32> to vector<16xf32>
        %mul3A_1820 = arith.constant 5.000000e-02 : f32
        %mul3A_1821 = vector.broadcast %mul3A_1820 : f32 to vector<16xf32>
        %mul3A_1822 = arith.mulf %mul3A_1821, %get3A_1819 : vector<16xf32>
        %add3A_1823 = arith.addf %get3A_1800, %mul3A_1822 : vector<16xf32>
        %gt3A_1824 = arith.cmpf ogt, %add3A_1823, %scan3A_1791 : vector<16xf32>
        %select_n3A_1825 = arith.select %gt3A_1824, %add3A_1823, %scan3A_1791 : vector<16xi1>, vector<16xf32>
        %select_n3A_1826 = arith.select %gt3A_1824, %add3A_1802, %scan3A_1792 : vector<16xi1>, vector<16xi32>
        %get3A_1827 = arith.constant 6 : i32
        %get3A_1828 = arith.index_cast %get3A_1827 : i32 to index
        %get3A_1829 = arith.index_cast %mul3A_1798 : i32 to index
        %get3A_1830 = tpu.vector_load %arg6[%get3A_1828, %get3A_1829] {strides = array<i32>} : memref<8x8192xf32, #tpu.memory_space<vmem>>, vector<1x16xf32>,
        %get3A_1831 = vector.shape_cast %get3A_1830 : vector<1x16xf32> to vector<16xf32>
        %mul3A_1832 = arith.constant 5.000000e-02 : f32
        %mul3A_1833 = vector.broadcast %mul3A_1832 : f32 to vector<16xf32>
        %mul3A_1834 = arith.mulf %mul3A_1833, %get3A_1831 : vector<16xf32>
        %add3A_1835 = arith.addf %get3A_1800, %mul3A_1834 : vector<16xf32>
        %gt3A_1836 = arith.cmpf ogt, %add3A_1835, %scan3A_1793 : vector<16xf32>
        %select_n3A_1837 = arith.select %gt3A_1836, %add3A_1835, %scan3A_1793 : vector<16xi1>, vector<16xf32>
        %select_n3A_1838 = arith.select %gt3A_1836, %add3A_1802, %scan3A_1794 : vector<16xi1>, vector<16xi32>
        %get3A_1839 = arith.constant 7 : i32
        %get3A_1840 = arith.index_cast %get3A_1839 : i32 to index
        %get3A_1841 = arith.index_cast %mul3A_1798 : i32 to index
        %get3A_1842 = tpu.vector_load %arg6[%get3A_1840, %get3A_1841] {strides = array<i32>} : memref<8x8192xf32, #tpu.memory_space<vmem>>, vector<1x16xf32>,
        %get3A_1843 = vector.shape_cast %get3A_1842 : vector<1x16xf32> to vector<16xf32>
        %mul3A_1844 = arith.constant 5.000000e-02 : f32
        %mul3A_1845 = vector.broadcast %mul3A_1844 : f32 to vector<16xf32>
        %mul3A_1846 = arith.mulf %mul3A_1845, %get3A_1843 : vector<16xf32>
        %add3A_1847 = arith.addf %get3A_1800, %mul3A_1846 : vector<16xf32>
        %gt3A_1848 = arith.cmpf ogt, %add3A_1847, %scan3A_1795 : vector<16xf32>
        %select_n3A_1849 = arith.select %gt3A_1848, %add3A_1847, %scan3A_1795 : vector<16xi1>, vector<16xf32>
        %select_n3A_1850 = arith.select %gt3A_1848, %add3A_1802, %scan3A_1796 : vector<16xi1>, vector<16xi32>
        scf.yield %select_n3A_1813, %select_n3A_1814, %select_n3A_1825, %select_n3A_1826, %select_n3A_1837, %select_n3A_1838, %select_n3A_1849, %select_n3A_1850 : vector<16xf32>, vector<16xi32>, vector<16xf32>, vector<16xi32>, vector<16xf32>, vector<16xi32>, vector<16xf32>, vector<16xi32>
      }
      %scan3A_1500 = arith.constant 512 : i32
      %xor3A_1501 = arith.constant 1 : i32
      %xor3A_1502 = vector.broadcast %xor3A_1501 : i32 to vector<16xi32>
      %xor3A_1503 = arith.xori %iota3A, %xor3A_1502 : vector<16xi32>
      %broadcast_in_dim3A_1504 = vector.shape_cast %xor3A_1503 : vector<16xi32> to vector<16x1xi32>
      %gather3A_1505 = vector.shape_cast %broadcast_in_dim3A_1504 : vector<16x1xi32> to vector<16xi32>
      %gather3A_1506 = tpu.dynamic_gather %scan3A_1499#0[%gather3A_1505] in [0] : vector<16xf32>, vector<16xi32> -> vector<16xf32>
      %broadcast_in_dim3A_1507 = vector.shape_cast %xor3A_1503 : vector<16xi32> to vector<16x1xi32>
      %gather3A_1508 = vector.shape_cast %broadcast_in_dim3A_1507 : vector<16x1xi32> to vector<16xi32>
      %gather3A_1509 = tpu.dynamic_gather %scan3A_1499#1[%gather3A_1508] in [0] : vector<16xi32>, vector<16xi32> -> vector<16xi32>
      %gt3A_1510 = arith.cmpf ogt, %gather3A_1506, %scan3A_1499#0 : vector<16xf32>
      %eq3A_1511 = arith.cmpf oeq, %gather3A_1506, %scan3A_1499#0 : vector<16xf32>
      %lt3A_1512 = arith.cmpi slt, %gather3A_1509, %scan3A_1499#1 : vector<16xi32>
      %and3A_1513 = arith.andi %eq3A_1511, %lt3A_1512 : vector<16xi1>
      %or3A_1514 = arith.ori %gt3A_1510, %and3A_1513 : vector<16xi1>
      %select_n3A_1515 = arith.select %or3A_1514, %gather3A_1506, %scan3A_1499#0 : vector<16xi1>, vector<16xf32>
      %select_n3A_1516 = arith.select %or3A_1514, %gather3A_1509, %scan3A_1499#1 : vector<16xi1>, vector<16xi32>
      %xor3A_1517 = arith.constant 2 : i32
      %xor3A_1518 = vector.broadcast %xor3A_1517 : i32 to vector<16xi32>
      %xor3A_1519 = arith.xori %iota3A, %xor3A_1518 : vector<16xi32>
      %broadcast_in_dim3A_1520 = vector.shape_cast %xor3A_1519 : vector<16xi32> to vector<16x1xi32>
      %gather3A_1521 = vector.shape_cast %broadcast_in_dim3A_1520 : vector<16x1xi32> to vector<16xi32>
      %gather3A_1522 = tpu.dynamic_gather %select_n3A_1515[%gather3A_1521] in [0] : vector<16xf32>, vector<16xi32> -> vector<16xf32>
      %broadcast_in_dim3A_1523 = vector.shape_cast %xor3A_1519 : vector<16xi32> to vector<16x1xi32>
      %gather3A_1524 = vector.shape_cast %broadcast_in_dim3A_1523 : vector<16x1xi32> to vector<16xi32>
      %gather3A_1525 = tpu.dynamic_gather %select_n3A_1516[%gather3A_1524] in [0] : vector<16xi32>, vector<16xi32> -> vector<16xi32>
      %gt3A_1526 = arith.cmpf ogt, %gather3A_1522, %select_n3A_1515 : vector<16xf32>
      %eq3A_1527 = arith.cmpf oeq, %gather3A_1522, %select_n3A_1515 : vector<16xf32>
      %lt3A_1528 = arith.cmpi slt, %gather3A_1525, %select_n3A_1516 : vector<16xi32>
      %and3A_1529 = arith.andi %eq3A_1527, %lt3A_1528 : vector<16xi1>
      %or3A_1530 = arith.ori %gt3A_1526, %and3A_1529 : vector<16xi1>
      %select_n3A_1531 = arith.select %or3A_1530, %gather3A_1522, %select_n3A_1515 : vector<16xi1>, vector<16xf32>
      %select_n3A_1532 = arith.select %or3A_1530, %gather3A_1525, %select_n3A_1516 : vector<16xi1>, vector<16xi32>
      %xor3A_1533 = arith.constant 4 : i32
      %xor3A_1534 = vector.broadcast %xor3A_1533 : i32 to vector<16xi32>
      %xor3A_1535 = arith.xori %iota3A, %xor3A_1534 : vector<16xi32>
      %broadcast_in_dim3A_1536 = vector.shape_cast %xor3A_1535 : vector<16xi32> to vector<16x1xi32>
      %gather3A_1537 = vector.shape_cast %broadcast_in_dim3A_1536 : vector<16x1xi32> to vector<16xi32>
      %gather3A_1538 = tpu.dynamic_gather %select_n3A_1531[%gather3A_1537] in [0] : vector<16xf32>, vector<16xi32> -> vector<16xf32>
      %broadcast_in_dim3A_1539 = vector.shape_cast %xor3A_1535 : vector<16xi32> to vector<16x1xi32>
      %gather3A_1540 = vector.shape_cast %broadcast_in_dim3A_1539 : vector<16x1xi32> to vector<16xi32>
      %gather3A_1541 = tpu.dynamic_gather %select_n3A_1532[%gather3A_1540] in [0] : vector<16xi32>, vector<16xi32> -> vector<16xi32>
      %gt3A_1542 = arith.cmpf ogt, %gather3A_1538, %select_n3A_1531 : vector<16xf32>
      %eq3A_1543 = arith.cmpf oeq, %gather3A_1538, %select_n3A_1531 : vector<16xf32>
      %lt3A_1544 = arith.cmpi slt, %gather3A_1541, %select_n3A_1532 : vector<16xi32>
      %and3A_1545 = arith.andi %eq3A_1543, %lt3A_1544 : vector<16xi1>
      %or3A_1546 = arith.ori %gt3A_1542, %and3A_1545 : vector<16xi1>
      %select_n3A_1547 = arith.select %or3A_1546, %gather3A_1538, %select_n3A_1531 : vector<16xi1>, vector<16xf32>
      %select_n3A_1548 = arith.select %or3A_1546, %gather3A_1541, %select_n3A_1532 : vector<16xi1>, vector<16xi32>
      %xor3A_1549 = arith.constant 8 : i32
      %xor3A_1550 = vector.broadcast %xor3A_1549 : i32 to vector<16xi32>
      %xor3A_1551 = arith.xori %iota3A, %xor3A_1550 : vector<16xi32>
      %broadcast_in_dim3A_1552 = vector.shape_cast %xor3A_1551 : vector<16xi32> to vector<16x1xi32>
      %gather3A_1553 = vector.shape_cast %broadcast_in_dim3A_1552 : vector<16x1xi32> to vector<16xi32>
      %gather3A_1554 = tpu.dynamic_gather %select_n3A_1547[%gather3A_1553] in [0] : vector<16xf32>, vector<16xi32> -> vector<16xf32>
      %broadcast_in_dim3A_1555 = vector.shape_cast %xor3A_1551 : vector<16xi32> to vector<16x1xi32>
      %gather3A_1556 = vector.shape_cast %broadcast_in_dim3A_1555 : vector<16x1xi32> to vector<16xi32>
      %gather3A_1557 = tpu.dynamic_gather %select_n3A_1548[%gather3A_1556] in [0] : vector<16xi32>, vector<16xi32> -> vector<16xi32>
      %gt3A_1558 = arith.cmpf ogt, %gather3A_1554, %select_n3A_1547 : vector<16xf32>
      %eq3A_1559 = arith.cmpf oeq, %gather3A_1554, %select_n3A_1547 : vector<16xf32>
      %lt3A_1560 = arith.cmpi slt, %gather3A_1557, %select_n3A_1548 : vector<16xi32>
      %and3A_1561 = arith.andi %eq3A_1559, %lt3A_1560 : vector<16xi1>
      %or3A_1562 = arith.ori %gt3A_1558, %and3A_1561 : vector<16xi1>
      %select_n3A_1563 = arith.select %or3A_1562, %gather3A_1554, %select_n3A_1547 : vector<16xi1>, vector<16xf32>
      %select_n3A_1564 = arith.select %or3A_1562, %gather3A_1557, %select_n3A_1548 : vector<16xi1>, vector<16xi32>
      %eq3A_1565 = arith.constant 0 : i32
      %eq3A_1566 = vector.broadcast %eq3A_1565 : i32 to vector<16xi32>
      %eq3A_1567 = arith.cmpi eq, %iota3A, %eq3A_1566 : vector<16xi32>
      %jit3A_1568 = arith.constant 0 : i32
      %broadcast_in_dim3A_1569 = vector.broadcast %jit3A_1568 : i32 to vector<16xi32>
      %select_n3A_1570 = arith.select %eq3A_1567, %select_n3A_1564, %broadcast_in_dim3A_1569 : vector<16xi1>, vector<16xi32>
      %add3A_1571 = arith.addi %add3A_1338, %select_n3A_1570 : vector<16xi32>
      %xor3A_1572 = arith.constant 1 : i32
      %xor3A_1573 = vector.broadcast %xor3A_1572 : i32 to vector<16xi32>
      %xor3A_1574 = arith.xori %iota3A, %xor3A_1573 : vector<16xi32>
      %broadcast_in_dim3A_1575 = vector.shape_cast %xor3A_1574 : vector<16xi32> to vector<16x1xi32>
      %gather3A_1576 = vector.shape_cast %broadcast_in_dim3A_1575 : vector<16x1xi32> to vector<16xi32>
      %gather3A_1577 = tpu.dynamic_gather %scan3A_1499#2[%gather3A_1576] in [0] : vector<16xf32>, vector<16xi32> -> vector<16xf32>
      %broadcast_in_dim3A_1578 = vector.shape_cast %xor3A_1574 : vector<16xi32> to vector<16x1xi32>
      %gather3A_1579 = vector.shape_cast %broadcast_in_dim3A_1578 : vector<16x1xi32> to vector<16xi32>
      %gather3A_1580 = tpu.dynamic_gather %scan3A_1499#3[%gather3A_1579] in [0] : vector<16xi32>, vector<16xi32> -> vector<16xi32>
      %gt3A_1581 = arith.cmpf ogt, %gather3A_1577, %scan3A_1499#2 : vector<16xf32>
      %eq3A_1582 = arith.cmpf oeq, %gather3A_1577, %scan3A_1499#2 : vector<16xf32>
      %lt3A_1583 = arith.cmpi slt, %gather3A_1580, %scan3A_1499#3 : vector<16xi32>
      %and3A_1584 = arith.andi %eq3A_1582, %lt3A_1583 : vector<16xi1>
      %or3A_1585 = arith.ori %gt3A_1581, %and3A_1584 : vector<16xi1>
      %select_n3A_1586 = arith.select %or3A_1585, %gather3A_1577, %scan3A_1499#2 : vector<16xi1>, vector<16xf32>
      %select_n3A_1587 = arith.select %or3A_1585, %gather3A_1580, %scan3A_1499#3 : vector<16xi1>, vector<16xi32>
      %xor3A_1588 = arith.constant 2 : i32
      %xor3A_1589 = vector.broadcast %xor3A_1588 : i32 to vector<16xi32>
      %xor3A_1590 = arith.xori %iota3A, %xor3A_1589 : vector<16xi32>
      %broadcast_in_dim3A_1591 = vector.shape_cast %xor3A_1590 : vector<16xi32> to vector<16x1xi32>
      %gather3A_1592 = vector.shape_cast %broadcast_in_dim3A_1591 : vector<16x1xi32> to vector<16xi32>
      %gather3A_1593 = tpu.dynamic_gather %select_n3A_1586[%gather3A_1592] in [0] : vector<16xf32>, vector<16xi32> -> vector<16xf32>
      %broadcast_in_dim3A_1594 = vector.shape_cast %xor3A_1590 : vector<16xi32> to vector<16x1xi32>
      %gather3A_1595 = vector.shape_cast %broadcast_in_dim3A_1594 : vector<16x1xi32> to vector<16xi32>
      %gather3A_1596 = tpu.dynamic_gather %select_n3A_1587[%gather3A_1595] in [0] : vector<16xi32>, vector<16xi32> -> vector<16xi32>
      %gt3A_1597 = arith.cmpf ogt, %gather3A_1593, %select_n3A_1586 : vector<16xf32>
      %eq3A_1598 = arith.cmpf oeq, %gather3A_1593, %select_n3A_1586 : vector<16xf32>
      %lt3A_1599 = arith.cmpi slt, %gather3A_1596, %select_n3A_1587 : vector<16xi32>
      %and3A_1600 = arith.andi %eq3A_1598, %lt3A_1599 : vector<16xi1>
      %or3A_1601 = arith.ori %gt3A_1597, %and3A_1600 : vector<16xi1>
      %select_n3A_1602 = arith.select %or3A_1601, %gather3A_1593, %select_n3A_1586 : vector<16xi1>, vector<16xf32>
      %select_n3A_1603 = arith.select %or3A_1601, %gather3A_1596, %select_n3A_1587 : vector<16xi1>, vector<16xi32>
      %xor3A_1604 = arith.constant 4 : i32
      %xor3A_1605 = vector.broadcast %xor3A_1604 : i32 to vector<16xi32>
      %xor3A_1606 = arith.xori %iota3A, %xor3A_1605 : vector<16xi32>
      %broadcast_in_dim3A_1607 = vector.shape_cast %xor3A_1606 : vector<16xi32> to vector<16x1xi32>
      %gather3A_1608 = vector.shape_cast %broadcast_in_dim3A_1607 : vector<16x1xi32> to vector<16xi32>
      %gather3A_1609 = tpu.dynamic_gather %select_n3A_1602[%gather3A_1608] in [0] : vector<16xf32>, vector<16xi32> -> vector<16xf32>
      %broadcast_in_dim3A_1610 = vector.shape_cast %xor3A_1606 : vector<16xi32> to vector<16x1xi32>
      %gather3A_1611 = vector.shape_cast %broadcast_in_dim3A_1610 : vector<16x1xi32> to vector<16xi32>
      %gather3A_1612 = tpu.dynamic_gather %select_n3A_1603[%gather3A_1611] in [0] : vector<16xi32>, vector<16xi32> -> vector<16xi32>
      %gt3A_1613 = arith.cmpf ogt, %gather3A_1609, %select_n3A_1602 : vector<16xf32>
      %eq3A_1614 = arith.cmpf oeq, %gather3A_1609, %select_n3A_1602 : vector<16xf32>
      %lt3A_1615 = arith.cmpi slt, %gather3A_1612, %select_n3A_1603 : vector<16xi32>
      %and3A_1616 = arith.andi %eq3A_1614, %lt3A_1615 : vector<16xi1>
      %or3A_1617 = arith.ori %gt3A_1613, %and3A_1616 : vector<16xi1>
      %select_n3A_1618 = arith.select %or3A_1617, %gather3A_1609, %select_n3A_1602 : vector<16xi1>, vector<16xf32>
      %select_n3A_1619 = arith.select %or3A_1617, %gather3A_1612, %select_n3A_1603 : vector<16xi1>, vector<16xi32>
      %xor3A_1620 = arith.constant 8 : i32
      %xor3A_1621 = vector.broadcast %xor3A_1620 : i32 to vector<16xi32>
      %xor3A_1622 = arith.xori %iota3A, %xor3A_1621 : vector<16xi32>
      %broadcast_in_dim3A_1623 = vector.shape_cast %xor3A_1622 : vector<16xi32> to vector<16x1xi32>
      %gather3A_1624 = vector.shape_cast %broadcast_in_dim3A_1623 : vector<16x1xi32> to vector<16xi32>
      %gather3A_1625 = tpu.dynamic_gather %select_n3A_1618[%gather3A_1624] in [0] : vector<16xf32>, vector<16xi32> -> vector<16xf32>
      %broadcast_in_dim3A_1626 = vector.shape_cast %xor3A_1622 : vector<16xi32> to vector<16x1xi32>
      %gather3A_1627 = vector.shape_cast %broadcast_in_dim3A_1626 : vector<16x1xi32> to vector<16xi32>
      %gather3A_1628 = tpu.dynamic_gather %select_n3A_1619[%gather3A_1627] in [0] : vector<16xi32>, vector<16xi32> -> vector<16xi32>
      %gt3A_1629 = arith.cmpf ogt, %gather3A_1625, %select_n3A_1618 : vector<16xf32>
      %eq3A_1630 = arith.cmpf oeq, %gather3A_1625, %select_n3A_1618 : vector<16xf32>
      %lt3A_1631 = arith.cmpi slt, %gather3A_1628, %select_n3A_1619 : vector<16xi32>
      %and3A_1632 = arith.andi %eq3A_1630, %lt3A_1631 : vector<16xi1>
      %or3A_1633 = arith.ori %gt3A_1629, %and3A_1632 : vector<16xi1>
      %select_n3A_1634 = arith.select %or3A_1633, %gather3A_1625, %select_n3A_1618 : vector<16xi1>, vector<16xf32>
      %select_n3A_1635 = arith.select %or3A_1633, %gather3A_1628, %select_n3A_1619 : vector<16xi1>, vector<16xi32>
      %eq3A_1636 = arith.constant 0 : i32
      %eq3A_1637 = vector.broadcast %eq3A_1636 : i32 to vector<16xi32>
      %eq3A_1638 = arith.cmpi eq, %iota3A, %eq3A_1637 : vector<16xi32>
      %jit3A_1639 = arith.constant 0 : i32
      %broadcast_in_dim3A_1640 = vector.broadcast %jit3A_1639 : i32 to vector<16xi32>
      %select_n3A_1641 = arith.select %eq3A_1638, %select_n3A_1635, %broadcast_in_dim3A_1640 : vector<16xi1>, vector<16xi32>
      %add3A_1642 = arith.addi %add3A_1571, %select_n3A_1641 : vector<16xi32>
      %xor3A_1643 = arith.constant 1 : i32
      %xor3A_1644 = vector.broadcast %xor3A_1643 : i32 to vector<16xi32>
      %xor3A_1645 = arith.xori %iota3A, %xor3A_1644 : vector<16xi32>
      %broadcast_in_dim3A_1646 = vector.shape_cast %xor3A_1645 : vector<16xi32> to vector<16x1xi32>
      %gather3A_1647 = vector.shape_cast %broadcast_in_dim3A_1646 : vector<16x1xi32> to vector<16xi32>
      %gather3A_1648 = tpu.dynamic_gather %scan3A_1499#4[%gather3A_1647] in [0] : vector<16xf32>, vector<16xi32> -> vector<16xf32>
      %broadcast_in_dim3A_1649 = vector.shape_cast %xor3A_1645 : vector<16xi32> to vector<16x1xi32>
      %gather3A_1650 = vector.shape_cast %broadcast_in_dim3A_1649 : vector<16x1xi32> to vector<16xi32>
      %gather3A_1651 = tpu.dynamic_gather %scan3A_1499#5[%gather3A_1650] in [0] : vector<16xi32>, vector<16xi32> -> vector<16xi32>
      %gt3A_1652 = arith.cmpf ogt, %gather3A_1648, %scan3A_1499#4 : vector<16xf32>
      %eq3A_1653 = arith.cmpf oeq, %gather3A_1648, %scan3A_1499#4 : vector<16xf32>
      %lt3A_1654 = arith.cmpi slt, %gather3A_1651, %scan3A_1499#5 : vector<16xi32>
      %and3A_1655 = arith.andi %eq3A_1653, %lt3A_1654 : vector<16xi1>
      %or3A_1656 = arith.ori %gt3A_1652, %and3A_1655 : vector<16xi1>
      %select_n3A_1657 = arith.select %or3A_1656, %gather3A_1648, %scan3A_1499#4 : vector<16xi1>, vector<16xf32>
      %select_n3A_1658 = arith.select %or3A_1656, %gather3A_1651, %scan3A_1499#5 : vector<16xi1>, vector<16xi32>
      %xor3A_1659 = arith.constant 2 : i32
      %xor3A_1660 = vector.broadcast %xor3A_1659 : i32 to vector<16xi32>
      %xor3A_1661 = arith.xori %iota3A, %xor3A_1660 : vector<16xi32>
      %broadcast_in_dim3A_1662 = vector.shape_cast %xor3A_1661 : vector<16xi32> to vector<16x1xi32>
      %gather3A_1663 = vector.shape_cast %broadcast_in_dim3A_1662 : vector<16x1xi32> to vector<16xi32>
      %gather3A_1664 = tpu.dynamic_gather %select_n3A_1657[%gather3A_1663] in [0] : vector<16xf32>, vector<16xi32> -> vector<16xf32>
      %broadcast_in_dim3A_1665 = vector.shape_cast %xor3A_1661 : vector<16xi32> to vector<16x1xi32>
      %gather3A_1666 = vector.shape_cast %broadcast_in_dim3A_1665 : vector<16x1xi32> to vector<16xi32>
      %gather3A_1667 = tpu.dynamic_gather %select_n3A_1658[%gather3A_1666] in [0] : vector<16xi32>, vector<16xi32> -> vector<16xi32>
      %gt3A_1668 = arith.cmpf ogt, %gather3A_1664, %select_n3A_1657 : vector<16xf32>
      %eq3A_1669 = arith.cmpf oeq, %gather3A_1664, %select_n3A_1657 : vector<16xf32>
      %lt3A_1670 = arith.cmpi slt, %gather3A_1667, %select_n3A_1658 : vector<16xi32>
      %and3A_1671 = arith.andi %eq3A_1669, %lt3A_1670 : vector<16xi1>
      %or3A_1672 = arith.ori %gt3A_1668, %and3A_1671 : vector<16xi1>
      %select_n3A_1673 = arith.select %or3A_1672, %gather3A_1664, %select_n3A_1657 : vector<16xi1>, vector<16xf32>
      %select_n3A_1674 = arith.select %or3A_1672, %gather3A_1667, %select_n3A_1658 : vector<16xi1>, vector<16xi32>
      %xor3A_1675 = arith.constant 4 : i32
      %xor3A_1676 = vector.broadcast %xor3A_1675 : i32 to vector<16xi32>
      %xor3A_1677 = arith.xori %iota3A, %xor3A_1676 : vector<16xi32>
      %broadcast_in_dim3A_1678 = vector.shape_cast %xor3A_1677 : vector<16xi32> to vector<16x1xi32>
      %gather3A_1679 = vector.shape_cast %broadcast_in_dim3A_1678 : vector<16x1xi32> to vector<16xi32>
      %gather3A_1680 = tpu.dynamic_gather %select_n3A_1673[%gather3A_1679] in [0] : vector<16xf32>, vector<16xi32> -> vector<16xf32>
      %broadcast_in_dim3A_1681 = vector.shape_cast %xor3A_1677 : vector<16xi32> to vector<16x1xi32>
      %gather3A_1682 = vector.shape_cast %broadcast_in_dim3A_1681 : vector<16x1xi32> to vector<16xi32>
      %gather3A_1683 = tpu.dynamic_gather %select_n3A_1674[%gather3A_1682] in [0] : vector<16xi32>, vector<16xi32> -> vector<16xi32>
      %gt3A_1684 = arith.cmpf ogt, %gather3A_1680, %select_n3A_1673 : vector<16xf32>
      %eq3A_1685 = arith.cmpf oeq, %gather3A_1680, %select_n3A_1673 : vector<16xf32>
      %lt3A_1686 = arith.cmpi slt, %gather3A_1683, %select_n3A_1674 : vector<16xi32>
      %and3A_1687 = arith.andi %eq3A_1685, %lt3A_1686 : vector<16xi1>
      %or3A_1688 = arith.ori %gt3A_1684, %and3A_1687 : vector<16xi1>
      %select_n3A_1689 = arith.select %or3A_1688, %gather3A_1680, %select_n3A_1673 : vector<16xi1>, vector<16xf32>
      %select_n3A_1690 = arith.select %or3A_1688, %gather3A_1683, %select_n3A_1674 : vector<16xi1>, vector<16xi32>
      %xor3A_1691 = arith.constant 8 : i32
      %xor3A_1692 = vector.broadcast %xor3A_1691 : i32 to vector<16xi32>
      %xor3A_1693 = arith.xori %iota3A, %xor3A_1692 : vector<16xi32>
      %broadcast_in_dim3A_1694 = vector.shape_cast %xor3A_1693 : vector<16xi32> to vector<16x1xi32>
      %gather3A_1695 = vector.shape_cast %broadcast_in_dim3A_1694 : vector<16x1xi32> to vector<16xi32>
      %gather3A_1696 = tpu.dynamic_gather %select_n3A_1689[%gather3A_1695] in [0] : vector<16xf32>, vector<16xi32> -> vector<16xf32>
      %broadcast_in_dim3A_1697 = vector.shape_cast %xor3A_1693 : vector<16xi32> to vector<16x1xi32>
      %gather3A_1698 = vector.shape_cast %broadcast_in_dim3A_1697 : vector<16x1xi32> to vector<16xi32>
      %gather3A_1699 = tpu.dynamic_gather %select_n3A_1690[%gather3A_1698] in [0] : vector<16xi32>, vector<16xi32> -> vector<16xi32>
      %gt3A_1700 = arith.cmpf ogt, %gather3A_1696, %select_n3A_1689 : vector<16xf32>
      %eq3A_1701 = arith.cmpf oeq, %gather3A_1696, %select_n3A_1689 : vector<16xf32>
      %lt3A_1702 = arith.cmpi slt, %gather3A_1699, %select_n3A_1690 : vector<16xi32>
      %and3A_1703 = arith.andi %eq3A_1701, %lt3A_1702 : vector<16xi1>
      %or3A_1704 = arith.ori %gt3A_1700, %and3A_1703 : vector<16xi1>
      %select_n3A_1705 = arith.select %or3A_1704, %gather3A_1696, %select_n3A_1689 : vector<16xi1>, vector<16xf32>
      %select_n3A_1706 = arith.select %or3A_1704, %gather3A_1699, %select_n3A_1690 : vector<16xi1>, vector<16xi32>
      %eq3A_1707 = arith.constant 0 : i32
      %eq3A_1708 = vector.broadcast %eq3A_1707 : i32 to vector<16xi32>
      %eq3A_1709 = arith.cmpi eq, %iota3A, %eq3A_1708 : vector<16xi32>
      %jit3A_1710 = arith.constant 0 : i32
      %broadcast_in_dim3A_1711 = vector.broadcast %jit3A_1710 : i32 to vector<16xi32>
      %select_n3A_1712 = arith.select %eq3A_1709, %select_n3A_1706, %broadcast_in_dim3A_1711 : vector<16xi1>, vector<16xi32>
      %add3A_1713 = arith.addi %add3A_1642, %select_n3A_1712 : vector<16xi32>
      %xor3A_1714 = arith.constant 1 : i32
      %xor3A_1715 = vector.broadcast %xor3A_1714 : i32 to vector<16xi32>
      %xor3A_1716 = arith.xori %iota3A, %xor3A_1715 : vector<16xi32>
      %broadcast_in_dim3A_1717 = vector.shape_cast %xor3A_1716 : vector<16xi32> to vector<16x1xi32>
      %gather3A_1718 = vector.shape_cast %broadcast_in_dim3A_1717 : vector<16x1xi32> to vector<16xi32>
      %gather3A_1719 = tpu.dynamic_gather %scan3A_1499#6[%gather3A_1718] in [0] : vector<16xf32>, vector<16xi32> -> vector<16xf32>
      %broadcast_in_dim3A_1720 = vector.shape_cast %xor3A_1716 : vector<16xi32> to vector<16x1xi32>
      %gather3A_1721 = vector.shape_cast %broadcast_in_dim3A_1720 : vector<16x1xi32> to vector<16xi32>
      %gather3A_1722 = tpu.dynamic_gather %scan3A_1499#7[%gather3A_1721] in [0] : vector<16xi32>, vector<16xi32> -> vector<16xi32>
      %gt3A_1723 = arith.cmpf ogt, %gather3A_1719, %scan3A_1499#6 : vector<16xf32>
      %eq3A_1724 = arith.cmpf oeq, %gather3A_1719, %scan3A_1499#6 : vector<16xf32>
      %lt3A_1725 = arith.cmpi slt, %gather3A_1722, %scan3A_1499#7 : vector<16xi32>
      %and3A_1726 = arith.andi %eq3A_1724, %lt3A_1725 : vector<16xi1>
      %or3A_1727 = arith.ori %gt3A_1723, %and3A_1726 : vector<16xi1>
      %select_n3A_1728 = arith.select %or3A_1727, %gather3A_1719, %scan3A_1499#6 : vector<16xi1>, vector<16xf32>
      %select_n3A_1729 = arith.select %or3A_1727, %gather3A_1722, %scan3A_1499#7 : vector<16xi1>, vector<16xi32>
      %xor3A_1730 = arith.constant 2 : i32
      %xor3A_1731 = vector.broadcast %xor3A_1730 : i32 to vector<16xi32>
      %xor3A_1732 = arith.xori %iota3A, %xor3A_1731 : vector<16xi32>
      %broadcast_in_dim3A_1733 = vector.shape_cast %xor3A_1732 : vector<16xi32> to vector<16x1xi32>
      %gather3A_1734 = vector.shape_cast %broadcast_in_dim3A_1733 : vector<16x1xi32> to vector<16xi32>
      %gather3A_1735 = tpu.dynamic_gather %select_n3A_1728[%gather3A_1734] in [0] : vector<16xf32>, vector<16xi32> -> vector<16xf32>
      %broadcast_in_dim3A_1736 = vector.shape_cast %xor3A_1732 : vector<16xi32> to vector<16x1xi32>
      %gather3A_1737 = vector.shape_cast %broadcast_in_dim3A_1736 : vector<16x1xi32> to vector<16xi32>
      %gather3A_1738 = tpu.dynamic_gather %select_n3A_1729[%gather3A_1737] in [0] : vector<16xi32>, vector<16xi32> -> vector<16xi32>
      %gt3A_1739 = arith.cmpf ogt, %gather3A_1735, %select_n3A_1728 : vector<16xf32>
      %eq3A_1740 = arith.cmpf oeq, %gather3A_1735, %select_n3A_1728 : vector<16xf32>
      %lt3A_1741 = arith.cmpi slt, %gather3A_1738, %select_n3A_1729 : vector<16xi32>
      %and3A_1742 = arith.andi %eq3A_1740, %lt3A_1741 : vector<16xi1>
      %or3A_1743 = arith.ori %gt3A_1739, %and3A_1742 : vector<16xi1>
      %select_n3A_1744 = arith.select %or3A_1743, %gather3A_1735, %select_n3A_1728 : vector<16xi1>, vector<16xf32>
      %select_n3A_1745 = arith.select %or3A_1743, %gather3A_1738, %select_n3A_1729 : vector<16xi1>, vector<16xi32>
      %xor3A_1746 = arith.constant 4 : i32
      %xor3A_1747 = vector.broadcast %xor3A_1746 : i32 to vector<16xi32>
      %xor3A_1748 = arith.xori %iota3A, %xor3A_1747 : vector<16xi32>
      %broadcast_in_dim3A_1749 = vector.shape_cast %xor3A_1748 : vector<16xi32> to vector<16x1xi32>
      %gather3A_1750 = vector.shape_cast %broadcast_in_dim3A_1749 : vector<16x1xi32> to vector<16xi32>
      %gather3A_1751 = tpu.dynamic_gather %select_n3A_1744[%gather3A_1750] in [0] : vector<16xf32>, vector<16xi32> -> vector<16xf32>
      %broadcast_in_dim3A_1752 = vector.shape_cast %xor3A_1748 : vector<16xi32> to vector<16x1xi32>
      %gather3A_1753 = vector.shape_cast %broadcast_in_dim3A_1752 : vector<16x1xi32> to vector<16xi32>
      %gather3A_1754 = tpu.dynamic_gather %select_n3A_1745[%gather3A_1753] in [0] : vector<16xi32>, vector<16xi32> -> vector<16xi32>
      %gt3A_1755 = arith.cmpf ogt, %gather3A_1751, %select_n3A_1744 : vector<16xf32>
      %eq3A_1756 = arith.cmpf oeq, %gather3A_1751, %select_n3A_1744 : vector<16xf32>
      %lt3A_1757 = arith.cmpi slt, %gather3A_1754, %select_n3A_1745 : vector<16xi32>
      %and3A_1758 = arith.andi %eq3A_1756, %lt3A_1757 : vector<16xi1>
      %or3A_1759 = arith.ori %gt3A_1755, %and3A_1758 : vector<16xi1>
      %select_n3A_1760 = arith.select %or3A_1759, %gather3A_1751, %select_n3A_1744 : vector<16xi1>, vector<16xf32>
      %select_n3A_1761 = arith.select %or3A_1759, %gather3A_1754, %select_n3A_1745 : vector<16xi1>, vector<16xi32>
      %xor3A_1762 = arith.constant 8 : i32
      %xor3A_1763 = vector.broadcast %xor3A_1762 : i32 to vector<16xi32>
      %xor3A_1764 = arith.xori %iota3A, %xor3A_1763 : vector<16xi32>
      %broadcast_in_dim3A_1765 = vector.shape_cast %xor3A_1764 : vector<16xi32> to vector<16x1xi32>
      %gather3A_1766 = vector.shape_cast %broadcast_in_dim3A_1765 : vector<16x1xi32> to vector<16xi32>
      %gather3A_1767 = tpu.dynamic_gather %select_n3A_1760[%gather3A_1766] in [0] : vector<16xf32>, vector<16xi32> -> vector<16xf32>
      %broadcast_in_dim3A_1768 = vector.shape_cast %xor3A_1764 : vector<16xi32> to vector<16x1xi32>
      %gather3A_1769 = vector.shape_cast %broadcast_in_dim3A_1768 : vector<16x1xi32> to vector<16xi32>
      %gather3A_1770 = tpu.dynamic_gather %select_n3A_1761[%gather3A_1769] in [0] : vector<16xi32>, vector<16xi32> -> vector<16xi32>
      %gt3A_1771 = arith.cmpf ogt, %gather3A_1767, %select_n3A_1760 : vector<16xf32>
      %eq3A_1772 = arith.cmpf oeq, %gather3A_1767, %select_n3A_1760 : vector<16xf32>
      %lt3A_1773 = arith.cmpi slt, %gather3A_1770, %select_n3A_1761 : vector<16xi32>
      %and3A_1774 = arith.andi %eq3A_1772, %lt3A_1773 : vector<16xi1>
      %or3A_1775 = arith.ori %gt3A_1771, %and3A_1774 : vector<16xi1>
      %select_n3A_1776 = arith.select %or3A_1775, %gather3A_1767, %select_n3A_1760 : vector<16xi1>, vector<16xf32>
      %select_n3A_1777 = arith.select %or3A_1775, %gather3A_1770, %select_n3A_1761 : vector<16xi1>, vector<16xi32>
      %eq3A_1778 = arith.constant 0 : i32
      %eq3A_1779 = vector.broadcast %eq3A_1778 : i32 to vector<16xi32>
      %eq3A_1780 = arith.cmpi eq, %iota3A, %eq3A_1779 : vector<16xi32>
      %jit3A_1781 = arith.constant 0 : i32
      %broadcast_in_dim3A_1782 = vector.broadcast %jit3A_1781 : i32 to vector<16xi32>
      %select_n3A_1783 = arith.select %eq3A_1780, %select_n3A_1777, %broadcast_in_dim3A_1782 : vector<16xi1>, vector<16xi32>
      %add3A_1784 = arith.addi %add3A_1713, %select_n3A_1783 : vector<16xi32>
      %lt3A_1785 = arith.constant 11 : i32
      %lt3A_1786 = arith.cmpi slt, %scan3A_961, %lt3A_1785 : i32
      %convert_element_type3A = arith.extui %lt3A_1786 : i1 to i32
      %cond3A = arith.constant 0 : i32
      %cond3A_1787 = arith.cmpi ne, %convert_element_type3A, %cond3A : i32
      scf.if %cond3A_1787 {
        %add3A_1788 = arith.constant 3 : i32
        %add3A_1789 = arith.addi %mul3A_964, %add3A_1788 : i32
        %mul3A_1790 = arith.constant 4 : i32
        %mul3A_1791 = arith.muli %add3A_1789, %mul3A_1790 : i32
        %add3A_1792 = arith.constant 0 : i32
        %add3A_1793 = arith.addi %mul3A_1791, %add3A_1792 : i32
        %dma_start3A_1794 = arith.constant 4 : i32
        %dma_start3A_1795 = arith.constant 0 : i32
        %dma_start3A_1796 = tpu.memref_slice %arg6[%dma_start3A_1794, %dma_start3A_1795] : memref<8x8192xf32, #tpu.memory_space<vmem>> -> memref<1x8192xf32, #tpu.memory_space<vmem>>
        %dma_start3A_1797 = tpu.memref_squeeze %dma_start3A_1796 : memref<1x8192xf32, #tpu.memory_space<vmem>> -> memref<8192xf32, #tpu.memory_space<vmem>>
        %dma_start3A_1798 = arith.constant 0 : i32
        %dma_start3A_1799 = tpu.memref_slice %arg3[%add3A_477, %add3A_1793, %dma_start3A_1798] : memref<64x100x8192xf32, #tpu.memory_space<hbm>> -> memref<1x1x8192xf32, #tpu.memory_space<hbm>>
        %dma_start3A_1800 = tpu.memref_squeeze %dma_start3A_1799 : memref<1x1x8192xf32, #tpu.memory_space<hbm>> -> memref<8192xf32, #tpu.memory_space<hbm>>
        %dma_start3A_1801 = arith.constant 0 : i32
        %dma_start3A_1802 = tpu.memref_slice %arg6[%dma_start3A_1794, %dma_start3A_1801] : memref<8x8192xf32, #tpu.memory_space<vmem>> -> memref<1x8192xf32, #tpu.memory_space<vmem>>
        %dma_start3A_1803 = tpu.memref_squeeze %dma_start3A_1802 : memref<1x8192xf32, #tpu.memory_space<vmem>> -> memref<8192xf32, #tpu.memory_space<vmem>>
        %dma_start3A_1804 = arith.constant 0 : i32
        %dma_start3A_1805 = tpu.memref_slice %arg3[%add3A_477, %add3A_1793, %dma_start3A_1804] : memref<64x100x8192xf32, #tpu.memory_space<hbm>> -> memref<1x1x8192xf32, #tpu.memory_space<hbm>>
        %dma_start3A_1806 = tpu.memref_squeeze %dma_start3A_1805 : memref<1x1x8192xf32, #tpu.memory_space<hbm>> -> memref<8192xf32, #tpu.memory_space<hbm>>
        tpu.enqueue_dma source(%dma_start3A_1806 : memref<8192xf32, #tpu.memory_space<hbm>>) target(%dma_start3A_1803 : memref<8192xf32, #tpu.memory_space<vmem>>) target_semaphore(%arg9 : memref<!tpu.dma_semaphore, #tpu.memory_space<semaphore_mem>>)
        %mul3A_1807 = arith.constant 4 : i32
        %mul3A_1808 = arith.muli %add3A_1789, %mul3A_1807 : i32
        %add3A_1809 = arith.constant 1 : i32
        %add3A_1810 = arith.addi %mul3A_1808, %add3A_1809 : i32
        %dma_start3A_1811 = arith.constant 5 : i32
        %dma_start3A_1812 = arith.constant 0 : i32
        %dma_start3A_1813 = tpu.memref_slice %arg6[%dma_start3A_1811, %dma_start3A_1812] : memref<8x8192xf32, #tpu.memory_space<vmem>> -> memref<1x8192xf32, #tpu.memory_space<vmem>>
        %dma_start3A_1814 = tpu.memref_squeeze %dma_start3A_1813 : memref<1x8192xf32, #tpu.memory_space<vmem>> -> memref<8192xf32, #tpu.memory_space<vmem>>
        %dma_start3A_1815 = arith.constant 0 : i32
        %dma_start3A_1816 = tpu.memref_slice %arg3[%add3A_477, %add3A_1810, %dma_start3A_1815] : memref<64x100x8192xf32, #tpu.memory_space<hbm>> -> memref<1x1x8192xf32, #tpu.memory_space<hbm>>
        %dma_start3A_1817 = tpu.memref_squeeze %dma_start3A_1816 : memref<1x1x8192xf32, #tpu.memory_space<hbm>> -> memref<8192xf32, #tpu.memory_space<hbm>>
        %dma_start3A_1818 = arith.constant 0 : i32
        %dma_start3A_1819 = tpu.memref_slice %arg6[%dma_start3A_1811, %dma_start3A_1818] : memref<8x8192xf32, #tpu.memory_space<vmem>> -> memref<1x8192xf32, #tpu.memory_space<vmem>>
        %dma_start3A_1820 = tpu.memref_squeeze %dma_start3A_1819 : memref<1x8192xf32, #tpu.memory_space<vmem>> -> memref<8192xf32, #tpu.memory_space<vmem>>
        %dma_start3A_1821 = arith.constant 0 : i32
        %dma_start3A_1822 = tpu.memref_slice %arg3[%add3A_477, %add3A_1810, %dma_start3A_1821] : memref<64x100x8192xf32, #tpu.memory_space<hbm>> -> memref<1x1x8192xf32, #tpu.memory_space<hbm>>
        %dma_start3A_1823 = tpu.memref_squeeze %dma_start3A_1822 : memref<1x1x8192xf32, #tpu.memory_space<hbm>> -> memref<8192xf32, #tpu.memory_space<hbm>>
        tpu.enqueue_dma source(%dma_start3A_1823 : memref<8192xf32, #tpu.memory_space<hbm>>) target(%dma_start3A_1820 : memref<8192xf32, #tpu.memory_space<vmem>>) target_semaphore(%arg9 : memref<!tpu.dma_semaphore, #tpu.memory_space<semaphore_mem>>)
        %mul3A_1824 = arith.constant 4 : i32
        %mul3A_1825 = arith.muli %add3A_1789, %mul3A_1824 : i32
        %add3A_1826 = arith.constant 2 : i32
        %add3A_1827 = arith.addi %mul3A_1825, %add3A_1826 : i32
        %dma_start3A_1828 = arith.constant 6 : i32
        %dma_start3A_1829 = arith.constant 0 : i32
        %dma_start3A_1830 = tpu.memref_slice %arg6[%dma_start3A_1828, %dma_start3A_1829] : memref<8x8192xf32, #tpu.memory_space<vmem>> -> memref<1x8192xf32, #tpu.memory_space<vmem>>
        %dma_start3A_1831 = tpu.memref_squeeze %dma_start3A_1830 : memref<1x8192xf32, #tpu.memory_space<vmem>> -> memref<8192xf32, #tpu.memory_space<vmem>>
        %dma_start3A_1832 = arith.constant 0 : i32
        %dma_start3A_1833 = tpu.memref_slice %arg3[%add3A_477, %add3A_1827, %dma_start3A_1832] : memref<64x100x8192xf32, #tpu.memory_space<hbm>> -> memref<1x1x8192xf32, #tpu.memory_space<hbm>>
        %dma_start3A_1834 = tpu.memref_squeeze %dma_start3A_1833 : memref<1x1x8192xf32, #tpu.memory_space<hbm>> -> memref<8192xf32, #tpu.memory_space<hbm>>
        %dma_start3A_1835 = arith.constant 0 : i32
        %dma_start3A_1836 = tpu.memref_slice %arg6[%dma_start3A_1828, %dma_start3A_1835] : memref<8x8192xf32, #tpu.memory_space<vmem>> -> memref<1x8192xf32, #tpu.memory_space<vmem>>
        %dma_start3A_1837 = tpu.memref_squeeze %dma_start3A_1836 : memref<1x8192xf32, #tpu.memory_space<vmem>> -> memref<8192xf32, #tpu.memory_space<vmem>>
        %dma_start3A_1838 = arith.constant 0 : i32
        %dma_start3A_1839 = tpu.memref_slice %arg3[%add3A_477, %add3A_1827, %dma_start3A_1838] : memref<64x100x8192xf32, #tpu.memory_space<hbm>> -> memref<1x1x8192xf32, #tpu.memory_space<hbm>>
        %dma_start3A_1840 = tpu.memref_squeeze %dma_start3A_1839 : memref<1x1x8192xf32, #tpu.memory_space<hbm>> -> memref<8192xf32, #tpu.memory_space<hbm>>
        tpu.enqueue_dma source(%dma_start3A_1840 : memref<8192xf32, #tpu.memory_space<hbm>>) target(%dma_start3A_1837 : memref<8192xf32, #tpu.memory_space<vmem>>) target_semaphore(%arg9 : memref<!tpu.dma_semaphore, #tpu.memory_space<semaphore_mem>>)
        %mul3A_1841 = arith.constant 4 : i32
        %mul3A_1842 = arith.muli %add3A_1789, %mul3A_1841 : i32
        %add3A_1843 = arith.constant 3 : i32
        %add3A_1844 = arith.addi %mul3A_1842, %add3A_1843 : i32
        %dma_start3A_1845 = arith.constant 7 : i32
        %dma_start3A_1846 = arith.constant 0 : i32
        %dma_start3A_1847 = tpu.memref_slice %arg6[%dma_start3A_1845, %dma_start3A_1846] : memref<8x8192xf32, #tpu.memory_space<vmem>> -> memref<1x8192xf32, #tpu.memory_space<vmem>>
        %dma_start3A_1848 = tpu.memref_squeeze %dma_start3A_1847 : memref<1x8192xf32, #tpu.memory_space<vmem>> -> memref<8192xf32, #tpu.memory_space<vmem>>
        %dma_start3A_1849 = arith.constant 0 : i32
        %dma_start3A_1850 = tpu.memref_slice %arg3[%add3A_477, %add3A_1844, %dma_start3A_1849] : memref<64x100x8192xf32, #tpu.memory_space<hbm>> -> memref<1x1x8192xf32, #tpu.memory_space<hbm>>
        %dma_start3A_1851 = tpu.memref_squeeze %dma_start3A_1850 : memref<1x1x8192xf32, #tpu.memory_space<hbm>> -> memref<8192xf32, #tpu.memory_space<hbm>>
        %dma_start3A_1852 = arith.constant 0 : i32
        %dma_start3A_1853 = tpu.memref_slice %arg6[%dma_start3A_1845, %dma_start3A_1852] : memref<8x8192xf32, #tpu.memory_space<vmem>> -> memref<1x8192xf32, #tpu.memory_space<vmem>>
        %dma_start3A_1854 = tpu.memref_squeeze %dma_start3A_1853 : memref<1x8192xf32, #tpu.memory_space<vmem>> -> memref<8192xf32, #tpu.memory_space<vmem>>
        %dma_start3A_1855 = arith.constant 0 : i32
        %dma_start3A_1856 = tpu.memref_slice %arg3[%add3A_477, %add3A_1844, %dma_start3A_1855] : memref<64x100x8192xf32, #tpu.memory_space<hbm>> -> memref<1x1x8192xf32, #tpu.memory_space<hbm>>
        %dma_start3A_1857 = tpu.memref_squeeze %dma_start3A_1856 : memref<1x1x8192xf32, #tpu.memory_space<hbm>> -> memref<8192xf32, #tpu.memory_space<hbm>>
        tpu.enqueue_dma source(%dma_start3A_1857 : memref<8192xf32, #tpu.memory_space<hbm>>) target(%dma_start3A_1854 : memref<8192xf32, #tpu.memory_space<vmem>>) target_semaphore(%arg9 : memref<!tpu.dma_semaphore, #tpu.memory_space<semaphore_mem>>)
      } else {
      }
      scf.yield %add3A_1784 : vector<16xi32>
    }
    %scan3A_595 = arith.constant 12 : i32
    %dma_wait3A_596 = arith.constant 96 : i32
    %dma_wait3A_597 = arith.constant 0 : i32
    %dma_wait3A_598 = arith.constant 0 : i32
    %dma_wait3A_599 = tpu.memref_slice %arg6[%dma_wait3A_597, %dma_wait3A_598] : memref<8x8192xf32, #tpu.memory_space<vmem>> -> memref<1x8192xf32, #tpu.memory_space<vmem>>
    %dma_wait3A_600 = tpu.memref_squeeze %dma_wait3A_599 : memref<1x8192xf32, #tpu.memory_space<vmem>> -> memref<8192xf32, #tpu.memory_space<vmem>>
    %dma_wait3A_601 = arith.constant 0 : i32
    %dma_wait3A_602 = tpu.memref_slice %arg3[%add3A_477, %dma_wait3A_596, %dma_wait3A_601] : memref<64x100x8192xf32, #tpu.memory_space<hbm>> -> memref<1x1x8192xf32, #tpu.memory_space<hbm>>
    %dma_wait3A_603 = tpu.memref_squeeze %dma_wait3A_602 : memref<1x1x8192xf32, #tpu.memory_space<hbm>> -> memref<8192xf32, #tpu.memory_space<hbm>>
    %dma_wait3A_604 = arith.constant 0 : i32
    %dma_wait3A_605 = tpu.memref_slice %arg6[%dma_wait3A_597, %dma_wait3A_604] : memref<8x8192xf32, #tpu.memory_space<vmem>> -> memref<1x8192xf32, #tpu.memory_space<vmem>>
    %dma_wait3A_606 = tpu.memref_squeeze %dma_wait3A_605 : memref<1x8192xf32, #tpu.memory_space<vmem>> -> memref<8192xf32, #tpu.memory_space<vmem>>
    %dma_wait3A_607 = arith.constant 0 : i32
    %dma_wait3A_608 = tpu.memref_slice %arg3[%add3A_477, %dma_wait3A_596, %dma_wait3A_607] : memref<64x100x8192xf32, #tpu.memory_space<hbm>> -> memref<1x1x8192xf32, #tpu.memory_space<hbm>>
    %dma_wait3A_609 = tpu.memref_squeeze %dma_wait3A_608 : memref<1x1x8192xf32, #tpu.memory_space<hbm>> -> memref<8192xf32, #tpu.memory_space<hbm>>
    tpu.wait_dma2 semaphore(%arg8 : memref<!tpu.dma_semaphore, #tpu.memory_space<semaphore_mem>>) src(%dma_wait3A_609 : memref<8192xf32, #tpu.memory_space<hbm>>) dst(%dma_wait3A_606 : memref<8192xf32, #tpu.memory_space<vmem>>)
    %dma_wait3A_610 = arith.constant 97 : i32
    %dma_wait3A_611 = arith.constant 1 : i32
    %dma_wait3A_612 = arith.constant 0 : i32
    %dma_wait3A_613 = tpu.memref_slice %arg6[%dma_wait3A_611, %dma_wait3A_612] : memref<8x8192xf32, #tpu.memory_space<vmem>> -> memref<1x8192xf32, #tpu.memory_space<vmem>>
    %dma_wait3A_614 = tpu.memref_squeeze %dma_wait3A_613 : memref<1x8192xf32, #tpu.memory_space<vmem>> -> memref<8192xf32, #tpu.memory_space<vmem>>
    %dma_wait3A_615 = arith.constant 0 : i32
    %dma_wait3A_616 = tpu.memref_slice %arg3[%add3A_477, %dma_wait3A_610, %dma_wait3A_615] : memref<64x100x8192xf32, #tpu.memory_space<hbm>> -> memref<1x1x8192xf32, #tpu.memory_space<hbm>>
    %dma_wait3A_617 = tpu.memref_squeeze %dma_wait3A_616 : memref<1x1x8192xf32, #tpu.memory_space<hbm>> -> memref<8192xf32, #tpu.memory_space<hbm>>
    %dma_wait3A_618 = arith.constant 0 : i32
    %dma_wait3A_619 = tpu.memref_slice %arg6[%dma_wait3A_611, %dma_wait3A_618] : memref<8x8192xf32, #tpu.memory_space<vmem>> -> memref<1x8192xf32, #tpu.memory_space<vmem>>
    %dma_wait3A_620 = tpu.memref_squeeze %dma_wait3A_619 : memref<1x8192xf32, #tpu.memory_space<vmem>> -> memref<8192xf32, #tpu.memory_space<vmem>>
    %dma_wait3A_621 = arith.constant 0 : i32
    %dma_wait3A_622 = tpu.memref_slice %arg3[%add3A_477, %dma_wait3A_610, %dma_wait3A_621] : memref<64x100x8192xf32, #tpu.memory_space<hbm>> -> memref<1x1x8192xf32, #tpu.memory_space<hbm>>
    %dma_wait3A_623 = tpu.memref_squeeze %dma_wait3A_622 : memref<1x1x8192xf32, #tpu.memory_space<hbm>> -> memref<8192xf32, #tpu.memory_space<hbm>>
    tpu.wait_dma2 semaphore(%arg8 : memref<!tpu.dma_semaphore, #tpu.memory_space<semaphore_mem>>) src(%dma_wait3A_623 : memref<8192xf32, #tpu.memory_space<hbm>>) dst(%dma_wait3A_620 : memref<8192xf32, #tpu.memory_space<vmem>>)
    %dma_wait3A_624 = arith.constant 98 : i32
    %dma_wait3A_625 = arith.constant 2 : i32
    %dma_wait3A_626 = arith.constant 0 : i32
    %dma_wait3A_627 = tpu.memref_slice %arg6[%dma_wait3A_625, %dma_wait3A_626] : memref<8x8192xf32, #tpu.memory_space<vmem>> -> memref<1x8192xf32, #tpu.memory_space<vmem>>
    %dma_wait3A_628 = tpu.memref_squeeze %dma_wait3A_627 : memref<1x8192xf32, #tpu.memory_space<vmem>> -> memref<8192xf32, #tpu.memory_space<vmem>>
    %dma_wait3A_629 = arith.constant 0 : i32
    %dma_wait3A_630 = tpu.memref_slice %arg3[%add3A_477, %dma_wait3A_624, %dma_wait3A_629] : memref<64x100x8192xf32, #tpu.memory_space<hbm>> -> memref<1x1x8192xf32, #tpu.memory_space<hbm>>
    %dma_wait3A_631 = tpu.memref_squeeze %dma_wait3A_630 : memref<1x1x8192xf32, #tpu.memory_space<hbm>> -> memref<8192xf32, #tpu.memory_space<hbm>>
    %dma_wait3A_632 = arith.constant 0 : i32
    %dma_wait3A_633 = tpu.memref_slice %arg6[%dma_wait3A_625, %dma_wait3A_632] : memref<8x8192xf32, #tpu.memory_space<vmem>> -> memref<1x8192xf32, #tpu.memory_space<vmem>>
    %dma_wait3A_634 = tpu.memref_squeeze %dma_wait3A_633 : memref<1x8192xf32, #tpu.memory_space<vmem>> -> memref<8192xf32, #tpu.memory_space<vmem>>
    %dma_wait3A_635 = arith.constant 0 : i32
    %dma_wait3A_636 = tpu.memref_slice %arg3[%add3A_477, %dma_wait3A_624, %dma_wait3A_635] : memref<64x100x8192xf32, #tpu.memory_space<hbm>> -> memref<1x1x8192xf32, #tpu.memory_space<hbm>>
    %dma_wait3A_637 = tpu.memref_squeeze %dma_wait3A_636 : memref<1x1x8192xf32, #tpu.memory_space<hbm>> -> memref<8192xf32, #tpu.memory_space<hbm>>
    tpu.wait_dma2 semaphore(%arg8 : memref<!tpu.dma_semaphore, #tpu.memory_space<semaphore_mem>>) src(%dma_wait3A_637 : memref<8192xf32, #tpu.memory_space<hbm>>) dst(%dma_wait3A_634 : memref<8192xf32, #tpu.memory_space<vmem>>)
    %dma_wait3A_638 = arith.constant 99 : i32
    %dma_wait3A_639 = arith.constant 3 : i32
    %dma_wait3A_640 = arith.constant 0 : i32
    %dma_wait3A_641 = tpu.memref_slice %arg6[%dma_wait3A_639, %dma_wait3A_640] : memref<8x8192xf32, #tpu.memory_space<vmem>> -> memref<1x8192xf32, #tpu.memory_space<vmem>>
    %dma_wait3A_642 = tpu.memref_squeeze %dma_wait3A_641 : memref<1x8192xf32, #tpu.memory_space<vmem>> -> memref<8192xf32, #tpu.memory_space<vmem>>
    %dma_wait3A_643 = arith.constant 0 : i32
    %dma_wait3A_644 = tpu.memref_slice %arg3[%add3A_477, %dma_wait3A_638, %dma_wait3A_643] : memref<64x100x8192xf32, #tpu.memory_space<hbm>> -> memref<1x1x8192xf32, #tpu.memory_space<hbm>>
    %dma_wait3A_645 = tpu.memref_squeeze %dma_wait3A_644 : memref<1x1x8192xf32, #tpu.memory_space<hbm>> -> memref<8192xf32, #tpu.memory_space<hbm>>
    %dma_wait3A_646 = arith.constant 0 : i32
    %dma_wait3A_647 = tpu.memref_slice %arg6[%dma_wait3A_639, %dma_wait3A_646] : memref<8x8192xf32, #tpu.memory_space<vmem>> -> memref<1x8192xf32, #tpu.memory_space<vmem>>
    %dma_wait3A_648 = tpu.memref_squeeze %dma_wait3A_647 : memref<1x8192xf32, #tpu.memory_space<vmem>> -> memref<8192xf32, #tpu.memory_space<vmem>>
    %dma_wait3A_649 = arith.constant 0 : i32
    %dma_wait3A_650 = tpu.memref_slice %arg3[%add3A_477, %dma_wait3A_638, %dma_wait3A_649] : memref<64x100x8192xf32, #tpu.memory_space<hbm>> -> memref<1x1x8192xf32, #tpu.memory_space<hbm>>
    %dma_wait3A_651 = tpu.memref_squeeze %dma_wait3A_650 : memref<1x1x8192xf32, #tpu.memory_space<hbm>> -> memref<8192xf32, #tpu.memory_space<hbm>>
    tpu.wait_dma2 semaphore(%arg8 : memref<!tpu.dma_semaphore, #tpu.memory_space<semaphore_mem>>) src(%dma_wait3A_651 : memref<8192xf32, #tpu.memory_space<hbm>>) dst(%dma_wait3A_648 : memref<8192xf32, #tpu.memory_space<vmem>>)
    %broadcast_in_dim3A_652 = arith.constant -3.000000e+38 : f32
    %broadcast_in_dim3A_653 = vector.broadcast %broadcast_in_dim3A_652 : f32 to vector<16xf32>
    %broadcast_in_dim3A_654 = arith.constant 0 : i32
    %broadcast_in_dim3A_655 = vector.broadcast %broadcast_in_dim3A_654 : i32 to vector<16xi32>
    %broadcast_in_dim3A_656 = arith.constant -3.000000e+38 : f32
    %broadcast_in_dim3A_657 = vector.broadcast %broadcast_in_dim3A_656 : f32 to vector<16xf32>
    %broadcast_in_dim3A_658 = arith.constant 0 : i32
    %broadcast_in_dim3A_659 = vector.broadcast %broadcast_in_dim3A_658 : i32 to vector<16xi32>
    %broadcast_in_dim3A_660 = arith.constant -3.000000e+38 : f32
    %broadcast_in_dim3A_661 = vector.broadcast %broadcast_in_dim3A_660 : f32 to vector<16xf32>
    %broadcast_in_dim3A_662 = arith.constant 0 : i32
    %broadcast_in_dim3A_663 = vector.broadcast %broadcast_in_dim3A_662 : i32 to vector<16xi32>
    %broadcast_in_dim3A_664 = arith.constant -3.000000e+38 : f32
    %broadcast_in_dim3A_665 = vector.broadcast %broadcast_in_dim3A_664 : f32 to vector<16xf32>
    %broadcast_in_dim3A_666 = arith.constant 0 : i32
    %broadcast_in_dim3A_667 = vector.broadcast %broadcast_in_dim3A_666 : i32 to vector<16xi32>
    %scan3A_668 = arith.constant 0 : i32
    %scan3A_669 = arith.constant 512 : i32
    %scan3A_670 = arith.addi %scan3A_668, %scan3A_669 : i32
    %scan3A_671 = arith.constant 1 : i32
    %scan3A_672:8 = scf.for %scan3A_961 = %scan3A_668 to %scan3A_670 step %scan3A_671 iter_args(%scan3A_962 = %broadcast_in_dim3A_653, %scan3A_963 = %broadcast_in_dim3A_655, %scan3A_964 = %broadcast_in_dim3A_657, %scan3A_965 = %broadcast_in_dim3A_659, %scan3A_966 = %broadcast_in_dim3A_661, %scan3A_967 = %broadcast_in_dim3A_663, %scan3A_968 = %broadcast_in_dim3A_665, %scan3A_969 = %broadcast_in_dim3A_667) -> (vector<16xf32>, vector<16xi32>, vector<16xf32>, vector<16xi32>, vector<16xf32>, vector<16xi32>, vector<16xf32>, vector<16xi32>)  : i32 {
      %mul3A_970 = arith.constant 16 : i32
      %mul3A_971 = arith.muli %scan3A_961, %mul3A_970 : i32
      %get3A = arith.index_cast %mul3A_971 : i32 to index
      %get3A_972 = tpu.vector_load %arg5[%get3A] {strides = array<i32>} : memref<8192xf32, #tpu.memory_space<vmem>>, vector<16xf32>,
      %get3A_973 = vector.shape_cast %get3A_972 : vector<16xf32> to vector<16xf32>
      %add3A_974 = vector.broadcast %mul3A_971 : i32 to vector<16xi32>
      %add3A_975 = arith.addi %iota3A, %add3A_974 : vector<16xi32>
      %get3A_976 = arith.constant 0 : i32
      %get3A_977 = arith.index_cast %get3A_976 : i32 to index
      %get3A_978 = arith.index_cast %mul3A_971 : i32 to index
      %get3A_979 = tpu.vector_load %arg6[%get3A_977, %get3A_978] {strides = array<i32>} : memref<8x8192xf32, #tpu.memory_space<vmem>>, vector<1x16xf32>,
      %get3A_980 = vector.shape_cast %get3A_979 : vector<1x16xf32> to vector<16xf32>
      %mul3A_981 = arith.constant 5.000000e-02 : f32
      %mul3A_982 = vector.broadcast %mul3A_981 : f32 to vector<16xf32>
      %mul3A_983 = arith.mulf %mul3A_982, %get3A_980 : vector<16xf32>
      %add3A_984 = arith.addf %get3A_973, %mul3A_983 : vector<16xf32>
      %gt3A_985 = arith.cmpf ogt, %add3A_984, %scan3A_962 : vector<16xf32>
      %select_n3A_986 = arith.select %gt3A_985, %add3A_984, %scan3A_962 : vector<16xi1>, vector<16xf32>
      %select_n3A_987 = arith.select %gt3A_985, %add3A_975, %scan3A_963 : vector<16xi1>, vector<16xi32>
      %get3A_988 = arith.constant 1 : i32
      %get3A_989 = arith.index_cast %get3A_988 : i32 to index
      %get3A_990 = arith.index_cast %mul3A_971 : i32 to index
      %get3A_991 = tpu.vector_load %arg6[%get3A_989, %get3A_990] {strides = array<i32>} : memref<8x8192xf32, #tpu.memory_space<vmem>>, vector<1x16xf32>,
      %get3A_992 = vector.shape_cast %get3A_991 : vector<1x16xf32> to vector<16xf32>
      %mul3A_993 = arith.constant 5.000000e-02 : f32
      %mul3A_994 = vector.broadcast %mul3A_993 : f32 to vector<16xf32>
      %mul3A_995 = arith.mulf %mul3A_994, %get3A_992 : vector<16xf32>
      %add3A_996 = arith.addf %get3A_973, %mul3A_995 : vector<16xf32>
      %gt3A_997 = arith.cmpf ogt, %add3A_996, %scan3A_964 : vector<16xf32>
      %select_n3A_998 = arith.select %gt3A_997, %add3A_996, %scan3A_964 : vector<16xi1>, vector<16xf32>
      %select_n3A_999 = arith.select %gt3A_997, %add3A_975, %scan3A_965 : vector<16xi1>, vector<16xi32>
      %get3A_1000 = arith.constant 2 : i32
      %get3A_1001 = arith.index_cast %get3A_1000 : i32 to index
      %get3A_1002 = arith.index_cast %mul3A_971 : i32 to index
      %get3A_1003 = tpu.vector_load %arg6[%get3A_1001, %get3A_1002] {strides = array<i32>} : memref<8x8192xf32, #tpu.memory_space<vmem>>, vector<1x16xf32>,
      %get3A_1004 = vector.shape_cast %get3A_1003 : vector<1x16xf32> to vector<16xf32>
      %mul3A_1005 = arith.constant 5.000000e-02 : f32
      %mul3A_1006 = vector.broadcast %mul3A_1005 : f32 to vector<16xf32>
      %mul3A_1007 = arith.mulf %mul3A_1006, %get3A_1004 : vector<16xf32>
      %add3A_1008 = arith.addf %get3A_973, %mul3A_1007 : vector<16xf32>
      %gt3A_1009 = arith.cmpf ogt, %add3A_1008, %scan3A_966 : vector<16xf32>
      %select_n3A_1010 = arith.select %gt3A_1009, %add3A_1008, %scan3A_966 : vector<16xi1>, vector<16xf32>
      %select_n3A_1011 = arith.select %gt3A_1009, %add3A_975, %scan3A_967 : vector<16xi1>, vector<16xi32>
      %get3A_1012 = arith.constant 3 : i32
      %get3A_1013 = arith.index_cast %get3A_1012 : i32 to index
      %get3A_1014 = arith.index_cast %mul3A_971 : i32 to index
      %get3A_1015 = tpu.vector_load %arg6[%get3A_1013, %get3A_1014] {strides = array<i32>} : memref<8x8192xf32, #tpu.memory_space<vmem>>, vector<1x16xf32>,
      %get3A_1016 = vector.shape_cast %get3A_1015 : vector<1x16xf32> to vector<16xf32>
      %mul3A_1017 = arith.constant 5.000000e-02 : f32
      %mul3A_1018 = vector.broadcast %mul3A_1017 : f32 to vector<16xf32>
      %mul3A_1019 = arith.mulf %mul3A_1018, %get3A_1016 : vector<16xf32>
      %add3A_1020 = arith.addf %get3A_973, %mul3A_1019 : vector<16xf32>
      %gt3A_1021 = arith.cmpf ogt, %add3A_1020, %scan3A_968 : vector<16xf32>
      %select_n3A_1022 = arith.select %gt3A_1021, %add3A_1020, %scan3A_968 : vector<16xi1>, vector<16xf32>
      %select_n3A_1023 = arith.select %gt3A_1021, %add3A_975, %scan3A_969 : vector<16xi1>, vector<16xi32>
      scf.yield %select_n3A_986, %select_n3A_987, %select_n3A_998, %select_n3A_999, %select_n3A_1010, %select_n3A_1011, %select_n3A_1022, %select_n3A_1023 : vector<16xf32>, vector<16xi32>, vector<16xf32>, vector<16xi32>, vector<16xf32>, vector<16xi32>, vector<16xf32>, vector<16xi32>
    }
    %scan3A_673 = arith.constant 512 : i32
    %xor3A_674 = arith.constant 1 : i32
    %xor3A_675 = vector.broadcast %xor3A_674 : i32 to vector<16xi32>
    %xor3A_676 = arith.xori %iota3A, %xor3A_675 : vector<16xi32>
    %broadcast_in_dim3A_677 = vector.shape_cast %xor3A_676 : vector<16xi32> to vector<16x1xi32>
    %gather3A_678 = vector.shape_cast %broadcast_in_dim3A_677 : vector<16x1xi32> to vector<16xi32>
    %gather3A_679 = tpu.dynamic_gather %scan3A_672#0[%gather3A_678] in [0] : vector<16xf32>, vector<16xi32> -> vector<16xf32>
    %broadcast_in_dim3A_680 = vector.shape_cast %xor3A_676 : vector<16xi32> to vector<16x1xi32>
    %gather3A_681 = vector.shape_cast %broadcast_in_dim3A_680 : vector<16x1xi32> to vector<16xi32>
    %gather3A_682 = tpu.dynamic_gather %scan3A_672#1[%gather3A_681] in [0] : vector<16xi32>, vector<16xi32> -> vector<16xi32>
    %gt3A_683 = arith.cmpf ogt, %gather3A_679, %scan3A_672#0 : vector<16xf32>
    %eq3A_684 = arith.cmpf oeq, %gather3A_679, %scan3A_672#0 : vector<16xf32>
    %lt3A_685 = arith.cmpi slt, %gather3A_682, %scan3A_672#1 : vector<16xi32>
    %and3A_686 = arith.andi %eq3A_684, %lt3A_685 : vector<16xi1>
    %or3A_687 = arith.ori %gt3A_683, %and3A_686 : vector<16xi1>
    %select_n3A_688 = arith.select %or3A_687, %gather3A_679, %scan3A_672#0 : vector<16xi1>, vector<16xf32>
    %select_n3A_689 = arith.select %or3A_687, %gather3A_682, %scan3A_672#1 : vector<16xi1>, vector<16xi32>
    %xor3A_690 = arith.constant 2 : i32
    %xor3A_691 = vector.broadcast %xor3A_690 : i32 to vector<16xi32>
    %xor3A_692 = arith.xori %iota3A, %xor3A_691 : vector<16xi32>
    %broadcast_in_dim3A_693 = vector.shape_cast %xor3A_692 : vector<16xi32> to vector<16x1xi32>
    %gather3A_694 = vector.shape_cast %broadcast_in_dim3A_693 : vector<16x1xi32> to vector<16xi32>
    %gather3A_695 = tpu.dynamic_gather %select_n3A_688[%gather3A_694] in [0] : vector<16xf32>, vector<16xi32> -> vector<16xf32>
    %broadcast_in_dim3A_696 = vector.shape_cast %xor3A_692 : vector<16xi32> to vector<16x1xi32>
    %gather3A_697 = vector.shape_cast %broadcast_in_dim3A_696 : vector<16x1xi32> to vector<16xi32>
    %gather3A_698 = tpu.dynamic_gather %select_n3A_689[%gather3A_697] in [0] : vector<16xi32>, vector<16xi32> -> vector<16xi32>
    %gt3A_699 = arith.cmpf ogt, %gather3A_695, %select_n3A_688 : vector<16xf32>
    %eq3A_700 = arith.cmpf oeq, %gather3A_695, %select_n3A_688 : vector<16xf32>
    %lt3A_701 = arith.cmpi slt, %gather3A_698, %select_n3A_689 : vector<16xi32>
    %and3A_702 = arith.andi %eq3A_700, %lt3A_701 : vector<16xi1>
    %or3A_703 = arith.ori %gt3A_699, %and3A_702 : vector<16xi1>
    %select_n3A_704 = arith.select %or3A_703, %gather3A_695, %select_n3A_688 : vector<16xi1>, vector<16xf32>
    %select_n3A_705 = arith.select %or3A_703, %gather3A_698, %select_n3A_689 : vector<16xi1>, vector<16xi32>
    %xor3A_706 = arith.constant 4 : i32
    %xor3A_707 = vector.broadcast %xor3A_706 : i32 to vector<16xi32>
    %xor3A_708 = arith.xori %iota3A, %xor3A_707 : vector<16xi32>
    %broadcast_in_dim3A_709 = vector.shape_cast %xor3A_708 : vector<16xi32> to vector<16x1xi32>
    %gather3A_710 = vector.shape_cast %broadcast_in_dim3A_709 : vector<16x1xi32> to vector<16xi32>
    %gather3A_711 = tpu.dynamic_gather %select_n3A_704[%gather3A_710] in [0] : vector<16xf32>, vector<16xi32> -> vector<16xf32>
    %broadcast_in_dim3A_712 = vector.shape_cast %xor3A_708 : vector<16xi32> to vector<16x1xi32>
    %gather3A_713 = vector.shape_cast %broadcast_in_dim3A_712 : vector<16x1xi32> to vector<16xi32>
    %gather3A_714 = tpu.dynamic_gather %select_n3A_705[%gather3A_713] in [0] : vector<16xi32>, vector<16xi32> -> vector<16xi32>
    %gt3A_715 = arith.cmpf ogt, %gather3A_711, %select_n3A_704 : vector<16xf32>
    %eq3A_716 = arith.cmpf oeq, %gather3A_711, %select_n3A_704 : vector<16xf32>
    %lt3A_717 = arith.cmpi slt, %gather3A_714, %select_n3A_705 : vector<16xi32>
    %and3A_718 = arith.andi %eq3A_716, %lt3A_717 : vector<16xi1>
    %or3A_719 = arith.ori %gt3A_715, %and3A_718 : vector<16xi1>
    %select_n3A_720 = arith.select %or3A_719, %gather3A_711, %select_n3A_704 : vector<16xi1>, vector<16xf32>
    %select_n3A_721 = arith.select %or3A_719, %gather3A_714, %select_n3A_705 : vector<16xi1>, vector<16xi32>
    %xor3A_722 = arith.constant 8 : i32
    %xor3A_723 = vector.broadcast %xor3A_722 : i32 to vector<16xi32>
    %xor3A_724 = arith.xori %iota3A, %xor3A_723 : vector<16xi32>
    %broadcast_in_dim3A_725 = vector.shape_cast %xor3A_724 : vector<16xi32> to vector<16x1xi32>
    %gather3A_726 = vector.shape_cast %broadcast_in_dim3A_725 : vector<16x1xi32> to vector<16xi32>
    %gather3A_727 = tpu.dynamic_gather %select_n3A_720[%gather3A_726] in [0] : vector<16xf32>, vector<16xi32> -> vector<16xf32>
    %broadcast_in_dim3A_728 = vector.shape_cast %xor3A_724 : vector<16xi32> to vector<16x1xi32>
    %gather3A_729 = vector.shape_cast %broadcast_in_dim3A_728 : vector<16x1xi32> to vector<16xi32>
    %gather3A_730 = tpu.dynamic_gather %select_n3A_721[%gather3A_729] in [0] : vector<16xi32>, vector<16xi32> -> vector<16xi32>
    %gt3A_731 = arith.cmpf ogt, %gather3A_727, %select_n3A_720 : vector<16xf32>
    %eq3A_732 = arith.cmpf oeq, %gather3A_727, %select_n3A_720 : vector<16xf32>
    %lt3A_733 = arith.cmpi slt, %gather3A_730, %select_n3A_721 : vector<16xi32>
    %and3A_734 = arith.andi %eq3A_732, %lt3A_733 : vector<16xi1>
    %or3A_735 = arith.ori %gt3A_731, %and3A_734 : vector<16xi1>
    %select_n3A_736 = arith.select %or3A_735, %gather3A_727, %select_n3A_720 : vector<16xi1>, vector<16xf32>
    %select_n3A_737 = arith.select %or3A_735, %gather3A_730, %select_n3A_721 : vector<16xi1>, vector<16xi32>
    %eq3A_738 = arith.constant 0 : i32
    %eq3A_739 = vector.broadcast %eq3A_738 : i32 to vector<16xi32>
    %eq3A_740 = arith.cmpi eq, %iota3A, %eq3A_739 : vector<16xi32>
    %jit3A_741 = arith.constant 0 : i32
    %broadcast_in_dim3A_742 = vector.broadcast %jit3A_741 : i32 to vector<16xi32>
    %select_n3A_743 = arith.select %eq3A_740, %select_n3A_737, %broadcast_in_dim3A_742 : vector<16xi1>, vector<16xi32>
    %add3A_744 = arith.addi %scan3A_594, %select_n3A_743 : vector<16xi32>
    %xor3A_745 = arith.constant 1 : i32
    %xor3A_746 = vector.broadcast %xor3A_745 : i32 to vector<16xi32>
    %xor3A_747 = arith.xori %iota3A, %xor3A_746 : vector<16xi32>
    %broadcast_in_dim3A_748 = vector.shape_cast %xor3A_747 : vector<16xi32> to vector<16x1xi32>
    %gather3A_749 = vector.shape_cast %broadcast_in_dim3A_748 : vector<16x1xi32> to vector<16xi32>
    %gather3A_750 = tpu.dynamic_gather %scan3A_672#2[%gather3A_749] in [0] : vector<16xf32>, vector<16xi32> -> vector<16xf32>
    %broadcast_in_dim3A_751 = vector.shape_cast %xor3A_747 : vector<16xi32> to vector<16x1xi32>
    %gather3A_752 = vector.shape_cast %broadcast_in_dim3A_751 : vector<16x1xi32> to vector<16xi32>
    %gather3A_753 = tpu.dynamic_gather %scan3A_672#3[%gather3A_752] in [0] : vector<16xi32>, vector<16xi32> -> vector<16xi32>
    %gt3A_754 = arith.cmpf ogt, %gather3A_750, %scan3A_672#2 : vector<16xf32>
    %eq3A_755 = arith.cmpf oeq, %gather3A_750, %scan3A_672#2 : vector<16xf32>
    %lt3A_756 = arith.cmpi slt, %gather3A_753, %scan3A_672#3 : vector<16xi32>
    %and3A_757 = arith.andi %eq3A_755, %lt3A_756 : vector<16xi1>
    %or3A_758 = arith.ori %gt3A_754, %and3A_757 : vector<16xi1>
    %select_n3A_759 = arith.select %or3A_758, %gather3A_750, %scan3A_672#2 : vector<16xi1>, vector<16xf32>
    %select_n3A_760 = arith.select %or3A_758, %gather3A_753, %scan3A_672#3 : vector<16xi1>, vector<16xi32>
    %xor3A_761 = arith.constant 2 : i32
    %xor3A_762 = vector.broadcast %xor3A_761 : i32 to vector<16xi32>
    %xor3A_763 = arith.xori %iota3A, %xor3A_762 : vector<16xi32>
    %broadcast_in_dim3A_764 = vector.shape_cast %xor3A_763 : vector<16xi32> to vector<16x1xi32>
    %gather3A_765 = vector.shape_cast %broadcast_in_dim3A_764 : vector<16x1xi32> to vector<16xi32>
    %gather3A_766 = tpu.dynamic_gather %select_n3A_759[%gather3A_765] in [0] : vector<16xf32>, vector<16xi32> -> vector<16xf32>
    %broadcast_in_dim3A_767 = vector.shape_cast %xor3A_763 : vector<16xi32> to vector<16x1xi32>
    %gather3A_768 = vector.shape_cast %broadcast_in_dim3A_767 : vector<16x1xi32> to vector<16xi32>
    %gather3A_769 = tpu.dynamic_gather %select_n3A_760[%gather3A_768] in [0] : vector<16xi32>, vector<16xi32> -> vector<16xi32>
    %gt3A_770 = arith.cmpf ogt, %gather3A_766, %select_n3A_759 : vector<16xf32>
    %eq3A_771 = arith.cmpf oeq, %gather3A_766, %select_n3A_759 : vector<16xf32>
    %lt3A_772 = arith.cmpi slt, %gather3A_769, %select_n3A_760 : vector<16xi32>
    %and3A_773 = arith.andi %eq3A_771, %lt3A_772 : vector<16xi1>
    %or3A_774 = arith.ori %gt3A_770, %and3A_773 : vector<16xi1>
    %select_n3A_775 = arith.select %or3A_774, %gather3A_766, %select_n3A_759 : vector<16xi1>, vector<16xf32>
    %select_n3A_776 = arith.select %or3A_774, %gather3A_769, %select_n3A_760 : vector<16xi1>, vector<16xi32>
    %xor3A_777 = arith.constant 4 : i32
    %xor3A_778 = vector.broadcast %xor3A_777 : i32 to vector<16xi32>
    %xor3A_779 = arith.xori %iota3A, %xor3A_778 : vector<16xi32>
    %broadcast_in_dim3A_780 = vector.shape_cast %xor3A_779 : vector<16xi32> to vector<16x1xi32>
    %gather3A_781 = vector.shape_cast %broadcast_in_dim3A_780 : vector<16x1xi32> to vector<16xi32>
    %gather3A_782 = tpu.dynamic_gather %select_n3A_775[%gather3A_781] in [0] : vector<16xf32>, vector<16xi32> -> vector<16xf32>
    %broadcast_in_dim3A_783 = vector.shape_cast %xor3A_779 : vector<16xi32> to vector<16x1xi32>
    %gather3A_784 = vector.shape_cast %broadcast_in_dim3A_783 : vector<16x1xi32> to vector<16xi32>
    %gather3A_785 = tpu.dynamic_gather %select_n3A_776[%gather3A_784] in [0] : vector<16xi32>, vector<16xi32> -> vector<16xi32>
    %gt3A_786 = arith.cmpf ogt, %gather3A_782, %select_n3A_775 : vector<16xf32>
    %eq3A_787 = arith.cmpf oeq, %gather3A_782, %select_n3A_775 : vector<16xf32>
    %lt3A_788 = arith.cmpi slt, %gather3A_785, %select_n3A_776 : vector<16xi32>
    %and3A_789 = arith.andi %eq3A_787, %lt3A_788 : vector<16xi1>
    %or3A_790 = arith.ori %gt3A_786, %and3A_789 : vector<16xi1>
    %select_n3A_791 = arith.select %or3A_790, %gather3A_782, %select_n3A_775 : vector<16xi1>, vector<16xf32>
    %select_n3A_792 = arith.select %or3A_790, %gather3A_785, %select_n3A_776 : vector<16xi1>, vector<16xi32>
    %xor3A_793 = arith.constant 8 : i32
    %xor3A_794 = vector.broadcast %xor3A_793 : i32 to vector<16xi32>
    %xor3A_795 = arith.xori %iota3A, %xor3A_794 : vector<16xi32>
    %broadcast_in_dim3A_796 = vector.shape_cast %xor3A_795 : vector<16xi32> to vector<16x1xi32>
    %gather3A_797 = vector.shape_cast %broadcast_in_dim3A_796 : vector<16x1xi32> to vector<16xi32>
    %gather3A_798 = tpu.dynamic_gather %select_n3A_791[%gather3A_797] in [0] : vector<16xf32>, vector<16xi32> -> vector<16xf32>
    %broadcast_in_dim3A_799 = vector.shape_cast %xor3A_795 : vector<16xi32> to vector<16x1xi32>
    %gather3A_800 = vector.shape_cast %broadcast_in_dim3A_799 : vector<16x1xi32> to vector<16xi32>
    %gather3A_801 = tpu.dynamic_gather %select_n3A_792[%gather3A_800] in [0] : vector<16xi32>, vector<16xi32> -> vector<16xi32>
    %gt3A_802 = arith.cmpf ogt, %gather3A_798, %select_n3A_791 : vector<16xf32>
    %eq3A_803 = arith.cmpf oeq, %gather3A_798, %select_n3A_791 : vector<16xf32>
    %lt3A_804 = arith.cmpi slt, %gather3A_801, %select_n3A_792 : vector<16xi32>
    %and3A_805 = arith.andi %eq3A_803, %lt3A_804 : vector<16xi1>
    %or3A_806 = arith.ori %gt3A_802, %and3A_805 : vector<16xi1>
    %select_n3A_807 = arith.select %or3A_806, %gather3A_798, %select_n3A_791 : vector<16xi1>, vector<16xf32>
    %select_n3A_808 = arith.select %or3A_806, %gather3A_801, %select_n3A_792 : vector<16xi1>, vector<16xi32>
    %eq3A_809 = arith.constant 0 : i32
    %eq3A_810 = vector.broadcast %eq3A_809 : i32 to vector<16xi32>
    %eq3A_811 = arith.cmpi eq, %iota3A, %eq3A_810 : vector<16xi32>
    %jit3A_812 = arith.constant 0 : i32
    %broadcast_in_dim3A_813 = vector.broadcast %jit3A_812 : i32 to vector<16xi32>
    %select_n3A_814 = arith.select %eq3A_811, %select_n3A_808, %broadcast_in_dim3A_813 : vector<16xi1>, vector<16xi32>
    %add3A_815 = arith.addi %add3A_744, %select_n3A_814 : vector<16xi32>
    %xor3A_816 = arith.constant 1 : i32
    %xor3A_817 = vector.broadcast %xor3A_816 : i32 to vector<16xi32>
    %xor3A_818 = arith.xori %iota3A, %xor3A_817 : vector<16xi32>
    %broadcast_in_dim3A_819 = vector.shape_cast %xor3A_818 : vector<16xi32> to vector<16x1xi32>
    %gather3A_820 = vector.shape_cast %broadcast_in_dim3A_819 : vector<16x1xi32> to vector<16xi32>
    %gather3A_821 = tpu.dynamic_gather %scan3A_672#4[%gather3A_820] in [0] : vector<16xf32>, vector<16xi32> -> vector<16xf32>
    %broadcast_in_dim3A_822 = vector.shape_cast %xor3A_818 : vector<16xi32> to vector<16x1xi32>
    %gather3A_823 = vector.shape_cast %broadcast_in_dim3A_822 : vector<16x1xi32> to vector<16xi32>
    %gather3A_824 = tpu.dynamic_gather %scan3A_672#5[%gather3A_823] in [0] : vector<16xi32>, vector<16xi32> -> vector<16xi32>
    %gt3A_825 = arith.cmpf ogt, %gather3A_821, %scan3A_672#4 : vector<16xf32>
    %eq3A_826 = arith.cmpf oeq, %gather3A_821, %scan3A_672#4 : vector<16xf32>
    %lt3A_827 = arith.cmpi slt, %gather3A_824, %scan3A_672#5 : vector<16xi32>
    %and3A_828 = arith.andi %eq3A_826, %lt3A_827 : vector<16xi1>
    %or3A_829 = arith.ori %gt3A_825, %and3A_828 : vector<16xi1>
    %select_n3A_830 = arith.select %or3A_829, %gather3A_821, %scan3A_672#4 : vector<16xi1>, vector<16xf32>
    %select_n3A_831 = arith.select %or3A_829, %gather3A_824, %scan3A_672#5 : vector<16xi1>, vector<16xi32>
    %xor3A_832 = arith.constant 2 : i32
    %xor3A_833 = vector.broadcast %xor3A_832 : i32 to vector<16xi32>
    %xor3A_834 = arith.xori %iota3A, %xor3A_833 : vector<16xi32>
    %broadcast_in_dim3A_835 = vector.shape_cast %xor3A_834 : vector<16xi32> to vector<16x1xi32>
    %gather3A_836 = vector.shape_cast %broadcast_in_dim3A_835 : vector<16x1xi32> to vector<16xi32>
    %gather3A_837 = tpu.dynamic_gather %select_n3A_830[%gather3A_836] in [0] : vector<16xf32>, vector<16xi32> -> vector<16xf32>
    %broadcast_in_dim3A_838 = vector.shape_cast %xor3A_834 : vector<16xi32> to vector<16x1xi32>
    %gather3A_839 = vector.shape_cast %broadcast_in_dim3A_838 : vector<16x1xi32> to vector<16xi32>
    %gather3A_840 = tpu.dynamic_gather %select_n3A_831[%gather3A_839] in [0] : vector<16xi32>, vector<16xi32> -> vector<16xi32>
    %gt3A_841 = arith.cmpf ogt, %gather3A_837, %select_n3A_830 : vector<16xf32>
    %eq3A_842 = arith.cmpf oeq, %gather3A_837, %select_n3A_830 : vector<16xf32>
    %lt3A_843 = arith.cmpi slt, %gather3A_840, %select_n3A_831 : vector<16xi32>
    %and3A_844 = arith.andi %eq3A_842, %lt3A_843 : vector<16xi1>
    %or3A_845 = arith.ori %gt3A_841, %and3A_844 : vector<16xi1>
    %select_n3A_846 = arith.select %or3A_845, %gather3A_837, %select_n3A_830 : vector<16xi1>, vector<16xf32>
    %select_n3A_847 = arith.select %or3A_845, %gather3A_840, %select_n3A_831 : vector<16xi1>, vector<16xi32>
    %xor3A_848 = arith.constant 4 : i32
    %xor3A_849 = vector.broadcast %xor3A_848 : i32 to vector<16xi32>
    %xor3A_850 = arith.xori %iota3A, %xor3A_849 : vector<16xi32>
    %broadcast_in_dim3A_851 = vector.shape_cast %xor3A_850 : vector<16xi32> to vector<16x1xi32>
    %gather3A_852 = vector.shape_cast %broadcast_in_dim3A_851 : vector<16x1xi32> to vector<16xi32>
    %gather3A_853 = tpu.dynamic_gather %select_n3A_846[%gather3A_852] in [0] : vector<16xf32>, vector<16xi32> -> vector<16xf32>
    %broadcast_in_dim3A_854 = vector.shape_cast %xor3A_850 : vector<16xi32> to vector<16x1xi32>
    %gather3A_855 = vector.shape_cast %broadcast_in_dim3A_854 : vector<16x1xi32> to vector<16xi32>
    %gather3A_856 = tpu.dynamic_gather %select_n3A_847[%gather3A_855] in [0] : vector<16xi32>, vector<16xi32> -> vector<16xi32>
    %gt3A_857 = arith.cmpf ogt, %gather3A_853, %select_n3A_846 : vector<16xf32>
    %eq3A_858 = arith.cmpf oeq, %gather3A_853, %select_n3A_846 : vector<16xf32>
    %lt3A_859 = arith.cmpi slt, %gather3A_856, %select_n3A_847 : vector<16xi32>
    %and3A_860 = arith.andi %eq3A_858, %lt3A_859 : vector<16xi1>
    %or3A_861 = arith.ori %gt3A_857, %and3A_860 : vector<16xi1>
    %select_n3A_862 = arith.select %or3A_861, %gather3A_853, %select_n3A_846 : vector<16xi1>, vector<16xf32>
    %select_n3A_863 = arith.select %or3A_861, %gather3A_856, %select_n3A_847 : vector<16xi1>, vector<16xi32>
    %xor3A_864 = arith.constant 8 : i32
    %xor3A_865 = vector.broadcast %xor3A_864 : i32 to vector<16xi32>
    %xor3A_866 = arith.xori %iota3A, %xor3A_865 : vector<16xi32>
    %broadcast_in_dim3A_867 = vector.shape_cast %xor3A_866 : vector<16xi32> to vector<16x1xi32>
    %gather3A_868 = vector.shape_cast %broadcast_in_dim3A_867 : vector<16x1xi32> to vector<16xi32>
    %gather3A_869 = tpu.dynamic_gather %select_n3A_862[%gather3A_868] in [0] : vector<16xf32>, vector<16xi32> -> vector<16xf32>
    %broadcast_in_dim3A_870 = vector.shape_cast %xor3A_866 : vector<16xi32> to vector<16x1xi32>
    %gather3A_871 = vector.shape_cast %broadcast_in_dim3A_870 : vector<16x1xi32> to vector<16xi32>
    %gather3A_872 = tpu.dynamic_gather %select_n3A_863[%gather3A_871] in [0] : vector<16xi32>, vector<16xi32> -> vector<16xi32>
    %gt3A_873 = arith.cmpf ogt, %gather3A_869, %select_n3A_862 : vector<16xf32>
    %eq3A_874 = arith.cmpf oeq, %gather3A_869, %select_n3A_862 : vector<16xf32>
    %lt3A_875 = arith.cmpi slt, %gather3A_872, %select_n3A_863 : vector<16xi32>
    %and3A_876 = arith.andi %eq3A_874, %lt3A_875 : vector<16xi1>
    %or3A_877 = arith.ori %gt3A_873, %and3A_876 : vector<16xi1>
    %select_n3A_878 = arith.select %or3A_877, %gather3A_869, %select_n3A_862 : vector<16xi1>, vector<16xf32>
    %select_n3A_879 = arith.select %or3A_877, %gather3A_872, %select_n3A_863 : vector<16xi1>, vector<16xi32>
    %eq3A_880 = arith.constant 0 : i32
    %eq3A_881 = vector.broadcast %eq3A_880 : i32 to vector<16xi32>
    %eq3A_882 = arith.cmpi eq, %iota3A, %eq3A_881 : vector<16xi32>
    %jit3A_883 = arith.constant 0 : i32
    %broadcast_in_dim3A_884 = vector.broadcast %jit3A_883 : i32 to vector<16xi32>
    %select_n3A_885 = arith.select %eq3A_882, %select_n3A_879, %broadcast_in_dim3A_884 : vector<16xi1>, vector<16xi32>
    %add3A_886 = arith.addi %add3A_815, %select_n3A_885 : vector<16xi32>
    %xor3A_887 = arith.constant 1 : i32
    %xor3A_888 = vector.broadcast %xor3A_887 : i32 to vector<16xi32>
    %xor3A_889 = arith.xori %iota3A, %xor3A_888 : vector<16xi32>
    %broadcast_in_dim3A_890 = vector.shape_cast %xor3A_889 : vector<16xi32> to vector<16x1xi32>
    %gather3A_891 = vector.shape_cast %broadcast_in_dim3A_890 : vector<16x1xi32> to vector<16xi32>
    %gather3A_892 = tpu.dynamic_gather %scan3A_672#6[%gather3A_891] in [0] : vector<16xf32>, vector<16xi32> -> vector<16xf32>
    %broadcast_in_dim3A_893 = vector.shape_cast %xor3A_889 : vector<16xi32> to vector<16x1xi32>
    %gather3A_894 = vector.shape_cast %broadcast_in_dim3A_893 : vector<16x1xi32> to vector<16xi32>
    %gather3A_895 = tpu.dynamic_gather %scan3A_672#7[%gather3A_894] in [0] : vector<16xi32>, vector<16xi32> -> vector<16xi32>
    %gt3A_896 = arith.cmpf ogt, %gather3A_892, %scan3A_672#6 : vector<16xf32>
    %eq3A_897 = arith.cmpf oeq, %gather3A_892, %scan3A_672#6 : vector<16xf32>
    %lt3A_898 = arith.cmpi slt, %gather3A_895, %scan3A_672#7 : vector<16xi32>
    %and3A_899 = arith.andi %eq3A_897, %lt3A_898 : vector<16xi1>
    %or3A_900 = arith.ori %gt3A_896, %and3A_899 : vector<16xi1>
    %select_n3A_901 = arith.select %or3A_900, %gather3A_892, %scan3A_672#6 : vector<16xi1>, vector<16xf32>
    %select_n3A_902 = arith.select %or3A_900, %gather3A_895, %scan3A_672#7 : vector<16xi1>, vector<16xi32>
    %xor3A_903 = arith.constant 2 : i32
    %xor3A_904 = vector.broadcast %xor3A_903 : i32 to vector<16xi32>
    %xor3A_905 = arith.xori %iota3A, %xor3A_904 : vector<16xi32>
    %broadcast_in_dim3A_906 = vector.shape_cast %xor3A_905 : vector<16xi32> to vector<16x1xi32>
    %gather3A_907 = vector.shape_cast %broadcast_in_dim3A_906 : vector<16x1xi32> to vector<16xi32>
    %gather3A_908 = tpu.dynamic_gather %select_n3A_901[%gather3A_907] in [0] : vector<16xf32>, vector<16xi32> -> vector<16xf32>
    %broadcast_in_dim3A_909 = vector.shape_cast %xor3A_905 : vector<16xi32> to vector<16x1xi32>
    %gather3A_910 = vector.shape_cast %broadcast_in_dim3A_909 : vector<16x1xi32> to vector<16xi32>
    %gather3A_911 = tpu.dynamic_gather %select_n3A_902[%gather3A_910] in [0] : vector<16xi32>, vector<16xi32> -> vector<16xi32>
    %gt3A_912 = arith.cmpf ogt, %gather3A_908, %select_n3A_901 : vector<16xf32>
    %eq3A_913 = arith.cmpf oeq, %gather3A_908, %select_n3A_901 : vector<16xf32>
    %lt3A_914 = arith.cmpi slt, %gather3A_911, %select_n3A_902 : vector<16xi32>
    %and3A_915 = arith.andi %eq3A_913, %lt3A_914 : vector<16xi1>
    %or3A_916 = arith.ori %gt3A_912, %and3A_915 : vector<16xi1>
    %select_n3A_917 = arith.select %or3A_916, %gather3A_908, %select_n3A_901 : vector<16xi1>, vector<16xf32>
    %select_n3A_918 = arith.select %or3A_916, %gather3A_911, %select_n3A_902 : vector<16xi1>, vector<16xi32>
    %xor3A_919 = arith.constant 4 : i32
    %xor3A_920 = vector.broadcast %xor3A_919 : i32 to vector<16xi32>
    %xor3A_921 = arith.xori %iota3A, %xor3A_920 : vector<16xi32>
    %broadcast_in_dim3A_922 = vector.shape_cast %xor3A_921 : vector<16xi32> to vector<16x1xi32>
    %gather3A_923 = vector.shape_cast %broadcast_in_dim3A_922 : vector<16x1xi32> to vector<16xi32>
    %gather3A_924 = tpu.dynamic_gather %select_n3A_917[%gather3A_923] in [0] : vector<16xf32>, vector<16xi32> -> vector<16xf32>
    %broadcast_in_dim3A_925 = vector.shape_cast %xor3A_921 : vector<16xi32> to vector<16x1xi32>
    %gather3A_926 = vector.shape_cast %broadcast_in_dim3A_925 : vector<16x1xi32> to vector<16xi32>
    %gather3A_927 = tpu.dynamic_gather %select_n3A_918[%gather3A_926] in [0] : vector<16xi32>, vector<16xi32> -> vector<16xi32>
    %gt3A_928 = arith.cmpf ogt, %gather3A_924, %select_n3A_917 : vector<16xf32>
    %eq3A_929 = arith.cmpf oeq, %gather3A_924, %select_n3A_917 : vector<16xf32>
    %lt3A_930 = arith.cmpi slt, %gather3A_927, %select_n3A_918 : vector<16xi32>
    %and3A_931 = arith.andi %eq3A_929, %lt3A_930 : vector<16xi1>
    %or3A_932 = arith.ori %gt3A_928, %and3A_931 : vector<16xi1>
    %select_n3A_933 = arith.select %or3A_932, %gather3A_924, %select_n3A_917 : vector<16xi1>, vector<16xf32>
    %select_n3A_934 = arith.select %or3A_932, %gather3A_927, %select_n3A_918 : vector<16xi1>, vector<16xi32>
    %xor3A_935 = arith.constant 8 : i32
    %xor3A_936 = vector.broadcast %xor3A_935 : i32 to vector<16xi32>
    %xor3A_937 = arith.xori %iota3A, %xor3A_936 : vector<16xi32>
    %broadcast_in_dim3A_938 = vector.shape_cast %xor3A_937 : vector<16xi32> to vector<16x1xi32>
    %gather3A_939 = vector.shape_cast %broadcast_in_dim3A_938 : vector<16x1xi32> to vector<16xi32>
    %gather3A_940 = tpu.dynamic_gather %select_n3A_933[%gather3A_939] in [0] : vector<16xf32>, vector<16xi32> -> vector<16xf32>
    %broadcast_in_dim3A_941 = vector.shape_cast %xor3A_937 : vector<16xi32> to vector<16x1xi32>
    %gather3A_942 = vector.shape_cast %broadcast_in_dim3A_941 : vector<16x1xi32> to vector<16xi32>
    %gather3A_943 = tpu.dynamic_gather %select_n3A_934[%gather3A_942] in [0] : vector<16xi32>, vector<16xi32> -> vector<16xi32>
    %gt3A_944 = arith.cmpf ogt, %gather3A_940, %select_n3A_933 : vector<16xf32>
    %eq3A_945 = arith.cmpf oeq, %gather3A_940, %select_n3A_933 : vector<16xf32>
    %lt3A_946 = arith.cmpi slt, %gather3A_943, %select_n3A_934 : vector<16xi32>
    %and3A_947 = arith.andi %eq3A_945, %lt3A_946 : vector<16xi1>
    %or3A_948 = arith.ori %gt3A_944, %and3A_947 : vector<16xi1>
    %select_n3A_949 = arith.select %or3A_948, %gather3A_940, %select_n3A_933 : vector<16xi1>, vector<16xf32>
    %select_n3A_950 = arith.select %or3A_948, %gather3A_943, %select_n3A_934 : vector<16xi1>, vector<16xi32>
    %eq3A_951 = arith.constant 0 : i32
    %eq3A_952 = vector.broadcast %eq3A_951 : i32 to vector<16xi32>
    %eq3A_953 = arith.cmpi eq, %iota3A, %eq3A_952 : vector<16xi32>
    %jit3A_954 = arith.constant 0 : i32
    %broadcast_in_dim3A_955 = vector.broadcast %jit3A_954 : i32 to vector<16xi32>
    %select_n3A_956 = arith.select %eq3A_953, %select_n3A_950, %broadcast_in_dim3A_955 : vector<16xi1>, vector<16xi32>
    %add3A_957 = arith.addi %add3A_886, %select_n3A_956 : vector<16xi32>
    %swap3A = arith.constant 0 : index
    %swap3A_958 = tpu.vector_load %arg7[%swap3A] {strides = array<i32>} : memref<16xi32, #tpu.memory_space<vmem>>, vector<16xi32>,
    %swap3A_959 = vector.shape_cast %swap3A_958 : vector<16xi32> to vector<16xi32>
    %swap3A_960 = vector.shape_cast %add3A_957 : vector<16xi32> to vector<16xi32>
    tpu.vector_store %arg7[%swap3A], %swap3A_960 {strides = array<i32>} : memref<16xi32, #tpu.memory_space<vmem>>, vector<16xi32>,
    "tpu.region"() ({
      %run_scoped3A = tpu.sem_alloc : memref<!tpu.dma_semaphore, #tpu.memory_space<semaphore_mem>>
      %dma_start3A_961 = arith.constant 0 : i32
      %dma_start3A_962 = tpu.memref_slice %arg4[%add3A, %dma_start3A_961] : memref<32x16xi32, #tpu.memory_space<hbm>> -> memref<1x16xi32, #tpu.memory_space<hbm>>
      %dma_start3A_963 = tpu.memref_squeeze %dma_start3A_962 : memref<1x16xi32, #tpu.memory_space<hbm>> -> memref<16xi32, #tpu.memory_space<hbm>>
      %dma_start3A_964 = arith.constant 0 : i32
      %dma_start3A_965 = tpu.memref_slice %arg4[%add3A, %dma_start3A_964] : memref<32x16xi32, #tpu.memory_space<hbm>> -> memref<1x16xi32, #tpu.memory_space<hbm>>
      %dma_start3A_966 = tpu.memref_squeeze %dma_start3A_965 : memref<1x16xi32, #tpu.memory_space<hbm>> -> memref<16xi32, #tpu.memory_space<hbm>>
      tpu.enqueue_dma source(%arg7 : memref<16xi32, #tpu.memory_space<vmem>>) target(%dma_start3A_966 : memref<16xi32, #tpu.memory_space<hbm>>) target_semaphore(%run_scoped3A : memref<!tpu.dma_semaphore, #tpu.memory_space<semaphore_mem>>)
      %dma_wait3A_967 = arith.constant 0 : i32
      %dma_wait3A_968 = tpu.memref_slice %arg4[%add3A, %dma_wait3A_967] : memref<32x16xi32, #tpu.memory_space<hbm>> -> memref<1x16xi32, #tpu.memory_space<hbm>>
      %dma_wait3A_969 = tpu.memref_squeeze %dma_wait3A_968 : memref<1x16xi32, #tpu.memory_space<hbm>> -> memref<16xi32, #tpu.memory_space<hbm>>
      %dma_wait3A_970 = arith.constant 0 : i32
      %dma_wait3A_971 = tpu.memref_slice %arg4[%add3A, %dma_wait3A_970] : memref<32x16xi32, #tpu.memory_space<hbm>> -> memref<1x16xi32, #tpu.memory_space<hbm>>
      %dma_wait3A_972 = tpu.memref_squeeze %dma_wait3A_971 : memref<1x16xi32, #tpu.memory_space<hbm>> -> memref<16xi32, #tpu.memory_space<hbm>>
      tpu.wait_dma2 semaphore(%run_scoped3A : memref<!tpu.dma_semaphore, #tpu.memory_space<semaphore_mem>>) src(%arg7 : memref<16xi32, #tpu.memory_space<vmem>>) dst(%dma_wait3A_972 : memref<16xi32, #tpu.memory_space<hbm>>)
      tpu.yield
    }) : () -> ()
    return
  }
}

module attributes {stable_mosaic.version = 14 : i64} {
  func.func @_policy_body(%arg0: i32, %arg1: memref<64x2048xf32, #tpu.memory_space<vmem>>, %arg2: memref<2048x1024xf32, #tpu.memory_space<vmem>>, %arg3: memref<1x1024xf32, #tpu.memory_space<vmem>>, %arg4: memref<1024x1024xf32, #tpu.memory_space<vmem>>, %arg5: memref<1x1024xf32, #tpu.memory_space<vmem>>, %arg6: memref<2048x1024xf32, #tpu.memory_space<vmem>>, %arg7: memref<1x1024xf32, #tpu.memory_space<vmem>>, %arg8: memref<64x8192xf32, #tpu.memory_space<vmem>>, %arg9: memref<64x1024xf32, #tpu.memory_space<vmem>>, %arg10: memref<64x1024xf32, #tpu.memory_space<vmem>>, %arg11: memref<64x8192xf32, #tpu.memory_space<vmem>>) attributes {dimension_semantics = [#tpu.dimension_semantics<arbitrary>], iteration_bounds = array<i64: 8>, scalar_prefetch = 0 : i64, scratch_operands = 2 : i64, tpu.core_type = #tpu.core_type<tc>, window_params = [{pipeline_mode = #tpu.pipeline_mode<synchronous>, transform_indices = @transform_0, window_bounds = array<i64: 64, 2048>}, {pipeline_mode = #tpu.pipeline_mode<synchronous>, transform_indices = @transform_1, window_bounds = array<i64: 2048, 1024>}, {pipeline_mode = #tpu.pipeline_mode<synchronous>, transform_indices = @transform_2, window_bounds = array<i64: 1, 1024>}, {transform_indices = @transform_3, window_bounds = array<i64: 1024, 1024>}, {transform_indices = @transform_4, window_bounds = array<i64: 1, 1024>}, {pipeline_mode = #tpu.pipeline_mode<synchronous>, transform_indices = @transform_5, window_bounds = array<i64: 2048, 1024>}, {pipeline_mode = #tpu.pipeline_mode<synchronous>, transform_indices = @transform_6, window_bounds = array<i64: 1, 1024>}, {pipeline_mode = #tpu.pipeline_mode<synchronous>, transform_indices = @transform_7, window_bounds = array<i64: 64, 8192>}, {pipeline_mode = #tpu.pipeline_mode<synchronous>, transform_indices = @transform_8, window_bounds = array<i64: 64, 1024>}]} {
    %eq3A = arith.constant 0 : i32
    %eq3A_0 = arith.cmpi eq, %arg0, %eq3A : i32
    %convert_element_type3A = arith.extui %eq3A_0 : i1 to i32
    %cond3A = arith.constant 0 : i32
    %cond3A_1 = arith.cmpi ne, %convert_element_type3A, %cond3A : i32
    scf.if %cond3A_1 {
      %get3A_20 = arith.constant 0 : index
      %get3A_21 = arith.constant 0 : index
      %get3A_22 = vector.load %arg1[%get3A_20, %get3A_21] : memref<64x2048xf32, #tpu.memory_space<vmem>>, vector<64x2048xf32>
      %get3A_23 = arith.constant 0 : index
      %get3A_24 = arith.constant 0 : index
      %get3A_25 = vector.load %arg2[%get3A_23, %get3A_24] : memref<2048x1024xf32, #tpu.memory_space<vmem>>, vector<2048x1024xf32>
      %dot_general3A_26 = arith.constant dense<0.000000e+00> : vector<64x1024xf32>
      %dot_general3A_27 = tpu.matmul %get3A_22, %get3A_25, %dot_general3A_26 {dimension_numbers = #tpu.dot_dimension_numbers<[1], [0], [0], [1], [0, 0, 1, 1], [], []>, transpose_lhs_hint = false} : vector<64x2048xf32>, vector<2048x1024xf32>, vector<64x1024xf32> -> vector<64x1024xf32>
      %get3A_28 = arith.constant 0 : index
      %get3A_29 = arith.constant 0 : index
      %get3A_30 = vector.load %arg3[%get3A_28, %get3A_29] : memref<1x1024xf32, #tpu.memory_space<vmem>>, vector<1x1024xf32>
      %add3A_31 = vector.broadcast %get3A_30 : vector<1x1024xf32> to vector<64x1024xf32>
      %add3A_32 = arith.addf %dot_general3A_27, %add3A_31 : vector<64x1024xf32>
      %tanh3A = math.tanh %add3A_32 : vector<64x1024xf32>
      %swap3A_33 = arith.constant 0 : index
      %swap3A_34 = arith.constant 0 : index
      %swap3A_35 = vector.load %arg10[%swap3A_33, %swap3A_34] : memref<64x1024xf32, #tpu.memory_space<vmem>>, vector<64x1024xf32>
      tpu.vector_store %arg10[%swap3A_33, %swap3A_34], %tanh3A {strides = array<i32>} : memref<64x1024xf32, #tpu.memory_space<vmem>>, vector<64x1024xf32>,
      %get3A_36 = arith.constant 0 : index
      %get3A_37 = arith.constant 0 : index
      %get3A_38 = vector.load %arg1[%get3A_36, %get3A_37] : memref<64x2048xf32, #tpu.memory_space<vmem>>, vector<64x2048xf32>
      %get3A_39 = arith.constant 0 : index
      %get3A_40 = arith.constant 0 : index
      %get3A_41 = vector.load %arg6[%get3A_39, %get3A_40] : memref<2048x1024xf32, #tpu.memory_space<vmem>>, vector<2048x1024xf32>
      %dot_general3A_42 = arith.constant dense<0.000000e+00> : vector<64x1024xf32>
      %dot_general3A_43 = tpu.matmul %get3A_38, %get3A_41, %dot_general3A_42 {dimension_numbers = #tpu.dot_dimension_numbers<[1], [0], [0], [1], [0, 0, 1, 1], [], []>, transpose_lhs_hint = false} : vector<64x2048xf32>, vector<2048x1024xf32>, vector<64x1024xf32> -> vector<64x1024xf32>
      %get3A_44 = arith.constant 0 : index
      %get3A_45 = arith.constant 0 : index
      %get3A_46 = vector.load %arg7[%get3A_44, %get3A_45] : memref<1x1024xf32, #tpu.memory_space<vmem>>, vector<1x1024xf32>
      %add3A_47 = vector.broadcast %get3A_46 : vector<1x1024xf32> to vector<64x1024xf32>
      %add3A_48 = arith.addf %dot_general3A_43, %add3A_47 : vector<64x1024xf32>
      %swap3A_49 = arith.constant 0 : index
      %swap3A_50 = arith.constant 0 : index
      %swap3A_51 = vector.load %arg9[%swap3A_49, %swap3A_50] : memref<64x1024xf32, #tpu.memory_space<vmem>>, vector<64x1024xf32>
      tpu.vector_store %arg9[%swap3A_49, %swap3A_50], %add3A_48 {strides = array<i32>} : memref<64x1024xf32, #tpu.memory_space<vmem>>, vector<64x1024xf32>,
    } else {
    }
    %get3A = arith.constant 0 : index
    %get3A_2 = arith.constant 0 : index
    %get3A_3 = vector.load %arg10[%get3A, %get3A_2] : memref<64x1024xf32, #tpu.memory_space<vmem>>, vector<64x1024xf32>
    %get3A_4 = arith.constant 0 : index
    %get3A_5 = arith.constant 0 : index
    %get3A_6 = vector.load %arg4[%get3A_4, %get3A_5] : memref<1024x1024xf32, #tpu.memory_space<vmem>>, vector<1024x1024xf32>
    %dot_general3A = arith.constant dense<0.000000e+00> : vector<64x1024xf32>
    %dot_general3A_7 = tpu.matmul %get3A_3, %get3A_6, %dot_general3A {dimension_numbers = #tpu.dot_dimension_numbers<[1], [0], [0], [1], [0, 0, 1, 1], [], []>, transpose_lhs_hint = false} : vector<64x1024xf32>, vector<1024x1024xf32>, vector<64x1024xf32> -> vector<64x1024xf32>
    %get3A_8 = arith.constant 0 : index
    %get3A_9 = arith.constant 0 : index
    %get3A_10 = vector.load %arg5[%get3A_8, %get3A_9] : memref<1x1024xf32, #tpu.memory_space<vmem>>, vector<1x1024xf32>
    %add3A = vector.broadcast %get3A_10 : vector<1x1024xf32> to vector<64x1024xf32>
    %add3A_11 = arith.addf %dot_general3A_7, %add3A : vector<64x1024xf32>
    %mul3A = arith.constant 1024 : i32
    %mul3A_12 = arith.muli %arg0, %mul3A : i32
    %swap3A = arith.constant 0 : index
    %swap3A_13 = arith.index_cast %mul3A_12 : i32 to index
    %swap3A_14 = vector.load %arg11[%swap3A, %swap3A_13] : memref<64x8192xf32, #tpu.memory_space<vmem>>, vector<64x1024xf32>
    tpu.vector_store %arg11[%swap3A, %swap3A_13], %add3A_11 {strides = array<i32>} : memref<64x8192xf32, #tpu.memory_space<vmem>>, vector<64x1024xf32>,
    %eq3A_15 = arith.constant 7 : i32
    %eq3A_16 = arith.cmpi eq, %arg0, %eq3A_15 : i32
    %convert_element_type3A_17 = arith.extui %eq3A_16 : i1 to i32
    %cond3A_18 = arith.constant 0 : i32
    %cond3A_19 = arith.cmpi ne, %convert_element_type3A_17, %cond3A_18 : i32
    scf.if %cond3A_19 {
      %get3A_20 = arith.constant 0 : index
      %get3A_21 = arith.constant 0 : index
      %get3A_22 = vector.load %arg11[%get3A_20, %get3A_21] : memref<64x8192xf32, #tpu.memory_space<vmem>>, vector<64x8192xf32>
      %reduce_max3A = arith.constant dense<0xFF800000> : vector<64xf32>
      %reduce_max3A_23 = vector.multi_reduction <maximumf>, %get3A_22, %reduce_max3A [1] : vector<64x8192xf32> to vector<64xf32>
      %broadcast_in_dim3A = vector.shape_cast %reduce_max3A_23 : vector<64xf32> to vector<64x1xf32>
      %sub3A = vector.broadcast %broadcast_in_dim3A : vector<64x1xf32> to vector<64x8192xf32>
      %sub3A_24 = arith.subf %get3A_22, %sub3A : vector<64x8192xf32>
      %exp3A = math.exp %sub3A_24 : vector<64x8192xf32>
      %reduce_sum3A = arith.constant dense<0.000000e+00> : vector<64xf32>
      %reduce_sum3A_25 = vector.multi_reduction <add>, %exp3A, %reduce_sum3A [1] : vector<64x8192xf32> to vector<64xf32>
      %broadcast_in_dim3A_26 = vector.shape_cast %reduce_sum3A_25 : vector<64xf32> to vector<64x1xf32>
      %div3A = vector.broadcast %broadcast_in_dim3A_26 : vector<64x1xf32> to vector<64x8192xf32>
      %div3A_27 = arith.divf %exp3A, %div3A : vector<64x8192xf32>
      %swap3A_28 = arith.constant 0 : index
      %swap3A_29 = arith.constant 0 : index
      %swap3A_30 = vector.load %arg8[%swap3A_28, %swap3A_29] : memref<64x8192xf32, #tpu.memory_space<vmem>>, vector<64x8192xf32>
      tpu.vector_store %arg8[%swap3A_28, %swap3A_29], %div3A_27 {strides = array<i32>} : memref<64x8192xf32, #tpu.memory_space<vmem>>, vector<64x8192xf32>,
    } else {
    }
    return
  }
  func.func @transform_0(%arg0: i32) -> (i32, i32) {
    %c0_i32 = arith.constant 0 : i32
    %c0_i32_0 = arith.constant 0 : i32
    %c0_i32_1 = arith.constant 0 : i32
    return %c0_i32, %c0_i32_0 : i32, i32
  }
  func.func @transform_1(%arg0: i32) -> (i32, i32) {
    %c0_i32 = arith.constant 0 : i32
    %c0_i32_0 = arith.constant 0 : i32
    %c0_i32_1 = arith.constant 0 : i32
    return %c0_i32, %c0_i32_0 : i32, i32
  }
  func.func @transform_2(%arg0: i32) -> (i32, i32) {
    %c0_i32 = arith.constant 0 : i32
    %c0_i32_0 = arith.constant 0 : i32
    %c0_i32_1 = arith.constant 0 : i32
    return %c0_i32, %c0_i32_0 : i32, i32
  }
  func.func @transform_3(%arg0: i32) -> (i32, i32) {
    %c0_i32 = arith.constant 0 : i32
    %c0_i32_0 = arith.constant 0 : i32
    return %c0_i32, %arg0 : i32, i32
  }
  func.func @transform_4(%arg0: i32) -> (i32, i32) {
    %c0_i32 = arith.constant 0 : i32
    %c0_i32_0 = arith.constant 0 : i32
    return %c0_i32, %arg0 : i32, i32
  }
  func.func @transform_5(%arg0: i32) -> (i32, i32) {
    %c0_i32 = arith.constant 0 : i32
    %c0_i32_0 = arith.constant 0 : i32
    %c0_i32_1 = arith.constant 0 : i32
    return %c0_i32, %c0_i32_0 : i32, i32
  }
  func.func @transform_6(%arg0: i32) -> (i32, i32) {
    %c0_i32 = arith.constant 0 : i32
    %c0_i32_0 = arith.constant 0 : i32
    %c0_i32_1 = arith.constant 0 : i32
    return %c0_i32, %c0_i32_0 : i32, i32
  }
  func.func @transform_7(%arg0: i32) -> (i32, i32) {
    %c0_i32 = arith.constant 0 : i32
    %c0_i32_0 = arith.constant 0 : i32
    %c0_i32_1 = arith.constant 0 : i32
    return %c0_i32, %c0_i32_0 : i32, i32
  }
  func.func @transform_8(%arg0: i32) -> (i32, i32) {
    %c0_i32 = arith.constant 0 : i32
    %c0_i32_0 = arith.constant 0 : i32
    %c0_i32_1 = arith.constant 0 : i32
    return %c0_i32, %c0_i32_0 : i32, i32
  }
}

module attributes {stable_mosaic.version = 14 : i64} {
  func.func @_value_body(%arg0: memref<64x1024xf32, #tpu.memory_space<vmem>>, %arg1: memref<1x1024xf32, #tpu.memory_space<vmem>>, %arg2: memref<32x16xi32, #tpu.memory_space<vmem>>, %arg3: memref<1024x1xf32, #tpu.memory_space<vmem>>, %arg4: memref<1x1xf32, #tpu.memory_space<vmem>>, %arg5: memref<64x1xf32, #tpu.memory_space<vmem>>) attributes {dimension_semantics = [], scalar_prefetch = 0 : i64, scratch_operands = 0 : i64, tpu.core_type = #tpu.core_type<tc>} {
    %get3A = arith.constant 0 : index
    %get3A_0 = arith.constant 0 : index
    %get3A_1 = vector.load %arg2[%get3A, %get3A_0] : memref<32x16xi32, #tpu.memory_space<vmem>>, vector<32x16xi32>
    %convert_element_type3A = arith.sitofp %get3A_1 : vector<32x16xi32> to vector<32x16xf32>
    %reduce_sum3A = vector.shape_cast %convert_element_type3A : vector<32x16xf32> to vector<1x32x16xf32>
    %reduce_sum3A_2 = arith.constant dense<0.000000e+00> : vector<1xf32>
    %reduce_sum3A_3 = vector.multi_reduction <add>, %reduce_sum3A, %reduce_sum3A_2 [1, 2] : vector<1x32x16xf32> to vector<1xf32>
    %reduce_sum3A_4 = vector.shape_cast %reduce_sum3A_3 : vector<1xf32> to vector<1x1x1xf32>
    %reduce_sum3A_5 = vector.extract %reduce_sum3A_4[0, 0, 0] : f32 from vector<1x1x1xf32>
    %div3A = arith.constant 1.000000e+02 : f32
    %div3A_6 = arith.divf %reduce_sum3A_5, %div3A : f32
    %get3A_7 = arith.constant 0 : index
    %get3A_8 = arith.constant 0 : index
    %get3A_9 = vector.load %arg0[%get3A_7, %get3A_8] : memref<64x1024xf32, #tpu.memory_space<vmem>>, vector<64x1024xf32>
    %get3A_10 = arith.constant 0 : index
    %get3A_11 = arith.constant 0 : index
    %get3A_12 = vector.load %arg1[%get3A_10, %get3A_11] : memref<1x1024xf32, #tpu.memory_space<vmem>>, vector<1x1024xf32>
    %mul3A = vector.broadcast %div3A_6 : f32 to vector<1x1024xf32>
    %mul3A_13 = arith.mulf %mul3A, %get3A_12 : vector<1x1024xf32>
    %add3A = vector.broadcast %mul3A_13 : vector<1x1024xf32> to vector<64x1024xf32>
    %add3A_14 = arith.addf %get3A_9, %add3A : vector<64x1024xf32>
    %tanh3A = math.tanh %add3A_14 : vector<64x1024xf32>
    %get3A_15 = arith.constant 0 : index
    %get3A_16 = arith.constant 0 : index
    %get3A_17 = vector.load %arg3[%get3A_15, %get3A_16] : memref<1024x1xf32, #tpu.memory_space<vmem>>, vector<1024x1xf32>
    %dot_general3A = arith.constant dense<0.000000e+00> : vector<64x1xf32>
    %dot_general3A_18 = tpu.matmul %tanh3A, %get3A_17, %dot_general3A {dimension_numbers = #tpu.dot_dimension_numbers<[1], [0], [0], [1], [0, 0, 1, 1], [], []>, transpose_lhs_hint = false} : vector<64x1024xf32>, vector<1024x1xf32>, vector<64x1xf32> -> vector<64x1xf32>
    %get3A_19 = arith.constant 0 : index
    %get3A_20 = arith.constant 0 : index
    %get3A_21 = vector.load %arg4[%get3A_19, %get3A_20] : memref<1x1xf32, #tpu.memory_space<vmem>>, vector<1x1xf32>
    %add3A_22 = vector.broadcast %get3A_21 : vector<1x1xf32> to vector<64x1xf32>
    %add3A_23 = arith.addf %dot_general3A_18, %add3A_22 : vector<64x1xf32>
    %swap3A = arith.constant 0 : index
    %swap3A_24 = arith.constant 0 : index
    %swap3A_25 = vector.load %arg5[%swap3A, %swap3A_24] : memref<64x1xf32, #tpu.memory_space<vmem>>, vector<64x1xf32>
    tpu.vector_store %arg5[%swap3A, %swap3A_24], %add3A_23 {strides = array<i32>} : memref<64x1xf32, #tpu.memory_space<vmem>>, vector<64x1xf32>,
    return
  }
}

</mosaic_0001>

<sc_bundles>
// kernel: kernel.5.cloned.1.call-start
scs
__scs_entry_jumppad:
0x0: {  	(pc) =	sbr.rel $0x88, $3  }
0x1: {  	(tag) =	ssettag $0x0;
	lr =	simm.s32 $0x1  }
0x2: {  	[smem:$0x3F97] =	sst lr;
	_ =	strace $0xD0000000  }
0x3: {  	_ = 	snop  }
0x4: {  	_ = 	snop  }
0x5: {  	_ = 	snop  }
0x6: {  	_ = 	snop  }
0x7: {  	_ = 	snop  }
__scs_overlays_trampoline_lowered:
0x8: {  	[smem:$0x3FA6] =	sst s0  }
0x9: {  	[smem:$0x3FA7] =	sst s1  }
0xa: {  	[smem:$0x3FA8] =	sst s2  }
0xb: {  	[smem:$0x3FA9] =	sst s3  }
0xc: {  	[smem:$0x3FAA] =	sst s4  }
0xd: {  	[smem:$0x3FAB] =	sst s5  }
0xe: {  	[smem:$0x3FAC] =	sst s6  }
0xf: {  	[smem:$0x3FAD] =	sst s7  }
0x10: {  	[smem:$0x3FAE] =	sst s8  }
0x11: {  	[smem:$0x3FAF] =	sst s9;
	s0 =	simm.s32 @!p0 $0x0  }
0x12: {  	s1 =	sld [smem:$0x3F95];
	s0 =	simm.s32 @p0 $0x1  }
0x13: {  	[smem:$0x3FB0] =	sst s0;
	s0 =	simm.s32 @!p1 $0x0  }
0x14: {  	s2 =	sld [smem:$0x3F94];
	s0 =	simm.s32 @p1 $0x1  }
0x15: {  	[smem:$0x3FB1] =	sst s0;
	s0 =	simm.s32 @!p2 $0x0  }
0x16: {  	s3 =	sld [smem:$0x3FDB];
	s0 =	simm.s32 @p2 $0x1  }
0x17: {  	s4 =	simm.s32 $0x1BF5;
	[smem:$0x3FB3] =	sst s0  }
0x18: {  	s0 =	sld [smem:$0x3F96];
	_ =	swait.ge [sflag:s4], $0x0  }
0x19: {  	s7 =	sld [smem:$0x3F97]  }
0x1a: {  	s8 =	sadd.s32 $0xFFFFE003, lr  }
0x1b: {  	s9 =	sadd.s32 $0xFFFFFEF7, lr;
	s5 =	simm.s32 $0xFFFFFFFF;
	p2 =	slt.u32 s8, $0xFFFFF086  }
0x1c: {  	p1 =	slt.u32 s9, $0xF7A;
	s5 =	simm.s32 @!p2 $0x0  }
0x1d: {  	s5 =	simm.s32 @p1 $0x1;
	p0 =	seq.s32 s7, s2  }
0x1e: {  	s7 =	smul.u32 @!p0 $0xF7A, s2;
	p2 =	seq.s32 @!p0 s5, $0x0  }
0x1f: {  	s9 =	smul.u32 $0xF7A, s1;
	s8 =	simm.s32 @!p0 $0x1BF5;
	p2 =	por !p2, p0  }
0x20: {  	[sflag:s8] =	ssyncset.s32 @!p0 $0xFFFFF086;
	s6 =	sadd.s32 @!p0 s3, s7;
	s7 =	simm.s32 @!p0 $0x108  }
0x21: {  	s3 =	sadd.s32 s3, s9;
	s6 =	sadd.s32 @!p0 $0x88, s6;
	s7 =	simm.s32 @p2 $0x1082  }
0x22: {  	[simem:s7], [sflag:s8] =	dma.local @!p0 [hbm:s6], $0xF7A  }
0x23: {  	s9 =	sor.u32 $0xD0000000, s2;
	s6 =	simm.s32 $0x108;
	_ =	swait.ge @!p0 [sflag:s8], $0x0  }
0x24: {  	s3 =	sadd.s32 $0x88, s3;
	s6 =	simm.s32 @!p1 $0x1082;
	[sflag:s4] =	ssyncset.s32 $0xFFFFF086  }
0x25: {  	[simem:s6], [sflag:s4] =	dma.local [hbm:s3], $0xF7A  }
0x26: {  	[smem:$0x3F97] =	sst s1;
	(tag) =	ssettag s2;
	_ =	strace s9  }
0x27: {  	s1 =	sld [smem:$0x3FA7]  }
0x28: {  	s2 =	sld [smem:$0x3FA8]  }
0x29: {  	s4 =	sld [smem:$0x3FAA]  }
0x2a: {  	p0 =	seq.s32 s5, $0x0;
	s5 =	sld [smem:$0x3FAB]  }
0x2b: {  	s6 =	sld [smem:$0x3FAC]  }
0x2c: {  	s7 =	sld [smem:$0x3FAD]  }
0x2d: {  	s3 =	simm.s32 $0x108;
	s8 =	sld [smem:$0x3FAE]  }
0x2e: {  	s3 =	simm.s32 @!p0 $0x1082;
	s9 =	sld [smem:$0x3FAF]  }
0x2f: {  	lr =	sadd.s32 s0, s3;
	s0 =	sld [smem:$0x3FA6]  }
0x30: {  	s3 =	sld [smem:$0x3FA9]  }
0x31: {  	[smem:$0x3FB2] =	sst s10  }
0x32: {  	s10 =	sld [smem:$0x3FB0];
	_ =	sdelay $0x3  }
0x33: {  	p0 =	seq.s32 s10, $0x1;
	s10 =	sld [smem:$0x3FB2];
	_ =	sdelay $0x3  }
0x34: {  	[smem:$0x3FB2] =	sst s10  }
0x35: {  	s10 =	sld [smem:$0x3FB1];
	_ =	sdelay $0x3  }
0x36: {  	p1 =	seq.s32 s10, $0x1;
	s10 =	sld [smem:$0x3FB2];
	_ =	sdelay $0x3  }
0x37: {  	[smem:$0x3FB2] =	sst s10  }
0x38: {  	s10 =	sld [smem:$0x3FB3]  }
0x39: {  	_ = 	snop;
	(pc) =	sbr.ind lr, $3  }
0x3a: {  	_ = 	snop  }
0x3b: {  	_ = 	snop  }
0x3c: {  	p2 =	seq.s32 s10, $0x1;
	s10 =	sld [smem:$0x3FB2]  }
0x3d: {  	_ =	shalt  }
0x3e: {  	_ =	shalt  }
0x3f: {  	_ =	shalt  }
0x40: {  	_ =	shalt  }
0x41: {  	_ =	shalt  }
0x42: {  	_ =	shalt  }
0x43: {  	_ =	shalt  }
0x44: {  	_ =	shalt  }
0x45: {  	_ =	shalt  }
0x46: {  	_ =	shalt  }
0x47: {  	_ =	shalt  }
0x48: {  	_ =	shalt  }
0x49: {  	_ =	shalt  }
0x4a: {  	_ =	shalt  }
0x4b: {  	_ =	shalt  }
0x4c: {  	_ =	shalt  }
0x4d: {  	_ =	shalt  }
0x4e: {  	_ =	shalt  }
0x4f: {  	_ =	shalt  }
0x50: {  	_ =	shalt  }
0x51: {  	_ =	shalt  }
0x52: {  	_ =	shalt  }
0x53: {  	_ =	shalt  }
0x54: {  	_ =	shalt  }
0x55: {  	_ =	shalt  }
0x56: {  	_ =	shalt  }
0x57: {  	_ =	shalt  }
0x58: {  	_ =	shalt  }
0x59: {  	_ =	shalt  }
0x5a: {  	_ =	shalt  }
0x5b: {  	_ =	shalt  }
0x5c: {  	_ =	shalt  }
0x5d: {  	_ =	shalt  }
0x5e: {  	_ =	shalt  }
0x5f: {  	_ =	shalt  }
0x60: {  	_ =	shalt  }
0x61: {  	_ =	shalt  }
0x62: {  	_ =	shalt  }
0x63: {  	_ =	shalt  }
0x64: {  	_ =	shalt  }
0x65: {  	_ =	shalt  }
0x66: {  	_ =	shalt  }
0x67: {  	_ =	shalt  }
0x68: {  	_ =	shalt  }
0x69: {  	_ =	shalt  }
0x6a: {  	_ =	shalt  }
0x6b: {  	_ =	shalt  }
0x6c: {  	_ =	shalt  }
0x6d: {  	_ =	shalt  }
0x6e: {  	_ =	shalt  }
0x6f: {  	_ =	shalt  }
0x70: {  	_ =	shalt  }
0x71: {  	_ =	shalt  }
0x72: {  	_ =	shalt  }
0x73: {  	_ =	shalt  }
0x74: {  	_ =	shalt  }
0x75: {  	_ =	shalt  }
0x76: {  	_ =	shalt  }
0x77: {  	_ =	shalt  }
0x78: {  	_ =	shalt  }
0x79: {  	_ =	shalt  }
0x7a: {  	_ =	shalt  }
0x7b: {  	_ =	shalt  }
0x7c: {  	_ =	shalt  }
0x7d: {  	_ =	shalt  }
0x7e: {  	_ =	shalt  }
0x7f: {  	_ =	shalt  }
0x80: {  	_ =	shalt  }
0x81: {  	_ =	shalt  }
0x82: {  	_ =	shalt  }
0x83: {  	_ =	shalt  }
0x84: {  	_ =	shalt  }
0x85: {  	_ =	shalt  }
0x86: {  	_ =	shalt  }
0x87: {  	_ =	shalt  }
.Lfunc_end0:
.L_simem_size_0:
called_computation_lowered:
.L_overlay_start_0:
0x88: {  	s2 =	sld [smem:$0x3FD9]  }
0x89: {  	s3 =	sld [smem:$0x3FFE];
	_ =	sdelay $0x1  }
0x8a: {  	s1 =	srdreg.scid  }
0x8b: {  	s0 =	sand.u32 $0x1, s1  }
0x8c: {  	s16 =	sshll.u32 s0, $0xA;
	s2 =	sadd.s32 s3, s2  }
0x8d: {  	s2 =	sadd.s32 s2, s16  }
0x8e: {  	[smem:$0x3FBE] =	sst s2  }
0x8f: {  	_ = 	snop  }
0x90: {  	(tm) =	ssettm $0x1  }
0x91: {  	s17 =	sld [smem:$0x3FFB];
	_ =	sdelay $0x3  }
0x92: {  	_ =	strace s17  }
0x93: {  	s2 =	sld [smem:$0x3FFC];
	_ =	sdelay $0x3  }
0x94: {  	_ =	strace s2  }
0x95: {  	s2 =	sld [smem:$0x3FFD];
	_ =	sdelay $0x3  }
0x96: {  	_ =	strace s2  }
0x97: {  	_ =	strace $0x8FFFFFFF  }
0x98: {  	s18 =	sld [smem:$0x3FDB];
	_ =	sdelay $0x1  }
0x99: {  	s19 =	simm.s32 $_scs_section_size  }
0x9a: {  	s4 =	simm.s32 $_size__tile_overlayer_lowered;
	s5 =	simm.s32 $_tile_overlayer_lowered  }
0x9b: {  	s22 =	simm.s32 $0x1BFF;
	s21 =	sshll.u32 s5, $0x1;
	s2 =	sadd.s32 s19, s18  }
0x9c: {  	s6 =	simm.s32 $0x0;
	s20 =	sshll.u32 s4, $0x1;
	s4 =	sadd.s32 s21, s2  }
0x9d: {  	[timem:s6], [sflag:s22] =	dma.local [hbm:s4], s20  }
0x9e: {  	_ =	swait.ge [sflag:s22], s20  }
0x9f: {  	s3 =	ssub.s32 $0x0, s20;
	[sflag:s22] =	ssyncset.done $0x0  }
0xa0: {  	[sflag:s22] =	ssyncadd.s32 s3;
	_ =	sdelay $0x1  }
0xa1: {  	s23 =	simm.s32 $0x1B8B  }
0xa2: {  	_ =	swait.ge [sflag:s23], $0x1  }
0xa3: {  	[sflag:s23] =	ssyncset.done $0x0  }
0xa4: {  	s25 =	simm.s32 $0x1B8E;
	s24 =	sld [smem:$0x3FFE];
	[sflag:s23] =	ssyncadd.s32 $0xFFFFFFFF  }
0xa5: {  	s26 =	simm.s32 $execute0_lowered;
	[smem:$0x3FD2] =	sst s25  }
0xa6: {  	s4 =	sshll.u32 s26, $0x1;
	_ =	strace $0x80000046;
	[dreg:$0x1] =	wrdreg $0xFFFFFFFF  }
0xa7: {  	s28 =	simm.s32 $_size_execute0_lowered;
	s2 =	sadd.s32 s2, s4;
	[dreg:$0x0] =	wrdreg $0x0  }
0xa8: {  	s4 =	sshll.u32 s28, $0x1;
	[dreg:$0x2] =	wrdreg s2  }
0xa9: {  	[dreg:$0x3] =	wrdreg s4  }
0xaa: {  	[dreg:$0x4] =	wrdreg $0xC0  }
0xab: {  	_ =	task [dreg:s6], $0x5FFFF  }
0xac: {  	[dreg:$0x1] =	wrdreg $0xFFFFFFFF  }
0xad: {  	[dreg:$0x0] =	wrdreg $0x60  }
0xae: {  	[dreg:$0x2] =	wrdreg s24  }
0xaf: {  	[dreg:$0x3] =	wrdreg $0x9  }
0xb0: {  	_ =	task.clear_ibuf [dreg:s6], $0x4FFFF;
	_ =	strace $0x90000046  }
0xb1: {  	s29 =	simm.s32 $0x9;
	_ =	strace $0x80000048  }
0xb2: {  	_ =	swait.ge [sflag:s29], $0x1  }
0xb3: {  	[sflag:s29] =	ssyncadd.s32 $0xFFFFFFFF  }
0xb4: {  	_ =	strace $0x90000048  }
0xb5: {  	_ =	sfence  }
0xb6: {  	s30 =	sld [smem:$0x0];
	_ =	sdelay $0x2  }
0xb7: {  	s31 =	sshll.u32 s1, $0xD;
	s1 =	sshrl.u32 s1, $0x2  }
0xb8: {  	s3 =	sand.u32 $0x4000, s31;
	s1 =	sadd.s32 s1, s30  }
0xb9: {  	s0 =	sor.u32 s3, s0;
	s1 =	sshll.u32 s1, $0x11  }
0xba: {  	s0 =	sor.u32 s1, s0  }
0xbb: {  	s0 =	sadd.s32 $0x8F2B, s0  }
0xbc: {  	[sflag:s0] =	ssyncadd.remote.s32 $0x1  }
0xbd: {  	_ =	sfence.sel $0xFFFF  }
0xbe: {  	[dreg:$0x0] =	wrdreg $0xFFFFFFFF;
	(pc) =	sbr.abs _section_cstart, $3  }
0xbf: {  	[dreg:$0x1] =	wrdreg $0xFFFFFFFF  }
0xc0: {  	_ =	task.clear_ibuf [dreg:s6], $0x2FFFF;
	_ =	strace $0x9FFFFFFF  }
0xc1: {  	(tm) =	ssettm $0x7FFFFFFF  }
tec
execute0_lowered:
.L_overlay_start_1:
0x0: {  	(tag) =	ssettag $0x1  }
0x1: {  	s1 =	rddreg [dreg:$0x0];
	s2 =	simm.s32 $0x0;
	s0 =	srdreg.scid  }
0x2: {  	s5 =	stileid.u32;
	[smem:$0x7FF] =	sst s2  }
0x3: {  	s0 =	sand.u32 $0x1, s0;
	s3 =	sshll.u32 s5, $0x1;
	s17 =	sadd.s32 $0x2000, s1  }
0x4: {  	s20 =	sadd.s32 $0x2010, s1;
	_ =	strace $0x80000047;
	[dreg:$0x3] =	wrdreg s17  }
0x5: {  	s4 =	sadd.s32 $0x682000, s1;
	s21 =	sadd.s32 $0x2020, s1;
	[dreg:$0x4] =	wrdreg s20  }
0x6: {  	s6 =	sshll.u32 s5, $0xF;
	s28 =	sadd.s32 $0x2050, s1;
	[dreg:$0x5] =	wrdreg s21  }
0x7: {  	s29 =	sadd.s32 $0x2060, s1;
	s31 =	sadd.s32 $0x2070, s1;
	[dreg:$0x7] =	wrdreg s28  }
0x8: {  	s3 =	sor.u32 s0, s3;
	s8 =	ssub.s32 $0x2, s0;
	[dreg:$0x8] =	wrdreg s29  }
0x9: {  	[dreg:$0x9] =	wrdreg s31;
	s25 =	sshll.u32 s3, $0x8;
	s7 =	sshll.u32 s3, $0x4  }
0xa: {  	s12 =	smul.u32 $0x1A0000, s3;
	s26 =	sshrl.u32 s8, $0x1;
	s3 =	sshllo.u32 s3, $0x1  }
0xb: {  	s5 =	sor.u32 s6, s25;
	s0 =	sadd.s32 s7, s1;
	s7 =	ssub.s32 s8, s26  }
0xc: {  	s25 =	sadd.s32 $0x2030, s1;
	s26 =	sadd.s32 $0x2040, s1;
	s16 =	sshll.u32 s3, $0x7  }
0xd: {  	s3 =	smul.u32 $0xD0000, s3;
	s5 =	sand.u32 $0x70300, s5;
	s14 =	sshrl.u32 s12, $0x3  }
0xe: {  	s6 =	sor.u32 s6, s16;
	s12 =	sor.u32 $0x10000, s12;
	[dreg:$0x6] =	wrdreg s26  }
0xf: {  	v0 =	vimm.s32 $0xEFCDAB89;
	v1 =	vimm.s32 $0x67452301;
	s0 =	sadd.s32 $0x694000, s0;
	s5 =	sshrl.u32 s5, $0x3;
	s8 =	sadd.s32 s14, s20  }
0x10: {  	v2 =	vimm.s32 $0xDCFE98BA;
	v3 =	vimm.s32 $0x54761032;
	v4 =	vimm.s32 $0xBA98FEDC;
	s9 =	sadd.s32 s14, s21;
	s11 =	sadd.s32 s14, s25;
	s13 =	sadd.s32 s14, s26  }
0x11: {  	v5 =	vimm.s32 $0x32107654;
	v6 =	vimm.s32 $0xFEDCBA98;
	s15 =	sadd.s32 s14, s28;
	s10 =	sand.u32 $0x70380, s6;
	[dreg:$0xa] =	wrdreg s12  }
0x12: {  	v7 =	vimm.s32 $0x76543210;
	v0 =	vunpack.c.l.s4.s8 v0;
	v1 =	vunpack.c.l.s4.s8 v1;
	s18 =	sadd.s32 s14, s29;
	s19 =	sadd.s32 s14, s31;
	[dreg:$0xd] =	wrdreg s0  }
0x13: {  	v2 =	vunpack.c.l.s4.s8 v2;
	v3 =	vunpack.c.l.s4.s8 v3;
	v4 =	vunpack.c.l.s4.s8 v4;
	s6 =	simm.s32 $0x3;
	s0 =	simm.s32 $0x2;
	s5 =	sadd.s32 s4, s5  }
0x14: {  	v5 =	vunpack.c.l.s4.s8 v5;
	v6 =	vunpack.c.l.s4.s8 v6;
	v7 =	vunpack.c.l.s4.s8 v7;
	s1 =	sshrl.u32 s10, $0x3;
	s10 =	smov.u32 s25;
	[dreg:$0x2] =	wrdreg s5  }
0x15: {  	v0 =	vunpack.c.0.s8.s32 v0;
	v1 =	vunpack.c.0.s8.s32 v1;
	v2 =	vunpack.c.0.s8.s32 v2;
	s5 =	sadd.s32 s17, s14;
	s1 =	sadd.s32 s4, s1;
	s14 =	sshrl.u32 s3, $0x3  }
0x16: {  	v3 =	vunpack.c.0.s8.s32 v3;
	v4 =	vunpack.c.0.s8.s32 v4;
	v5 =	vunpack.c.0.s8.s32 v5;
	[dreg:$0xb] =	wrdreg s1;
	s22 =	sadd.s32 s17, s14;
	s23 =	sadd.s32 s14, s20  }
0x17: {  	v6 =	vunpack.c.0.s8.s32 v6;
	v1 =	vcombine.low v1, v0;
	s24 =	sadd.s32 s14, s21;
	s25 =	sadd.s32 s14, s25;
	s26 =	sadd.s32 s14, s26  }
0x18: {  	v2 =	vcombine.low v3, v2;
	v3 =	vcombine.low v5, v4;
	v4 =	vunpack.c.0.s8.s32 v7;
	s28 =	sadd.s32 s14, s28;
	s29 =	sadd.s32 s14, s29;
	s21 =	sadd.s32 $0x10000, s3  }
0x19: {  	v0 =	vlaneseq.u32;
	v5 =	vand.u32 $0xF, v6;
	v1 =	vand.u32 $0xF, v1;
	s30 =	sadd.s32 s14, s31;
	s31 =	smax.u32 s7, $0x1;
	[dreg:$0xc] =	wrdreg s21  }
0x1a: {  	v2 =	vand.u32 $0xF, v2;
	v3 =	vand.u32 $0xF, v3;
	v4 =	vcombine.low v5, v4;
	s3 =	simm.s32 $0x0;
	[dreg:$0xe] =	wrdreg s31;
	s21 =	simm.s32 $0x1  }
.LBB2_1:
0x1b: {  	[dreg:$0xf] =	wrdreg s3  }
0x1c: {  	s1 =	rddreg [dreg:$0x2];
	s31 =	simm.s32 $0x80;
	s4 =	simm.s32 $0x400  }
0x1d: {  	[tilespmem:s2], [sflag:$0x3] =	stream.strided.gather [hbm4b:s1+s31], $0x2000, s4, s31, $0x38;
	[tilespmem:$0x12080] =	vst v63  }
0x1e: {  	_ =	swait.ge [sflag:s6], $0x2000  }
0x1f: {  	s3 =	simm.s32 $0x80;
	s1 =	simm.s32 $0x2000;
	[sflag:s6] =	ssyncset.done $0x0  }
0x20: {  	s4 =	simm.s32 $0x2400;
	[sflag:s6] =	ssyncadd.s32 $0xFFFFE000;
	s6 =	sadd.s32 $0x0, s5  }
.LBB2_2:
0x21: {  	[tilespmem:s1], [sflag:$0x1] =	stream.linear.gather [hbm4b:s6+s2], $0x80, $0x38;
	[tilespmem:$0x12080] =	vst v63  }
0x22: {  	s6 =	smov.u32 s3;
	s1 =	smov.u32 s4;
	p0 =	sne.s32 s3, $0x1F80  }
.Ltmp0:
0x23: {  	s3 =	sadd.s32 $0x80, s3;
	(pc) =	sbr.rel @p0 .LBB2_2-.Ltmp0, $2  }
0x24: {  	_ =	sdelay $0x2  }
0x25: {  	s4 =	sadd.s32 $0x400, s4;
	s6 =	sadd.s32 s6, s5  }
0x26: {  	[tilespmem:s1], [sflag:$0x1] =	stream.linear.gather [hbm4b:s6+s2], $0x80, $0x38;
	[tilespmem:$0x12080] =	vst v63  }
0x27: {  	s1 =	simm.s32 $0x2080  }
0x28: {  	s3 =	simm.s32 $0x80;
	s6 =	sadd.s32 $0x0, s8;
	s4 =	simm.s32 $0x2480  }
.LBB2_4:
0x29: {  	[tilespmem:s1], [sflag:$0x1] =	stream.linear.gather [hbm4b:s6+s2], $0x80, $0x38;
	[tilespmem:$0x12080] =	vst v63  }
0x2a: {  	s6 =	smov.u32 s3;
	s1 =	smov.u32 s4;
	p0 =	sne.s32 s3, $0x1F80  }
.Ltmp1:
0x2b: {  	s3 =	sadd.s32 $0x80, s3;
	(pc) =	sbr.rel @p0 .LBB2_4-.Ltmp1, $2  }
0x2c: {  	_ =	sdelay $0x2  }
0x2d: {  	s4 =	sadd.s32 $0x400, s4;
	s6 =	sadd.s32 s6, s8  }
0x2e: {  	[tilespmem:s1], [sflag:$0x1] =	stream.linear.gather [hbm4b:s6+s2], $0x80, $0x38;
	[tilespmem:$0x12080] =	vst v63  }
0x2f: {  	s1 =	simm.s32 $0x2100  }
0x30: {  	s3 =	simm.s32 $0x80;
	s6 =	sadd.s32 $0x0, s9;
	s4 =	simm.s32 $0x2500  }
.LBB2_6:
0x31: {  	[tilespmem:s1], [sflag:$0x1] =	stream.linear.gather [hbm4b:s6+s2], $0x80, $0x38;
	[tilespmem:$0x12080] =	vst v63  }
0x32: {  	s6 =	smov.u32 s3;
	s1 =	smov.u32 s4;
	p0 =	sne.s32 s3, $0x1F80  }
.Ltmp2:
0x33: {  	s3 =	sadd.s32 $0x80, s3;
	(pc) =	sbr.rel @p0 .LBB2_6-.Ltmp2, $2  }
0x34: {  	_ =	sdelay $0x2  }
0x35: {  	s4 =	sadd.s32 $0x400, s4;
	s6 =	sadd.s32 s6, s9  }
0x36: {  	[tilespmem:s1], [sflag:$0x1] =	stream.linear.gather [hbm4b:s6+s2], $0x80, $0x38;
	[tilespmem:$0x12080] =	vst v63  }
0x37: {  	s1 =	simm.s32 $0x2180  }
0x38: {  	s3 =	simm.s32 $0x80;
	s6 =	sadd.s32 $0x0, s11;
	s4 =	simm.s32 $0x2580  }
.LBB2_8:
0x39: {  	[tilespmem:s1], [sflag:$0x1] =	stream.linear.gather [hbm4b:s6+s2], $0x80, $0x38;
	[tilespmem:$0x12080] =	vst v63  }
0x3a: {  	s6 =	smov.u32 s3;
	s1 =	smov.u32 s4;
	p0 =	sne.s32 s3, $0x1F80  }
.Ltmp3:
0x3b: {  	s3 =	sadd.s32 $0x80, s3;
	(pc) =	sbr.rel @p0 .LBB2_8-.Ltmp3, $2  }
0x3c: {  	_ =	sdelay $0x2  }
0x3d: {  	s4 =	sadd.s32 $0x400, s4;
	s6 =	sadd.s32 s6, s11  }
0x3e: {  	[tilespmem:s1], [sflag:$0x1] =	stream.linear.gather [hbm4b:s6+s2], $0x80, $0x38;
	[tilespmem:$0x12080] =	vst v63  }
0x3f: {  	s1 =	simm.s32 $0x2200  }
0x40: {  	s3 =	simm.s32 $0x80;
	s6 =	sadd.s32 $0x0, s13;
	s4 =	simm.s32 $0x2600  }
.LBB2_10:
0x41: {  	[tilespmem:s1], [sflag:$0x2] =	stream.linear.gather [hbm4b:s6+s2], $0x80, $0x38;
	[tilespmem:$0x12080] =	vst v63  }
0x42: {  	s6 =	smov.u32 s3;
	s1 =	smov.u32 s4;
	p0 =	sne.s32 s3, $0x1F80  }
.Ltmp4:
0x43: {  	s3 =	sadd.s32 $0x80, s3;
	(pc) =	sbr.rel @p0 .LBB2_10-.Ltmp4, $2  }
0x44: {  	_ =	sdelay $0x2  }
0x45: {  	s4 =	sadd.s32 $0x400, s4;
	s6 =	sadd.s32 s6, s13  }
0x46: {  	[tilespmem:s1], [sflag:$0x2] =	stream.linear.gather [hbm4b:s6+s2], $0x80, $0x38;
	[tilespmem:$0x12080] =	vst v63  }
0x47: {  	s1 =	simm.s32 $0x2280  }
0x48: {  	s3 =	simm.s32 $0x80;
	s6 =	sadd.s32 $0x0, s15;
	s4 =	simm.s32 $0x2680  }
.LBB2_12:
0x49: {  	[tilespmem:s1], [sflag:$0x2] =	stream.linear.gather [hbm4b:s6+s2], $0x80, $0x38;
	[tilespmem:$0x12080] =	vst v63  }
0x4a: {  	s6 =	smov.u32 s3;
	s1 =	smov.u32 s4;
	p0 =	sne.s32 s3, $0x1F80  }
.Ltmp5:
0x4b: {  	s3 =	sadd.s32 $0x80, s3;
	(pc) =	sbr.rel @p0 .LBB2_12-.Ltmp5, $2  }
0x4c: {  	_ =	sdelay $0x2  }
0x4d: {  	s4 =	sadd.s32 $0x400, s4;
	s6 =	sadd.s32 s6, s15  }
0x4e: {  	[tilespmem:s1], [sflag:$0x2] =	stream.linear.gather [hbm4b:s6+s2], $0x80, $0x38;
	[tilespmem:$0x12080] =	vst v63  }
0x4f: {  	s1 =	simm.s32 $0x2300  }
0x50: {  	s3 =	simm.s32 $0x80;
	s6 =	sadd.s32 $0x0, s18;
	s4 =	simm.s32 $0x2700  }
.LBB2_14:
0x51: {  	[tilespmem:s1], [sflag:$0x2] =	stream.linear.gather [hbm4b:s6+s2], $0x80, $0x38;
	[tilespmem:$0x12080] =	vst v63  }
0x52: {  	s6 =	smov.u32 s3;
	s1 =	smov.u32 s4;
	p0 =	sne.s32 s3, $0x1F80  }
.Ltmp6:
0x53: {  	s3 =	sadd.s32 $0x80, s3;
	(pc) =	sbr.rel @p0 .LBB2_14-.Ltmp6, $2  }
0x54: {  	_ =	sdelay $0x2  }
0x55: {  	s4 =	sadd.s32 $0x400, s4;
	s6 =	sadd.s32 s6, s18  }
0x56: {  	[tilespmem:s1], [sflag:$0x2] =	stream.linear.gather [hbm4b:s6+s2], $0x80, $0x38;
	[tilespmem:$0x12080] =	vst v63  }
0x57: {  	s4 =	simm.s32 $0x0;
	s3 =	simm.s32 $0x2380  }
0x58: {  	s1 =	simm.s32 $0x80;
	s7 =	sadd.s32 $0x0, s19;
	s6 =	simm.s32 $0x2780  }
.LBB2_16:
0x59: {  	[tilespmem:s3], [sflag:$0x2] =	stream.linear.gather [hbm4b:s7+s4], $0x80, $0x38;
	[tilespmem:$0x12080] =	vst v63  }
0x5a: {  	v6 =	vimm.s32 $0x0;
	s7 =	smov.u32 s1;
	s3 =	smov.u32 s6;
	p0 =	sne.s32 s1, $0x1F80  }
.Ltmp7:
0x5b: {  	s1 =	sadd.s32 $0x80, s1;
	(pc) =	sbr.rel @p0 .LBB2_16-.Ltmp7, $2  }
0x5c: {  	_ =	sdelay $0x2  }
0x5d: {  	s6 =	sadd.s32 $0x400, s6;
	s7 =	sadd.s32 s7, s19  }
0x5e: {  	[tilespmem:s3], [sflag:$0x2] =	stream.linear.gather [hbm4b:s7+s4], $0x80, $0x38;
	v5 =	vimm.s32 $0x0;
	[tilespmem:$0x12080] =	vst v63  }
.LBB2_18:
0x5f: {  	_ =	swait.ge [sflag:s21], $0x2000  }
0x60: {  	[sflag:s21] =	ssyncset.done $0x0  }
0x61: {  	[sflag:s21] =	ssyncadd.s32 $0xFFFFE000  }
0x62: {  	_ =	swait.ge [sflag:s21], $0x2000  }
0x63: {  	[sflag:s21] =	ssyncset.done $0x0  }
0x64: {  	[sflag:s21] =	ssyncadd.s32 $0xFFFFE000  }
0x65: {  	_ =	swait.ge [sflag:s21], $0x2000  }
0x66: {  	[sflag:s21] =	ssyncset.done $0x0  }
0x67: {  	[sflag:s21] =	ssyncadd.s32 $0xFFFFE000  }
0x68: {  	s3 =	simm.s32 $0x0;
	_ =	swait.ge [sflag:s21], $0x2000  }
0x69: {  	s1 =	sand.u32 $0x70, s3;
	s6 =	sand.u32 $0xFC00, s3;
	[sflag:s21] =	ssyncset.done $0x0  }
0x6a: {  	s6 =	sor.u32 s1, s6;
	[sflag:s21] =	ssyncadd.s32 $0xFFFFE000  }
0x6b: {  	v7 =	vld [tilespmem:s6+$0x2000]  }
0x6c: {  	v9 =	vld [tilespmem:s3+$0x0]  }
0x6d: {  	s7 =	simm.s32 $0x80;
	s1 =	simm.s32 $0x10;
	v10 =	vld [tilespmem:s6+$0x2080]  }
0x6e: {  	s7 =	sand.u32 $0xFC00, s7;
	s16 =	sand.u32 $0x70, s1;
	v11 =	vld [tilespmem:s6+$0x2100]  }
0x6f: {  	v12 =	vld [tilespmem:s6+$0x2180];
	s6 =	sor.u32 s16, s7  }
0x70: {  	v13 =	vld [tilespmem:s6+$0x2000]  }
0x71: {  	v19 =	vld [tilespmem:s6+$0x2080]  }
0x72: {  	v22 =	vld [tilespmem:s6+$0x2100]  }
0x73: {  	v23 =	vld [tilespmem:s6+$0x2180]  }
0x74: {  	v7 =	vmul.f32 $5.000000070e-02, v7  }
0x75: {  	v8 =	vld [tilespmem:s1+$0x0];
	v10 =	vmul.f32 $5.000000070e-02, v10;
	v11 =	vmul.f32 $5.000000070e-02, v11  }
0x76: {  	v17 =	vimm.f32 $-3.000000010e+38;
	v14 =	vmul.f32 $5.000000070e-02, v12;
	v20 =	vmul.f32 $5.000000070e-02, v13  }
0x77: {  	v12 =	vor.u32 s3, v0;
	v21 =	vmul.f32 $5.000000070e-02, v19;
	v22 =	vmul.f32 $5.000000070e-02, v22  }
0x78: {  	s20 =	simm.s32 $0x20;
	s12 =	simm.s32 $0x100;
	v23 =	vmul.f32 $5.000000070e-02, v23;
	v7 =	vadd.f32 v7, v9;
	v10 =	vadd.f32 v10, v9  }
0x79: {  	s17 =	sand.u32 $0x70, s20;
	s31 =	sand.u32 $0xFC00, s12;
	v19 =	vimm.s32 $0x0;
	v11 =	vadd.f32 v11, v9;
	v9 =	vadd.f32 v14, v9  }
0x7a: {  	s14 =	sor.u32 s17, s31;
	v20 =	vadd.f32 v20, v8;
	vm0 =	vgt.f32 v7, v17;
	vm1 =	vgt.f32 v10, v17  }
0x7b: {  	v18 =	vld [tilespmem:s14+$0x2000];
	vm2 =	vgt.f32 v11, v17;
	v16 =	vsel vm0, v7, v17;
	v14 =	vsel vm0, v12, v6  }
0x7c: {  	vm0 =	vgt.f32 v9, v17;
	v13 =	vsel vm1, v10, v17;
	v15 =	vsel vm2, v11, v17;
	v7 =	vld [tilespmem:s20+$0x0]  }
0x7d: {  	s6 =	simm.s32 $0x20;
	s3 =	simm.s32 $0x30;
	v10 =	vsel vm1, v12, v6;
	v11 =	vsel vm2, v12, v6;
	v9 =	vsel vm0, v9, v17;
	v17 =	vld [tilespmem:s14+$0x2080]  }
.LBB2_19:
0x7e: {  	p0 =	sne.s32 s3, $0x1FF0;
	v24 =	vld [tilespmem:s14+$0x2100];
	v21 =	vadd.f32 v21, v8;
	v19 =	vsel vm0, v12, v19;
	v12 =	vor.u32 s1, v0;
	s1 =	smov.u32 s20;
	s20 =	smov.u32 s3  }
0x7f: {  	s12 =	sadd.s32 $0x80, s12;
	v25 =	vld [tilespmem:s14+$0x2180];
	vm0 =	vgt.f32 v20, v16;
	v22 =	vadd.f32 v22, v8;
	v23 =	vadd.f32 v23, v8  }
.Ltmp8:
0x80: {  	s7 =	sand.u32 $0x70, s3;
	s14 =	sand.u32 $0xFC00, s12;
	v26 =	vmul.f32 $5.000000070e-02, v18;
	v16 =	vsel vm0, v20, v16;
	v14 =	vsel vm0, v12, v14;
	(pc) =	sbr.rel @p0 .LBB2_19-.Ltmp8, $4  }
0x81: {  	s14 =	sor.u32 s7, s14;
	vm1 =	vgt.f32 v21, v13;
	vm2 =	vgt.f32 v22, v15;
	vm0 =	vgt.f32 v23, v9;
	v8 =	vmovc v7  }
0x82: {  	s6 =	sadd.s32 $0x10, s6;
	v13 =	vsel vm1, v21, v13;
	v18 =	vld [tilespmem:s14+$0x2000];
	v15 =	vsel vm2, v22, v15;
	v9 =	vsel vm0, v23, v9  }
0x83: {  	v10 =	vsel vm1, v12, v10;
	v21 =	vmul.f32 $5.000000070e-02, v17;
	v11 =	vsel vm2, v12, v11;
	v7 =	vld [tilespmem:s6+$0x0]  }
0x84: {  	s3 =	sadd.s32 $0x10, s3;
	v20 =	vadd.f32 v26, v8;
	v22 =	vmul.f32 $5.000000070e-02, v24;
	v17 =	vld [tilespmem:s14+$0x2080];
	v23 =	vmul.f32 $5.000000070e-02, v25  }
0x85: {  	v24 =	vor.u32 s1, v0;
	v21 =	vadd.f32 v21, v8  }
0x86: {  	v12 =	vsel vm0, v12, v19;
	vm14 =	vgt.f32 v20, v16;
	v19 =	vadd.f32 v22, v8  }
0x87: {  	v8 =	vadd.f32 v23, v8;
	v22 =	vld [tilespmem:s14+$0x2180];
	v18 =	vmul.f32 $5.000000070e-02, v18;
	v16 =	vsel vm14, v20, v16  }
0x88: {  	v20 =	vld [tilespmem:s14+$0x2100];
	v14 =	vsel vm14, v24, v14;
	vm15 =	vgt.f32 v21, v13;
	vm1 =	vgt.f32 v19, v15  }
0x89: {  	vm2 =	vgt.f32 v8, v9;
	v13 =	vsel vm15, v21, v13;
	v10 =	vsel vm15, v24, v10  }
0x8a: {  	v18 =	vadd.f32 v18, v7;
	v15 =	vsel vm1, v19, v15;
	v17 =	vmul.f32 $5.000000070e-02, v17  }
0x8b: {  	v19 =	vor.u32 s20, v0;
	v8 =	vsel vm2, v8, v9;
	v11 =	vsel vm1, v24, v11  }
0x8c: {  	vm3 =	vgt.f32 v18, v16;
	v21 =	vmul.f32 $5.000000070e-02, v22;
	v17 =	vadd.f32 v17, v7  }
0x8d: {  	v16 =	vsel vm3, v18, v16;
	v14 =	vsel vm3, v19, v14;
	v20 =	vmul.f32 $5.000000070e-02, v20  }
0x8e: {  	v12 =	vsel vm2, v24, v12;
	v9 =	vperm.xlane v16, v1;
	v18 =	vperm.xlane v14, v1  }
0x8f: {  	vm9 =	vgt.f32 v17, v13;
	v20 =	vadd.f32 v20, v7;
	v7 =	vadd.f32 v21, v7  }
0x90: {  	v13 =	vsel vm9, v17, v13;
	vm6 =	veq.f32 v9, v16;
	vm7 =	vlt.s32 v18, v14  }
0x91: {  	vm8 =	vgt.f32 v9, v16;
	vm0 =	vmand vm6, vm7;
	vm10 =	vgt.f32 v20, v15  }
0x92: {  	v10 =	vsel vm9, v19, v10;
	vm0 =	vmor vm8, vm0;
	v15 =	vsel vm10, v20, v15  }
0x93: {  	v20 =	vperm.xlane v10, v1;
	v11 =	vsel vm10, v19, v11;
	v9 =	vsel vm0, v9, v16  }
0x94: {  	v14 =	vsel vm0, v18, v14;
	v18 =	vperm.xlane v13, v1;
	v21 =	vperm.xlane v11, v1  }
0x95: {  	vm0 =	vgt.f32 v7, v8;
	v16 =	vperm.xlane v9, v2;
	v17 =	vperm.xlane v14, v2  }
0x96: {  	v8 =	vsel vm0, v7, v8;
	vm14 =	vlt.s32 v20, v10;
	v12 =	vsel vm0, v19, v12  }
0x97: {  	vm13 =	veq.f32 v18, v13;
	vm15 =	vgt.f32 v18, v13;
	v63 =	vperm.xlane v12, v1  }
0x98: {  	vm11 =	veq.f32 v16, v9;
	vm12 =	vlt.s32 v17, v14;
	vm3 =	vmand vm13, vm14  }
0x99: {  	vm4 =	vgt.f32 v16, v9;
	vm1 =	vmand vm11, vm12;
	vm7 =	vmor vm15, vm3  }
0x9a: {  	vm15 =	vlt.s32 v21, v11;
	vm1 =	vmor vm4, vm1;
	v13 =	vsel vm7, v18, v13  }
0x9b: {  	v10 =	vsel vm7, v20, v10;
	v20 =	vperm.xlane v15, v1;
	v7 =	vsel vm1, v16, v9  }
0x9c: {  	v9 =	vsel vm1, v17, v14;
	v17 =	vperm.xlane v13, v2;
	v18 =	vperm.xlane v10, v2  }
0x9d: {  	v14 =	vperm.xlane v7, v3;
	v16 =	vperm.xlane v9, v3;
	vm14 =	veq.f32 v20, v15  }
0x9e: {  	vm6 =	vgt.f32 v20, v15;
	vm11 =	veq.f32 v17, v13;
	vm12 =	vlt.s32 v18, v10  }
0x9f: {  	vm13 =	vgt.f32 v17, v13;
	vm0 =	vmand vm14, vm15;
	vm8 =	vgt.f32 v14, v7  }
0xa0: {  	vm9 =	veq.f32 v14, v7;
	vm10 =	vlt.s32 v16, v9;
	vm0 =	vmor vm6, vm0  }
0xa1: {  	vm3 =	vmand vm11, vm12;
	vm2 =	vmand vm9, vm10;
	v20 =	vsel vm0, v20, v15  }
0xa2: {  	v21 =	vsel vm0, v21, v11;
	v11 =	vperm.xlane v8, v1;
	vm1 =	vmor vm8, vm2  }
0xa3: {  	vm2 =	vmor vm13, vm3;
	v22 =	vperm.xlane v20, v2;
	v23 =	vperm.xlane v21, v2  }
0xa4: {  	vm13 =	vlt.s32 v63, v12;
	v7 =	vsel vm1, v14, v7;
	v13 =	vsel vm2, v17, v13  }
0xa5: {  	v17 =	vsel vm2, v18, v10;
	v10 =	vsel vm1, v16, v9;
	vm12 =	veq.f32 v11, v8  }
0xa6: {  	vm15 =	vgt.f32 v11, v8;
	v14 =	vperm.xlane v13, v3;
	v18 =	vperm.xlane v17, v3  }
0xa7: {  	vm10 =	veq.f32 v22, v20;
	vm11 =	vlt.s32 v23, v21;
	vm14 =	vmand vm12, vm13  }
0xa8: {  	v19 =	vperm.xlane v7, v4;
	v15 =	vperm.xlane v10, v4;
	vm5 =	vgt.f32 v22, v20  }
0xa9: {  	vm1 =	vmand vm10, vm11;
	vm2 =	vmor vm15, vm14;
	vm7 =	vgt.f32 v14, v13  }
0xaa: {  	vm8 =	veq.f32 v14, v13;
	vm9 =	vlt.s32 v18, v17;
	v8 =	vsel vm2, v11, v8  }
0xab: {  	v9 =	vsel vm2, v63, v12;
	vm1 =	vmor vm5, vm1;
	vm0 =	vmand vm8, vm9  }
0xac: {  	v12 =	vperm.xlane v8, v2;
	v16 =	vperm.xlane v9, v2;
	vm0 =	vmor vm7, vm0  }
0xad: {  	v14 =	vsel vm0, v14, v13;
	v11 =	vsel vm0, v18, v17;
	v13 =	vsel vm1, v22, v20  }
0xae: {  	v18 =	vsel vm1, v23, v21;
	vm6 =	veq.f32 v12, v8;
	vm7 =	vlt.s32 v16, v9  }
0xaf: {  	vm8 =	vgt.f32 v12, v8;
	v17 =	vperm.xlane v13, v3;
	vm0 =	vmand vm6, vm7  }
0xb0: {  	v21 =	vperm.xlane v14, v4;
	v22 =	vperm.xlane v18, v3;
	vm0 =	vmor vm8, vm0  }
0xb1: {  	vm9 =	veq.f32 v17, v13;
	v8 =	vsel vm0, v12, v8;
	v9 =	vsel vm0, v16, v9  }
0xb2: {  	vm10 =	vlt.s32 v22, v18;
	v12 =	vperm.xlane v8, v3;
	v23 =	vperm.xlane v9, v3  }
0xb3: {  	v20 =	vperm.xlane v11, v4;
	vm11 =	vgt.f32 v17, v13;
	vm0 =	vmand vm9, vm10  }
0xb4: {  	s3 =	rddreg [dreg:$0xa];
	s20 =	sshll.u32 s4, $0x10;
	vm0 =	vmor vm11, vm0;
	vm12 =	veq.f32 v12, v8;
	vm13 =	vlt.s32 v23, v9  }
0xb5: {  	s1 =	sadd.s32 s20, s3;
	v17 =	vsel vm0, v17, v13;
	vm14 =	vgt.f32 v12, v8;
	vm1 =	vmand vm12, vm13  }
0xb6: {  	s31 =	rddreg [dreg:$0x3];
	s1 =	sshrl.u32 s1, $0x3;
	v16 =	vsel vm0, v22, v18;
	v22 =	vperm.xlane v17, v4;
	vm15 =	vmor vm14, vm1  }
0xb7: {  	s6 =	simm.s32 $0x2000;
	s3 =	sadd.s32 s31, s1;
	v18 =	vperm.xlane v16, v4;
	v12 =	vsel vm15, v12, v8;
	v8 =	vsel vm15, v23, v9  }
0xb8: {  	s7 =	simm.s32 $0x80;
	s12 =	simm.s32 $0x2400;
	s14 =	sadd.s32 $0x0, s3;
	v13 =	vperm.xlane v12, v4;
	v9 =	vperm.xlane v8, v4  }
.LBB2_21:
0xb9: {  	[tilespmem:s6], [sflag:$0x1] =	stream.linear.gather [hbm4b:s14+s2], $0x80, $0x38;
	[tilespmem:$0x12080] =	vst v63  }
0xba: {  	s14 =	smov.u32 s7;
	s6 =	smov.u32 s12;
	p0 =	sne.s32 s7, $0x1F80  }
.Ltmp9:
0xbb: {  	s7 =	sadd.s32 $0x80, s7;
	(pc) =	sbr.rel @p0 .LBB2_21-.Ltmp9, $2  }
0xbc: {  	_ =	sdelay $0x2  }
0xbd: {  	s12 =	sadd.s32 $0x400, s12;
	s14 =	sadd.s32 s14, s3  }
0xbe: {  	[tilespmem:s6], [sflag:$0x1] =	stream.linear.gather [hbm4b:s14+s2], $0x80, $0x38;
	[tilespmem:$0x12080] =	vst v63  }
0xbf: {  	s3 =	rddreg [dreg:$0x4]  }
0xc0: {  	s6 =	simm.s32 $0x2080;
	s3 =	sadd.s32 s1, s3  }
0xc1: {  	s7 =	simm.s32 $0x80;
	s12 =	simm.s32 $0x2480;
	s14 =	sadd.s32 $0x0, s3  }
.LBB2_23:
0xc2: {  	[tilespmem:s6], [sflag:$0x1] =	stream.linear.gather [hbm4b:s14+s2], $0x80, $0x38;
	[tilespmem:$0x12080] =	vst v63  }
0xc3: {  	s14 =	smov.u32 s7;
	s6 =	smov.u32 s12;
	p0 =	sne.s32 s7, $0x1F80  }
.Ltmp10:
0xc4: {  	s7 =	sadd.s32 $0x80, s7;
	(pc) =	sbr.rel @p0 .LBB2_23-.Ltmp10, $2  }
0xc5: {  	_ =	sdelay $0x2  }
0xc6: {  	s12 =	sadd.s32 $0x400, s12;
	s14 =	sadd.s32 s14, s3  }
0xc7: {  	[tilespmem:s6], [sflag:$0x1] =	stream.linear.gather [hbm4b:s14+s2], $0x80, $0x38;
	[tilespmem:$0x12080] =	vst v63  }
0xc8: {  	s3 =	rddreg [dreg:$0x5]  }
0xc9: {  	s6 =	simm.s32 $0x2100;
	s3 =	sadd.s32 s1, s3  }
0xca: {  	s7 =	simm.s32 $0x80;
	s12 =	simm.s32 $0x2500;
	s14 =	sadd.s32 $0x0, s3  }
.LBB2_25:
0xcb: {  	[tilespmem:s6], [sflag:$0x1] =	stream.linear.gather [hbm4b:s14+s2], $0x80, $0x38;
	[tilespmem:$0x12080] =	vst v63  }
0xcc: {  	s14 =	smov.u32 s7;
	s6 =	smov.u32 s12;
	p0 =	sne.s32 s7, $0x1F80  }
.Ltmp11:
0xcd: {  	s7 =	sadd.s32 $0x80, s7;
	(pc) =	sbr.rel @p0 .LBB2_25-.Ltmp11, $2  }
0xce: {  	_ =	sdelay $0x2  }
0xcf: {  	s12 =	sadd.s32 $0x400, s12;
	s14 =	sadd.s32 s14, s3  }
0xd0: {  	[tilespmem:s6], [sflag:$0x1] =	stream.linear.gather [hbm4b:s14+s2], $0x80, $0x38;
	[tilespmem:$0x12080] =	vst v63  }
0xd1: {  	s3 =	sadd.s32 s1, s10;
	s6 =	simm.s32 $0x2180  }
0xd2: {  	s7 =	simm.s32 $0x80;
	s12 =	simm.s32 $0x2580;
	s14 =	sadd.s32 $0x0, s3  }
.LBB2_27:
0xd3: {  	[tilespmem:s6], [sflag:$0x1] =	stream.linear.gather [hbm4b:s14+s2], $0x80, $0x38;
	[tilespmem:$0x12080] =	vst v63  }
0xd4: {  	s14 =	smov.u32 s7;
	s6 =	smov.u32 s12;
	p0 =	sne.s32 s7, $0x1F80  }
.Ltmp12:
0xd5: {  	s7 =	sadd.s32 $0x80, s7;
	(pc) =	sbr.rel @p0 .LBB2_27-.Ltmp12, $2  }
0xd6: {  	_ =	sdelay $0x2  }
0xd7: {  	s12 =	sadd.s32 $0x400, s12;
	s14 =	sadd.s32 s14, s3  }
0xd8: {  	[tilespmem:s6], [sflag:$0x1] =	stream.linear.gather [hbm4b:s14+s2], $0x80, $0x38;
	[tilespmem:$0x12080] =	vst v63  }
0xd9: {  	_ =	swait.ge [sflag:s0], $0x2000  }
0xda: {  	[sflag:s0] =	ssyncset.done $0x0  }
0xdb: {  	[sflag:s0] =	ssyncadd.s32 $0xFFFFE000  }
0xdc: {  	_ =	swait.ge [sflag:s0], $0x2000  }
0xdd: {  	[sflag:s0] =	ssyncset.done $0x0  }
0xde: {  	[sflag:s0] =	ssyncadd.s32 $0xFFFFE000  }
0xdf: {  	_ =	swait.ge [sflag:s0], $0x2000  }
0xe0: {  	[sflag:s0] =	ssyncset.done $0x0  }
0xe1: {  	[sflag:s0] =	ssyncadd.s32 $0xFFFFE000  }
0xe2: {  	s3 =	simm.s32 $0x0;
	_ =	swait.ge [sflag:s0], $0x2000  }
0xe3: {  	s17 =	sand.u32 $0x70, s3;
	s7 =	sand.u32 $0xFC00, s3;
	[sflag:s0] =	ssyncset.done $0x0  }
0xe4: {  	s20 =	sand.u32 $0x7, s3;
	s6 =	sor.u32 s17, s7;
	[sflag:s0] =	ssyncadd.s32 $0xFFFFE000  }
0xe5: {  	s7 =	sshll.u32 s20, $0x4;
	v23 =	vld [tilespmem:s6+$0x2200]  }
0xe6: {  	s7 =	sadd.s32 $0x0, s7;
	v24 =	vld [tilespmem:s3+$0x0]  }
0xe7: {  	s12 =	sor.u32 $0x380, s7;
	v25 =	vld [tilespmem:s6+$0x2280]  }
0xe8: {  	v27 =	vld [tilespmem:s12+$0x2000]  }
0xe9: {  	s14 =	simm.s32 $0x80;
	s20 =	simm.s32 $0x10;
	v26 =	vld [tilespmem:s6+$0x2300]  }
0xea: {  	s17 =	simm.s32 $0x1;
	s16 =	sand.u32 $0x70, s20;
	s7 =	sand.u32 $0xFC00, s14  }
0xeb: {  	s6 =	sor.u32 s16, s7;
	s7 =	sand.u32 $0x7, s17;
	v23 =	vmul.f32 $5.000000070e-02, v23  }
0xec: {  	v28 =	vld [tilespmem:s6+$0x2200];
	s12 =	sshll.u32 s7, $0x4;
	v29 =	vmul.f32 $5.000000070e-02, v25  }
0xed: {  	v32 =	vld [tilespmem:s6+$0x2280];
	v33 =	vmul.f32 $5.000000070e-02, v27;
	v31 =	vadd.f32 v23, v24;
	v23 =	vor.u32 s3, v0;
	s3 =	sadd.s32 $0x80, s12  }
0xee: {  	v30 =	vimm.f32 $-3.000000010e+38;
	v37 =	vimm.s32 $0x0;
	v26 =	vmul.f32 $5.000000070e-02, v26;
	v27 =	vld [tilespmem:s20+$0x0];
	s3 =	sor.u32 $0x380, s3  }
0xef: {  	v29 =	vadd.f32 v29, v24;
	v33 =	vadd.f32 v33, v24;
	vm0 =	vgt.f32 v31, v30;
	v34 =	vld [tilespmem:s3+$0x2000]  }
0xf0: {  	s31 =	simm.s32 $0x100;
	s14 =	simm.s32 $0x20;
	v25 =	vimm.s32 $0x0;
	v35 =	vadd.f32 v26, v24;
	v24 =	vsel vm0, v31, v30;
	v31 =	vld [tilespmem:s6+$0x2300]  }
0xf1: {  	s16 =	sand.u32 $0x70, s14;
	s17 =	sand.u32 $0xFC00, s31;
	v36 =	vmul.f32 $5.000000070e-02, v28;
	vm1 =	vgt.f32 v29, v30;
	vm2 =	vgt.f32 v33, v30  }
0xf2: {  	s3 =	sor.u32 s16, s17;
	s16 =	simm.s32 $0x2;
	v26 =	vsel vm0, v23, v25;
	vm0 =	vgt.f32 v35, v30;
	v28 =	vsel vm1, v29, v30  }
0xf3: {  	s12 =	simm.s32 $0x20;
	s17 =	simm.s32 $0x30;
	s6 =	sand.u32 $0x7, s16;
	v29 =	vsel vm0, v35, v30;
	v35 =	vld [tilespmem:s3+$0x2200];
	v30 =	vsel vm2, v33, v30;
	v33 =	vimm.s32 $0x0  }
.LBB2_29:
0xf4: {  	p0 =	sne.s32 s17, $0x1FF0;
	s6 =	sshll.u32 s6, $0x4;
	v38 =	vld [tilespmem:s14+$0x0];
	v39 =	vmul.f32 $5.000000070e-02, v32;
	v25 =	vsel vm1, v23, v25;
	v37 =	vsel vm2, v23, v37  }
0xf5: {  	v40 =	vadd.f32 v36, v27;
	v36 =	vmul.f32 $5.000000070e-02, v31;
	s6 =	sadd.s32 s6, s31;
	v32 =	vld [tilespmem:s3+$0x2280];
	v41 =	vmul.f32 $5.000000070e-02, v34  }
.Ltmp13:
0xf6: {  	v33 =	vsel vm0, v23, v33;
	v23 =	vor.u32 s20, v0;
	s20 =	smov.u32 s12;
	v31 =	vld [tilespmem:s3+$0x2300];
	s3 =	sor.u32 $0x380, s6;
	v39 =	vadd.f32 v39, v27;
	(pc) =	sbr.rel @p0 .LBB2_29-.Ltmp13, $4  }
0xf7: {  	s12 =	smov.u32 s17;
	s31 =	sadd.s32 $0x80, s31;
	vm0 =	vgt.f32 v40, v24;
	v42 =	vadd.f32 v36, v27;
	v34 =	vld [tilespmem:s3+$0x2000];
	v41 =	vadd.f32 v41, v27  }
0xf8: {  	s6 =	sand.u32 $0xFC00, s31;
	s3 =	sand.u32 $0x70, s17;
	v24 =	vsel vm0, v40, v24;
	v26 =	vsel vm0, v23, v26;
	v36 =	vmul.f32 $5.000000070e-02, v35  }
0xf9: {  	s16 =	sadd.s32 $0x1, s16;
	s3 =	sor.u32 s3, s6;
	vm1 =	vgt.f32 v39, v28;
	vm0 =	vgt.f32 v42, v29;
	vm2 =	vgt.f32 v41, v30;
	v27 =	vmovc v38  }
0xfa: {  	s14 =	sadd.s32 $0x10, s14;
	s17 =	sadd.s32 $0x10, s17;
	s6 =	sand.u32 $0x7, s16;
	v28 =	vsel vm1, v39, v28;
	v29 =	vsel vm0, v42, v29;
	v35 =	vld [tilespmem:s3+$0x2200];
	v30 =	vsel vm2, v41, v30  }
0xfb: {  	v32 =	vmul.f32 $5.000000070e-02, v32;
	v25 =	vsel vm1, v23, v25;
	v37 =	vsel vm2, v23, v37  }
0xfc: {  	v36 =	vadd.f32 v36, v27;
	v31 =	vmul.f32 $5.000000070e-02, v31;
	v41 =	vor.u32 s20, v0  }
0xfd: {  	v51 =	vsel vm0, v23, v33;
	v59 =	vor.u32 s12, v0;
	vm3 =	veq.f32 v19, v7  }
0xfe: {  	vm4 =	vlt.s32 v15, v10;
	vm5 =	vgt.f32 v19, v7;
	vm8 =	veq.f32 v21, v14  }
0xff: {  	v38 =	vld [tilespmem:s14+$0x0];
	vm9 =	vlt.s32 v20, v11;
	vm10 =	vlt.s32 v18, v16;
	vm13 =	vgt.f32 v13, v12  }
0x100: {  	s6 =	sshll.u32 s6, $0x4;
	v39 =	vld [tilespmem:s3+$0x2280];
	v34 =	vmul.f32 $5.000000070e-02, v34;
	vm3 =	vmand vm3, vm4;
	v32 =	vadd.f32 v32, v27  }
0x101: {  	v40 =	vld [tilespmem:s3+$0x2300];
	s6 =	sadd.s32 s6, s31;
	vm0 =	vgt.f32 v36, v24;
	v31 =	vadd.f32 v31, v27;
	vm3 =	vmor vm5, vm3  }
0x102: {  	s31 =	sor.u32 $0x380, s6;
	v53 =	vadd.f32 v34, v27;
	v24 =	vsel vm0, v36, v24;
	v26 =	vsel vm0, v41, v26  }
0x103: {  	v52 =	vld [tilespmem:s31+$0x2000];
	v62 =	vsel vm3, v15, v10;
	v54 =	vmul.f32 $5.000000070e-02, v35;
	vm0 =	vgt.f32 v32, v28  }
0x104: {  	vm1 =	vgt.f32 v31, v29;
	vm2 =	vgt.f32 v53, v30;
	v28 =	vsel vm0, v32, v28  }
0x105: {  	v29 =	vsel vm1, v31, v29;
	v55 =	vmul.f32 $5.000000070e-02, v39;
	v25 =	vsel vm0, v41, v25  }
0x106: {  	v58 =	vmul.f32 $5.000000070e-02, v40;
	v23 =	vsel vm1, v41, v51;
	v57 =	vadd.f32 v54, v38  }
0x107: {  	v27 =	vsel vm2, v53, v30;
	v56 =	vsel vm2, v41, v37;
	v30 =	vadd.f32 v55, v38  }
0x108: {  	v34 =	vadd.f32 v58, v38;
	v33 =	vmul.f32 $5.000000070e-02, v52;
	vm0 =	vgt.f32 v57, v24  }
0x109: {  	v24 =	vsel vm0, v57, v24;
	v26 =	vsel vm0, v59, v26;
	vm0 =	vgt.f32 v30, v28  }
0x10a: {  	vm1 =	vgt.f32 v34, v29;
	v33 =	vadd.f32 v33, v38;
	v28 =	vsel vm0, v30, v28  }
0x10b: {  	v60 =	vperm.xlane v26, v1;
	v25 =	vsel vm0, v59, v25;
	vm0 =	vmmov $0x1  }
0x10c: {  	v29 =	vsel vm1, v34, v29;
	v7 =	vperm.xlane v24, v1;
	v10 =	vnsel vm0, $0x0, v62  }
0x10d: {  	v36 =	vperm.xlane v28, v1;
	vm2 =	vgt.f32 v33, v27;
	vm3 =	vlt.s32 v60, v26  }
0x10e: {  	v27 =	vsel vm2, v33, v27;
	v61 =	vsel vm2, v59, v56;
	vm2 =	veq.f32 v7, v24  }
0x10f: {  	v37 =	vperm.xlane v25, v1;
	vm15 =	vgt.f32 v7, v24;
	vm2 =	vmand vm2, vm3  }
0x110: {  	v44 =	vperm.xlane v29, v1;
	v5 =	vadd.s32 v5, v10;
	vm2 =	vmor vm15, vm2  }
0x111: {  	vm3 =	vgt.f32 v21, v14;
	v7 =	vsel vm2, v7, v24;
	v63 =	vsel vm2, v60, v26  }
0x112: {  	vm2 =	vmand vm8, vm9;
	v24 =	vperm.xlane v7, v2;
	v19 =	vperm.xlane v63, v2  }
0x113: {  	vm12 =	vlt.s32 v37, v25;
	v26 =	vsel vm1, v59, v23;
	vm1 =	vmor vm3, vm2  }
0x114: {  	v31 =	vsel vm1, v20, v11;
	vm1 =	veq.f32 v24, v7;
	vm2 =	vlt.s32 v19, v63  }
0x115: {  	vm14 =	vgt.f32 v36, v28;
	vm3 =	vgt.f32 v24, v7;
	vm1 =	vmand vm1, vm2  }
0x116: {  	vm2 =	veq.f32 v22, v17;
	vm1 =	vmor vm3, vm1;
	vm3 =	vgt.f32 v22, v17  }
0x117: {  	vm2 =	vmand vm2, vm10;
	v7 =	vsel vm1, v24, v7;
	v32 =	vsel vm1, v19, v63  }
0x118: {  	vm2 =	vmor vm3, vm2;
	v33 =	vperm.xlane v7, v3;
	v35 =	vperm.xlane v32, v3  }
0x119: {  	v52 =	vperm.xlane v27, v1;
	vm1 =	veq.f32 v13, v12;
	v34 =	vsel vm2, v18, v16  }
0x11a: {  	vm2 =	vlt.s32 v9, v8;
	vm3 =	veq.f32 v33, v7;
	vm11 =	vlt.s32 v35, v32  }
0x11b: {  	vm1 =	vmand vm1, vm2;
	vm2 =	vgt.f32 v33, v7;
	vm3 =	vmand vm3, vm11  }
0x11c: {  	v53 =	vperm.xlane v61, v1;
	vm2 =	vmor vm2, vm3;
	vm3 =	veq.f32 v36, v28  }
0x11d: {  	v45 =	vperm.xlane v26, v1;
	vm3 =	vmand vm3, vm12;
	v7 =	vsel vm2, v33, v7  }
0x11e: {  	v11 =	vsel vm2, v35, v32;
	vm3 =	vmor vm14, vm3;
	v38 =	vperm.xlane v7, v4  }
0x11f: {  	v43 =	vperm.xlane v11, v4;
	v39 =	vsel vm3, v36, v28;
	v40 =	vsel vm3, v37, v25  }
0x120: {  	vm1 =	vmor vm13, vm1;
	v41 =	vperm.xlane v39, v2;
	v42 =	vperm.xlane v40, v2  }
0x121: {  	v8 =	vsel vm1, v9, v8;
	vm1 =	veq.f32 v38, v7;
	vm15 =	vlt.s32 v43, v11  }
0x122: {  	vm1 =	vmand vm1, vm15;
	vm2 =	veq.f32 v41, v39;
	vm3 =	vlt.s32 v42, v40  }
0x123: {  	vm8 =	vgt.f32 v41, v39;
	vm2 =	vmand vm2, vm3;
	vm3 =	vgt.f32 v38, v7  }
0x124: {  	v10 =	vnsel vm0, $0x0, v31;
	vm2 =	vmor vm8, vm2;
	vm1 =	vmor vm3, vm1  }
0x125: {  	vm3 =	vlt.s32 v45, v26;
	v7 =	vsel vm2, v41, v39;
	v14 =	vsel vm2, v42, v40  }
0x126: {  	vm2 =	veq.f32 v44, v29;
	v9 =	vsel vm1, v43, v11;
	vm1 =	vgt.f32 v44, v29  }
0x127: {  	v15 =	vperm.xlane v7, v3;
	v16 =	vperm.xlane v14, v3;
	vm2 =	vmand vm2, vm3  }
0x128: {  	v5 =	vadd.s32 v10, v5;
	v10 =	vnsel vm0, $0x0, v34;
	vm1 =	vmor vm1, vm2  }
0x129: {  	vm3 =	veq.f32 v15, v7;
	vm9 =	vlt.s32 v16, v14;
	vm2 =	vgt.f32 v15, v7  }
0x12a: {  	v46 =	vsel vm1, v44, v29;
	v47 =	vsel vm1, v45, v26;
	vm3 =	vmand vm3, vm9  }
0x12b: {  	v48 =	vperm.xlane v46, v2;
	v49 =	vperm.xlane v47, v2;
	vm2 =	vmor vm2, vm3  }
0x12c: {  	vm11 =	vlt.s32 v53, v61;
	vm12 =	vgt.f32 v52, v27;
	v7 =	vsel vm2, v15, v7  }
0x12d: {  	v14 =	vsel vm2, v16, v14;
	vm1 =	veq.f32 v48, v46;
	vm2 =	vlt.s32 v49, v47  }
0x12e: {  	vm10 =	vgt.f32 v48, v46;
	v50 =	vperm.xlane v7, v4;
	vm1 =	vmand vm1, vm2  }
0x12f: {  	v51 =	vperm.xlane v14, v4;
	vm2 =	veq.f32 v52, v27;
	vm1 =	vmor vm10, vm1  }
0x130: {  	vm2 =	vmand vm2, vm11;
	vm3 =	veq.f32 v50, v7;
	v11 =	vsel vm1, v48, v46  }
0x131: {  	v12 =	vsel vm1, v49, v47;
	vm1 =	vmor vm12, vm2;
	v13 =	vperm.xlane v11, v3  }
0x132: {  	v15 =	vperm.xlane v12, v3;
	v18 =	vsel vm1, v52, v27;
	v19 =	vsel vm1, v53, v61  }
0x133: {  	vm1 =	vlt.s32 v51, v14;
	v54 =	vperm.xlane v18, v2;
	v55 =	vperm.xlane v19, v2  }
0x134: {  	vm1 =	vmand vm3, vm1;
	vm2 =	veq.f32 v13, v11;
	vm3 =	vlt.s32 v15, v12  }
0x135: {  	vm2 =	vmand vm2, vm3;
	vm3 =	veq.f32 v54, v18;
	vm13 =	vlt.s32 v55, v19  }
0x136: {  	v5 =	vadd.s32 v10, v5;
	vm15 =	vgt.f32 v54, v18;
	vm3 =	vmand vm3, vm13  }
0x137: {  	v8 =	vnsel vm0, $0x0, v8;
	vm14 =	vgt.f32 v13, v11;
	vm3 =	vmor vm15, vm3  }
0x138: {  	vm2 =	vmor vm14, vm2;
	v56 =	vsel vm3, v54, v18;
	v57 =	vsel vm3, v55, v19  }
0x139: {  	vm3 =	vgt.f32 v50, v7;
	v7 =	vperm.xlane v56, v3;
	v58 =	vperm.xlane v57, v3  }
0x13a: {  	v5 =	vadd.s32 v8, v5;
	v8 =	vsel vm2, v13, v11;
	v59 =	vsel vm2, v15, v12  }
0x13b: {  	vm1 =	vmor vm3, vm1;
	vm2 =	veq.f32 v7, v56;
	vm3 =	vlt.s32 v58, v57  }
0x13c: {  	v60 =	vperm.xlane v8, v4;
	vm2 =	vmand vm2, vm3;
	vm3 =	vgt.f32 v7, v56  }
0x13d: {  	v9 =	vnsel vm0, $0x0, v9;
	v61 =	vperm.xlane v59, v4;
	vm2 =	vmor vm3, vm2  }
0x13e: {  	vm3 =	veq.f32 v60, v8;
	v7 =	vsel vm2, v7, v56;
	v62 =	vsel vm2, v58, v57  }
0x13f: {  	vm2 =	vlt.s32 v61, v59;
	v63 =	vperm.xlane v7, v4;
	v16 =	vperm.xlane v62, v4  }
0x140: {  	v14 =	vsel vm1, v51, v14;
	vm1 =	vgt.f32 v60, v8;
	vm2 =	vmand vm3, vm2  }
0x141: {  	p0 =	seq.s32 s4, $0xB;
	vm1 =	vmor vm1, vm2;
	vm2 =	veq.f32 v63, v7;
	vm3 =	vlt.s32 v16, v62  }
.Ltmp14:
0x142: {  	v5 =	vadd.s32 v9, v5;
	vm2 =	vmand vm2, vm3;
	vm3 =	vgt.f32 v63, v7;
	(pc) =	sbr.rel @p0 .LBB2_40-.Ltmp14, $4  }
0x143: {  	v8 =	vsel vm1, v61, v59;
	v7 =	vnsel vm0, $0x0, v14;
	vm1 =	vmor vm3, vm2  }
0x144: {  	v5 =	vadd.s32 v7, v5;
	v7 =	vnsel vm0, $0x0, v8;
	v8 =	vsel vm1, v16, v62  }
0x145: {  	v5 =	vadd.s32 v7, v5;
	v7 =	vnsel vm0, $0x0, v8  }
0x146: {  	v5 =	vadd.s32 v7, v5  }
0x147: {  	s3 =	rddreg [dreg:$0x6]  }
0x148: {  	s6 =	simm.s32 $0x2200;
	s3 =	sadd.s32 s1, s3  }
0x149: {  	s7 =	simm.s32 $0x80;
	s12 =	simm.s32 $0x2600;
	s14 =	sadd.s32 $0x0, s3  }
.LBB2_32:
0x14a: {  	[tilespmem:s6], [sflag:$0x2] =	stream.linear.gather [hbm4b:s14+s2], $0x80, $0x38;
	[tilespmem:$0x12080] =	vst v63  }
0x14b: {  	s14 =	smov.u32 s7;
	s6 =	smov.u32 s12;
	p0 =	sne.s32 s7, $0x1F80  }
.Ltmp15:
0x14c: {  	s7 =	sadd.s32 $0x80, s7;
	(pc) =	sbr.rel @p0 .LBB2_32-.Ltmp15, $2  }
0x14d: {  	_ =	sdelay $0x2  }
0x14e: {  	s12 =	sadd.s32 $0x400, s12;
	s14 =	sadd.s32 s14, s3  }
0x14f: {  	[tilespmem:s6], [sflag:$0x2] =	stream.linear.gather [hbm4b:s14+s2], $0x80, $0x38;
	[tilespmem:$0x12080] =	vst v63  }
0x150: {  	s3 =	rddreg [dreg:$0x7]  }
0x151: {  	s6 =	simm.s32 $0x2280;
	s3 =	sadd.s32 s1, s3  }
0x152: {  	s7 =	simm.s32 $0x80;
	s12 =	simm.s32 $0x2680;
	s14 =	sadd.s32 $0x0, s3  }
.LBB2_34:
0x153: {  	[tilespmem:s6], [sflag:$0x2] =	stream.linear.gather [hbm4b:s14+s2], $0x80, $0x38;
	[tilespmem:$0x12080] =	vst v63  }
0x154: {  	s14 =	smov.u32 s7;
	s6 =	smov.u32 s12;
	p0 =	sne.s32 s7, $0x1F80  }
.Ltmp16:
0x155: {  	s7 =	sadd.s32 $0x80, s7;
	(pc) =	sbr.rel @p0 .LBB2_34-.Ltmp16, $2  }
0x156: {  	_ =	sdelay $0x2  }
0x157: {  	s12 =	sadd.s32 $0x400, s12;
	s14 =	sadd.s32 s14, s3  }
0x158: {  	[tilespmem:s6], [sflag:$0x2] =	stream.linear.gather [hbm4b:s14+s2], $0x80, $0x38;
	[tilespmem:$0x12080] =	vst v63  }
0x159: {  	s3 =	rddreg [dreg:$0x8]  }
0x15a: {  	s6 =	simm.s32 $0x2300;
	s3 =	sadd.s32 s1, s3  }
0x15b: {  	s7 =	simm.s32 $0x80;
	s12 =	simm.s32 $0x2700;
	s14 =	sadd.s32 $0x0, s3  }
.LBB2_36:
0x15c: {  	[tilespmem:s6], [sflag:$0x2] =	stream.linear.gather [hbm4b:s14+s2], $0x80, $0x38;
	[tilespmem:$0x12080] =	vst v63  }
0x15d: {  	s14 =	smov.u32 s7;
	s6 =	smov.u32 s12;
	p0 =	sne.s32 s7, $0x1F80  }
.Ltmp17:
0x15e: {  	s7 =	sadd.s32 $0x80, s7;
	(pc) =	sbr.rel @p0 .LBB2_36-.Ltmp17, $2  }
0x15f: {  	_ =	sdelay $0x2  }
0x160: {  	s12 =	sadd.s32 $0x400, s12;
	s14 =	sadd.s32 s14, s3  }
0x161: {  	[tilespmem:s6], [sflag:$0x2] =	stream.linear.gather [hbm4b:s14+s2], $0x80, $0x38;
	[tilespmem:$0x12080] =	vst v63  }
0x162: {  	s3 =	rddreg [dreg:$0x9]  }
0x163: {  	s6 =	simm.s32 $0x80;
	s1 =	sadd.s32 s1, s3  }
0x164: {  	s7 =	simm.s32 $0x2780;
	s3 =	simm.s32 $0x2380;
	s12 =	sadd.s32 $0x0, s1  }
.LBB2_38:
0x165: {  	[tilespmem:s3], [sflag:$0x2] =	stream.linear.gather [hbm4b:s12+s2], $0x80, $0x38;
	[tilespmem:$0x12080] =	vst v63  }
0x166: {  	s12 =	smov.u32 s6;
	s3 =	smov.u32 s7;
	p0 =	sne.s32 s6, $0x1F80  }
.Ltmp18:
0x167: {  	s6 =	sadd.s32 $0x80, s6;
	(pc) =	sbr.rel @p0 .LBB2_38-.Ltmp18, $2  }
0x168: {  	_ =	sdelay $0x2  }
0x169: {  	s7 =	sadd.s32 $0x400, s7;
	s12 =	sadd.s32 s12, s1  }
.Ltmp19:
0x16a: {  	(pc) =	sbr.rel .LBB2_18-.Ltmp19, $3  }
0x16b: {  	_ =	sdelay $0x1  }
0x16c: {  	[tilespmem:s3], [sflag:$0x2] =	stream.linear.gather [hbm4b:s12+s2], $0x80, $0x38;
	[tilespmem:$0x12080] =	vst v63  }
0x16d: {  	s4 =	sadd.s32 $0x1, s4  }
.LBB2_40:
0x16e: {  	_ =	swait.ge [sflag:s21], $0x2000  }
0x16f: {  	[sflag:s21] =	ssyncset.done $0x0  }
0x170: {  	[sflag:s21] =	ssyncadd.s32 $0xFFFFE000  }
0x171: {  	_ =	swait.ge [sflag:s21], $0x2000  }
0x172: {  	[sflag:s21] =	ssyncset.done $0x0  }
0x173: {  	[sflag:s21] =	ssyncadd.s32 $0xFFFFE000  }
0x174: {  	_ =	swait.ge [sflag:s21], $0x2000  }
0x175: {  	[sflag:s21] =	ssyncset.done $0x0  }
0x176: {  	[sflag:s21] =	ssyncadd.s32 $0xFFFFE000  }
0x177: {  	s3 =	simm.s32 $0x0;
	_ =	swait.ge [sflag:s21], $0x2000  }
0x178: {  	s1 =	sand.u32 $0x70, s3;
	s4 =	sand.u32 $0xFC00, s3;
	[sflag:s21] =	ssyncset.done $0x0  }
0x179: {  	s4 =	sor.u32 s1, s4;
	[sflag:s21] =	ssyncadd.s32 $0xFFFFE000  }
0x17a: {  	v6 =	vld [tilespmem:s4+$0x2000]  }
0x17b: {  	v7 =	vld [tilespmem:s4+$0x2080]  }
0x17c: {  	s17 =	simm.s32 $0x80;
	s1 =	simm.s32 $0x10;
	v10 =	vld [tilespmem:s4+$0x2100]  }
0x17d: {  	s6 =	sand.u32 $0x70, s1;
	v11 =	vld [tilespmem:s4+$0x2180];
	s4 =	sand.u32 $0xFC00, s17  }
0x17e: {  	v9 =	vld [tilespmem:s3+$0x0];
	s6 =	sor.u32 s6, s4  }
0x17f: {  	v13 =	vld [tilespmem:s6+$0x2000]  }
0x180: {  	v19 =	vld [tilespmem:s6+$0x2080]  }
0x181: {  	v21 =	vld [tilespmem:s6+$0x2100]  }
0x182: {  	v22 =	vld [tilespmem:s6+$0x2180]  }
0x183: {  	v17 =	vimm.f32 $-3.000000010e+38;
	v6 =	vmul.f32 $5.000000070e-02, v6;
	v14 =	vmul.f32 $5.000000070e-02, v7  }
0x184: {  	v12 =	vor.u32 s3, v0;
	v8 =	vld [tilespmem:s1+$0x0];
	v10 =	vmul.f32 $5.000000070e-02, v10;
	v11 =	vmul.f32 $5.000000070e-02, v11  }
0x185: {  	v7 =	vimm.s32 $0x0;
	v6 =	vadd.f32 v6, v9;
	v14 =	vadd.f32 v14, v9  }
0x186: {  	s12 =	simm.s32 $0x100;
	s4 =	simm.s32 $0x20;
	v10 =	vadd.f32 v10, v9;
	v23 =	vmul.f32 $5.000000070e-02, v13;
	v20 =	vmul.f32 $5.000000070e-02, v19  }
0x187: {  	s31 =	sand.u32 $0xFC00, s12;
	s20 =	sand.u32 $0x70, s4;
	v9 =	vadd.f32 v11, v9;
	v21 =	vmul.f32 $5.000000070e-02, v21;
	v22 =	vmul.f32 $5.000000070e-02, v22  }
0x188: {  	s14 =	sor.u32 s20, s31;
	vm1 =	vgt.f32 v6, v17;
	vm2 =	vgt.f32 v14, v17;
	vm3 =	vgt.f32 v10, v17  }
0x189: {  	v18 =	vld [tilespmem:s14+$0x2000];
	v19 =	vadd.f32 v23, v8;
	v16 =	vsel vm1, v6, v17;
	v13 =	vsel vm1, v12, v7  }
0x18a: {  	vm1 =	vgt.f32 v9, v17;
	v14 =	vsel vm2, v14, v17;
	v15 =	vsel vm3, v10, v17;
	v6 =	vld [tilespmem:s4+$0x0]  }
0x18b: {  	s3 =	simm.s32 $0x30;
	s6 =	simm.s32 $0x20;
	v10 =	vsel vm2, v12, v7;
	v11 =	vsel vm3, v12, v7;
	v9 =	vsel vm1, v9, v17;
	v17 =	vld [tilespmem:s14+$0x2080]  }
.LBB2_41:
0x18c: {  	p0 =	sne.s32 s3, $0x1FF0;
	v23 =	vld [tilespmem:s14+$0x2100];
	v20 =	vadd.f32 v20, v8;
	v7 =	vsel vm1, v12, v7;
	v12 =	vor.u32 s1, v0;
	s1 =	smov.u32 s4;
	s4 =	smov.u32 s3  }
0x18d: {  	s12 =	sadd.s32 $0x80, s12;
	v24 =	vld [tilespmem:s14+$0x2180];
	vm1 =	vgt.f32 v19, v16;
	v21 =	vadd.f32 v21, v8;
	v22 =	vadd.f32 v22, v8  }
.Ltmp20:
0x18e: {  	s7 =	sand.u32 $0x70, s3;
	s14 =	sand.u32 $0xFC00, s12;
	v25 =	vmul.f32 $5.000000070e-02, v18;
	v16 =	vsel vm1, v19, v16;
	v13 =	vsel vm1, v12, v13;
	(pc) =	sbr.rel @p0 .LBB2_41-.Ltmp20, $4  }
0x18f: {  	s14 =	sor.u32 s7, s14;
	vm2 =	vgt.f32 v20, v14;
	vm3 =	vgt.f32 v21, v15;
	vm1 =	vgt.f32 v22, v9;
	v8 =	vmovc v6  }
0x190: {  	s6 =	sadd.s32 $0x10, s6;
	v14 =	vsel vm2, v20, v14;
	v18 =	vld [tilespmem:s14+$0x2000];
	v15 =	vsel vm3, v21, v15;
	v9 =	vsel vm1, v22, v9  }
0x191: {  	v10 =	vsel vm2, v12, v10;
	v20 =	vmul.f32 $5.000000070e-02, v17;
	v11 =	vsel vm3, v12, v11;
	v6 =	vld [tilespmem:s6+$0x0]  }
0x192: {  	s3 =	sadd.s32 $0x10, s3;
	v19 =	vadd.f32 v25, v8;
	v21 =	vmul.f32 $5.000000070e-02, v23;
	v17 =	vld [tilespmem:s14+$0x2080];
	v22 =	vmul.f32 $5.000000070e-02, v24  }
0x193: {  	_ = 	snop  }
0x194: {  	v23 =	vor.u32 s1, v0;
	v20 =	vadd.f32 v20, v8;
	v7 =	vsel vm1, v12, v7  }
0x195: {  	vm1 =	vgt.f32 v19, v16;
	v12 =	vmul.f32 $5.000000070e-02, v18;
	v18 =	vadd.f32 v21, v8  }
0x196: {  	v16 =	vsel vm1, v19, v16;
	v19 =	vld [tilespmem:s14+$0x2100];
	v13 =	vsel vm1, v23, v13;
	vm1 =	vgt.f32 v20, v14  }
0x197: {  	v8 =	vadd.f32 v22, v8;
	v14 =	vsel vm1, v20, v14  }
0x198: {  	v21 =	vld [tilespmem:s14+$0x2180];
	v10 =	vsel vm1, v23, v10;
	v12 =	vadd.f32 v12, v6;
	vm2 =	vgt.f32 v18, v15  }
0x199: {  	vm3 =	vgt.f32 v8, v9;
	v17 =	vmul.f32 $5.000000070e-02, v17;
	v15 =	vsel vm2, v18, v15  }
0x19a: {  	v18 =	vor.u32 s4, v0;
	v8 =	vsel vm3, v8, v9;
	vm4 =	vgt.f32 v12, v16  }
0x19b: {  	v12 =	vsel vm4, v12, v16;
	v13 =	vsel vm4, v18, v13;
	v19 =	vmul.f32 $5.000000070e-02, v19  }
0x19c: {  	v11 =	vsel vm2, v23, v11;
	v9 =	vperm.xlane v12, v1;
	v16 =	vperm.xlane v13, v1  }
0x19d: {  	v7 =	vsel vm3, v23, v7;
	v17 =	vadd.f32 v17, v6;
	v20 =	vmul.f32 $5.000000070e-02, v21  }
0x19e: {  	v19 =	vadd.f32 v19, v6;
	vm1 =	veq.f32 v9, v12;
	vm2 =	vlt.s32 v16, v13  }
0x19f: {  	v6 =	vadd.f32 v20, v6;
	vm11 =	vgt.f32 v9, v12;
	vm1 =	vmand vm1, vm2  }
0x1a0: {  	vm2 =	vgt.f32 v17, v14;
	vm3 =	vgt.f32 v19, v15;
	vm1 =	vmor vm11, vm1  }
0x1a1: {  	v14 =	vsel vm2, v17, v14;
	v15 =	vsel vm3, v19, v15;
	v10 =	vsel vm2, v18, v10  }
0x1a2: {  	v11 =	vsel vm3, v18, v11;
	v9 =	vsel vm1, v9, v12;
	v17 =	vperm.xlane v14, v1  }
0x1a3: {  	v12 =	vsel vm1, v16, v13;
	v19 =	vperm.xlane v10, v1;
	v20 =	vperm.xlane v11, v1  }
0x1a4: {  	vm1 =	vgt.f32 v6, v8;
	v13 =	vperm.xlane v9, v2;
	v16 =	vperm.xlane v12, v2  }
0x1a5: {  	v8 =	vsel vm1, v6, v8;
	v18 =	vsel vm1, v18, v7;
	vm13 =	veq.f32 v17, v14  }
0x1a6: {  	vm14 =	vlt.s32 v19, v10;
	vm2 =	veq.f32 v13, v9;
	vm12 =	vlt.s32 v16, v12  }
0x1a7: {  	vm15 =	vgt.f32 v17, v14;
	vm5 =	vgt.f32 v13, v9;
	vm2 =	vmand vm2, vm12  }
0x1a8: {  	vm11 =	vlt.s32 v20, v11;
	v22 =	vperm.xlane v18, v1;
	vm2 =	vmor vm5, vm2  }
0x1a9: {  	vm4 =	vmand vm13, vm14;
	v6 =	vsel vm2, v13, v9;
	v9 =	vsel vm2, v16, v12  }
0x1aa: {  	vm2 =	vmor vm15, vm4;
	v12 =	vperm.xlane v6, v3;
	v13 =	vperm.xlane v9, v3  }
0x1ab: {  	v14 =	vsel vm2, v17, v14;
	v10 =	vsel vm2, v19, v10;
	v19 =	vperm.xlane v15, v1  }
0x1ac: {  	v16 =	vperm.xlane v14, v2;
	v17 =	vperm.xlane v10, v2;
	vm2 =	vgt.f32 v12, v6  }
0x1ad: {  	vm3 =	veq.f32 v12, v6;
	vm8 =	vlt.s32 v13, v9;
	vm1 =	veq.f32 v19, v15  }
0x1ae: {  	vm3 =	vmand vm3, vm8;
	vm9 =	veq.f32 v16, v14;
	vm10 =	vlt.s32 v17, v10  }
0x1af: {  	vm2 =	vmor vm2, vm3;
	vm3 =	vgt.f32 v16, v14;
	vm4 =	vmand vm9, vm10  }
0x1b0: {  	vm1 =	vmand vm1, vm11;
	vm3 =	vmor vm3, vm4;
	v6 =	vsel vm2, v12, v6  }
0x1b1: {  	v12 =	vsel vm3, v16, v14;
	v16 =	vsel vm3, v17, v10;
	vm3 =	vgt.f32 v19, v15  }
0x1b2: {  	vm14 =	vlt.s32 v22, v18;
	v14 =	vperm.xlane v12, v3;
	vm1 =	vmor vm3, vm1  }
0x1b3: {  	v7 =	vsel vm2, v13, v9;
	v17 =	vperm.xlane v16, v3;
	v15 =	vsel vm1, v19, v15  }
0x1b4: {  	v19 =	vsel vm1, v20, v11;
	v11 =	vperm.xlane v8, v1;
	vm3 =	veq.f32 v14, v12  }
0x1b5: {  	vm1 =	vlt.s32 v17, v16;
	v20 =	vperm.xlane v15, v2;
	v21 =	vperm.xlane v19, v2  }
0x1b6: {  	v10 =	vperm.xlane v6, v4;
	vm12 =	vgt.f32 v14, v12;
	vm1 =	vmand vm3, vm1  }
0x1b7: {  	vm13 =	veq.f32 v11, v8;
	vm2 =	veq.f32 v20, v15;
	vm3 =	vlt.s32 v21, v19  }
0x1b8: {  	vm15 =	vgt.f32 v11, v8;
	vm2 =	vmand vm2, vm3;
	vm3 =	vmand vm13, vm14  }
0x1b9: {  	v9 =	vperm.xlane v7, v4;
	vm1 =	vmor vm12, vm1;
	vm3 =	vmor vm15, vm3  }
0x1ba: {  	v13 =	vsel vm3, v11, v8;
	v18 =	vsel vm3, v22, v18;
	vm3 =	vgt.f32 v20, v15  }
0x1bb: {  	vm2 =	vmor vm3, vm2;
	v22 =	vperm.xlane v13, v2;
	v23 =	vperm.xlane v18, v2  }
0x1bc: {  	v11 =	vsel vm1, v14, v12;
	v8 =	vsel vm1, v17, v16;
	v14 =	vsel vm2, v20, v15  }
0x1bd: {  	v15 =	vsel vm2, v21, v19;
	vm1 =	veq.f32 v22, v13;
	vm2 =	vlt.s32 v23, v18  }
0x1be: {  	v16 =	vperm.xlane v14, v3;
	vm3 =	vgt.f32 v22, v13;
	vm1 =	vmand vm1, vm2  }
0x1bf: {  	v12 =	vperm.xlane v11, v4;
	v19 =	vperm.xlane v15, v3;
	vm1 =	vmor vm3, vm1  }
0x1c0: {  	vm2 =	veq.f32 v16, v14;
	v21 =	vsel vm1, v22, v13;
	v18 =	vsel vm1, v23, v18  }
0x1c1: {  	vm1 =	vlt.s32 v19, v15;
	v22 =	vperm.xlane v21, v3;
	v23 =	vperm.xlane v18, v3  }
0x1c2: {  	s17 =	simm.s32 $0x0;
	s3 =	rddreg [dreg:$0xb];
	vm3 =	vgt.f32 v16, v14;
	v13 =	vperm.xlane v8, v4;
	vm1 =	vmand vm2, vm1  }
0x1c3: {  	s20 =	simm.s32 $0x80;
	s6 =	simm.s32 $0x400;
	s31 =	simm.s32 $0x3;
	vm1 =	vmor vm3, vm1;
	vm2 =	veq.f32 v22, v21;
	vm3 =	vlt.s32 v23, v18  }
0x1c4: {  	[tilespmem:s17], [sflag:$0x3] =	stream.strided.gather [hbm4b:s3+s20], $0x2000, s6, s20, $0x38;
	v17 =	vsel vm1, v16, v14;
	vm2 =	vmand vm2, vm3;
	vm3 =	vgt.f32 v22, v21;
	[tilespmem:$0x12080] =	vst v63  }
0x1c5: {  	_ =	swait.ge [sflag:s31], $0x2000;
	v14 =	vsel vm1, v19, v15;
	v20 =	vperm.xlane v17, v4;
	vm1 =	vmor vm3, vm2  }
0x1c6: {  	s1 =	simm.s32 $0x2000;
	s3 =	simm.s32 $0x80;
	[sflag:s31] =	ssyncset.done $0x0;
	v16 =	vperm.xlane v14, v4;
	v19 =	vsel vm1, v22, v21;
	v15 =	vsel vm1, v23, v18  }
0x1c7: {  	s6 =	sadd.s32 $0x0, s22;
	[sflag:s31] =	ssyncadd.s32 $0xFFFFE000;
	s4 =	simm.s32 $0x2400;
	v21 =	vperm.xlane v19, v4;
	v18 =	vperm.xlane v15, v4  }
.LBB2_43:
0x1c8: {  	[tilespmem:s1], [sflag:$0x1] =	stream.linear.gather [hbm4b:s6+s2], $0x80, $0x38;
	[tilespmem:$0x12080] =	vst v63  }
0x1c9: {  	s6 =	smov.u32 s3;
	s1 =	smov.u32 s4;
	p0 =	sne.s32 s3, $0x1F80  }
.Ltmp21:
0x1ca: {  	s3 =	sadd.s32 $0x80, s3;
	(pc) =	sbr.rel @p0 .LBB2_43-.Ltmp21, $2  }
0x1cb: {  	_ =	sdelay $0x2  }
0x1cc: {  	s4 =	sadd.s32 $0x400, s4;
	s6 =	sadd.s32 s6, s22  }
0x1cd: {  	[tilespmem:s1], [sflag:$0x1] =	stream.linear.gather [hbm4b:s6+s2], $0x80, $0x38;
	[tilespmem:$0x12080] =	vst v63  }
0x1ce: {  	s1 =	simm.s32 $0x2080  }
0x1cf: {  	s3 =	simm.s32 $0x80;
	s6 =	sadd.s32 $0x0, s23;
	s4 =	simm.s32 $0x2480  }
.LBB2_45:
0x1d0: {  	[tilespmem:s1], [sflag:$0x1] =	stream.linear.gather [hbm4b:s6+s2], $0x80, $0x38;
	[tilespmem:$0x12080] =	vst v63  }
0x1d1: {  	s6 =	smov.u32 s3;
	s1 =	smov.u32 s4;
	p0 =	sne.s32 s3, $0x1F80  }
.Ltmp22:
0x1d2: {  	s3 =	sadd.s32 $0x80, s3;
	(pc) =	sbr.rel @p0 .LBB2_45-.Ltmp22, $2  }
0x1d3: {  	_ =	sdelay $0x2  }
0x1d4: {  	s4 =	sadd.s32 $0x400, s4;
	s6 =	sadd.s32 s6, s23  }
0x1d5: {  	[tilespmem:s1], [sflag:$0x1] =	stream.linear.gather [hbm4b:s6+s2], $0x80, $0x38;
	[tilespmem:$0x12080] =	vst v63  }
0x1d6: {  	s1 =	simm.s32 $0x2100  }
0x1d7: {  	s3 =	simm.s32 $0x80;
	s6 =	sadd.s32 $0x0, s24;
	s4 =	simm.s32 $0x2500  }
.LBB2_47:
0x1d8: {  	[tilespmem:s1], [sflag:$0x1] =	stream.linear.gather [hbm4b:s6+s2], $0x80, $0x38;
	[tilespmem:$0x12080] =	vst v63  }
0x1d9: {  	s6 =	smov.u32 s3;
	s1 =	smov.u32 s4;
	p0 =	sne.s32 s3, $0x1F80  }
.Ltmp23:
0x1da: {  	s3 =	sadd.s32 $0x80, s3;
	(pc) =	sbr.rel @p0 .LBB2_47-.Ltmp23, $2  }
0x1db: {  	_ =	sdelay $0x2  }
0x1dc: {  	s4 =	sadd.s32 $0x400, s4;
	s6 =	sadd.s32 s6, s24  }
0x1dd: {  	[tilespmem:s1], [sflag:$0x1] =	stream.linear.gather [hbm4b:s6+s2], $0x80, $0x38;
	[tilespmem:$0x12080] =	vst v63  }
0x1de: {  	s1 =	simm.s32 $0x2180  }
0x1df: {  	s3 =	simm.s32 $0x80;
	s6 =	sadd.s32 $0x0, s25;
	s4 =	simm.s32 $0x2580  }
.LBB2_49:
0x1e0: {  	[tilespmem:s1], [sflag:$0x1] =	stream.linear.gather [hbm4b:s6+s2], $0x80, $0x38;
	[tilespmem:$0x12080] =	vst v63  }
0x1e1: {  	s6 =	smov.u32 s3;
	s1 =	smov.u32 s4;
	p0 =	sne.s32 s3, $0x1F80  }
.Ltmp24:
0x1e2: {  	s3 =	sadd.s32 $0x80, s3;
	(pc) =	sbr.rel @p0 .LBB2_49-.Ltmp24, $2  }
0x1e3: {  	_ =	sdelay $0x2  }
0x1e4: {  	s4 =	sadd.s32 $0x400, s4;
	s6 =	sadd.s32 s6, s25  }
0x1e5: {  	[tilespmem:s1], [sflag:$0x1] =	stream.linear.gather [hbm4b:s6+s2], $0x80, $0x38;
	[tilespmem:$0x12080] =	vst v63  }
0x1e6: {  	s1 =	simm.s32 $0x2200  }
0x1e7: {  	s3 =	simm.s32 $0x80;
	s6 =	sadd.s32 $0x0, s26;
	s4 =	simm.s32 $0x2600  }
.LBB2_51:
0x1e8: {  	[tilespmem:s1], [sflag:$0x2] =	stream.linear.gather [hbm4b:s6+s2], $0x80, $0x38;
	[tilespmem:$0x12080] =	vst v63  }
0x1e9: {  	s6 =	smov.u32 s3;
	s1 =	smov.u32 s4;
	p0 =	sne.s32 s3, $0x1F80  }
.Ltmp25:
0x1ea: {  	s3 =	sadd.s32 $0x80, s3;
	(pc) =	sbr.rel @p0 .LBB2_51-.Ltmp25, $2  }
0x1eb: {  	_ =	sdelay $0x2  }
0x1ec: {  	s4 =	sadd.s32 $0x400, s4;
	s6 =	sadd.s32 s6, s26  }
0x1ed: {  	[tilespmem:s1], [sflag:$0x2] =	stream.linear.gather [hbm4b:s6+s2], $0x80, $0x38;
	[tilespmem:$0x12080] =	vst v63  }
0x1ee: {  	s1 =	simm.s32 $0x2280  }
0x1ef: {  	s3 =	simm.s32 $0x80;
	s6 =	sadd.s32 $0x0, s28;
	s4 =	simm.s32 $0x2680  }
.LBB2_53:
0x1f0: {  	[tilespmem:s1], [sflag:$0x2] =	stream.linear.gather [hbm4b:s6+s2], $0x80, $0x38;
	[tilespmem:$0x12080] =	vst v63  }
0x1f1: {  	s6 =	smov.u32 s3;
	s1 =	smov.u32 s4;
	p0 =	sne.s32 s3, $0x1F80  }
.Ltmp26:
0x1f2: {  	s3 =	sadd.s32 $0x80, s3;
	(pc) =	sbr.rel @p0 .LBB2_53-.Ltmp26, $2  }
0x1f3: {  	_ =	sdelay $0x2  }
0x1f4: {  	s4 =	sadd.s32 $0x400, s4;
	s6 =	sadd.s32 s6, s28  }
0x1f5: {  	[tilespmem:s1], [sflag:$0x2] =	stream.linear.gather [hbm4b:s6+s2], $0x80, $0x38;
	[tilespmem:$0x12080] =	vst v63  }
0x1f6: {  	s1 =	simm.s32 $0x2300  }
0x1f7: {  	s3 =	simm.s32 $0x80;
	s6 =	sadd.s32 $0x0, s29;
	s4 =	simm.s32 $0x2700  }
.LBB2_55:
0x1f8: {  	[tilespmem:s1], [sflag:$0x2] =	stream.linear.gather [hbm4b:s6+s2], $0x80, $0x38;
	[tilespmem:$0x12080] =	vst v63  }
0x1f9: {  	s6 =	smov.u32 s3;
	s1 =	smov.u32 s4;
	p0 =	sne.s32 s3, $0x1F80  }
.Ltmp27:
0x1fa: {  	s3 =	sadd.s32 $0x80, s3;
	(pc) =	sbr.rel @p0 .LBB2_55-.Ltmp27, $2  }
0x1fb: {  	_ =	sdelay $0x2  }
0x1fc: {  	s4 =	sadd.s32 $0x400, s4;
	s6 =	sadd.s32 s6, s29  }
0x1fd: {  	[tilespmem:s1], [sflag:$0x2] =	stream.linear.gather [hbm4b:s6+s2], $0x80, $0x38;
	[tilespmem:$0x12080] =	vst v63  }
0x1fe: {  	s1 =	simm.s32 $0x2380  }
0x1ff: {  	s4 =	simm.s32 $0x80;
	s3 =	sadd.s32 $0x0, s30;
	s6 =	simm.s32 $0x2780  }
.LBB2_57:
0x200: {  	[tilespmem:s1], [sflag:$0x2] =	stream.linear.gather [hbm4b:s3+s2], $0x80, $0x38;
	[tilespmem:$0x12080] =	vst v63  }
0x201: {  	s3 =	smov.u32 s4;
	s1 =	smov.u32 s6;
	p0 =	sne.s32 s4, $0x1F80  }
.Ltmp28:
0x202: {  	s4 =	sadd.s32 $0x80, s4;
	(pc) =	sbr.rel @p0 .LBB2_57-.Ltmp28, $2  }
0x203: {  	_ =	sdelay $0x2  }
0x204: {  	s6 =	sadd.s32 $0x400, s6;
	s3 =	sadd.s32 s3, s30  }
0x205: {  	vm1 =	veq.f32 v10, v6;
	vm2 =	vlt.s32 v9, v7  }
0x206: {  	vm3 =	vgt.f32 v10, v6;
	vm1 =	vmand vm1, vm2  }
0x207: {  	vm1 =	vmor vm3, vm1  }
0x208: {  	vm2 =	vlt.s32 v13, v8;
	v6 =	vsel vm1, v9, v7;
	vm1 =	veq.f32 v12, v11  }
0x209: {  	vm3 =	vgt.f32 v12, v11;
	v6 =	vnsel vm0, $0x0, v6;
	vm1 =	vmand vm1, vm2  }
0x20a: {  	vm2 =	veq.f32 v20, v17;
	vm1 =	vmor vm3, vm1;
	vm3 =	vlt.s32 v16, v14  }
0x20b: {  	v7 =	vsel vm1, v13, v8;
	vm1 =	vgt.f32 v20, v17;
	vm2 =	vmand vm2, vm3  }
0x20c: {  	vm3 =	vlt.s32 v18, v15;
	vm1 =	vmor vm1, vm2;
	vm2 =	veq.f32 v21, v19  }
0x20d: {  	v5 =	vadd.s32 v5, v6;
	vm2 =	vmand vm2, vm3;
	vm3 =	vgt.f32 v21, v19  }
0x20e: {  	v6 =	vnsel vm0, $0x0, v7;
	v7 =	vsel vm1, v16, v14;
	vm1 =	vmor vm3, vm2  }
0x20f: {  	v5 =	vadd.s32 v6, v5;
	v6 =	vnsel vm0, $0x0, v7;
	v7 =	vsel vm1, v18, v15  }
0x210: {  	[tilespmem:s1], [sflag:$0x2] =	stream.linear.gather [hbm4b:s3+s2], $0x80, $0x38;
	v5 =	vadd.s32 v6, v5;
	v6 =	vnsel vm0, $0x0, v7;
	[tilespmem:$0x12080] =	vst v63  }
0x211: {  	s4 =	simm.s32 $0x0;
	s1 =	simm.s32 $0x0;
	v5 =	vadd.s32 v6, v5  }
.LBB2_59:
0x212: {  	_ =	swait.ge [sflag:s21], $0x2000  }
0x213: {  	[sflag:s21] =	ssyncset.done $0x0  }
0x214: {  	[sflag:s21] =	ssyncadd.s32 $0xFFFFE000  }
0x215: {  	_ =	swait.ge [sflag:s21], $0x2000  }
0x216: {  	[sflag:s21] =	ssyncset.done $0x0  }
0x217: {  	[sflag:s21] =	ssyncadd.s32 $0xFFFFE000  }
0x218: {  	_ =	swait.ge [sflag:s21], $0x2000  }
0x219: {  	[sflag:s21] =	ssyncset.done $0x0  }
0x21a: {  	[sflag:s21] =	ssyncadd.s32 $0xFFFFE000  }
0x21b: {  	_ =	swait.ge [sflag:s21], $0x2000  }
0x21c: {  	s3 =	sand.u32 $0x70, s4;
	s6 =	sand.u32 $0xFC00, s4;
	[sflag:s21] =	ssyncset.done $0x0  }
0x21d: {  	s3 =	sor.u32 s3, s6;
	[sflag:s21] =	ssyncadd.s32 $0xFFFFE000  }
0x21e: {  	v6 =	vld [tilespmem:s3+$0x2000]  }
0x21f: {  	v7 =	vld [tilespmem:s3+$0x2080]  }
0x220: {  	s20 =	simm.s32 $0x10;
	s12 =	simm.s32 $0x80;
	v10 =	vld [tilespmem:s3+$0x2100]  }
0x221: {  	s14 =	sand.u32 $0x70, s20;
	v11 =	vld [tilespmem:s3+$0x2180];
	s3 =	sand.u32 $0xFC00, s12  }
0x222: {  	v9 =	vld [tilespmem:s4+$0x0];
	s3 =	sor.u32 s14, s3  }
0x223: {  	v13 =	vld [tilespmem:s3+$0x2000]  }
0x224: {  	v19 =	vld [tilespmem:s3+$0x2080]  }
0x225: {  	v21 =	vld [tilespmem:s3+$0x2100]  }
0x226: {  	v22 =	vld [tilespmem:s3+$0x2180]  }
0x227: {  	v17 =	vimm.f32 $-3.000000010e+38;
	v6 =	vmul.f32 $5.000000070e-02, v6;
	v14 =	vmul.f32 $5.000000070e-02, v7  }
0x228: {  	v12 =	vor.u32 s4, v0;
	v8 =	vld [tilespmem:s20+$0x0];
	v10 =	vmul.f32 $5.000000070e-02, v10;
	v11 =	vmul.f32 $5.000000070e-02, v11  }
0x229: {  	v7 =	vimm.s32 $0x0;
	v6 =	vadd.f32 v6, v9;
	v14 =	vadd.f32 v14, v9  }
0x22a: {  	s31 =	simm.s32 $0x20;
	s12 =	simm.s32 $0x100;
	v10 =	vadd.f32 v10, v9;
	v23 =	vmul.f32 $5.000000070e-02, v13;
	v20 =	vmul.f32 $5.000000070e-02, v19  }
0x22b: {  	s16 =	sand.u32 $0x70, s31;
	s17 =	sand.u32 $0xFC00, s12;
	v9 =	vadd.f32 v11, v9;
	v21 =	vmul.f32 $5.000000070e-02, v21;
	v22 =	vmul.f32 $5.000000070e-02, v22  }
0x22c: {  	s14 =	sor.u32 s16, s17;
	vm1 =	vgt.f32 v6, v17;
	vm2 =	vgt.f32 v14, v17;
	vm3 =	vgt.f32 v10, v17  }
0x22d: {  	v18 =	vld [tilespmem:s14+$0x2000];
	v19 =	vadd.f32 v23, v8;
	v16 =	vsel vm1, v6, v17;
	v13 =	vsel vm1, v12, v7  }
0x22e: {  	vm1 =	vgt.f32 v9, v17;
	v14 =	vsel vm2, v14, v17;
	v15 =	vsel vm3, v10, v17;
	v6 =	vld [tilespmem:s31+$0x0]  }
0x22f: {  	s6 =	simm.s32 $0x20;
	s3 =	simm.s32 $0x30;
	v10 =	vsel vm2, v12, v7;
	v11 =	vsel vm3, v12, v7;
	v9 =	vsel vm1, v9, v17;
	v17 =	vld [tilespmem:s14+$0x2080]  }
.LBB2_60:
0x230: {  	p0 =	sne.s32 s3, $0x1FF0;
	v23 =	vld [tilespmem:s14+$0x2100];
	v20 =	vadd.f32 v20, v8;
	v7 =	vsel vm1, v12, v7;
	v12 =	vor.u32 s20, v0;
	s20 =	smov.u32 s31;
	s31 =	smov.u32 s3  }
0x231: {  	s12 =	sadd.s32 $0x80, s12;
	v24 =	vld [tilespmem:s14+$0x2180];
	vm1 =	vgt.f32 v19, v16;
	v21 =	vadd.f32 v21, v8;
	v22 =	vadd.f32 v22, v8  }
.Ltmp29:
0x232: {  	s7 =	sand.u32 $0x70, s3;
	s14 =	sand.u32 $0xFC00, s12;
	v25 =	vmul.f32 $5.000000070e-02, v18;
	v16 =	vsel vm1, v19, v16;
	v13 =	vsel vm1, v12, v13;
	(pc) =	sbr.rel @p0 .LBB2_60-.Ltmp29, $4  }
0x233: {  	s14 =	sor.u32 s7, s14;
	vm2 =	vgt.f32 v20, v14;
	vm3 =	vgt.f32 v21, v15;
	vm1 =	vgt.f32 v22, v9;
	v8 =	vmovc v6  }
0x234: {  	s6 =	sadd.s32 $0x10, s6;
	v14 =	vsel vm2, v20, v14;
	v18 =	vld [tilespmem:s14+$0x2000];
	v15 =	vsel vm3, v21, v15;
	v9 =	vsel vm1, v22, v9  }
0x235: {  	v10 =	vsel vm2, v12, v10;
	v20 =	vmul.f32 $5.000000070e-02, v17;
	v11 =	vsel vm3, v12, v11;
	v6 =	vld [tilespmem:s6+$0x0]  }
0x236: {  	s3 =	sadd.s32 $0x10, s3;
	v19 =	vadd.f32 v25, v8;
	v21 =	vmul.f32 $5.000000070e-02, v23;
	v17 =	vld [tilespmem:s14+$0x2080];
	v22 =	vmul.f32 $5.000000070e-02, v24  }
0x237: {  	_ = 	snop  }
0x238: {  	v23 =	vor.u32 s20, v0;
	v20 =	vadd.f32 v20, v8;
	v7 =	vsel vm1, v12, v7  }
0x239: {  	vm1 =	vgt.f32 v19, v16;
	v12 =	vmul.f32 $5.000000070e-02, v18;
	v18 =	vadd.f32 v21, v8  }
0x23a: {  	v16 =	vsel vm1, v19, v16;
	v19 =	vld [tilespmem:s14+$0x2100];
	v13 =	vsel vm1, v23, v13;
	vm1 =	vgt.f32 v20, v14  }
0x23b: {  	v8 =	vadd.f32 v22, v8;
	v14 =	vsel vm1, v20, v14  }
0x23c: {  	v21 =	vld [tilespmem:s14+$0x2180];
	v10 =	vsel vm1, v23, v10;
	v12 =	vadd.f32 v12, v6;
	vm2 =	vgt.f32 v18, v15  }
0x23d: {  	vm3 =	vgt.f32 v8, v9;
	v17 =	vmul.f32 $5.000000070e-02, v17;
	v15 =	vsel vm2, v18, v15  }
0x23e: {  	v18 =	vor.u32 s31, v0;
	v8 =	vsel vm3, v8, v9;
	vm4 =	vgt.f32 v12, v16  }
0x23f: {  	v12 =	vsel vm4, v12, v16;
	v13 =	vsel vm4, v18, v13;
	v19 =	vmul.f32 $5.000000070e-02, v19  }
0x240: {  	v11 =	vsel vm2, v23, v11;
	v9 =	vperm.xlane v12, v1;
	v16 =	vperm.xlane v13, v1  }
0x241: {  	v7 =	vsel vm3, v23, v7;
	v17 =	vadd.f32 v17, v6;
	v20 =	vmul.f32 $5.000000070e-02, v21  }
0x242: {  	v19 =	vadd.f32 v19, v6;
	vm1 =	veq.f32 v9, v12;
	vm2 =	vlt.s32 v16, v13  }
0x243: {  	v6 =	vadd.f32 v20, v6;
	vm11 =	vgt.f32 v9, v12;
	vm1 =	vmand vm1, vm2  }
0x244: {  	vm2 =	vgt.f32 v17, v14;
	vm3 =	vgt.f32 v19, v15;
	vm1 =	vmor vm11, vm1  }
0x245: {  	v14 =	vsel vm2, v17, v14;
	v15 =	vsel vm3, v19, v15;
	v10 =	vsel vm2, v18, v10  }
0x246: {  	v11 =	vsel vm3, v18, v11;
	v9 =	vsel vm1, v9, v12;
	v17 =	vperm.xlane v14, v1  }
0x247: {  	v12 =	vsel vm1, v16, v13;
	v19 =	vperm.xlane v10, v1;
	v20 =	vperm.xlane v11, v1  }
0x248: {  	vm1 =	vgt.f32 v6, v8;
	v13 =	vperm.xlane v9, v2;
	v16 =	vperm.xlane v12, v2  }
0x249: {  	v8 =	vsel vm1, v6, v8;
	v7 =	vsel vm1, v18, v7;
	vm13 =	veq.f32 v17, v14  }
0x24a: {  	vm14 =	vlt.s32 v19, v10;
	vm2 =	veq.f32 v13, v9;
	vm12 =	vlt.s32 v16, v12  }
0x24b: {  	vm15 =	vgt.f32 v17, v14;
	vm5 =	vgt.f32 v13, v9;
	vm2 =	vmand vm2, vm12  }
0x24c: {  	vm11 =	vlt.s32 v20, v11;
	v21 =	vperm.xlane v7, v1;
	vm2 =	vmor vm5, vm2  }
0x24d: {  	vm4 =	vmand vm13, vm14;
	v6 =	vsel vm2, v13, v9;
	v9 =	vsel vm2, v16, v12  }
0x24e: {  	vm2 =	vmor vm15, vm4;
	v12 =	vperm.xlane v6, v3;
	v13 =	vperm.xlane v9, v3  }
0x24f: {  	v14 =	vsel vm2, v17, v14;
	v10 =	vsel vm2, v19, v10;
	v19 =	vperm.xlane v15, v1  }
0x250: {  	v16 =	vperm.xlane v14, v2;
	v17 =	vperm.xlane v10, v2;
	vm2 =	vgt.f32 v12, v6  }
0x251: {  	vm3 =	veq.f32 v12, v6;
	vm8 =	vlt.s32 v13, v9;
	vm1 =	veq.f32 v19, v15  }
0x252: {  	vm3 =	vmand vm3, vm8;
	vm9 =	veq.f32 v16, v14;
	vm10 =	vlt.s32 v17, v10  }
0x253: {  	vm2 =	vmor vm2, vm3;
	vm3 =	vgt.f32 v16, v14;
	vm4 =	vmand vm9, vm10  }
0x254: {  	vm1 =	vmand vm1, vm11;
	vm3 =	vmor vm3, vm4;
	v6 =	vsel vm2, v12, v6  }
0x255: {  	v12 =	vsel vm3, v16, v14;
	v10 =	vsel vm3, v17, v10;
	vm3 =	vgt.f32 v19, v15  }
0x256: {  	vm14 =	vlt.s32 v21, v7;
	v14 =	vperm.xlane v12, v3;
	vm1 =	vmor vm3, vm1  }
0x257: {  	v9 =	vsel vm2, v13, v9;
	v17 =	vperm.xlane v10, v3;
	v15 =	vsel vm1, v19, v15  }
0x258: {  	v11 =	vsel vm1, v20, v11;
	v20 =	vperm.xlane v8, v1;
	vm3 =	veq.f32 v14, v12  }
0x259: {  	vm1 =	vlt.s32 v17, v10;
	v18 =	vperm.xlane v15, v2;
	v19 =	vperm.xlane v11, v2  }
0x25a: {  	v16 =	vperm.xlane v6, v4;
	vm12 =	vgt.f32 v14, v12;
	vm1 =	vmand vm3, vm1  }
0x25b: {  	vm13 =	veq.f32 v20, v8;
	vm2 =	veq.f32 v18, v15;
	vm3 =	vlt.s32 v19, v11  }
0x25c: {  	vm15 =	vgt.f32 v20, v8;
	vm2 =	vmand vm2, vm3;
	vm3 =	vmand vm13, vm14  }
0x25d: {  	v13 =	vperm.xlane v9, v4;
	vm1 =	vmor vm12, vm1;
	vm3 =	vmor vm15, vm3  }
0x25e: {  	v8 =	vsel vm3, v20, v8;
	v7 =	vsel vm3, v21, v7;
	vm3 =	vgt.f32 v18, v15  }
0x25f: {  	vm2 =	vmor vm3, vm2;
	v21 =	vperm.xlane v8, v2;
	v22 =	vperm.xlane v7, v2  }
0x260: {  	v14 =	vsel vm1, v14, v12;
	v10 =	vsel vm1, v17, v10;
	v12 =	vsel vm2, v18, v15  }
0x261: {  	v11 =	vsel vm2, v19, v11;
	vm1 =	veq.f32 v21, v8;
	vm2 =	vlt.s32 v22, v7  }
0x262: {  	v15 =	vperm.xlane v12, v3;
	vm3 =	vgt.f32 v21, v8;
	vm1 =	vmand vm1, vm2  }
0x263: {  	v20 =	vperm.xlane v14, v4;
	v18 =	vperm.xlane v11, v3;
	vm1 =	vmor vm3, vm1  }
0x264: {  	vm2 =	veq.f32 v15, v12;
	v8 =	vsel vm1, v21, v8;
	v7 =	vsel vm1, v22, v7  }
0x265: {  	vm1 =	vlt.s32 v18, v11;
	v22 =	vperm.xlane v8, v3;
	v23 =	vperm.xlane v7, v3  }
0x266: {  	v19 =	vperm.xlane v10, v4;
	vm3 =	vgt.f32 v15, v12;
	vm1 =	vmand vm2, vm1  }
0x267: {  	s3 =	sshll.u32 s1, $0x10;
	s6 =	rddreg [dreg:$0xc];
	vm1 =	vmor vm3, vm1;
	vm2 =	veq.f32 v22, v8;
	vm3 =	vlt.s32 v23, v7  }
0x268: {  	s3 =	sadd.s32 s3, s6;
	v17 =	vsel vm1, v15, v12;
	vm2 =	vmand vm2, vm3;
	vm3 =	vgt.f32 v22, v8  }
0x269: {  	s20 =	sshrl.u32 s3, $0x3;
	s31 =	rddreg [dreg:$0x3];
	v15 =	vsel vm1, v18, v11;
	v21 =	vperm.xlane v17, v4;
	vm1 =	vmor vm3, vm2  }
0x26a: {  	s7 =	simm.s32 $0x80;
	s3 =	sadd.s32 s31, s20;
	v18 =	vperm.xlane v15, v4;
	v11 =	vsel vm1, v22, v8;
	v7 =	vsel vm1, v23, v7  }
0x26b: {  	s12 =	simm.s32 $0x2400;
	s6 =	simm.s32 $0x2000;
	s14 =	sadd.s32 $0x0, s3;
	v12 =	vperm.xlane v11, v4;
	v8 =	vperm.xlane v7, v4  }
.LBB2_62:
0x26c: {  	[tilespmem:s6], [sflag:$0x1] =	stream.linear.gather [hbm4b:s14+s2], $0x80, $0x38;
	[tilespmem:$0x12080] =	vst v63  }
0x26d: {  	s14 =	smov.u32 s7;
	s6 =	smov.u32 s12;
	p0 =	sne.s32 s7, $0x1F80  }
.Ltmp30:
0x26e: {  	s7 =	sadd.s32 $0x80, s7;
	(pc) =	sbr.rel @p0 .LBB2_62-.Ltmp30, $2  }
0x26f: {  	_ =	sdelay $0x2  }
0x270: {  	s12 =	sadd.s32 $0x400, s12;
	s14 =	sadd.s32 s14, s3  }
0x271: {  	[tilespmem:s6], [sflag:$0x1] =	stream.linear.gather [hbm4b:s14+s2], $0x80, $0x38;
	[tilespmem:$0x12080] =	vst v63  }
0x272: {  	s3 =	rddreg [dreg:$0x4]  }
0x273: {  	s6 =	simm.s32 $0x2080;
	s3 =	sadd.s32 s20, s3  }
0x274: {  	s7 =	simm.s32 $0x80;
	s12 =	simm.s32 $0x2480;
	s14 =	sadd.s32 $0x0, s3  }
.LBB2_64:
0x275: {  	[tilespmem:s6], [sflag:$0x1] =	stream.linear.gather [hbm4b:s14+s2], $0x80, $0x38;
	[tilespmem:$0x12080] =	vst v63  }
0x276: {  	s14 =	smov.u32 s7;
	s6 =	smov.u32 s12;
	p0 =	sne.s32 s7, $0x1F80  }
.Ltmp31:
0x277: {  	s7 =	sadd.s32 $0x80, s7;
	(pc) =	sbr.rel @p0 .LBB2_64-.Ltmp31, $2  }
0x278: {  	_ =	sdelay $0x2  }
0x279: {  	s12 =	sadd.s32 $0x400, s12;
	s14 =	sadd.s32 s14, s3  }
0x27a: {  	[tilespmem:s6], [sflag:$0x1] =	stream.linear.gather [hbm4b:s14+s2], $0x80, $0x38;
	[tilespmem:$0x12080] =	vst v63  }
0x27b: {  	s3 =	rddreg [dreg:$0x5]  }
0x27c: {  	s6 =	simm.s32 $0x2100;
	s3 =	sadd.s32 s20, s3  }
0x27d: {  	s7 =	simm.s32 $0x80;
	s12 =	simm.s32 $0x2500;
	s14 =	sadd.s32 $0x0, s3  }
.LBB2_66:
0x27e: {  	[tilespmem:s6], [sflag:$0x1] =	stream.linear.gather [hbm4b:s14+s2], $0x80, $0x38;
	[tilespmem:$0x12080] =	vst v63  }
0x27f: {  	s14 =	smov.u32 s7;
	s6 =	smov.u32 s12;
	p0 =	sne.s32 s7, $0x1F80  }
.Ltmp32:
0x280: {  	s7 =	sadd.s32 $0x80, s7;
	(pc) =	sbr.rel @p0 .LBB2_66-.Ltmp32, $2  }
0x281: {  	_ =	sdelay $0x2  }
0x282: {  	s12 =	sadd.s32 $0x400, s12;
	s14 =	sadd.s32 s14, s3  }
0x283: {  	[tilespmem:s6], [sflag:$0x1] =	stream.linear.gather [hbm4b:s14+s2], $0x80, $0x38;
	[tilespmem:$0x12080] =	vst v63  }
0x284: {  	s3 =	sadd.s32 s20, s10;
	s6 =	simm.s32 $0x2180  }
0x285: {  	s7 =	simm.s32 $0x80;
	s12 =	simm.s32 $0x2580;
	s14 =	sadd.s32 $0x0, s3  }
.LBB2_68:
0x286: {  	[tilespmem:s6], [sflag:$0x1] =	stream.linear.gather [hbm4b:s14+s2], $0x80, $0x38;
	[tilespmem:$0x12080] =	vst v63  }
0x287: {  	s14 =	smov.u32 s7;
	s6 =	smov.u32 s12;
	p0 =	sne.s32 s7, $0x1F80  }
.Ltmp33:
0x288: {  	s7 =	sadd.s32 $0x80, s7;
	(pc) =	sbr.rel @p0 .LBB2_68-.Ltmp33, $2  }
0x289: {  	_ =	sdelay $0x2  }
0x28a: {  	s12 =	sadd.s32 $0x400, s12;
	s14 =	sadd.s32 s14, s3  }
0x28b: {  	[tilespmem:s6], [sflag:$0x1] =	stream.linear.gather [hbm4b:s14+s2], $0x80, $0x38;
	[tilespmem:$0x12080] =	vst v63  }
0x28c: {  	_ =	swait.ge [sflag:s0], $0x2000  }
0x28d: {  	[sflag:s0] =	ssyncset.done $0x0  }
0x28e: {  	[sflag:s0] =	ssyncadd.s32 $0xFFFFE000  }
0x28f: {  	_ =	swait.ge [sflag:s0], $0x2000  }
0x290: {  	[sflag:s0] =	ssyncset.done $0x0  }
0x291: {  	[sflag:s0] =	ssyncadd.s32 $0xFFFFE000  }
0x292: {  	_ =	swait.ge [sflag:s0], $0x2000  }
0x293: {  	[sflag:s0] =	ssyncset.done $0x0  }
0x294: {  	[sflag:s0] =	ssyncadd.s32 $0xFFFFE000  }
0x295: {  	s3 =	simm.s32 $0x0;
	_ =	swait.ge [sflag:s0], $0x2000  }
0x296: {  	s16 =	sand.u32 $0x70, s3;
	s7 =	sand.u32 $0xFC00, s3;
	[sflag:s0] =	ssyncset.done $0x0  }
0x297: {  	s17 =	sand.u32 $0x7, s3;
	s6 =	sor.u32 s16, s7;
	[sflag:s0] =	ssyncadd.s32 $0xFFFFE000  }
0x298: {  	s7 =	sshll.u32 s17, $0x4;
	v22 =	vld [tilespmem:s6+$0x2200]  }
0x299: {  	s7 =	sadd.s32 $0x0, s7;
	v23 =	vld [tilespmem:s3+$0x0]  }
0x29a: {  	s12 =	sor.u32 $0x380, s7;
	v24 =	vld [tilespmem:s6+$0x2280]  }
0x29b: {  	v26 =	vld [tilespmem:s12+$0x2000]  }
0x29c: {  	s31 =	simm.s32 $0x10;
	s14 =	simm.s32 $0x80;
	v25 =	vld [tilespmem:s6+$0x2300]  }
0x29d: {  	s16 =	sand.u32 $0x70, s31;
	s17 =	simm.s32 $0x1;
	s7 =	sand.u32 $0xFC00, s14  }
0x29e: {  	s6 =	sor.u32 s16, s7;
	s7 =	sand.u32 $0x7, s17;
	v22 =	vmul.f32 $5.000000070e-02, v22  }
0x29f: {  	v27 =	vld [tilespmem:s6+$0x2200];
	s12 =	sshll.u32 s7, $0x4;
	v28 =	vmul.f32 $5.000000070e-02, v24  }
0x2a0: {  	v31 =	vld [tilespmem:s6+$0x2280];
	v32 =	vmul.f32 $5.000000070e-02, v26;
	v30 =	vadd.f32 v22, v23;
	v22 =	vor.u32 s3, v0;
	s3 =	sadd.s32 $0x80, s12  }
0x2a1: {  	v29 =	vimm.f32 $-3.000000010e+38;
	v36 =	vimm.s32 $0x0;
	v25 =	vmul.f32 $5.000000070e-02, v25;
	v26 =	vld [tilespmem:s31+$0x0];
	s3 =	sor.u32 $0x380, s3  }
0x2a2: {  	v28 =	vadd.f32 v28, v23;
	v32 =	vadd.f32 v32, v23;
	vm1 =	vgt.f32 v30, v29;
	v33 =	vld [tilespmem:s3+$0x2000]  }
0x2a3: {  	s16 =	simm.s32 $0x20;
	v24 =	vimm.s32 $0x0;
	v34 =	vadd.f32 v25, v23;
	s12 =	simm.s32 $0x100;
	v23 =	vsel vm1, v30, v29;
	v30 =	vld [tilespmem:s6+$0x2300]  }
0x2a4: {  	s14 =	sand.u32 $0x70, s16;
	v35 =	vmul.f32 $5.000000070e-02, v27;
	s17 =	sand.u32 $0xFC00, s12;
	vm2 =	vgt.f32 v28, v29;
	vm3 =	vgt.f32 v32, v29  }
0x2a5: {  	v25 =	vsel vm1, v22, v24;
	vm1 =	vgt.f32 v34, v29;
	s6 =	sor.u32 s14, s17;
	s17 =	simm.s32 $0x2;
	v27 =	vsel vm2, v28, v29  }
0x2a6: {  	s3 =	simm.s32 $0x30;
	s14 =	simm.s32 $0x20;
	v28 =	vsel vm1, v34, v29;
	s7 =	sand.u32 $0x7, s17;
	v34 =	vld [tilespmem:s6+$0x2200];
	v29 =	vsel vm3, v32, v29;
	v32 =	vimm.s32 $0x0  }
.LBB2_70:
0x2a7: {  	p0 =	sne.s32 s3, $0x1FF0;
	s7 =	sshll.u32 s7, $0x4;
	v37 =	vld [tilespmem:s16+$0x0];
	v38 =	vmul.f32 $5.000000070e-02, v31;
	v24 =	vsel vm2, v22, v24;
	v36 =	vsel vm3, v22, v36  }
0x2a8: {  	v39 =	vadd.f32 v35, v26;
	v35 =	vmul.f32 $5.000000070e-02, v30;
	s7 =	sadd.s32 s7, s12;
	v31 =	vld [tilespmem:s6+$0x2280];
	v40 =	vmul.f32 $5.000000070e-02, v33  }
.Ltmp34:
0x2a9: {  	v32 =	vsel vm1, v22, v32;
	v22 =	vor.u32 s31, v0;
	s31 =	smov.u32 s14;
	v30 =	vld [tilespmem:s6+$0x2300];
	s6 =	sor.u32 $0x380, s7;
	v38 =	vadd.f32 v38, v26;
	(pc) =	sbr.rel @p0 .LBB2_70-.Ltmp34, $4  }
0x2aa: {  	s14 =	smov.u32 s3;
	s12 =	sadd.s32 $0x80, s12;
	vm1 =	vgt.f32 v39, v23;
	v41 =	vadd.f32 v35, v26;
	v33 =	vld [tilespmem:s6+$0x2000];
	v40 =	vadd.f32 v40, v26  }
0x2ab: {  	s7 =	sand.u32 $0xFC00, s12;
	s6 =	sand.u32 $0x70, s3;
	v23 =	vsel vm1, v39, v23;
	v25 =	vsel vm1, v22, v25;
	v35 =	vmul.f32 $5.000000070e-02, v34  }
0x2ac: {  	s17 =	sadd.s32 $0x1, s17;
	s6 =	sor.u32 s6, s7;
	vm2 =	vgt.f32 v38, v27;
	vm1 =	vgt.f32 v41, v28;
	vm3 =	vgt.f32 v40, v29;
	v26 =	vmovc v37  }
0x2ad: {  	s16 =	sadd.s32 $0x10, s16;
	s3 =	sadd.s32 $0x10, s3;
	s7 =	sand.u32 $0x7, s17;
	v27 =	vsel vm2, v38, v27;
	v28 =	vsel vm1, v41, v28;
	v34 =	vld [tilespmem:s6+$0x2200];
	v29 =	vsel vm3, v40, v29  }
0x2ae: {  	v31 =	vmul.f32 $5.000000070e-02, v31;
	v24 =	vsel vm2, v22, v24  }
0x2af: {  	v36 =	vsel vm3, v22, v36;
	v35 =	vadd.f32 v35, v26;
	v30 =	vmul.f32 $5.000000070e-02, v30  }
0x2b0: {  	v40 =	vor.u32 s31, v0;
	v51 =	vsel vm1, v22, v32;
	v59 =	vor.u32 s14, v0  }
0x2b1: {  	v37 =	vld [tilespmem:s16+$0x0];
	vm4 =	veq.f32 v16, v6;
	vm5 =	vlt.s32 v13, v9;
	vm14 =	vgt.f32 v16, v6  }
0x2b2: {  	v38 =	vld [tilespmem:s6+$0x2280];
	vm8 =	veq.f32 v20, v14;
	vm9 =	vlt.s32 v19, v10;
	vm10 =	vlt.s32 v18, v15  }
0x2b3: {  	s3 =	sshll.u32 s7, $0x4;
	v39 =	vld [tilespmem:s6+$0x2300];
	vm13 =	vgt.f32 v12, v11;
	v33 =	vmul.f32 $5.000000070e-02, v33;
	vm4 =	vmand vm4, vm5  }
0x2b4: {  	s3 =	sadd.s32 s3, s12;
	v31 =	vadd.f32 v31, v26;
	vm1 =	vgt.f32 v35, v23;
	v30 =	vadd.f32 v30, v26  }
0x2b5: {  	s3 =	sor.u32 $0x380, s3;
	v53 =	vadd.f32 v33, v26;
	v23 =	vsel vm1, v35, v23;
	v25 =	vsel vm1, v40, v25  }
0x2b6: {  	v52 =	vld [tilespmem:s3+$0x2000];
	v54 =	vmul.f32 $5.000000070e-02, v34;
	vm1 =	vgt.f32 v31, v27;
	vm2 =	vgt.f32 v30, v28  }
0x2b7: {  	vm3 =	vgt.f32 v53, v29;
	v27 =	vsel vm1, v31, v27;
	v28 =	vsel vm2, v30, v28  }
0x2b8: {  	v55 =	vmul.f32 $5.000000070e-02, v38;
	v57 =	vmul.f32 $5.000000070e-02, v39;
	v56 =	vadd.f32 v54, v37  }
0x2b9: {  	v24 =	vsel vm1, v40, v24;
	v22 =	vsel vm2, v40, v51;
	v26 =	vsel vm3, v53, v29  }
0x2ba: {  	v29 =	vadd.f32 v55, v37;
	v31 =	vadd.f32 v57, v37;
	vm1 =	vgt.f32 v56, v23  }
0x2bb: {  	v58 =	vsel vm3, v40, v36;
	v32 =	vmul.f32 $5.000000070e-02, v52;
	v23 =	vsel vm1, v56, v23  }
0x2bc: {  	v25 =	vsel vm1, v59, v25;
	vm1 =	vgt.f32 v29, v27;
	vm2 =	vgt.f32 v31, v28  }
0x2bd: {  	v32 =	vadd.f32 v32, v37;
	v27 =	vsel vm1, v29, v27;
	v28 =	vsel vm2, v31, v28  }
0x2be: {  	v6 =	vperm.xlane v23, v1;
	v24 =	vsel vm1, v59, v24;
	vm1 =	vmor vm14, vm4  }
0x2bf: {  	v60 =	vperm.xlane v25, v1;
	v30 =	vsel vm2, v59, v22;
	v62 =	vsel vm1, v13, v9  }
0x2c0: {  	v36 =	vperm.xlane v27, v1;
	vm3 =	vgt.f32 v32, v26;
	vm1 =	veq.f32 v6, v23  }
0x2c1: {  	v26 =	vsel vm3, v32, v26;
	v61 =	vsel vm3, v59, v58;
	vm3 =	vlt.s32 v60, v25  }
0x2c2: {  	v37 =	vperm.xlane v24, v1;
	vm15 =	vgt.f32 v6, v23;
	vm1 =	vmand vm1, vm3  }
0x2c3: {  	v44 =	vperm.xlane v28, v1;
	v9 =	vnsel vm0, $0x0, v62;
	vm1 =	vmor vm15, vm1  }
0x2c4: {  	vm3 =	vgt.f32 v20, v14;
	v6 =	vsel vm1, v6, v23;
	v63 =	vsel vm1, v60, v25  }
0x2c5: {  	vm1 =	vmand vm8, vm9;
	v25 =	vperm.xlane v6, v2;
	v16 =	vperm.xlane v63, v2  }
0x2c6: {  	v45 =	vperm.xlane v30, v1;
	v5 =	vadd.s32 v5, v9;
	vm1 =	vmor vm3, vm1  }
0x2c7: {  	v31 =	vsel vm1, v19, v10;
	vm1 =	veq.f32 v25, v6;
	vm2 =	vlt.s32 v16, v63  }
0x2c8: {  	vm12 =	vlt.s32 v37, v24;
	vm3 =	vgt.f32 v25, v6;
	vm1 =	vmand vm1, vm2  }
0x2c9: {  	vm2 =	veq.f32 v21, v17;
	vm1 =	vmor vm3, vm1;
	vm3 =	vgt.f32 v21, v17  }
0x2ca: {  	vm2 =	vmand vm2, vm10;
	v6 =	vsel vm1, v25, v6;
	v32 =	vsel vm1, v16, v63  }
0x2cb: {  	vm2 =	vmor vm3, vm2;
	v33 =	vperm.xlane v6, v3;
	v35 =	vperm.xlane v32, v3  }
0x2cc: {  	vm14 =	vgt.f32 v36, v27;
	vm1 =	veq.f32 v12, v11;
	v34 =	vsel vm2, v18, v15  }
0x2cd: {  	vm2 =	vlt.s32 v8, v7;
	vm3 =	veq.f32 v33, v6;
	vm11 =	vlt.s32 v35, v32  }
0x2ce: {  	vm1 =	vmand vm1, vm2;
	vm2 =	vgt.f32 v33, v6;
	vm3 =	vmand vm3, vm11  }
0x2cf: {  	v52 =	vperm.xlane v26, v1;
	vm2 =	vmor vm2, vm3;
	vm3 =	veq.f32 v36, v27  }
0x2d0: {  	v53 =	vperm.xlane v61, v1;
	vm3 =	vmand vm3, vm12;
	v6 =	vsel vm2, v33, v6  }
0x2d1: {  	v10 =	vsel vm2, v35, v32;
	vm3 =	vmor vm14, vm3;
	v38 =	vperm.xlane v6, v4  }
0x2d2: {  	v43 =	vperm.xlane v10, v4;
	v39 =	vsel vm3, v36, v27;
	v40 =	vsel vm3, v37, v24  }
0x2d3: {  	vm1 =	vmor vm13, vm1;
	v41 =	vperm.xlane v39, v2;
	v42 =	vperm.xlane v40, v2  }
0x2d4: {  	v7 =	vsel vm1, v8, v7;
	vm1 =	veq.f32 v38, v6;
	vm15 =	vlt.s32 v43, v10  }
0x2d5: {  	vm1 =	vmand vm1, vm15;
	vm2 =	veq.f32 v41, v39;
	vm3 =	vlt.s32 v42, v40  }
0x2d6: {  	vm8 =	vgt.f32 v41, v39;
	vm2 =	vmand vm2, vm3;
	vm3 =	vgt.f32 v38, v6  }
0x2d7: {  	v9 =	vnsel vm0, $0x0, v31;
	vm2 =	vmor vm8, vm2;
	vm1 =	vmor vm3, vm1  }
0x2d8: {  	vm3 =	vlt.s32 v45, v30;
	v6 =	vsel vm2, v41, v39;
	v13 =	vsel vm2, v42, v40  }
0x2d9: {  	vm2 =	veq.f32 v44, v28;
	v8 =	vsel vm1, v43, v10;
	vm1 =	vgt.f32 v44, v28  }
0x2da: {  	v14 =	vperm.xlane v6, v3;
	v15 =	vperm.xlane v13, v3;
	vm2 =	vmand vm2, vm3  }
0x2db: {  	v5 =	vadd.s32 v9, v5;
	v9 =	vnsel vm0, $0x0, v34;
	vm1 =	vmor vm1, vm2  }
0x2dc: {  	vm3 =	veq.f32 v14, v6;
	vm9 =	vlt.s32 v15, v13;
	vm2 =	vgt.f32 v14, v6  }
0x2dd: {  	v46 =	vsel vm1, v44, v28;
	v47 =	vsel vm1, v45, v30;
	vm3 =	vmand vm3, vm9  }
0x2de: {  	v48 =	vperm.xlane v46, v2;
	v49 =	vperm.xlane v47, v2;
	vm2 =	vmor vm2, vm3  }
0x2df: {  	vm11 =	vlt.s32 v53, v61;
	vm12 =	vgt.f32 v52, v26;
	v6 =	vsel vm2, v14, v6  }
0x2e0: {  	v13 =	vsel vm2, v15, v13;
	vm1 =	veq.f32 v48, v46;
	vm2 =	vlt.s32 v49, v47  }
0x2e1: {  	vm10 =	vgt.f32 v48, v46;
	v50 =	vperm.xlane v6, v4;
	vm1 =	vmand vm1, vm2  }
0x2e2: {  	v51 =	vperm.xlane v13, v4;
	vm2 =	veq.f32 v52, v26;
	vm1 =	vmor vm10, vm1  }
0x2e3: {  	vm2 =	vmand vm2, vm11;
	vm3 =	veq.f32 v50, v6;
	v10 =	vsel vm1, v48, v46  }
0x2e4: {  	v11 =	vsel vm1, v49, v47;
	vm1 =	vmor vm12, vm2;
	v12 =	vperm.xlane v10, v3  }
0x2e5: {  	v14 =	vperm.xlane v11, v3;
	v17 =	vsel vm1, v52, v26;
	v18 =	vsel vm1, v53, v61  }
0x2e6: {  	vm1 =	vlt.s32 v51, v13;
	v54 =	vperm.xlane v17, v2;
	v55 =	vperm.xlane v18, v2  }
0x2e7: {  	vm1 =	vmand vm3, vm1;
	vm2 =	veq.f32 v12, v10;
	vm3 =	vlt.s32 v14, v11  }
0x2e8: {  	vm2 =	vmand vm2, vm3;
	vm3 =	veq.f32 v54, v17;
	vm13 =	vlt.s32 v55, v18  }
0x2e9: {  	v5 =	vadd.s32 v9, v5;
	vm15 =	vgt.f32 v54, v17;
	vm3 =	vmand vm3, vm13  }
0x2ea: {  	v7 =	vnsel vm0, $0x0, v7;
	vm14 =	vgt.f32 v12, v10;
	vm3 =	vmor vm15, vm3  }
0x2eb: {  	vm2 =	vmor vm14, vm2;
	v56 =	vsel vm3, v54, v17;
	v57 =	vsel vm3, v55, v18  }
0x2ec: {  	vm3 =	vgt.f32 v50, v6;
	v6 =	vperm.xlane v56, v3;
	v58 =	vperm.xlane v57, v3  }
0x2ed: {  	v5 =	vadd.s32 v7, v5;
	v7 =	vsel vm2, v12, v10;
	v59 =	vsel vm2, v14, v11  }
0x2ee: {  	vm1 =	vmor vm3, vm1;
	vm2 =	veq.f32 v6, v56;
	vm3 =	vlt.s32 v58, v57  }
0x2ef: {  	v60 =	vperm.xlane v7, v4;
	vm2 =	vmand vm2, vm3;
	vm3 =	vgt.f32 v6, v56  }
0x2f0: {  	v8 =	vnsel vm0, $0x0, v8;
	v61 =	vperm.xlane v59, v4;
	vm2 =	vmor vm3, vm2  }
0x2f1: {  	vm3 =	veq.f32 v60, v7;
	v6 =	vsel vm2, v6, v56;
	v62 =	vsel vm2, v58, v57  }
0x2f2: {  	vm2 =	vlt.s32 v61, v59;
	v63 =	vperm.xlane v6, v4;
	v15 =	vperm.xlane v62, v4  }
0x2f3: {  	v13 =	vsel vm1, v51, v13;
	vm1 =	vgt.f32 v60, v7;
	vm2 =	vmand vm3, vm2  }
0x2f4: {  	p0 =	seq.s32 s1, $0xB;
	vm1 =	vmor vm1, vm2;
	vm2 =	veq.f32 v63, v6;
	vm3 =	vlt.s32 v15, v62  }
.Ltmp35:
0x2f5: {  	v5 =	vadd.s32 v8, v5;
	vm2 =	vmand vm2, vm3;
	vm3 =	vgt.f32 v63, v6;
	(pc) =	sbr.rel @p0 .LBB2_81-.Ltmp35, $4  }
0x2f6: {  	v7 =	vsel vm1, v61, v59;
	v6 =	vnsel vm0, $0x0, v13;
	vm1 =	vmor vm3, vm2  }
0x2f7: {  	v5 =	vadd.s32 v6, v5;
	v6 =	vnsel vm0, $0x0, v7;
	v7 =	vsel vm1, v15, v62  }
0x2f8: {  	v5 =	vadd.s32 v6, v5;
	v6 =	vnsel vm0, $0x0, v7  }
0x2f9: {  	v5 =	vadd.s32 v6, v5  }
0x2fa: {  	s3 =	rddreg [dreg:$0x6]  }
0x2fb: {  	s6 =	simm.s32 $0x2200;
	s3 =	sadd.s32 s20, s3  }
0x2fc: {  	s7 =	simm.s32 $0x80;
	s12 =	simm.s32 $0x2600;
	s14 =	sadd.s32 $0x0, s3  }
.LBB2_73:
0x2fd: {  	[tilespmem:s6], [sflag:$0x2] =	stream.linear.gather [hbm4b:s14+s2], $0x80, $0x38;
	[tilespmem:$0x12080] =	vst v63  }
0x2fe: {  	s14 =	smov.u32 s7;
	s6 =	smov.u32 s12;
	p0 =	sne.s32 s7, $0x1F80  }
.Ltmp36:
0x2ff: {  	s7 =	sadd.s32 $0x80, s7;
	(pc) =	sbr.rel @p0 .LBB2_73-.Ltmp36, $2  }
0x300: {  	_ =	sdelay $0x2  }
0x301: {  	s12 =	sadd.s32 $0x400, s12;
	s14 =	sadd.s32 s14, s3  }
0x302: {  	[tilespmem:s6], [sflag:$0x2] =	stream.linear.gather [hbm4b:s14+s2], $0x80, $0x38;
	[tilespmem:$0x12080] =	vst v63  }
0x303: {  	s3 =	rddreg [dreg:$0x7]  }
0x304: {  	s6 =	simm.s32 $0x2280;
	s3 =	sadd.s32 s20, s3  }
0x305: {  	s7 =	simm.s32 $0x80;
	s12 =	simm.s32 $0x2680;
	s14 =	sadd.s32 $0x0, s3  }
.LBB2_75:
0x306: {  	[tilespmem:s6], [sflag:$0x2] =	stream.linear.gather [hbm4b:s14+s2], $0x80, $0x38;
	[tilespmem:$0x12080] =	vst v63  }
0x307: {  	s14 =	smov.u32 s7;
	s6 =	smov.u32 s12;
	p0 =	sne.s32 s7, $0x1F80  }
.Ltmp37:
0x308: {  	s7 =	sadd.s32 $0x80, s7;
	(pc) =	sbr.rel @p0 .LBB2_75-.Ltmp37, $2  }
0x309: {  	_ =	sdelay $0x2  }
0x30a: {  	s12 =	sadd.s32 $0x400, s12;
	s14 =	sadd.s32 s14, s3  }
0x30b: {  	[tilespmem:s6], [sflag:$0x2] =	stream.linear.gather [hbm4b:s14+s2], $0x80, $0x38;
	[tilespmem:$0x12080] =	vst v63  }
0x30c: {  	s3 =	rddreg [dreg:$0x8]  }
0x30d: {  	s6 =	simm.s32 $0x2300;
	s3 =	sadd.s32 s20, s3  }
0x30e: {  	s7 =	simm.s32 $0x80;
	s12 =	simm.s32 $0x2700;
	s14 =	sadd.s32 $0x0, s3  }
.LBB2_77:
0x30f: {  	[tilespmem:s6], [sflag:$0x2] =	stream.linear.gather [hbm4b:s14+s2], $0x80, $0x38;
	[tilespmem:$0x12080] =	vst v63  }
0x310: {  	s14 =	smov.u32 s7;
	s6 =	smov.u32 s12;
	p0 =	sne.s32 s7, $0x1F80  }
.Ltmp38:
0x311: {  	s7 =	sadd.s32 $0x80, s7;
	(pc) =	sbr.rel @p0 .LBB2_77-.Ltmp38, $2  }
0x312: {  	_ =	sdelay $0x2  }
0x313: {  	s12 =	sadd.s32 $0x400, s12;
	s14 =	sadd.s32 s14, s3  }
0x314: {  	[tilespmem:s6], [sflag:$0x2] =	stream.linear.gather [hbm4b:s14+s2], $0x80, $0x38;
	[tilespmem:$0x12080] =	vst v63  }
0x315: {  	s3 =	rddreg [dreg:$0x9]  }
0x316: {  	s6 =	simm.s32 $0x2380;
	s3 =	sadd.s32 s20, s3  }
0x317: {  	s7 =	simm.s32 $0x80;
	s12 =	simm.s32 $0x2780;
	s14 =	sadd.s32 $0x0, s3  }
.LBB2_79:
0x318: {  	[tilespmem:s6], [sflag:$0x2] =	stream.linear.gather [hbm4b:s14+s2], $0x80, $0x38;
	[tilespmem:$0x12080] =	vst v63  }
0x319: {  	s14 =	smov.u32 s7;
	s6 =	smov.u32 s12;
	p0 =	sne.s32 s7, $0x1F80  }
.Ltmp39:
0x31a: {  	s7 =	sadd.s32 $0x80, s7;
	(pc) =	sbr.rel @p0 .LBB2_79-.Ltmp39, $2  }
0x31b: {  	_ =	sdelay $0x2  }
0x31c: {  	s12 =	sadd.s32 $0x400, s12;
	s14 =	sadd.s32 s14, s3  }
.Ltmp40:
0x31d: {  	(pc) =	sbr.rel .LBB2_59-.Ltmp40, $3  }
0x31e: {  	_ =	sdelay $0x1  }
0x31f: {  	[tilespmem:s6], [sflag:$0x2] =	stream.linear.gather [hbm4b:s14+s2], $0x80, $0x38;
	[tilespmem:$0x12080] =	vst v63  }
0x320: {  	s1 =	sadd.s32 $0x1, s1  }
.LBB2_81:
0x321: {  	_ =	swait.ge [sflag:s21], $0x2000  }
0x322: {  	[sflag:s21] =	ssyncset.done $0x0  }
0x323: {  	[sflag:s21] =	ssyncadd.s32 $0xFFFFE000  }
0x324: {  	_ =	swait.ge [sflag:s21], $0x2000  }
0x325: {  	[sflag:s21] =	ssyncset.done $0x0  }
0x326: {  	[sflag:s21] =	ssyncadd.s32 $0xFFFFE000  }
0x327: {  	_ =	swait.ge [sflag:s21], $0x2000  }
0x328: {  	[sflag:s21] =	ssyncset.done $0x0  }
0x329: {  	[sflag:s21] =	ssyncadd.s32 $0xFFFFE000  }
0x32a: {  	s3 =	simm.s32 $0x0;
	_ =	swait.ge [sflag:s21], $0x2000  }
0x32b: {  	s1 =	sand.u32 $0x70, s3;
	s4 =	sand.u32 $0xFC00, s3;
	[sflag:s21] =	ssyncset.done $0x0  }
0x32c: {  	s4 =	sor.u32 s1, s4;
	[sflag:s21] =	ssyncadd.s32 $0xFFFFE000  }
0x32d: {  	v6 =	vld [tilespmem:s4+$0x2000]  }
0x32e: {  	v7 =	vld [tilespmem:s4+$0x2080]  }
0x32f: {  	s17 =	simm.s32 $0x80;
	s1 =	simm.s32 $0x10;
	v10 =	vld [tilespmem:s4+$0x2100]  }
0x330: {  	s6 =	sand.u32 $0x70, s1;
	v11 =	vld [tilespmem:s4+$0x2180];
	s4 =	sand.u32 $0xFC00, s17  }
0x331: {  	v8 =	vld [tilespmem:s3+$0x0];
	s6 =	sor.u32 s6, s4  }
0x332: {  	v12 =	vld [tilespmem:s6+$0x2000]  }
0x333: {  	v21 =	vld [tilespmem:s6+$0x2100]  }
0x334: {  	v22 =	vld [tilespmem:s6+$0x2180]  }
0x335: {  	v17 =	vimm.f32 $-3.000000010e+38;
	v6 =	vmul.f32 $5.000000070e-02, v6;
	v13 =	vmul.f32 $5.000000070e-02, v7  }
0x336: {  	v14 =	vmul.f32 $5.000000070e-02, v10;
	v11 =	vmul.f32 $5.000000070e-02, v11;
	v7 =	vimm.s32 $0x0  }
0x337: {  	v19 =	vld [tilespmem:s6+$0x2080];
	v10 =	vor.u32 s3, v0;
	v6 =	vadd.f32 v6, v8;
	v13 =	vadd.f32 v13, v8  }
0x338: {  	s12 =	simm.s32 $0x100;
	v9 =	vld [tilespmem:s1+$0x0];
	s4 =	simm.s32 $0x20;
	v20 =	vadd.f32 v14, v8;
	v8 =	vadd.f32 v11, v8;
	v23 =	vmul.f32 $5.000000070e-02, v12  }
0x339: {  	s31 =	sand.u32 $0xFC00, s12;
	s20 =	sand.u32 $0x70, s4;
	v21 =	vmul.f32 $5.000000070e-02, v21;
	v22 =	vmul.f32 $5.000000070e-02, v22;
	vm1 =	vgt.f32 v6, v17  }
0x33a: {  	s14 =	sor.u32 s20, s31;
	vm2 =	vgt.f32 v13, v17;
	vm3 =	vgt.f32 v20, v17;
	v15 =	vsel vm1, v6, v17  }
0x33b: {  	v18 =	vld [tilespmem:s14+$0x2000];
	v14 =	vsel vm1, v10, v7;
	vm1 =	vgt.f32 v8, v17;
	v16 =	vsel vm2, v13, v17  }
0x33c: {  	v13 =	vsel vm3, v20, v17;
	v6 =	vld [tilespmem:s4+$0x0];
	v20 =	vmul.f32 $5.000000070e-02, v19;
	v11 =	vsel vm2, v10, v7  }
0x33d: {  	s6 =	simm.s32 $0x20;
	s3 =	simm.s32 $0x30;
	v12 =	vsel vm3, v10, v7;
	v19 =	vadd.f32 v23, v9;
	v8 =	vsel vm1, v8, v17;
	v17 =	vld [tilespmem:s14+$0x2080]  }
.LBB2_82:
0x33e: {  	p0 =	sne.s32 s3, $0x1FF0;
	v23 =	vld [tilespmem:s14+$0x2100];
	v20 =	vadd.f32 v20, v9;
	v7 =	vsel vm1, v10, v7;
	v10 =	vor.u32 s1, v0;
	s1 =	smov.u32 s4;
	s4 =	smov.u32 s3  }
0x33f: {  	s12 =	sadd.s32 $0x80, s12;
	v24 =	vld [tilespmem:s14+$0x2180];
	vm1 =	vgt.f32 v19, v15;
	v21 =	vadd.f32 v21, v9;
	v22 =	vadd.f32 v22, v9  }
.Ltmp41:
0x340: {  	s7 =	sand.u32 $0x70, s3;
	s14 =	sand.u32 $0xFC00, s12;
	v25 =	vmul.f32 $5.000000070e-02, v18;
	v15 =	vsel vm1, v19, v15;
	v14 =	vsel vm1, v10, v14;
	(pc) =	sbr.rel @p0 .LBB2_82-.Ltmp41, $4  }
0x341: {  	s14 =	sor.u32 s7, s14;
	vm2 =	vgt.f32 v20, v16;
	vm3 =	vgt.f32 v21, v13;
	vm1 =	vgt.f32 v22, v8;
	v9 =	vmovc v6  }
0x342: {  	s6 =	sadd.s32 $0x10, s6;
	v16 =	vsel vm2, v20, v16;
	v18 =	vld [tilespmem:s14+$0x2000];
	v13 =	vsel vm3, v21, v13;
	v8 =	vsel vm1, v22, v8  }
0x343: {  	v11 =	vsel vm2, v10, v11;
	v20 =	vmul.f32 $5.000000070e-02, v17;
	v12 =	vsel vm3, v10, v12;
	v6 =	vld [tilespmem:s6+$0x0]  }
0x344: {  	s3 =	sadd.s32 $0x10, s3;
	v19 =	vadd.f32 v25, v9;
	v21 =	vmul.f32 $5.000000070e-02, v23;
	v17 =	vld [tilespmem:s14+$0x2080];
	v22 =	vmul.f32 $5.000000070e-02, v24  }
0x345: {  	v23 =	vor.u32 s1, v0;
	v20 =	vadd.f32 v20, v9;
	v7 =	vsel vm1, v10, v7  }
0x346: {  	v34 =	vld [tilespmem:s14+$0x2100];
	v35 =	vor.u32 s4, v0;
	vm14 =	vgt.f32 v19, v15;
	v32 =	vadd.f32 v21, v9  }
0x347: {  	v36 =	vld [tilespmem:s14+$0x2180];
	v33 =	vadd.f32 v22, v9;
	v18 =	vmul.f32 $5.000000070e-02, v18;
	v15 =	vsel vm14, v19, v15  }
0x348: {  	v14 =	vsel vm14, v23, v14;
	vm15 =	vgt.f32 v20, v16;
	vm2 =	vgt.f32 v32, v13  }
0x349: {  	v16 =	vsel vm15, v20, v16;
	vm4 =	vgt.f32 v33, v8;
	v11 =	vsel vm15, v23, v11  }
0x34a: {  	v18 =	vadd.f32 v18, v6;
	v10 =	vsel vm2, v32, v13;
	v8 =	vsel vm4, v33, v8  }
0x34b: {  	v39 =	vmul.f32 $5.000000070e-02, v17;
	v12 =	vsel vm2, v23, v12;
	v40 =	vmul.f32 $5.000000070e-02, v34  }
0x34c: {  	v7 =	vsel vm4, v23, v7;
	v41 =	vmul.f32 $5.000000070e-02, v36;
	vm3 =	vgt.f32 v18, v15  }
0x34d: {  	v9 =	vadd.f32 v39, v6;
	v15 =	vsel vm3, v18, v15;
	v17 =	vadd.f32 v40, v6  }
0x34e: {  	v14 =	vsel vm3, v35, v14;
	v6 =	vadd.f32 v41, v6;
	v37 =	vperm.xlane v15, v1  }
0x34f: {  	v38 =	vperm.xlane v14, v1;
	vm9 =	vgt.f32 v9, v16;
	vm2 =	vgt.f32 v17, v10  }
0x350: {  	vm3 =	vgt.f32 v6, v8;
	v9 =	vsel vm9, v9, v16;
	v11 =	vsel vm9, v35, v11  }
0x351: {  	vm6 =	veq.f32 v37, v15;
	vm7 =	vlt.s32 v38, v14;
	vm8 =	vgt.f32 v37, v15  }
0x352: {  	v10 =	vsel vm2, v17, v10;
	v42 =	vperm.xlane v9, v1;
	v43 =	vperm.xlane v11, v1  }
0x353: {  	v6 =	vsel vm3, v6, v8;
	v12 =	vsel vm2, v35, v12;
	vm1 =	vmand vm6, vm7  }
0x354: {  	v47 =	vperm.xlane v10, v1;
	v48 =	vperm.xlane v12, v1;
	vm1 =	vmor vm8, vm1  }
0x355: {  	vm12 =	veq.f32 v42, v9;
	v13 =	vsel vm1, v37, v15;
	v14 =	vsel vm1, v38, v14  }
0x356: {  	vm13 =	vlt.s32 v43, v11;
	v15 =	vperm.xlane v13, v2;
	v18 =	vperm.xlane v14, v2  }
0x357: {  	v53 =	vperm.xlane v6, v1;
	vm15 =	vgt.f32 v42, v9;
	vm1 =	vmand vm12, vm13  }
0x358: {  	vm1 =	vmor vm15, vm1;
	vm10 =	veq.f32 v15, v13;
	vm5 =	vlt.s32 v18, v14  }
0x359: {  	v11 =	vsel vm1, v43, v11;
	vm6 =	vgt.f32 v15, v13;
	vm4 =	vmand vm10, vm5  }
0x35a: {  	v9 =	vsel vm1, v42, v9;
	v16 =	vperm.xlane v11, v2;
	vm11 =	vmor vm6, vm4  }
0x35b: {  	v13 =	vsel vm11, v15, v13;
	v44 =	vsel vm11, v18, v14;
	v15 =	vperm.xlane v9, v2  }
0x35c: {  	v7 =	vsel vm3, v35, v7;
	v45 =	vperm.xlane v13, v3;
	v46 =	vperm.xlane v44, v3  }
0x35d: {  	v54 =	vperm.xlane v7, v1;
	vm15 =	veq.f32 v47, v10;
	vm13 =	vlt.s32 v16, v11  }
0x35e: {  	vm12 =	veq.f32 v15, v9;
	vm9 =	veq.f32 v45, v13;
	vm10 =	vlt.s32 v46, v44  }
0x35f: {  	vm14 =	vgt.f32 v45, v13;
	vm2 =	vmand vm12, vm13;
	vm4 =	vmand vm9, vm10  }
0x360: {  	vm9 =	vlt.s32 v48, v12;
	vm11 =	vmor vm14, vm4;
	vm14 =	vgt.f32 v15, v9  }
0x361: {  	v13 =	vsel vm11, v45, v13;
	v8 =	vsel vm11, v46, v44;
	vm2 =	vmor vm14, vm2  }
0x362: {  	vm11 =	vgt.f32 v47, v10;
	v14 =	vperm.xlane v13, v4;
	v17 =	vperm.xlane v8, v4  }
0x363: {  	v9 =	vsel vm2, v15, v9;
	v11 =	vsel vm2, v16, v11;
	vm2 =	vmand vm15, vm9  }
0x364: {  	v49 =	vperm.xlane v9, v3;
	v50 =	vperm.xlane v11, v3;
	vm2 =	vmor vm11, vm2  }
0x365: {  	vm11 =	vlt.s32 v54, v7;
	vm1 =	vgt.f32 v14, v13;
	vm3 =	veq.f32 v14, v13  }
0x366: {  	vm10 =	vlt.s32 v17, v8;
	v10 =	vsel vm2, v47, v10;
	v12 =	vsel vm2, v48, v12  }
0x367: {  	vm12 =	veq.f32 v49, v9;
	vm13 =	vlt.s32 v50, v11;
	vm14 =	vgt.f32 v49, v9  }
0x368: {  	v15 =	vperm.xlane v10, v2;
	vm2 =	vmand vm3, vm10;
	v51 =	vperm.xlane v12, v2  }
0x369: {  	vm10 =	veq.f32 v53, v6;
	vm4 =	vmand vm12, vm13;
	vm13 =	vgt.f32 v53, v6  }
0x36a: {  	vm1 =	vmor vm1, vm2;
	vm4 =	vmor vm14, vm4;
	vm15 =	veq.f32 v15, v10  }
0x36b: {  	vm8 =	vlt.s32 v51, v12;
	vm9 =	vgt.f32 v15, v10;
	v8 =	vsel vm1, v17, v8  }
0x36c: {  	v9 =	vsel vm4, v49, v9;
	v11 =	vsel vm4, v50, v11;
	vm3 =	vmand vm15, vm8  }
0x36d: {  	vm4 =	vmand vm10, vm11;
	v8 =	vnsel vm0, $0x0, v8;
	v52 =	vperm.xlane v9, v4  }
0x36e: {  	v55 =	vperm.xlane v11, v4;
	vm3 =	vmor vm9, vm3;
	vm4 =	vmor vm13, vm4  }
0x36f: {  	v5 =	vadd.s32 v5, v8;
	v6 =	vsel vm4, v53, v6;
	v7 =	vsel vm4, v54, v7  }
0x370: {  	v10 =	vsel vm3, v15, v10;
	v56 =	vperm.xlane v6, v2;
	v57 =	vperm.xlane v7, v2  }
0x371: {  	v12 =	vsel vm3, v51, v12;
	vm12 =	veq.f32 v52, v9;
	vm14 =	vlt.s32 v55, v11  }
0x372: {  	v15 =	vperm.xlane v10, v3;
	vm9 =	veq.f32 v56, v6;
	vm10 =	vlt.s32 v57, v7  }
0x373: {  	vm2 =	vmand vm12, vm14;
	vm12 =	vgt.f32 v56, v6;
	vm4 =	vmand vm9, vm10  }
0x374: {  	v58 =	vperm.xlane v12, v3;
	vm14 =	vgt.f32 v52, v9;
	vm4 =	vmor vm12, vm4  }
0x375: {  	vm15 =	veq.f32 v15, v10;
	v6 =	vsel vm4, v56, v6;
	v7 =	vsel vm4, v57, v7  }
0x376: {  	vm11 =	vlt.s32 v58, v12;
	v59 =	vperm.xlane v6, v3;
	v60 =	vperm.xlane v7, v3  }
0x377: {  	vm13 =	vgt.f32 v15, v10;
	vm3 =	vmand vm15, vm11;
	vm15 =	vmor vm14, vm2  }
0x378: {  	vm3 =	vmor vm13, vm3;
	vm6 =	veq.f32 v59, v6;
	vm7 =	vlt.s32 v60, v7  }
0x379: {  	v10 =	vsel vm3, v15, v10;
	vm8 =	vgt.f32 v59, v6;
	vm2 =	vmand vm6, vm7  }
0x37a: {  	v12 =	vsel vm3, v58, v12;
	v61 =	vperm.xlane v10, v4;
	vm2 =	vmor vm8, vm2  }
0x37b: {  	v62 =	vperm.xlane v12, v4;
	v6 =	vsel vm2, v59, v6;
	v7 =	vsel vm2, v60, v7  }
0x37c: {  	v11 =	vsel vm15, v55, v11;
	v9 =	vperm.xlane v6, v4;
	v13 =	vperm.xlane v7, v4  }
0x37d: {  	vm9 =	veq.f32 v61, v10;
	vm10 =	vlt.s32 v62, v12;
	vm11 =	vgt.f32 v61, v10  }
0x37e: {  	vm2 =	vmand vm9, vm10;
	vm12 =	veq.f32 v9, v6;
	vm13 =	vlt.s32 v13, v7  }
0x37f: {  	vm1 =	vmor vm11, vm2;
	vm14 =	vgt.f32 v9, v6;
	vm2 =	vmand vm12, vm13  }
0x380: {  	v63 =	vsel vm1, v62, v12;
	v6 =	vnsel vm0, $0x0, v11;
	vm15 =	vmor vm14, vm2  }
0x381: {  	v5 =	vadd.s32 v6, v5;
	v6 =	vnsel vm0, $0x0, v63;
	v7 =	vsel vm15, v13, v7  }
0x382: {  	v5 =	vadd.s32 v6, v5;
	v6 =	vnsel vm0, $0x0, v7  }
0x383: {  	v5 =	vadd.s32 v6, v5  }
0x384: {  	s17 =	rddreg [dreg:$0xd];
	s3 =	simm.s32 $0x12000;
	s6 =	simm.s32 $0x3;
	[tilespmem:$0x12000] =	vst v5  }
0x385: {  	[hbm4b:s17+s2] =	stream.linear.scatter [tilespmem:s3], [sflag:$0x3], $0x80, $0x38;
	[tilespmem:$0x12080] =	vst v63  }
0x386: {  	_ =	swait.ge [sflag:s6], $0x80  }
0x387: {  	s20 =	rddreg [dreg:$0xf]  }
0x388: {  	s31 =	rddreg [dreg:$0xe];
	s3 =	sadd.s32 $0x1, s20  }
0x389: {  	p0 =	sne.s32 s3, s31  }
.Ltmp42:
0x38a: {  	_ = 	snop;
	(pc) =	sbr.rel @p0 .LBB2_1-.Ltmp42, $3  }
0x38b: {  	_ =	sdelay $0x1  }
0x38c: {  	[sflag:s6] =	ssyncset.done $0x0  }
0x38d: {  	[sflag:s6] =	ssyncadd.s32 $0xFFFFFF80  }
0x38e: {  	_ =	sfence.sel $0x180000  }
0x38f: {  	[bflag:$0x0] =	sbarrier.arrive $0xFFFF  }
0x390: {  	_ =	strace $0x90000047  }
0x391: {  	s0 =	stileid.u32;
	[bflag:$0x2] =	sbarrier.arrive $0xFFFF  }
0x392: {  	p0 =	sne.s32 s0, $0x0;
	s0 =	rddreg [dreg:$0x1]  }
0x393: {  	s0 =	sadd.s32 @!p0 $0x100000, s0  }
0x394: {  	[sflag:s0] =	ssyncadd.tile.s32 @!p0 $0x1;
	_ =	shalt  }
.Lfunc_end2:
_tile_overlayer_lowered:
.L_overlay_start_2:
0x395: {  	(tag) =	ssettag $0x2  }
0x396: {  	s0 =	rddreg [dreg:$0x0];
	s2 =	stileid.u32  }
0x397: {  	s1 =	rddreg [dreg:$0x1];
	p0 =	sne.s32 s2, $0x0  }
0x398: {  	s3 =	rddreg [dreg:$0x2];
	[bflag:$0x3] =	sbarrier.arrive $0xFFFF;
	s2 =	simm.s32 @!p0 $0x1C03  }
0x399: {  	[timem:s3], [sflag:s2] =	dma.local @!p0 [hbm:s0], s1  }
0x39a: {  	s0 =	simm.s32 @!p0 $0x3  }
0x39b: {  	_ =	swait.ge @!p0 [sflag:s0], s1  }
0x39c: {  	s1 =	ssub.s32 @!p0 $0x0, s1;
	[sflag:s0] =	ssyncset.done @!p0 $0x0  }
0x39d: {  	[sflag:s0] =	ssyncadd.s32 @!p0 s1  }
0x39e: {  	[bflag:$0x3] =	sbarrier.arrive $0xFFFF  }
0x39f: {  	_ =	shalt  }

</sc_bundles>
